<compile_context>
chip_gen: v7x
topology: tpu7x:2x2x1
jax: 0.10.2.dev20260603
libtpu: 0.0.44.dev20260713+nightly
codegen_flags: <defaults>
</compile_context>

<pallas_src>
import functools

import jax
import jax.numpy as jnp
from jax import lax
from jax.experimental import pallas as pl
from jax.experimental.pallas import tpu as pltpu
from jax.experimental.pallas import tpu_sc as plsc

_BATCH = 16384
_D = 32
_LANES = 16
_CHUNK = 128

_LOG1P_COEFFS = (
    8.184459776572339e-10,
    0.9999997947731366,
    -0.499991422832033,
    0.3331919078312559,
    -0.24878424198822732,
    0.19375165838711964,
    -0.14586473667566108,
    0.09548566247208555,
    -0.04766548569248698,
    0.015341897539328783,
    -0.002317854668945074,
)


def _make_sc_loss():
    mesh = plsc.VectorSubcoreMesh(core_axis_name="c", subcore_axis_name="s")
    nc = mesh.num_cores
    nw = nc * mesh.num_subcores
    bpw = _BATCH // nw
    nch = bpw // _CHUNK
    gpc = _CHUNK // _LANES

    @functools.partial(
        pl.kernel,
        out_type=jax.ShapeDtypeStruct((nc, _LANES), jnp.float32),
        mesh=mesh,
        scratch_types=[
            pltpu.VMEM((nch, _CHUNK), jnp.int32),
            pltpu.VMEM((nch, _CHUNK), jnp.int32),
            pltpu.VMEM((bpw, _D), jnp.float32),
            pltpu.VMEM((bpw, _D), jnp.float32),
            pltpu.VMEM((3 * _LANES,), jnp.float32),
            pltpu.VMEM((bpw,), jnp.float32),
            pltpu.VMEM((_LANES,), jnp.float32),
            pltpu.VMEM((_LANES, _LANES), jnp.float32),
            pltpu.VMEM_SHARED((_LANES, _LANES), jnp.float32),
            pltpu.SemaphoreType.DMA,
        ],
        compiler_params=pltpu.CompilerParams(
            needs_layout_passes=False, use_tc_tiling_on_sc=False),
    )
    def sc_loss(user_hbm, item_hbm, lab_hbm, ut_hbm, it_hbm, wb_hbm, out_hbm,
                idx_u, idx_v, u_rows, v_rows, wb_v, lab_v, part_v, allp_v,
                shared, sem):
        cid = lax.axis_index("c")
        sid = lax.axis_index("s")
        wid = sid * nc + cid

        pltpu.sync_copy(user_hbm.at[pl.ds(wid * nch, nch)], idx_u)
        pltpu.sync_copy(item_hbm.at[pl.ds(wid * nch, nch)], idx_v)
        pltpu.sync_copy(wb_hbm, wb_v)
        pltpu.sync_copy(lab_hbm.at[pl.ds(wid * bpw, bpw)], lab_v)

        copies = []
        for j in range(nch):
            dst = pl.ds(j * _CHUNK, _CHUNK)
            copies.append(
                (pltpu.async_copy(ut_hbm.at[idx_u.at[j]], u_rows.at[dst], sem),
                 pltpu.async_copy(it_hbm.at[idx_v.at[j]], v_rows.at[dst], sem)))

        w_lo = wb_v[pl.ds(0, _LANES)]
        w_hi = wb_v[pl.ds(_LANES, _LANES)]
        b_s = wb_v[pl.ds(2 * _LANES, _LANES)][0]
        wds = ([w_lo[d] for d in range(_LANES)]
               + [w_hi[d] for d in range(_LANES)])
        lane = lax.iota(jnp.int32, _LANES)

        def group_body(g, bce):
            rows = g * _LANES + lane
            acc = jnp.zeros((_LANES,), jnp.float32)
            for d in range(_D):
                cols = jnp.full((_LANES,), d, jnp.int32)
                uu = plsc.load_gather(u_rows, [rows, cols])
                vv = plsc.load_gather(v_rows, [rows, cols])
                acc = acc + (uu * vv) * wds[d]
            x = acc + b_s
            t = lab_v[pl.ds(g * _LANES, _LANES)]
            e = jnp.exp(-jnp.abs(x))
            sp = jnp.full((_LANES,), _LOG1P_COEFFS[-1], jnp.float32)
            for c in reversed(_LOG1P_COEFFS[:-1]):
                sp = sp * e + c
            z = jnp.maximum(x, 0.0) - x * t + sp
            return bce + z

        bce = jnp.zeros((_LANES,), jnp.float32)
        for j in range(nch):
            cu, cv = copies[j]
            cu.wait()
            cv.wait()
            bce = lax.fori_loop(j * gpc, (j + 1) * gpc, group_body, bce)

        part_v[...] = bce * (1.0 / _BATCH)
        pltpu.sync_copy(part_v, shared.at[sid])
        plsc.subcore_barrier()

        @pl.when(sid == 0)
        def _():
            pltpu.sync_copy(shared, allp_v)
            total = allp_v[0]
            for r in range(1, _LANES):
                total = total + allp_v[r]
            part_v[...] = total
            pltpu.sync_copy(part_v, out_hbm.at[cid])

    return sc_loss


_sc_loss = _make_sc_loss()


def kernel(user, item, label, user_table, item_table, W, b):
    wb = jnp.concatenate(
        [W.reshape(-1), b.reshape(-1),
         jnp.zeros((_LANES - 1,), jnp.float32)])
    partials = _sc_loss(user.reshape(-1, _CHUNK), item.reshape(-1, _CHUNK),
                        label, user_table, item_table, wb)
    return jnp.sum(partials)

# --- scband reference (transcript-rebuilt; emitter-appended) ---
"""Pipeline reference for scband-gmf-63127429317334 (READ-ONLY COPY).

The authoritative reference and input builder live on the scoring server;
editing this copy changes nothing except your own understanding.
"""

import jax, jax.numpy as jnp
import numpy as np

USER_NUM = 1000000
ITEM_NUM = 1000000
FACTOR_DIM = 32
BATCH = 16384


def setup_inputs(seed: int = 0) -> dict:
    key = jax.random.key(seed)
    k1, k2, k3, k4, k5, k6 = jax.random.split(key, 6)
    user = jax.random.randint(k1, (BATCH,), 0, USER_NUM, dtype=jnp.int64 if jax.config.jax_enable_x64 else jnp.int32).astype(jnp.int32)
    item = jax.random.randint(k2, (BATCH,), 0, ITEM_NUM, dtype=jnp.int32)
    label = jax.random.uniform(k3, (BATCH,), dtype=jnp.float32)
    # Parameters (match torch init: normal std=0.01 embeddings; kaiming_normal a=1 sigmoid -> std=1/sqrt(fan_in); zero bias)
    user_table = jax.random.normal(k4, (USER_NUM, FACTOR_DIM), dtype=jnp.float32) * 0.01
    item_table = jax.random.normal(k5, (ITEM_NUM, FACTOR_DIM), dtype=jnp.float32) * 0.01
    W = jax.random.normal(k6, (1, FACTOR_DIM), dtype=jnp.float32) * (1.0 / np.sqrt(FACTOR_DIM))
    b = jnp.zeros((1,), dtype=jnp.float32)
    return {"user": user, "item": item, "label": label,
            "user_table": user_table, "item_table": item_table, "W": W, "b": b}


def _bce_with_logits_mean(logits, targets):
    # Numerically stable BCEWithLogits, mean reduction (matches torch default)
    return jnp.mean(jnp.maximum(logits, 0.0) - logits * targets + jnp.log1p(jnp.exp(-jnp.abs(logits))))


def reference(user, item, label, user_table, item_table, W, b):
    u = jnp.take(user_table, user, axis=0)      # [B, D] gather
    v = jnp.take(item_table, item, axis=0)      # [B, D] gather
    output = u * v                               # GMF elementwise product
    prediction = (output @ W.T + b).reshape(-1)  # [B]
    loss = _bce_with_logits_mean(prediction, label)
    return loss

if __name__ == "__main__":
    import jax
    _d = setup_inputs()
    print(jax.jit(kernel)(*tuple(_d.values())))

</pallas_src>

<mosaic_0001>
#map = affine_map<(d0, d1) -> (0, 0)>
#map1 = affine_map<(d0, d1) -> (0)>
module attributes {stable_mosaic.version = 14 : i64} {
  func.func @sc_loss(%arg0: i32, %arg1: i32, %arg2: memref<128x128xi32, #tpu.memory_space<hbm>>, %arg3: memref<128x128xi32, #tpu.memory_space<hbm>>, %arg4: memref<16384xf32, #tpu.memory_space<hbm>>, %arg5: memref<1000000x32xf32, #tpu.memory_space<hbm>>, %arg6: memref<1000000x32xf32, #tpu.memory_space<hbm>>, %arg7: memref<48xf32, #tpu.memory_space<hbm>>, %arg8: memref<2x16xf32, #tpu.memory_space<hbm>>, %arg9: memref<4x128xi32, #tpu.memory_space<vmem>>, %arg10: memref<4x128xi32, #tpu.memory_space<vmem>>, %arg11: memref<512x32xf32, #tpu.memory_space<vmem>>, %arg12: memref<512x32xf32, #tpu.memory_space<vmem>>, %arg13: memref<48xf32, #tpu.memory_space<vmem>>, %arg14: memref<512xf32, #tpu.memory_space<vmem>>, %arg15: memref<16xf32, #tpu.memory_space<vmem>>, %arg16: memref<16x16xf32, #tpu.memory_space<vmem>>, %arg17: memref<16x16xf32, #tpu.memory_space<vmem_shared>>, %arg18: memref<!tpu.dma_semaphore, #tpu.memory_space<semaphore_mem>>) attributes {dimension_semantics = [#tpu.dimension_semantics<core_parallel>, #tpu.dimension_semantics<subcore_parallel>], iteration_bounds = array<i64: 2, 16>, scalar_prefetch = 0 : i64, scratch_operands = 10 : i64, tpu.core_type = #tpu.core_type<sc_vector_subcore>, window_params = [{transform_indices = #map}, {transform_indices = #map}, {transform_indices = #map1}, {transform_indices = #map}, {transform_indices = #map}, {transform_indices = #map1}, {transform_indices = #map}]} {
    %mul3A = arith.constant 2 : i32
    %mul3A_0 = arith.muli %arg1, %mul3A : i32
    %add3A = arith.addi %mul3A_0, %arg0 : i32
    %mul3A_1 = arith.constant 4 : i32
    %mul3A_2 = arith.muli %add3A, %mul3A_1 : i32
    "tpu.region"() ({
      %run_scoped3A = tpu.sem_alloc : memref<!tpu.dma_semaphore, #tpu.memory_space<semaphore_mem>>
      %dma_start3A_264 = arith.constant 0 : i32
      %dma_start3A_265 = tpu.memref_slice %arg2[%mul3A_2, %dma_start3A_264] : memref<128x128xi32, #tpu.memory_space<hbm>> -> memref<4x128xi32, #tpu.memory_space<hbm>>
      %dma_start3A_266 = arith.constant 0 : i32
      %dma_start3A_267 = tpu.memref_slice %arg2[%mul3A_2, %dma_start3A_266] : memref<128x128xi32, #tpu.memory_space<hbm>> -> memref<4x128xi32, #tpu.memory_space<hbm>>
      tpu.enqueue_dma source(%dma_start3A_267 : memref<4x128xi32, #tpu.memory_space<hbm>>) target(%arg9 : memref<4x128xi32, #tpu.memory_space<vmem>>) target_semaphore(%run_scoped3A : memref<!tpu.dma_semaphore, #tpu.memory_space<semaphore_mem>>)
      %dma_wait3A_268 = arith.constant 0 : i32
      %dma_wait3A_269 = tpu.memref_slice %arg2[%mul3A_2, %dma_wait3A_268] : memref<128x128xi32, #tpu.memory_space<hbm>> -> memref<4x128xi32, #tpu.memory_space<hbm>>
      %dma_wait3A_270 = arith.constant 0 : i32
      %dma_wait3A_271 = tpu.memref_slice %arg2[%mul3A_2, %dma_wait3A_270] : memref<128x128xi32, #tpu.memory_space<hbm>> -> memref<4x128xi32, #tpu.memory_space<hbm>>
      tpu.wait_dma2 semaphore(%run_scoped3A : memref<!tpu.dma_semaphore, #tpu.memory_space<semaphore_mem>>) src(%dma_wait3A_271 : memref<4x128xi32, #tpu.memory_space<hbm>>) dst(%arg9 : memref<4x128xi32, #tpu.memory_space<vmem>>)
      tpu.yield
    }) : () -> ()
    %mul3A_3 = arith.constant 4 : i32
    %mul3A_4 = arith.muli %add3A, %mul3A_3 : i32
    "tpu.region"() ({
      %run_scoped3A = tpu.sem_alloc : memref<!tpu.dma_semaphore, #tpu.memory_space<semaphore_mem>>
      %dma_start3A_264 = arith.constant 0 : i32
      %dma_start3A_265 = tpu.memref_slice %arg3[%mul3A_4, %dma_start3A_264] : memref<128x128xi32, #tpu.memory_space<hbm>> -> memref<4x128xi32, #tpu.memory_space<hbm>>
      %dma_start3A_266 = arith.constant 0 : i32
      %dma_start3A_267 = tpu.memref_slice %arg3[%mul3A_4, %dma_start3A_266] : memref<128x128xi32, #tpu.memory_space<hbm>> -> memref<4x128xi32, #tpu.memory_space<hbm>>
      tpu.enqueue_dma source(%dma_start3A_267 : memref<4x128xi32, #tpu.memory_space<hbm>>) target(%arg10 : memref<4x128xi32, #tpu.memory_space<vmem>>) target_semaphore(%run_scoped3A : memref<!tpu.dma_semaphore, #tpu.memory_space<semaphore_mem>>)
      %dma_wait3A_268 = arith.constant 0 : i32
      %dma_wait3A_269 = tpu.memref_slice %arg3[%mul3A_4, %dma_wait3A_268] : memref<128x128xi32, #tpu.memory_space<hbm>> -> memref<4x128xi32, #tpu.memory_space<hbm>>
      %dma_wait3A_270 = arith.constant 0 : i32
      %dma_wait3A_271 = tpu.memref_slice %arg3[%mul3A_4, %dma_wait3A_270] : memref<128x128xi32, #tpu.memory_space<hbm>> -> memref<4x128xi32, #tpu.memory_space<hbm>>
      tpu.wait_dma2 semaphore(%run_scoped3A : memref<!tpu.dma_semaphore, #tpu.memory_space<semaphore_mem>>) src(%dma_wait3A_271 : memref<4x128xi32, #tpu.memory_space<hbm>>) dst(%arg10 : memref<4x128xi32, #tpu.memory_space<vmem>>)
      tpu.yield
    }) : () -> ()
    "tpu.region"() ({
      %run_scoped3A = tpu.sem_alloc : memref<!tpu.dma_semaphore, #tpu.memory_space<semaphore_mem>>
      tpu.enqueue_dma source(%arg7 : memref<48xf32, #tpu.memory_space<hbm>>) target(%arg13 : memref<48xf32, #tpu.memory_space<vmem>>) target_semaphore(%run_scoped3A : memref<!tpu.dma_semaphore, #tpu.memory_space<semaphore_mem>>)
      tpu.wait_dma2 semaphore(%run_scoped3A : memref<!tpu.dma_semaphore, #tpu.memory_space<semaphore_mem>>) src(%arg7 : memref<48xf32, #tpu.memory_space<hbm>>) dst(%arg13 : memref<48xf32, #tpu.memory_space<vmem>>)
      tpu.yield
    }) : () -> ()
    %mul3A_5 = arith.constant 512 : i32
    %mul3A_6 = arith.muli %add3A, %mul3A_5 : i32
    "tpu.region"() ({
      %run_scoped3A = tpu.sem_alloc : memref<!tpu.dma_semaphore, #tpu.memory_space<semaphore_mem>>
      %dma_start3A_264 = tpu.memref_slice %arg4[%mul3A_6] : memref<16384xf32, #tpu.memory_space<hbm>> -> memref<512xf32, #tpu.memory_space<hbm>>
      %dma_start3A_265 = tpu.memref_slice %arg4[%mul3A_6] : memref<16384xf32, #tpu.memory_space<hbm>> -> memref<512xf32, #tpu.memory_space<hbm>>
      tpu.enqueue_dma source(%dma_start3A_265 : memref<512xf32, #tpu.memory_space<hbm>>) target(%arg14 : memref<512xf32, #tpu.memory_space<vmem>>) target_semaphore(%run_scoped3A : memref<!tpu.dma_semaphore, #tpu.memory_space<semaphore_mem>>)
      %dma_wait3A_266 = tpu.memref_slice %arg4[%mul3A_6] : memref<16384xf32, #tpu.memory_space<hbm>> -> memref<512xf32, #tpu.memory_space<hbm>>
      %dma_wait3A_267 = tpu.memref_slice %arg4[%mul3A_6] : memref<16384xf32, #tpu.memory_space<hbm>> -> memref<512xf32, #tpu.memory_space<hbm>>
      tpu.wait_dma2 semaphore(%run_scoped3A : memref<!tpu.dma_semaphore, #tpu.memory_space<semaphore_mem>>) src(%dma_wait3A_267 : memref<512xf32, #tpu.memory_space<hbm>>) dst(%arg14 : memref<512xf32, #tpu.memory_space<vmem>>)
      tpu.yield
    }) : () -> ()
    %dma_start3A = arith.constant 0 : i32
    %dma_start3A_7 = arith.constant 0 : i32
    %dma_start3A_8 = arith.constant 0 : i32
    %dma_start3A_9 = tpu.memref_slice %arg11[%dma_start3A_7, %dma_start3A_8] : memref<512x32xf32, #tpu.memory_space<vmem>> -> memref<128x32xf32, #tpu.memory_space<vmem>>
    %dma_start3A_10 = arith.constant 0 : i32
    %dma_start3A_11 = tpu.memref_slice %arg9[%dma_start3A, %dma_start3A_10] : memref<4x128xi32, #tpu.memory_space<vmem>> -> memref<1x128xi32, #tpu.memory_space<vmem>>
    %dma_start3A_12 = tpu.memref_squeeze %dma_start3A_11 : memref<1x128xi32, #tpu.memory_space<vmem>> -> memref<128xi32, #tpu.memory_space<vmem>>
    %dma_start3A_13 = arith.constant 0 : i32
    %dma_start3A_14 = arith.constant 0 : i32
    %dma_start3A_15 = tpu.memref_slice %arg5[%dma_start3A_13, %dma_start3A_14] : memref<1000000x32xf32, #tpu.memory_space<hbm>> -> memref<1000000x32xf32, #tpu.memory_space<hbm>>
    tpu.enqueue_indirect_dma source(%dma_start3A_15 : memref<1000000x32xf32, #tpu.memory_space<hbm>>) target(%dma_start3A_9 : memref<128x32xf32, #tpu.memory_space<vmem>>) offsets(%dma_start3A_12 : memref<128xi32, #tpu.memory_space<vmem>>) semaphore(%arg18 : memref<!tpu.dma_semaphore, #tpu.memory_space<semaphore_mem>>)
    %dma_start3A_16 = arith.constant 0 : i32
    %dma_start3A_17 = arith.constant 0 : i32
    %dma_start3A_18 = arith.constant 0 : i32
    %dma_start3A_19 = tpu.memref_slice %arg12[%dma_start3A_17, %dma_start3A_18] : memref<512x32xf32, #tpu.memory_space<vmem>> -> memref<128x32xf32, #tpu.memory_space<vmem>>
    %dma_start3A_20 = arith.constant 0 : i32
    %dma_start3A_21 = tpu.memref_slice %arg10[%dma_start3A_16, %dma_start3A_20] : memref<4x128xi32, #tpu.memory_space<vmem>> -> memref<1x128xi32, #tpu.memory_space<vmem>>
    %dma_start3A_22 = tpu.memref_squeeze %dma_start3A_21 : memref<1x128xi32, #tpu.memory_space<vmem>> -> memref<128xi32, #tpu.memory_space<vmem>>
    %dma_start3A_23 = arith.constant 0 : i32
    %dma_start3A_24 = arith.constant 0 : i32
    %dma_start3A_25 = tpu.memref_slice %arg6[%dma_start3A_23, %dma_start3A_24] : memref<1000000x32xf32, #tpu.memory_space<hbm>> -> memref<1000000x32xf32, #tpu.memory_space<hbm>>
    tpu.enqueue_indirect_dma source(%dma_start3A_25 : memref<1000000x32xf32, #tpu.memory_space<hbm>>) target(%dma_start3A_19 : memref<128x32xf32, #tpu.memory_space<vmem>>) offsets(%dma_start3A_22 : memref<128xi32, #tpu.memory_space<vmem>>) semaphore(%arg18 : memref<!tpu.dma_semaphore, #tpu.memory_space<semaphore_mem>>)
    %dma_start3A_26 = arith.constant 1 : i32
    %dma_start3A_27 = arith.constant 128 : i32
    %dma_start3A_28 = arith.constant 0 : i32
    %dma_start3A_29 = tpu.memref_slice %arg11[%dma_start3A_27, %dma_start3A_28] : memref<512x32xf32, #tpu.memory_space<vmem>> -> memref<128x32xf32, #tpu.memory_space<vmem>>
    %dma_start3A_30 = arith.constant 0 : i32
    %dma_start3A_31 = tpu.memref_slice %arg9[%dma_start3A_26, %dma_start3A_30] : memref<4x128xi32, #tpu.memory_space<vmem>> -> memref<1x128xi32, #tpu.memory_space<vmem>>
    %dma_start3A_32 = tpu.memref_squeeze %dma_start3A_31 : memref<1x128xi32, #tpu.memory_space<vmem>> -> memref<128xi32, #tpu.memory_space<vmem>>
    %dma_start3A_33 = arith.constant 0 : i32
    %dma_start3A_34 = arith.constant 0 : i32
    %dma_start3A_35 = tpu.memref_slice %arg5[%dma_start3A_33, %dma_start3A_34] : memref<1000000x32xf32, #tpu.memory_space<hbm>> -> memref<1000000x32xf32, #tpu.memory_space<hbm>>
    tpu.enqueue_indirect_dma source(%dma_start3A_35 : memref<1000000x32xf32, #tpu.memory_space<hbm>>) target(%dma_start3A_29 : memref<128x32xf32, #tpu.memory_space<vmem>>) offsets(%dma_start3A_32 : memref<128xi32, #tpu.memory_space<vmem>>) semaphore(%arg18 : memref<!tpu.dma_semaphore, #tpu.memory_space<semaphore_mem>>)
    %dma_start3A_36 = arith.constant 1 : i32
    %dma_start3A_37 = arith.constant 128 : i32
    %dma_start3A_38 = arith.constant 0 : i32
    %dma_start3A_39 = tpu.memref_slice %arg12[%dma_start3A_37, %dma_start3A_38] : memref<512x32xf32, #tpu.memory_space<vmem>> -> memref<128x32xf32, #tpu.memory_space<vmem>>
    %dma_start3A_40 = arith.constant 0 : i32
    %dma_start3A_41 = tpu.memref_slice %arg10[%dma_start3A_36, %dma_start3A_40] : memref<4x128xi32, #tpu.memory_space<vmem>> -> memref<1x128xi32, #tpu.memory_space<vmem>>
    %dma_start3A_42 = tpu.memref_squeeze %dma_start3A_41 : memref<1x128xi32, #tpu.memory_space<vmem>> -> memref<128xi32, #tpu.memory_space<vmem>>
    %dma_start3A_43 = arith.constant 0 : i32
    %dma_start3A_44 = arith.constant 0 : i32
    %dma_start3A_45 = tpu.memref_slice %arg6[%dma_start3A_43, %dma_start3A_44] : memref<1000000x32xf32, #tpu.memory_space<hbm>> -> memref<1000000x32xf32, #tpu.memory_space<hbm>>
    tpu.enqueue_indirect_dma source(%dma_start3A_45 : memref<1000000x32xf32, #tpu.memory_space<hbm>>) target(%dma_start3A_39 : memref<128x32xf32, #tpu.memory_space<vmem>>) offsets(%dma_start3A_42 : memref<128xi32, #tpu.memory_space<vmem>>) semaphore(%arg18 : memref<!tpu.dma_semaphore, #tpu.memory_space<semaphore_mem>>)
    %dma_start3A_46 = arith.constant 2 : i32
    %dma_start3A_47 = arith.constant 256 : i32
    %dma_start3A_48 = arith.constant 0 : i32
    %dma_start3A_49 = tpu.memref_slice %arg11[%dma_start3A_47, %dma_start3A_48] : memref<512x32xf32, #tpu.memory_space<vmem>> -> memref<128x32xf32, #tpu.memory_space<vmem>>
    %dma_start3A_50 = arith.constant 0 : i32
    %dma_start3A_51 = tpu.memref_slice %arg9[%dma_start3A_46, %dma_start3A_50] : memref<4x128xi32, #tpu.memory_space<vmem>> -> memref<1x128xi32, #tpu.memory_space<vmem>>
    %dma_start3A_52 = tpu.memref_squeeze %dma_start3A_51 : memref<1x128xi32, #tpu.memory_space<vmem>> -> memref<128xi32, #tpu.memory_space<vmem>>
    %dma_start3A_53 = arith.constant 0 : i32
    %dma_start3A_54 = arith.constant 0 : i32
    %dma_start3A_55 = tpu.memref_slice %arg5[%dma_start3A_53, %dma_start3A_54] : memref<1000000x32xf32, #tpu.memory_space<hbm>> -> memref<1000000x32xf32, #tpu.memory_space<hbm>>
    tpu.enqueue_indirect_dma source(%dma_start3A_55 : memref<1000000x32xf32, #tpu.memory_space<hbm>>) target(%dma_start3A_49 : memref<128x32xf32, #tpu.memory_space<vmem>>) offsets(%dma_start3A_52 : memref<128xi32, #tpu.memory_space<vmem>>) semaphore(%arg18 : memref<!tpu.dma_semaphore, #tpu.memory_space<semaphore_mem>>)
    %dma_start3A_56 = arith.constant 2 : i32
    %dma_start3A_57 = arith.constant 256 : i32
    %dma_start3A_58 = arith.constant 0 : i32
    %dma_start3A_59 = tpu.memref_slice %arg12[%dma_start3A_57, %dma_start3A_58] : memref<512x32xf32, #tpu.memory_space<vmem>> -> memref<128x32xf32, #tpu.memory_space<vmem>>
    %dma_start3A_60 = arith.constant 0 : i32
    %dma_start3A_61 = tpu.memref_slice %arg10[%dma_start3A_56, %dma_start3A_60] : memref<4x128xi32, #tpu.memory_space<vmem>> -> memref<1x128xi32, #tpu.memory_space<vmem>>
    %dma_start3A_62 = tpu.memref_squeeze %dma_start3A_61 : memref<1x128xi32, #tpu.memory_space<vmem>> -> memref<128xi32, #tpu.memory_space<vmem>>
    %dma_start3A_63 = arith.constant 0 : i32
    %dma_start3A_64 = arith.constant 0 : i32
    %dma_start3A_65 = tpu.memref_slice %arg6[%dma_start3A_63, %dma_start3A_64] : memref<1000000x32xf32, #tpu.memory_space<hbm>> -> memref<1000000x32xf32, #tpu.memory_space<hbm>>
    tpu.enqueue_indirect_dma source(%dma_start3A_65 : memref<1000000x32xf32, #tpu.memory_space<hbm>>) target(%dma_start3A_59 : memref<128x32xf32, #tpu.memory_space<vmem>>) offsets(%dma_start3A_62 : memref<128xi32, #tpu.memory_space<vmem>>) semaphore(%arg18 : memref<!tpu.dma_semaphore, #tpu.memory_space<semaphore_mem>>)
    %dma_start3A_66 = arith.constant 3 : i32
    %dma_start3A_67 = arith.constant 384 : i32
    %dma_start3A_68 = arith.constant 0 : i32
    %dma_start3A_69 = tpu.memref_slice %arg11[%dma_start3A_67, %dma_start3A_68] : memref<512x32xf32, #tpu.memory_space<vmem>> -> memref<128x32xf32, #tpu.memory_space<vmem>>
    %dma_start3A_70 = arith.constant 0 : i32
    %dma_start3A_71 = tpu.memref_slice %arg9[%dma_start3A_66, %dma_start3A_70] : memref<4x128xi32, #tpu.memory_space<vmem>> -> memref<1x128xi32, #tpu.memory_space<vmem>>
    %dma_start3A_72 = tpu.memref_squeeze %dma_start3A_71 : memref<1x128xi32, #tpu.memory_space<vmem>> -> memref<128xi32, #tpu.memory_space<vmem>>
    %dma_start3A_73 = arith.constant 0 : i32
    %dma_start3A_74 = arith.constant 0 : i32
    %dma_start3A_75 = tpu.memref_slice %arg5[%dma_start3A_73, %dma_start3A_74] : memref<1000000x32xf32, #tpu.memory_space<hbm>> -> memref<1000000x32xf32, #tpu.memory_space<hbm>>
    tpu.enqueue_indirect_dma source(%dma_start3A_75 : memref<1000000x32xf32, #tpu.memory_space<hbm>>) target(%dma_start3A_69 : memref<128x32xf32, #tpu.memory_space<vmem>>) offsets(%dma_start3A_72 : memref<128xi32, #tpu.memory_space<vmem>>) semaphore(%arg18 : memref<!tpu.dma_semaphore, #tpu.memory_space<semaphore_mem>>)
    %dma_start3A_76 = arith.constant 3 : i32
    %dma_start3A_77 = arith.constant 384 : i32
    %dma_start3A_78 = arith.constant 0 : i32
    %dma_start3A_79 = tpu.memref_slice %arg12[%dma_start3A_77, %dma_start3A_78] : memref<512x32xf32, #tpu.memory_space<vmem>> -> memref<128x32xf32, #tpu.memory_space<vmem>>
    %dma_start3A_80 = arith.constant 0 : i32
    %dma_start3A_81 = tpu.memref_slice %arg10[%dma_start3A_76, %dma_start3A_80] : memref<4x128xi32, #tpu.memory_space<vmem>> -> memref<1x128xi32, #tpu.memory_space<vmem>>
    %dma_start3A_82 = tpu.memref_squeeze %dma_start3A_81 : memref<1x128xi32, #tpu.memory_space<vmem>> -> memref<128xi32, #tpu.memory_space<vmem>>
    %dma_start3A_83 = arith.constant 0 : i32
    %dma_start3A_84 = arith.constant 0 : i32
    %dma_start3A_85 = tpu.memref_slice %arg6[%dma_start3A_83, %dma_start3A_84] : memref<1000000x32xf32, #tpu.memory_space<hbm>> -> memref<1000000x32xf32, #tpu.memory_space<hbm>>
    tpu.enqueue_indirect_dma source(%dma_start3A_85 : memref<1000000x32xf32, #tpu.memory_space<hbm>>) target(%dma_start3A_79 : memref<128x32xf32, #tpu.memory_space<vmem>>) offsets(%dma_start3A_82 : memref<128xi32, #tpu.memory_space<vmem>>) semaphore(%arg18 : memref<!tpu.dma_semaphore, #tpu.memory_space<semaphore_mem>>)
    %get3A = arith.constant 0 : index
    %get3A_86 = tpu.vector_load %arg13[%get3A] {strides = array<i32>} : memref<48xf32, #tpu.memory_space<vmem>>, vector<16xf32>,
    %get3A_87 = arith.constant 16 : index
    %get3A_88 = tpu.vector_load %arg13[%get3A_87] {strides = array<i32>} : memref<48xf32, #tpu.memory_space<vmem>>, vector<16xf32>,
    %get3A_89 = arith.constant 32 : index
    %get3A_90 = tpu.vector_load %arg13[%get3A_89] {strides = array<i32>} : memref<48xf32, #tpu.memory_space<vmem>>, vector<16xf32>,
    %slice3A = vector.extract_strided_slice %get3A_90 {offsets = [0], sizes = [1], strides = [1]} : vector<16xf32> to vector<1xf32>
    %squeeze3A = vector.extract %slice3A[0] : f32 from vector<1xf32>
    %slice3A_91 = vector.extract_strided_slice %get3A_86 {offsets = [0], sizes = [1], strides = [1]} : vector<16xf32> to vector<1xf32>
    %squeeze3A_92 = vector.extract %slice3A_91[0] : f32 from vector<1xf32>
    %slice3A_93 = vector.extract_strided_slice %get3A_86 {offsets = [1], sizes = [1], strides = [1]} : vector<16xf32> to vector<1xf32>
    %squeeze3A_94 = vector.extract %slice3A_93[0] : f32 from vector<1xf32>
    %slice3A_95 = vector.extract_strided_slice %get3A_86 {offsets = [2], sizes = [1], strides = [1]} : vector<16xf32> to vector<1xf32>
    %squeeze3A_96 = vector.extract %slice3A_95[0] : f32 from vector<1xf32>
    %slice3A_97 = vector.extract_strided_slice %get3A_86 {offsets = [3], sizes = [1], strides = [1]} : vector<16xf32> to vector<1xf32>
    %squeeze3A_98 = vector.extract %slice3A_97[0] : f32 from vector<1xf32>
    %slice3A_99 = vector.extract_strided_slice %get3A_86 {offsets = [4], sizes = [1], strides = [1]} : vector<16xf32> to vector<1xf32>
    %squeeze3A_100 = vector.extract %slice3A_99[0] : f32 from vector<1xf32>
    %slice3A_101 = vector.extract_strided_slice %get3A_86 {offsets = [5], sizes = [1], strides = [1]} : vector<16xf32> to vector<1xf32>
    %squeeze3A_102 = vector.extract %slice3A_101[0] : f32 from vector<1xf32>
    %slice3A_103 = vector.extract_strided_slice %get3A_86 {offsets = [6], sizes = [1], strides = [1]} : vector<16xf32> to vector<1xf32>
    %squeeze3A_104 = vector.extract %slice3A_103[0] : f32 from vector<1xf32>
    %slice3A_105 = vector.extract_strided_slice %get3A_86 {offsets = [7], sizes = [1], strides = [1]} : vector<16xf32> to vector<1xf32>
    %squeeze3A_106 = vector.extract %slice3A_105[0] : f32 from vector<1xf32>
    %slice3A_107 = vector.extract_strided_slice %get3A_86 {offsets = [8], sizes = [1], strides = [1]} : vector<16xf32> to vector<1xf32>
    %squeeze3A_108 = vector.extract %slice3A_107[0] : f32 from vector<1xf32>
    %slice3A_109 = vector.extract_strided_slice %get3A_86 {offsets = [9], sizes = [1], strides = [1]} : vector<16xf32> to vector<1xf32>
    %squeeze3A_110 = vector.extract %slice3A_109[0] : f32 from vector<1xf32>
    %slice3A_111 = vector.extract_strided_slice %get3A_86 {offsets = [10], sizes = [1], strides = [1]} : vector<16xf32> to vector<1xf32>
    %squeeze3A_112 = vector.extract %slice3A_111[0] : f32 from vector<1xf32>
    %slice3A_113 = vector.extract_strided_slice %get3A_86 {offsets = [11], sizes = [1], strides = [1]} : vector<16xf32> to vector<1xf32>
    %squeeze3A_114 = vector.extract %slice3A_113[0] : f32 from vector<1xf32>
    %slice3A_115 = vector.extract_strided_slice %get3A_86 {offsets = [12], sizes = [1], strides = [1]} : vector<16xf32> to vector<1xf32>
    %squeeze3A_116 = vector.extract %slice3A_115[0] : f32 from vector<1xf32>
    %slice3A_117 = vector.extract_strided_slice %get3A_86 {offsets = [13], sizes = [1], strides = [1]} : vector<16xf32> to vector<1xf32>
    %squeeze3A_118 = vector.extract %slice3A_117[0] : f32 from vector<1xf32>
    %slice3A_119 = vector.extract_strided_slice %get3A_86 {offsets = [14], sizes = [1], strides = [1]} : vector<16xf32> to vector<1xf32>
    %squeeze3A_120 = vector.extract %slice3A_119[0] : f32 from vector<1xf32>
    %slice3A_121 = vector.extract_strided_slice %get3A_86 {offsets = [15], sizes = [1], strides = [1]} : vector<16xf32> to vector<1xf32>
    %squeeze3A_122 = vector.extract %slice3A_121[0] : f32 from vector<1xf32>
    %slice3A_123 = vector.extract_strided_slice %get3A_88 {offsets = [0], sizes = [1], strides = [1]} : vector<16xf32> to vector<1xf32>
    %squeeze3A_124 = vector.extract %slice3A_123[0] : f32 from vector<1xf32>
    %slice3A_125 = vector.extract_strided_slice %get3A_88 {offsets = [1], sizes = [1], strides = [1]} : vector<16xf32> to vector<1xf32>
    %squeeze3A_126 = vector.extract %slice3A_125[0] : f32 from vector<1xf32>
    %slice3A_127 = vector.extract_strided_slice %get3A_88 {offsets = [2], sizes = [1], strides = [1]} : vector<16xf32> to vector<1xf32>
    %squeeze3A_128 = vector.extract %slice3A_127[0] : f32 from vector<1xf32>
    %slice3A_129 = vector.extract_strided_slice %get3A_88 {offsets = [3], sizes = [1], strides = [1]} : vector<16xf32> to vector<1xf32>
    %squeeze3A_130 = vector.extract %slice3A_129[0] : f32 from vector<1xf32>
    %slice3A_131 = vector.extract_strided_slice %get3A_88 {offsets = [4], sizes = [1], strides = [1]} : vector<16xf32> to vector<1xf32>
    %squeeze3A_132 = vector.extract %slice3A_131[0] : f32 from vector<1xf32>
    %slice3A_133 = vector.extract_strided_slice %get3A_88 {offsets = [5], sizes = [1], strides = [1]} : vector<16xf32> to vector<1xf32>
    %squeeze3A_134 = vector.extract %slice3A_133[0] : f32 from vector<1xf32>
    %slice3A_135 = vector.extract_strided_slice %get3A_88 {offsets = [6], sizes = [1], strides = [1]} : vector<16xf32> to vector<1xf32>
    %squeeze3A_136 = vector.extract %slice3A_135[0] : f32 from vector<1xf32>
    %slice3A_137 = vector.extract_strided_slice %get3A_88 {offsets = [7], sizes = [1], strides = [1]} : vector<16xf32> to vector<1xf32>
    %squeeze3A_138 = vector.extract %slice3A_137[0] : f32 from vector<1xf32>
    %slice3A_139 = vector.extract_strided_slice %get3A_88 {offsets = [8], sizes = [1], strides = [1]} : vector<16xf32> to vector<1xf32>
    %squeeze3A_140 = vector.extract %slice3A_139[0] : f32 from vector<1xf32>
    %slice3A_141 = vector.extract_strided_slice %get3A_88 {offsets = [9], sizes = [1], strides = [1]} : vector<16xf32> to vector<1xf32>
    %squeeze3A_142 = vector.extract %slice3A_141[0] : f32 from vector<1xf32>
    %slice3A_143 = vector.extract_strided_slice %get3A_88 {offsets = [10], sizes = [1], strides = [1]} : vector<16xf32> to vector<1xf32>
    %squeeze3A_144 = vector.extract %slice3A_143[0] : f32 from vector<1xf32>
    %slice3A_145 = vector.extract_strided_slice %get3A_88 {offsets = [11], sizes = [1], strides = [1]} : vector<16xf32> to vector<1xf32>
    %squeeze3A_146 = vector.extract %slice3A_145[0] : f32 from vector<1xf32>
    %slice3A_147 = vector.extract_strided_slice %get3A_88 {offsets = [12], sizes = [1], strides = [1]} : vector<16xf32> to vector<1xf32>
    %squeeze3A_148 = vector.extract %slice3A_147[0] : f32 from vector<1xf32>
    %slice3A_149 = vector.extract_strided_slice %get3A_88 {offsets = [13], sizes = [1], strides = [1]} : vector<16xf32> to vector<1xf32>
    %squeeze3A_150 = vector.extract %slice3A_149[0] : f32 from vector<1xf32>
    %slice3A_151 = vector.extract_strided_slice %get3A_88 {offsets = [14], sizes = [1], strides = [1]} : vector<16xf32> to vector<1xf32>
    %squeeze3A_152 = vector.extract %slice3A_151[0] : f32 from vector<1xf32>
    %slice3A_153 = vector.extract_strided_slice %get3A_88 {offsets = [15], sizes = [1], strides = [1]} : vector<16xf32> to vector<1xf32>
    %squeeze3A_154 = vector.extract %slice3A_153[0] : f32 from vector<1xf32>
    %iota3A = tpu.iota {dimensions = array<i32: 0>} : vector<16xi32>
    %broadcast_in_dim3A = arith.constant 0.000000e+00 : f32
    %broadcast_in_dim3A_155 = vector.broadcast %broadcast_in_dim3A : f32 to vector<16xf32>
    %dma_wait3A = arith.constant 0 : i32
    %dma_wait3A_156 = arith.constant 0 : i32
    %dma_wait3A_157 = arith.constant 0 : i32
    %dma_wait3A_158 = tpu.memref_slice %arg11[%dma_wait3A_156, %dma_wait3A_157] : memref<512x32xf32, #tpu.memory_space<vmem>> -> memref<128x32xf32, #tpu.memory_space<vmem>>
    %dma_wait3A_159 = arith.constant 0 : i32
    %dma_wait3A_160 = tpu.memref_slice %arg9[%dma_wait3A, %dma_wait3A_159] : memref<4x128xi32, #tpu.memory_space<vmem>> -> memref<1x128xi32, #tpu.memory_space<vmem>>
    %dma_wait3A_161 = tpu.memref_squeeze %dma_wait3A_160 : memref<1x128xi32, #tpu.memory_space<vmem>> -> memref<128xi32, #tpu.memory_space<vmem>>
    %dma_wait3A_162 = arith.constant 0 : i32
    %dma_wait3A_163 = arith.constant 0 : i32
    %dma_wait3A_164 = tpu.memref_slice %arg5[%dma_wait3A_162, %dma_wait3A_163] : memref<1000000x32xf32, #tpu.memory_space<hbm>> -> memref<1000000x32xf32, #tpu.memory_space<hbm>>
    tpu.wait_indirect_dma semaphore(%arg18 : memref<!tpu.dma_semaphore, #tpu.memory_space<semaphore_mem>>) src(%dma_wait3A_164 : memref<1000000x32xf32, #tpu.memory_space<hbm>>) dst(%dma_wait3A_158 : memref<128x32xf32, #tpu.memory_space<vmem>>)
    %dma_wait3A_165 = arith.constant 0 : i32
    %dma_wait3A_166 = arith.constant 0 : i32
    %dma_wait3A_167 = arith.constant 0 : i32
    %dma_wait3A_168 = tpu.memref_slice %arg12[%dma_wait3A_166, %dma_wait3A_167] : memref<512x32xf32, #tpu.memory_space<vmem>> -> memref<128x32xf32, #tpu.memory_space<vmem>>
    %dma_wait3A_169 = arith.constant 0 : i32
    %dma_wait3A_170 = tpu.memref_slice %arg10[%dma_wait3A_165, %dma_wait3A_169] : memref<4x128xi32, #tpu.memory_space<vmem>> -> memref<1x128xi32, #tpu.memory_space<vmem>>
    %dma_wait3A_171 = tpu.memref_squeeze %dma_wait3A_170 : memref<1x128xi32, #tpu.memory_space<vmem>> -> memref<128xi32, #tpu.memory_space<vmem>>
    %dma_wait3A_172 = arith.constant 0 : i32
    %dma_wait3A_173 = arith.constant 0 : i32
    %dma_wait3A_174 = tpu.memref_slice %arg6[%dma_wait3A_172, %dma_wait3A_173] : memref<1000000x32xf32, #tpu.memory_space<hbm>> -> memref<1000000x32xf32, #tpu.memory_space<hbm>>
    tpu.wait_indirect_dma semaphore(%arg18 : memref<!tpu.dma_semaphore, #tpu.memory_space<semaphore_mem>>) src(%dma_wait3A_174 : memref<1000000x32xf32, #tpu.memory_space<hbm>>) dst(%dma_wait3A_168 : memref<128x32xf32, #tpu.memory_space<vmem>>)
    %scan3A = arith.constant 0 : i32
    %scan3A_175 = arith.constant 8 : i32
    %scan3A_176 = arith.addi %scan3A, %scan3A_175 : i32
    %scan3A_177 = arith.constant 1 : i32
    %scan3A_178 = scf.for %scan3A_264 = %scan3A to %scan3A_176 step %scan3A_177 iter_args(%scan3A_265 = %broadcast_in_dim3A_155) -> (vector<16xf32>)  : i32 {
      %mul3A_266 = arith.constant 16 : i32
      %mul3A_267 = arith.muli %scan3A_264, %mul3A_266 : i32
      %add3A_268 = vector.broadcast %mul3A_267 : i32 to vector<16xi32>
      %add3A_269 = arith.addi %add3A_268, %iota3A : vector<16xi32>
      %broadcast_in_dim3A_270 = arith.constant 0.000000e+00 : f32
      %broadcast_in_dim3A_271 = vector.broadcast %broadcast_in_dim3A_270 : f32 to vector<16xf32>
      %broadcast_in_dim3A_272 = arith.constant 0 : i32
      %broadcast_in_dim3A_273 = vector.broadcast %broadcast_in_dim3A_272 : i32 to vector<16xi32>
      %gather3A = tpu.vector_load_idx %arg11[%add3A_269, %broadcast_in_dim3A_273] : memref<512x32xf32, #tpu.memory_space<vmem>>[vector<16xi32>, vector<16xi32>], vector<16xf32>,
      %gather3A_274 = tpu.vector_load_idx %arg12[%add3A_269, %broadcast_in_dim3A_273] : memref<512x32xf32, #tpu.memory_space<vmem>>[vector<16xi32>, vector<16xi32>], vector<16xf32>,
      %mul3A_275 = arith.mulf %gather3A, %gather3A_274 : vector<16xf32>
      %mul3A_276 = vector.broadcast %squeeze3A_92 : f32 to vector<16xf32>
      %mul3A_277 = arith.mulf %mul3A_275, %mul3A_276 : vector<16xf32>
      %add3A_278 = arith.addf %broadcast_in_dim3A_271, %mul3A_277 : vector<16xf32>
      %broadcast_in_dim3A_279 = arith.constant 1 : i32
      %broadcast_in_dim3A_280 = vector.broadcast %broadcast_in_dim3A_279 : i32 to vector<16xi32>
      %gather3A_281 = tpu.vector_load_idx %arg11[%add3A_269, %broadcast_in_dim3A_280] : memref<512x32xf32, #tpu.memory_space<vmem>>[vector<16xi32>, vector<16xi32>], vector<16xf32>,
      %gather3A_282 = tpu.vector_load_idx %arg12[%add3A_269, %broadcast_in_dim3A_280] : memref<512x32xf32, #tpu.memory_space<vmem>>[vector<16xi32>, vector<16xi32>], vector<16xf32>,
      %mul3A_283 = arith.mulf %gather3A_281, %gather3A_282 : vector<16xf32>
      %mul3A_284 = vector.broadcast %squeeze3A_94 : f32 to vector<16xf32>
      %mul3A_285 = arith.mulf %mul3A_283, %mul3A_284 : vector<16xf32>
      %add3A_286 = arith.addf %add3A_278, %mul3A_285 : vector<16xf32>
      %broadcast_in_dim3A_287 = arith.constant 2 : i32
      %broadcast_in_dim3A_288 = vector.broadcast %broadcast_in_dim3A_287 : i32 to vector<16xi32>
      %gather3A_289 = tpu.vector_load_idx %arg11[%add3A_269, %broadcast_in_dim3A_288] : memref<512x32xf32, #tpu.memory_space<vmem>>[vector<16xi32>, vector<16xi32>], vector<16xf32>,
      %gather3A_290 = tpu.vector_load_idx %arg12[%add3A_269, %broadcast_in_dim3A_288] : memref<512x32xf32, #tpu.memory_space<vmem>>[vector<16xi32>, vector<16xi32>], vector<16xf32>,
      %mul3A_291 = arith.mulf %gather3A_289, %gather3A_290 : vector<16xf32>
      %mul3A_292 = vector.broadcast %squeeze3A_96 : f32 to vector<16xf32>
      %mul3A_293 = arith.mulf %mul3A_291, %mul3A_292 : vector<16xf32>
      %add3A_294 = arith.addf %add3A_286, %mul3A_293 : vector<16xf32>
      %broadcast_in_dim3A_295 = arith.constant 3 : i32
      %broadcast_in_dim3A_296 = vector.broadcast %broadcast_in_dim3A_295 : i32 to vector<16xi32>
      %gather3A_297 = tpu.vector_load_idx %arg11[%add3A_269, %broadcast_in_dim3A_296] : memref<512x32xf32, #tpu.memory_space<vmem>>[vector<16xi32>, vector<16xi32>], vector<16xf32>,
      %gather3A_298 = tpu.vector_load_idx %arg12[%add3A_269, %broadcast_in_dim3A_296] : memref<512x32xf32, #tpu.memory_space<vmem>>[vector<16xi32>, vector<16xi32>], vector<16xf32>,
      %mul3A_299 = arith.mulf %gather3A_297, %gather3A_298 : vector<16xf32>
      %mul3A_300 = vector.broadcast %squeeze3A_98 : f32 to vector<16xf32>
      %mul3A_301 = arith.mulf %mul3A_299, %mul3A_300 : vector<16xf32>
      %add3A_302 = arith.addf %add3A_294, %mul3A_301 : vector<16xf32>
      %broadcast_in_dim3A_303 = arith.constant 4 : i32
      %broadcast_in_dim3A_304 = vector.broadcast %broadcast_in_dim3A_303 : i32 to vector<16xi32>
      %gather3A_305 = tpu.vector_load_idx %arg11[%add3A_269, %broadcast_in_dim3A_304] : memref<512x32xf32, #tpu.memory_space<vmem>>[vector<16xi32>, vector<16xi32>], vector<16xf32>,
      %gather3A_306 = tpu.vector_load_idx %arg12[%add3A_269, %broadcast_in_dim3A_304] : memref<512x32xf32, #tpu.memory_space<vmem>>[vector<16xi32>, vector<16xi32>], vector<16xf32>,
      %mul3A_307 = arith.mulf %gather3A_305, %gather3A_306 : vector<16xf32>
      %mul3A_308 = vector.broadcast %squeeze3A_100 : f32 to vector<16xf32>
      %mul3A_309 = arith.mulf %mul3A_307, %mul3A_308 : vector<16xf32>
      %add3A_310 = arith.addf %add3A_302, %mul3A_309 : vector<16xf32>
      %broadcast_in_dim3A_311 = arith.constant 5 : i32
      %broadcast_in_dim3A_312 = vector.broadcast %broadcast_in_dim3A_311 : i32 to vector<16xi32>
      %gather3A_313 = tpu.vector_load_idx %arg11[%add3A_269, %broadcast_in_dim3A_312] : memref<512x32xf32, #tpu.memory_space<vmem>>[vector<16xi32>, vector<16xi32>], vector<16xf32>,
      %gather3A_314 = tpu.vector_load_idx %arg12[%add3A_269, %broadcast_in_dim3A_312] : memref<512x32xf32, #tpu.memory_space<vmem>>[vector<16xi32>, vector<16xi32>], vector<16xf32>,
      %mul3A_315 = arith.mulf %gather3A_313, %gather3A_314 : vector<16xf32>
      %mul3A_316 = vector.broadcast %squeeze3A_102 : f32 to vector<16xf32>
      %mul3A_317 = arith.mulf %mul3A_315, %mul3A_316 : vector<16xf32>
      %add3A_318 = arith.addf %add3A_310, %mul3A_317 : vector<16xf32>
      %broadcast_in_dim3A_319 = arith.constant 6 : i32
      %broadcast_in_dim3A_320 = vector.broadcast %broadcast_in_dim3A_319 : i32 to vector<16xi32>
      %gather3A_321 = tpu.vector_load_idx %arg11[%add3A_269, %broadcast_in_dim3A_320] : memref<512x32xf32, #tpu.memory_space<vmem>>[vector<16xi32>, vector<16xi32>], vector<16xf32>,
      %gather3A_322 = tpu.vector_load_idx %arg12[%add3A_269, %broadcast_in_dim3A_320] : memref<512x32xf32, #tpu.memory_space<vmem>>[vector<16xi32>, vector<16xi32>], vector<16xf32>,
      %mul3A_323 = arith.mulf %gather3A_321, %gather3A_322 : vector<16xf32>
      %mul3A_324 = vector.broadcast %squeeze3A_104 : f32 to vector<16xf32>
      %mul3A_325 = arith.mulf %mul3A_323, %mul3A_324 : vector<16xf32>
      %add3A_326 = arith.addf %add3A_318, %mul3A_325 : vector<16xf32>
      %broadcast_in_dim3A_327 = arith.constant 7 : i32
      %broadcast_in_dim3A_328 = vector.broadcast %broadcast_in_dim3A_327 : i32 to vector<16xi32>
      %gather3A_329 = tpu.vector_load_idx %arg11[%add3A_269, %broadcast_in_dim3A_328] : memref<512x32xf32, #tpu.memory_space<vmem>>[vector<16xi32>, vector<16xi32>], vector<16xf32>,
      %gather3A_330 = tpu.vector_load_idx %arg12[%add3A_269, %broadcast_in_dim3A_328] : memref<512x32xf32, #tpu.memory_space<vmem>>[vector<16xi32>, vector<16xi32>], vector<16xf32>,
      %mul3A_331 = arith.mulf %gather3A_329, %gather3A_330 : vector<16xf32>
      %mul3A_332 = vector.broadcast %squeeze3A_106 : f32 to vector<16xf32>
      %mul3A_333 = arith.mulf %mul3A_331, %mul3A_332 : vector<16xf32>
      %add3A_334 = arith.addf %add3A_326, %mul3A_333 : vector<16xf32>
      %broadcast_in_dim3A_335 = arith.constant 8 : i32
      %broadcast_in_dim3A_336 = vector.broadcast %broadcast_in_dim3A_335 : i32 to vector<16xi32>
      %gather3A_337 = tpu.vector_load_idx %arg11[%add3A_269, %broadcast_in_dim3A_336] : memref<512x32xf32, #tpu.memory_space<vmem>>[vector<16xi32>, vector<16xi32>], vector<16xf32>,
      %gather3A_338 = tpu.vector_load_idx %arg12[%add3A_269, %broadcast_in_dim3A_336] : memref<512x32xf32, #tpu.memory_space<vmem>>[vector<16xi32>, vector<16xi32>], vector<16xf32>,
      %mul3A_339 = arith.mulf %gather3A_337, %gather3A_338 : vector<16xf32>
      %mul3A_340 = vector.broadcast %squeeze3A_108 : f32 to vector<16xf32>
      %mul3A_341 = arith.mulf %mul3A_339, %mul3A_340 : vector<16xf32>
      %add3A_342 = arith.addf %add3A_334, %mul3A_341 : vector<16xf32>
      %broadcast_in_dim3A_343 = arith.constant 9 : i32
      %broadcast_in_dim3A_344 = vector.broadcast %broadcast_in_dim3A_343 : i32 to vector<16xi32>
      %gather3A_345 = tpu.vector_load_idx %arg11[%add3A_269, %broadcast_in_dim3A_344] : memref<512x32xf32, #tpu.memory_space<vmem>>[vector<16xi32>, vector<16xi32>], vector<16xf32>,
      %gather3A_346 = tpu.vector_load_idx %arg12[%add3A_269, %broadcast_in_dim3A_344] : memref<512x32xf32, #tpu.memory_space<vmem>>[vector<16xi32>, vector<16xi32>], vector<16xf32>,
      %mul3A_347 = arith.mulf %gather3A_345, %gather3A_346 : vector<16xf32>
      %mul3A_348 = vector.broadcast %squeeze3A_110 : f32 to vector<16xf32>
      %mul3A_349 = arith.mulf %mul3A_347, %mul3A_348 : vector<16xf32>
      %add3A_350 = arith.addf %add3A_342, %mul3A_349 : vector<16xf32>
      %broadcast_in_dim3A_351 = arith.constant 10 : i32
      %broadcast_in_dim3A_352 = vector.broadcast %broadcast_in_dim3A_351 : i32 to vector<16xi32>
      %gather3A_353 = tpu.vector_load_idx %arg11[%add3A_269, %broadcast_in_dim3A_352] : memref<512x32xf32, #tpu.memory_space<vmem>>[vector<16xi32>, vector<16xi32>], vector<16xf32>,
      %gather3A_354 = tpu.vector_load_idx %arg12[%add3A_269, %broadcast_in_dim3A_352] : memref<512x32xf32, #tpu.memory_space<vmem>>[vector<16xi32>, vector<16xi32>], vector<16xf32>,
      %mul3A_355 = arith.mulf %gather3A_353, %gather3A_354 : vector<16xf32>
      %mul3A_356 = vector.broadcast %squeeze3A_112 : f32 to vector<16xf32>
      %mul3A_357 = arith.mulf %mul3A_355, %mul3A_356 : vector<16xf32>
      %add3A_358 = arith.addf %add3A_350, %mul3A_357 : vector<16xf32>
      %broadcast_in_dim3A_359 = arith.constant 11 : i32
      %broadcast_in_dim3A_360 = vector.broadcast %broadcast_in_dim3A_359 : i32 to vector<16xi32>
      %gather3A_361 = tpu.vector_load_idx %arg11[%add3A_269, %broadcast_in_dim3A_360] : memref<512x32xf32, #tpu.memory_space<vmem>>[vector<16xi32>, vector<16xi32>], vector<16xf32>,
      %gather3A_362 = tpu.vector_load_idx %arg12[%add3A_269, %broadcast_in_dim3A_360] : memref<512x32xf32, #tpu.memory_space<vmem>>[vector<16xi32>, vector<16xi32>], vector<16xf32>,
      %mul3A_363 = arith.mulf %gather3A_361, %gather3A_362 : vector<16xf32>
      %mul3A_364 = vector.broadcast %squeeze3A_114 : f32 to vector<16xf32>
      %mul3A_365 = arith.mulf %mul3A_363, %mul3A_364 : vector<16xf32>
      %add3A_366 = arith.addf %add3A_358, %mul3A_365 : vector<16xf32>
      %broadcast_in_dim3A_367 = arith.constant 12 : i32
      %broadcast_in_dim3A_368 = vector.broadcast %broadcast_in_dim3A_367 : i32 to vector<16xi32>
      %gather3A_369 = tpu.vector_load_idx %arg11[%add3A_269, %broadcast_in_dim3A_368] : memref<512x32xf32, #tpu.memory_space<vmem>>[vector<16xi32>, vector<16xi32>], vector<16xf32>,
      %gather3A_370 = tpu.vector_load_idx %arg12[%add3A_269, %broadcast_in_dim3A_368] : memref<512x32xf32, #tpu.memory_space<vmem>>[vector<16xi32>, vector<16xi32>], vector<16xf32>,
      %mul3A_371 = arith.mulf %gather3A_369, %gather3A_370 : vector<16xf32>
      %mul3A_372 = vector.broadcast %squeeze3A_116 : f32 to vector<16xf32>
      %mul3A_373 = arith.mulf %mul3A_371, %mul3A_372 : vector<16xf32>
      %add3A_374 = arith.addf %add3A_366, %mul3A_373 : vector<16xf32>
      %broadcast_in_dim3A_375 = arith.constant 13 : i32
      %broadcast_in_dim3A_376 = vector.broadcast %broadcast_in_dim3A_375 : i32 to vector<16xi32>
      %gather3A_377 = tpu.vector_load_idx %arg11[%add3A_269, %broadcast_in_dim3A_376] : memref<512x32xf32, #tpu.memory_space<vmem>>[vector<16xi32>, vector<16xi32>], vector<16xf32>,
      %gather3A_378 = tpu.vector_load_idx %arg12[%add3A_269, %broadcast_in_dim3A_376] : memref<512x32xf32, #tpu.memory_space<vmem>>[vector<16xi32>, vector<16xi32>], vector<16xf32>,
      %mul3A_379 = arith.mulf %gather3A_377, %gather3A_378 : vector<16xf32>
      %mul3A_380 = vector.broadcast %squeeze3A_118 : f32 to vector<16xf32>
      %mul3A_381 = arith.mulf %mul3A_379, %mul3A_380 : vector<16xf32>
      %add3A_382 = arith.addf %add3A_374, %mul3A_381 : vector<16xf32>
      %broadcast_in_dim3A_383 = arith.constant 14 : i32
      %broadcast_in_dim3A_384 = vector.broadcast %broadcast_in_dim3A_383 : i32 to vector<16xi32>
      %gather3A_385 = tpu.vector_load_idx %arg11[%add3A_269, %broadcast_in_dim3A_384] : memref<512x32xf32, #tpu.memory_space<vmem>>[vector<16xi32>, vector<16xi32>], vector<16xf32>,
      %gather3A_386 = tpu.vector_load_idx %arg12[%add3A_269, %broadcast_in_dim3A_384] : memref<512x32xf32, #tpu.memory_space<vmem>>[vector<16xi32>, vector<16xi32>], vector<16xf32>,
      %mul3A_387 = arith.mulf %gather3A_385, %gather3A_386 : vector<16xf32>
      %mul3A_388 = vector.broadcast %squeeze3A_120 : f32 to vector<16xf32>
      %mul3A_389 = arith.mulf %mul3A_387, %mul3A_388 : vector<16xf32>
      %add3A_390 = arith.addf %add3A_382, %mul3A_389 : vector<16xf32>
      %broadcast_in_dim3A_391 = arith.constant 15 : i32
      %broadcast_in_dim3A_392 = vector.broadcast %broadcast_in_dim3A_391 : i32 to vector<16xi32>
      %gather3A_393 = tpu.vector_load_idx %arg11[%add3A_269, %broadcast_in_dim3A_392] : memref<512x32xf32, #tpu.memory_space<vmem>>[vector<16xi32>, vector<16xi32>], vector<16xf32>,
      %gather3A_394 = tpu.vector_load_idx %arg12[%add3A_269, %broadcast_in_dim3A_392] : memref<512x32xf32, #tpu.memory_space<vmem>>[vector<16xi32>, vector<16xi32>], vector<16xf32>,
      %mul3A_395 = arith.mulf %gather3A_393, %gather3A_394 : vector<16xf32>
      %mul3A_396 = vector.broadcast %squeeze3A_122 : f32 to vector<16xf32>
      %mul3A_397 = arith.mulf %mul3A_395, %mul3A_396 : vector<16xf32>
      %add3A_398 = arith.addf %add3A_390, %mul3A_397 : vector<16xf32>
      %broadcast_in_dim3A_399 = arith.constant 16 : i32
      %broadcast_in_dim3A_400 = vector.broadcast %broadcast_in_dim3A_399 : i32 to vector<16xi32>
      %gather3A_401 = tpu.vector_load_idx %arg11[%add3A_269, %broadcast_in_dim3A_400] : memref<512x32xf32, #tpu.memory_space<vmem>>[vector<16xi32>, vector<16xi32>], vector<16xf32>,
      %gather3A_402 = tpu.vector_load_idx %arg12[%add3A_269, %broadcast_in_dim3A_400] : memref<512x32xf32, #tpu.memory_space<vmem>>[vector<16xi32>, vector<16xi32>], vector<16xf32>,
      %mul3A_403 = arith.mulf %gather3A_401, %gather3A_402 : vector<16xf32>
      %mul3A_404 = vector.broadcast %squeeze3A_124 : f32 to vector<16xf32>
      %mul3A_405 = arith.mulf %mul3A_403, %mul3A_404 : vector<16xf32>
      %add3A_406 = arith.addf %add3A_398, %mul3A_405 : vector<16xf32>
      %broadcast_in_dim3A_407 = arith.constant 17 : i32
      %broadcast_in_dim3A_408 = vector.broadcast %broadcast_in_dim3A_407 : i32 to vector<16xi32>
      %gather3A_409 = tpu.vector_load_idx %arg11[%add3A_269, %broadcast_in_dim3A_408] : memref<512x32xf32, #tpu.memory_space<vmem>>[vector<16xi32>, vector<16xi32>], vector<16xf32>,
      %gather3A_410 = tpu.vector_load_idx %arg12[%add3A_269, %broadcast_in_dim3A_408] : memref<512x32xf32, #tpu.memory_space<vmem>>[vector<16xi32>, vector<16xi32>], vector<16xf32>,
      %mul3A_411 = arith.mulf %gather3A_409, %gather3A_410 : vector<16xf32>
      %mul3A_412 = vector.broadcast %squeeze3A_126 : f32 to vector<16xf32>
      %mul3A_413 = arith.mulf %mul3A_411, %mul3A_412 : vector<16xf32>
      %add3A_414 = arith.addf %add3A_406, %mul3A_413 : vector<16xf32>
      %broadcast_in_dim3A_415 = arith.constant 18 : i32
      %broadcast_in_dim3A_416 = vector.broadcast %broadcast_in_dim3A_415 : i32 to vector<16xi32>
      %gather3A_417 = tpu.vector_load_idx %arg11[%add3A_269, %broadcast_in_dim3A_416] : memref<512x32xf32, #tpu.memory_space<vmem>>[vector<16xi32>, vector<16xi32>], vector<16xf32>,
      %gather3A_418 = tpu.vector_load_idx %arg12[%add3A_269, %broadcast_in_dim3A_416] : memref<512x32xf32, #tpu.memory_space<vmem>>[vector<16xi32>, vector<16xi32>], vector<16xf32>,
      %mul3A_419 = arith.mulf %gather3A_417, %gather3A_418 : vector<16xf32>
      %mul3A_420 = vector.broadcast %squeeze3A_128 : f32 to vector<16xf32>
      %mul3A_421 = arith.mulf %mul3A_419, %mul3A_420 : vector<16xf32>
      %add3A_422 = arith.addf %add3A_414, %mul3A_421 : vector<16xf32>
      %broadcast_in_dim3A_423 = arith.constant 19 : i32
      %broadcast_in_dim3A_424 = vector.broadcast %broadcast_in_dim3A_423 : i32 to vector<16xi32>
      %gather3A_425 = tpu.vector_load_idx %arg11[%add3A_269, %broadcast_in_dim3A_424] : memref<512x32xf32, #tpu.memory_space<vmem>>[vector<16xi32>, vector<16xi32>], vector<16xf32>,
      %gather3A_426 = tpu.vector_load_idx %arg12[%add3A_269, %broadcast_in_dim3A_424] : memref<512x32xf32, #tpu.memory_space<vmem>>[vector<16xi32>, vector<16xi32>], vector<16xf32>,
      %mul3A_427 = arith.mulf %gather3A_425, %gather3A_426 : vector<16xf32>
      %mul3A_428 = vector.broadcast %squeeze3A_130 : f32 to vector<16xf32>
      %mul3A_429 = arith.mulf %mul3A_427, %mul3A_428 : vector<16xf32>
      %add3A_430 = arith.addf %add3A_422, %mul3A_429 : vector<16xf32>
      %broadcast_in_dim3A_431 = arith.constant 20 : i32
      %broadcast_in_dim3A_432 = vector.broadcast %broadcast_in_dim3A_431 : i32 to vector<16xi32>
      %gather3A_433 = tpu.vector_load_idx %arg11[%add3A_269, %broadcast_in_dim3A_432] : memref<512x32xf32, #tpu.memory_space<vmem>>[vector<16xi32>, vector<16xi32>], vector<16xf32>,
      %gather3A_434 = tpu.vector_load_idx %arg12[%add3A_269, %broadcast_in_dim3A_432] : memref<512x32xf32, #tpu.memory_space<vmem>>[vector<16xi32>, vector<16xi32>], vector<16xf32>,
      %mul3A_435 = arith.mulf %gather3A_433, %gather3A_434 : vector<16xf32>
      %mul3A_436 = vector.broadcast %squeeze3A_132 : f32 to vector<16xf32>
      %mul3A_437 = arith.mulf %mul3A_435, %mul3A_436 : vector<16xf32>
      %add3A_438 = arith.addf %add3A_430, %mul3A_437 : vector<16xf32>
      %broadcast_in_dim3A_439 = arith.constant 21 : i32
      %broadcast_in_dim3A_440 = vector.broadcast %broadcast_in_dim3A_439 : i32 to vector<16xi32>
      %gather3A_441 = tpu.vector_load_idx %arg11[%add3A_269, %broadcast_in_dim3A_440] : memref<512x32xf32, #tpu.memory_space<vmem>>[vector<16xi32>, vector<16xi32>], vector<16xf32>,
      %gather3A_442 = tpu.vector_load_idx %arg12[%add3A_269, %broadcast_in_dim3A_440] : memref<512x32xf32, #tpu.memory_space<vmem>>[vector<16xi32>, vector<16xi32>], vector<16xf32>,
      %mul3A_443 = arith.mulf %gather3A_441, %gather3A_442 : vector<16xf32>
      %mul3A_444 = vector.broadcast %squeeze3A_134 : f32 to vector<16xf32>
      %mul3A_445 = arith.mulf %mul3A_443, %mul3A_444 : vector<16xf32>
      %add3A_446 = arith.addf %add3A_438, %mul3A_445 : vector<16xf32>
      %broadcast_in_dim3A_447 = arith.constant 22 : i32
      %broadcast_in_dim3A_448 = vector.broadcast %broadcast_in_dim3A_447 : i32 to vector<16xi32>
      %gather3A_449 = tpu.vector_load_idx %arg11[%add3A_269, %broadcast_in_dim3A_448] : memref<512x32xf32, #tpu.memory_space<vmem>>[vector<16xi32>, vector<16xi32>], vector<16xf32>,
      %gather3A_450 = tpu.vector_load_idx %arg12[%add3A_269, %broadcast_in_dim3A_448] : memref<512x32xf32, #tpu.memory_space<vmem>>[vector<16xi32>, vector<16xi32>], vector<16xf32>,
      %mul3A_451 = arith.mulf %gather3A_449, %gather3A_450 : vector<16xf32>
      %mul3A_452 = vector.broadcast %squeeze3A_136 : f32 to vector<16xf32>
      %mul3A_453 = arith.mulf %mul3A_451, %mul3A_452 : vector<16xf32>
      %add3A_454 = arith.addf %add3A_446, %mul3A_453 : vector<16xf32>
      %broadcast_in_dim3A_455 = arith.constant 23 : i32
      %broadcast_in_dim3A_456 = vector.broadcast %broadcast_in_dim3A_455 : i32 to vector<16xi32>
      %gather3A_457 = tpu.vector_load_idx %arg11[%add3A_269, %broadcast_in_dim3A_456] : memref<512x32xf32, #tpu.memory_space<vmem>>[vector<16xi32>, vector<16xi32>], vector<16xf32>,
      %gather3A_458 = tpu.vector_load_idx %arg12[%add3A_269, %broadcast_in_dim3A_456] : memref<512x32xf32, #tpu.memory_space<vmem>>[vector<16xi32>, vector<16xi32>], vector<16xf32>,
      %mul3A_459 = arith.mulf %gather3A_457, %gather3A_458 : vector<16xf32>
      %mul3A_460 = vector.broadcast %squeeze3A_138 : f32 to vector<16xf32>
      %mul3A_461 = arith.mulf %mul3A_459, %mul3A_460 : vector<16xf32>
      %add3A_462 = arith.addf %add3A_454, %mul3A_461 : vector<16xf32>
      %broadcast_in_dim3A_463 = arith.constant 24 : i32
      %broadcast_in_dim3A_464 = vector.broadcast %broadcast_in_dim3A_463 : i32 to vector<16xi32>
      %gather3A_465 = tpu.vector_load_idx %arg11[%add3A_269, %broadcast_in_dim3A_464] : memref<512x32xf32, #tpu.memory_space<vmem>>[vector<16xi32>, vector<16xi32>], vector<16xf32>,
      %gather3A_466 = tpu.vector_load_idx %arg12[%add3A_269, %broadcast_in_dim3A_464] : memref<512x32xf32, #tpu.memory_space<vmem>>[vector<16xi32>, vector<16xi32>], vector<16xf32>,
      %mul3A_467 = arith.mulf %gather3A_465, %gather3A_466 : vector<16xf32>
      %mul3A_468 = vector.broadcast %squeeze3A_140 : f32 to vector<16xf32>
      %mul3A_469 = arith.mulf %mul3A_467, %mul3A_468 : vector<16xf32>
      %add3A_470 = arith.addf %add3A_462, %mul3A_469 : vector<16xf32>
      %broadcast_in_dim3A_471 = arith.constant 25 : i32
      %broadcast_in_dim3A_472 = vector.broadcast %broadcast_in_dim3A_471 : i32 to vector<16xi32>
      %gather3A_473 = tpu.vector_load_idx %arg11[%add3A_269, %broadcast_in_dim3A_472] : memref<512x32xf32, #tpu.memory_space<vmem>>[vector<16xi32>, vector<16xi32>], vector<16xf32>,
      %gather3A_474 = tpu.vector_load_idx %arg12[%add3A_269, %broadcast_in_dim3A_472] : memref<512x32xf32, #tpu.memory_space<vmem>>[vector<16xi32>, vector<16xi32>], vector<16xf32>,
      %mul3A_475 = arith.mulf %gather3A_473, %gather3A_474 : vector<16xf32>
      %mul3A_476 = vector.broadcast %squeeze3A_142 : f32 to vector<16xf32>
      %mul3A_477 = arith.mulf %mul3A_475, %mul3A_476 : vector<16xf32>
      %add3A_478 = arith.addf %add3A_470, %mul3A_477 : vector<16xf32>
      %broadcast_in_dim3A_479 = arith.constant 26 : i32
      %broadcast_in_dim3A_480 = vector.broadcast %broadcast_in_dim3A_479 : i32 to vector<16xi32>
      %gather3A_481 = tpu.vector_load_idx %arg11[%add3A_269, %broadcast_in_dim3A_480] : memref<512x32xf32, #tpu.memory_space<vmem>>[vector<16xi32>, vector<16xi32>], vector<16xf32>,
      %gather3A_482 = tpu.vector_load_idx %arg12[%add3A_269, %broadcast_in_dim3A_480] : memref<512x32xf32, #tpu.memory_space<vmem>>[vector<16xi32>, vector<16xi32>], vector<16xf32>,
      %mul3A_483 = arith.mulf %gather3A_481, %gather3A_482 : vector<16xf32>
      %mul3A_484 = vector.broadcast %squeeze3A_144 : f32 to vector<16xf32>
      %mul3A_485 = arith.mulf %mul3A_483, %mul3A_484 : vector<16xf32>
      %add3A_486 = arith.addf %add3A_478, %mul3A_485 : vector<16xf32>
      %broadcast_in_dim3A_487 = arith.constant 27 : i32
      %broadcast_in_dim3A_488 = vector.broadcast %broadcast_in_dim3A_487 : i32 to vector<16xi32>
      %gather3A_489 = tpu.vector_load_idx %arg11[%add3A_269, %broadcast_in_dim3A_488] : memref<512x32xf32, #tpu.memory_space<vmem>>[vector<16xi32>, vector<16xi32>], vector<16xf32>,
      %gather3A_490 = tpu.vector_load_idx %arg12[%add3A_269, %broadcast_in_dim3A_488] : memref<512x32xf32, #tpu.memory_space<vmem>>[vector<16xi32>, vector<16xi32>], vector<16xf32>,
      %mul3A_491 = arith.mulf %gather3A_489, %gather3A_490 : vector<16xf32>
      %mul3A_492 = vector.broadcast %squeeze3A_146 : f32 to vector<16xf32>
      %mul3A_493 = arith.mulf %mul3A_491, %mul3A_492 : vector<16xf32>
      %add3A_494 = arith.addf %add3A_486, %mul3A_493 : vector<16xf32>
      %broadcast_in_dim3A_495 = arith.constant 28 : i32
      %broadcast_in_dim3A_496 = vector.broadcast %broadcast_in_dim3A_495 : i32 to vector<16xi32>
      %gather3A_497 = tpu.vector_load_idx %arg11[%add3A_269, %broadcast_in_dim3A_496] : memref<512x32xf32, #tpu.memory_space<vmem>>[vector<16xi32>, vector<16xi32>], vector<16xf32>,
      %gather3A_498 = tpu.vector_load_idx %arg12[%add3A_269, %broadcast_in_dim3A_496] : memref<512x32xf32, #tpu.memory_space<vmem>>[vector<16xi32>, vector<16xi32>], vector<16xf32>,
      %mul3A_499 = arith.mulf %gather3A_497, %gather3A_498 : vector<16xf32>
      %mul3A_500 = vector.broadcast %squeeze3A_148 : f32 to vector<16xf32>
      %mul3A_501 = arith.mulf %mul3A_499, %mul3A_500 : vector<16xf32>
      %add3A_502 = arith.addf %add3A_494, %mul3A_501 : vector<16xf32>
      %broadcast_in_dim3A_503 = arith.constant 29 : i32
      %broadcast_in_dim3A_504 = vector.broadcast %broadcast_in_dim3A_503 : i32 to vector<16xi32>
      %gather3A_505 = tpu.vector_load_idx %arg11[%add3A_269, %broadcast_in_dim3A_504] : memref<512x32xf32, #tpu.memory_space<vmem>>[vector<16xi32>, vector<16xi32>], vector<16xf32>,
      %gather3A_506 = tpu.vector_load_idx %arg12[%add3A_269, %broadcast_in_dim3A_504] : memref<512x32xf32, #tpu.memory_space<vmem>>[vector<16xi32>, vector<16xi32>], vector<16xf32>,
      %mul3A_507 = arith.mulf %gather3A_505, %gather3A_506 : vector<16xf32>
      %mul3A_508 = vector.broadcast %squeeze3A_150 : f32 to vector<16xf32>
      %mul3A_509 = arith.mulf %mul3A_507, %mul3A_508 : vector<16xf32>
      %add3A_510 = arith.addf %add3A_502, %mul3A_509 : vector<16xf32>
      %broadcast_in_dim3A_511 = arith.constant 30 : i32
      %broadcast_in_dim3A_512 = vector.broadcast %broadcast_in_dim3A_511 : i32 to vector<16xi32>
      %gather3A_513 = tpu.vector_load_idx %arg11[%add3A_269, %broadcast_in_dim3A_512] : memref<512x32xf32, #tpu.memory_space<vmem>>[vector<16xi32>, vector<16xi32>], vector<16xf32>,
      %gather3A_514 = tpu.vector_load_idx %arg12[%add3A_269, %broadcast_in_dim3A_512] : memref<512x32xf32, #tpu.memory_space<vmem>>[vector<16xi32>, vector<16xi32>], vector<16xf32>,
      %mul3A_515 = arith.mulf %gather3A_513, %gather3A_514 : vector<16xf32>
      %mul3A_516 = vector.broadcast %squeeze3A_152 : f32 to vector<16xf32>
      %mul3A_517 = arith.mulf %mul3A_515, %mul3A_516 : vector<16xf32>
      %add3A_518 = arith.addf %add3A_510, %mul3A_517 : vector<16xf32>
      %broadcast_in_dim3A_519 = arith.constant 31 : i32
      %broadcast_in_dim3A_520 = vector.broadcast %broadcast_in_dim3A_519 : i32 to vector<16xi32>
      %gather3A_521 = tpu.vector_load_idx %arg11[%add3A_269, %broadcast_in_dim3A_520] : memref<512x32xf32, #tpu.memory_space<vmem>>[vector<16xi32>, vector<16xi32>], vector<16xf32>,
      %gather3A_522 = tpu.vector_load_idx %arg12[%add3A_269, %broadcast_in_dim3A_520] : memref<512x32xf32, #tpu.memory_space<vmem>>[vector<16xi32>, vector<16xi32>], vector<16xf32>,
      %mul3A_523 = arith.mulf %gather3A_521, %gather3A_522 : vector<16xf32>
      %mul3A_524 = vector.broadcast %squeeze3A_154 : f32 to vector<16xf32>
      %mul3A_525 = arith.mulf %mul3A_523, %mul3A_524 : vector<16xf32>
      %add3A_526 = arith.addf %add3A_518, %mul3A_525 : vector<16xf32>
      %add3A_527 = vector.broadcast %squeeze3A : f32 to vector<16xf32>
      %add3A_528 = arith.addf %add3A_526, %add3A_527 : vector<16xf32>
      %mul3A_529 = arith.constant 16 : i32
      %mul3A_530 = arith.muli %scan3A_264, %mul3A_529 : i32
      %get3A_531 = arith.index_cast %mul3A_530 : i32 to index
      %get3A_532 = tpu.vector_load %arg14[%get3A_531] {strides = array<i32>} : memref<512xf32, #tpu.memory_space<vmem>>, vector<16xf32>,
      %abs3A = math.absf %add3A_528 : vector<16xf32>
      %neg3A = arith.constant 0.000000e+00 : f32
      %neg3A_533 = vector.broadcast %neg3A : f32 to vector<16xf32>
      %neg3A_534 = arith.subf %neg3A_533, %abs3A : vector<16xf32>
      %exp3A = math.exp %neg3A_534 : vector<16xf32>
      %broadcast_in_dim3A_535 = arith.constant -0.00231785467 : f32
      %broadcast_in_dim3A_536 = vector.broadcast %broadcast_in_dim3A_535 : f32 to vector<16xf32>
      %mul3A_537 = arith.mulf %broadcast_in_dim3A_536, %exp3A : vector<16xf32>
      %add3A_538 = arith.constant 0.0153418975 : f32
      %add3A_539 = vector.broadcast %add3A_538 : f32 to vector<16xf32>
      %add3A_540 = arith.addf %mul3A_537, %add3A_539 : vector<16xf32>
      %mul3A_541 = arith.mulf %add3A_540, %exp3A : vector<16xf32>
      %add3A_542 = arith.constant -0.0476654842 : f32
      %add3A_543 = vector.broadcast %add3A_542 : f32 to vector<16xf32>
      %add3A_544 = arith.addf %mul3A_541, %add3A_543 : vector<16xf32>
      %mul3A_545 = arith.mulf %add3A_544, %exp3A : vector<16xf32>
      %add3A_546 = arith.constant 0.0954856649 : f32
      %add3A_547 = vector.broadcast %add3A_546 : f32 to vector<16xf32>
      %add3A_548 = arith.addf %mul3A_545, %add3A_547 : vector<16xf32>
      %mul3A_549 = arith.mulf %add3A_548, %exp3A : vector<16xf32>
      %add3A_550 = arith.constant -0.14586474 : f32
      %add3A_551 = vector.broadcast %add3A_550 : f32 to vector<16xf32>
      %add3A_552 = arith.addf %mul3A_549, %add3A_551 : vector<16xf32>
      %mul3A_553 = arith.mulf %add3A_552, %exp3A : vector<16xf32>
      %add3A_554 = arith.constant 0.193751663 : f32
      %add3A_555 = vector.broadcast %add3A_554 : f32 to vector<16xf32>
      %add3A_556 = arith.addf %mul3A_553, %add3A_555 : vector<16xf32>
      %mul3A_557 = arith.mulf %add3A_556, %exp3A : vector<16xf32>
      %add3A_558 = arith.constant -0.248784244 : f32
      %add3A_559 = vector.broadcast %add3A_558 : f32 to vector<16xf32>
      %add3A_560 = arith.addf %mul3A_557, %add3A_559 : vector<16xf32>
      %mul3A_561 = arith.mulf %add3A_560, %exp3A : vector<16xf32>
      %add3A_562 = arith.constant 0.333191901 : f32
      %add3A_563 = vector.broadcast %add3A_562 : f32 to vector<16xf32>
      %add3A_564 = arith.addf %mul3A_561, %add3A_563 : vector<16xf32>
      %mul3A_565 = arith.mulf %add3A_564, %exp3A : vector<16xf32>
      %add3A_566 = arith.constant -0.499991417 : f32
      %add3A_567 = vector.broadcast %add3A_566 : f32 to vector<16xf32>
      %add3A_568 = arith.addf %mul3A_565, %add3A_567 : vector<16xf32>
      %mul3A_569 = arith.mulf %add3A_568, %exp3A : vector<16xf32>
      %add3A_570 = arith.constant 0.999999821 : f32
      %add3A_571 = vector.broadcast %add3A_570 : f32 to vector<16xf32>
      %add3A_572 = arith.addf %mul3A_569, %add3A_571 : vector<16xf32>
      %mul3A_573 = arith.mulf %add3A_572, %exp3A : vector<16xf32>
      %add3A_574 = arith.constant 8.18445977E-10 : f32
      %add3A_575 = vector.broadcast %add3A_574 : f32 to vector<16xf32>
      %add3A_576 = arith.addf %mul3A_573, %add3A_575 : vector<16xf32>
      %max3A = arith.constant 0.000000e+00 : f32
      %max3A_577 = vector.broadcast %max3A : f32 to vector<16xf32>
      %max3A_578 = arith.maximumf %add3A_528, %max3A_577 : vector<16xf32>
      %mul3A_579 = arith.mulf %add3A_528, %get3A_532 : vector<16xf32>
      %sub3A = arith.subf %max3A_578, %mul3A_579 : vector<16xf32>
      %add3A_580 = arith.addf %sub3A, %add3A_576 : vector<16xf32>
      %add3A_581 = arith.addf %scan3A_265, %add3A_580 : vector<16xf32>
      scf.yield %add3A_581 : vector<16xf32>
    }
    %scan3A_179 = arith.constant 8 : i32
    %dma_wait3A_180 = arith.constant 1 : i32
    %dma_wait3A_181 = arith.constant 128 : i32
    %dma_wait3A_182 = arith.constant 0 : i32
    %dma_wait3A_183 = tpu.memref_slice %arg11[%dma_wait3A_181, %dma_wait3A_182] : memref<512x32xf32, #tpu.memory_space<vmem>> -> memref<128x32xf32, #tpu.memory_space<vmem>>
    %dma_wait3A_184 = arith.constant 0 : i32
    %dma_wait3A_185 = tpu.memref_slice %arg9[%dma_wait3A_180, %dma_wait3A_184] : memref<4x128xi32, #tpu.memory_space<vmem>> -> memref<1x128xi32, #tpu.memory_space<vmem>>
    %dma_wait3A_186 = tpu.memref_squeeze %dma_wait3A_185 : memref<1x128xi32, #tpu.memory_space<vmem>> -> memref<128xi32, #tpu.memory_space<vmem>>
    %dma_wait3A_187 = arith.constant 0 : i32
    %dma_wait3A_188 = arith.constant 0 : i32
    %dma_wait3A_189 = tpu.memref_slice %arg5[%dma_wait3A_187, %dma_wait3A_188] : memref<1000000x32xf32, #tpu.memory_space<hbm>> -> memref<1000000x32xf32, #tpu.memory_space<hbm>>
    tpu.wait_indirect_dma semaphore(%arg18 : memref<!tpu.dma_semaphore, #tpu.memory_space<semaphore_mem>>) src(%dma_wait3A_189 : memref<1000000x32xf32, #tpu.memory_space<hbm>>) dst(%dma_wait3A_183 : memref<128x32xf32, #tpu.memory_space<vmem>>)
    %dma_wait3A_190 = arith.constant 1 : i32
    %dma_wait3A_191 = arith.constant 128 : i32
    %dma_wait3A_192 = arith.constant 0 : i32
    %dma_wait3A_193 = tpu.memref_slice %arg12[%dma_wait3A_191, %dma_wait3A_192] : memref<512x32xf32, #tpu.memory_space<vmem>> -> memref<128x32xf32, #tpu.memory_space<vmem>>
    %dma_wait3A_194 = arith.constant 0 : i32
    %dma_wait3A_195 = tpu.memref_slice %arg10[%dma_wait3A_190, %dma_wait3A_194] : memref<4x128xi32, #tpu.memory_space<vmem>> -> memref<1x128xi32, #tpu.memory_space<vmem>>
    %dma_wait3A_196 = tpu.memref_squeeze %dma_wait3A_195 : memref<1x128xi32, #tpu.memory_space<vmem>> -> memref<128xi32, #tpu.memory_space<vmem>>
    %dma_wait3A_197 = arith.constant 0 : i32
    %dma_wait3A_198 = arith.constant 0 : i32
    %dma_wait3A_199 = tpu.memref_slice %arg6[%dma_wait3A_197, %dma_wait3A_198] : memref<1000000x32xf32, #tpu.memory_space<hbm>> -> memref<1000000x32xf32, #tpu.memory_space<hbm>>
    tpu.wait_indirect_dma semaphore(%arg18 : memref<!tpu.dma_semaphore, #tpu.memory_space<semaphore_mem>>) src(%dma_wait3A_199 : memref<1000000x32xf32, #tpu.memory_space<hbm>>) dst(%dma_wait3A_193 : memref<128x32xf32, #tpu.memory_space<vmem>>)
    %scan3A_200 = arith.constant 8 : i32
    %scan3A_201 = arith.constant 8 : i32
    %scan3A_202 = arith.addi %scan3A_200, %scan3A_201 : i32
    %scan3A_203 = arith.constant 1 : i32
    %scan3A_204 = scf.for %scan3A_264 = %scan3A_200 to %scan3A_202 step %scan3A_203 iter_args(%scan3A_265 = %scan3A_178) -> (vector<16xf32>)  : i32 {
      %mul3A_266 = arith.constant 16 : i32
      %mul3A_267 = arith.muli %scan3A_264, %mul3A_266 : i32
      %add3A_268 = vector.broadcast %mul3A_267 : i32 to vector<16xi32>
      %add3A_269 = arith.addi %add3A_268, %iota3A : vector<16xi32>
      %broadcast_in_dim3A_270 = arith.constant 0.000000e+00 : f32
      %broadcast_in_dim3A_271 = vector.broadcast %broadcast_in_dim3A_270 : f32 to vector<16xf32>
      %broadcast_in_dim3A_272 = arith.constant 0 : i32
      %broadcast_in_dim3A_273 = vector.broadcast %broadcast_in_dim3A_272 : i32 to vector<16xi32>
      %gather3A = tpu.vector_load_idx %arg11[%add3A_269, %broadcast_in_dim3A_273] : memref<512x32xf32, #tpu.memory_space<vmem>>[vector<16xi32>, vector<16xi32>], vector<16xf32>,
      %gather3A_274 = tpu.vector_load_idx %arg12[%add3A_269, %broadcast_in_dim3A_273] : memref<512x32xf32, #tpu.memory_space<vmem>>[vector<16xi32>, vector<16xi32>], vector<16xf32>,
      %mul3A_275 = arith.mulf %gather3A, %gather3A_274 : vector<16xf32>
      %mul3A_276 = vector.broadcast %squeeze3A_92 : f32 to vector<16xf32>
      %mul3A_277 = arith.mulf %mul3A_275, %mul3A_276 : vector<16xf32>
      %add3A_278 = arith.addf %broadcast_in_dim3A_271, %mul3A_277 : vector<16xf32>
      %broadcast_in_dim3A_279 = arith.constant 1 : i32
      %broadcast_in_dim3A_280 = vector.broadcast %broadcast_in_dim3A_279 : i32 to vector<16xi32>
      %gather3A_281 = tpu.vector_load_idx %arg11[%add3A_269, %broadcast_in_dim3A_280] : memref<512x32xf32, #tpu.memory_space<vmem>>[vector<16xi32>, vector<16xi32>], vector<16xf32>,
      %gather3A_282 = tpu.vector_load_idx %arg12[%add3A_269, %broadcast_in_dim3A_280] : memref<512x32xf32, #tpu.memory_space<vmem>>[vector<16xi32>, vector<16xi32>], vector<16xf32>,
      %mul3A_283 = arith.mulf %gather3A_281, %gather3A_282 : vector<16xf32>
      %mul3A_284 = vector.broadcast %squeeze3A_94 : f32 to vector<16xf32>
      %mul3A_285 = arith.mulf %mul3A_283, %mul3A_284 : vector<16xf32>
      %add3A_286 = arith.addf %add3A_278, %mul3A_285 : vector<16xf32>
      %broadcast_in_dim3A_287 = arith.constant 2 : i32
      %broadcast_in_dim3A_288 = vector.broadcast %broadcast_in_dim3A_287 : i32 to vector<16xi32>
      %gather3A_289 = tpu.vector_load_idx %arg11[%add3A_269, %broadcast_in_dim3A_288] : memref<512x32xf32, #tpu.memory_space<vmem>>[vector<16xi32>, vector<16xi32>], vector<16xf32>,
      %gather3A_290 = tpu.vector_load_idx %arg12[%add3A_269, %broadcast_in_dim3A_288] : memref<512x32xf32, #tpu.memory_space<vmem>>[vector<16xi32>, vector<16xi32>], vector<16xf32>,
      %mul3A_291 = arith.mulf %gather3A_289, %gather3A_290 : vector<16xf32>
      %mul3A_292 = vector.broadcast %squeeze3A_96 : f32 to vector<16xf32>
      %mul3A_293 = arith.mulf %mul3A_291, %mul3A_292 : vector<16xf32>
      %add3A_294 = arith.addf %add3A_286, %mul3A_293 : vector<16xf32>
      %broadcast_in_dim3A_295 = arith.constant 3 : i32
      %broadcast_in_dim3A_296 = vector.broadcast %broadcast_in_dim3A_295 : i32 to vector<16xi32>
      %gather3A_297 = tpu.vector_load_idx %arg11[%add3A_269, %broadcast_in_dim3A_296] : memref<512x32xf32, #tpu.memory_space<vmem>>[vector<16xi32>, vector<16xi32>], vector<16xf32>,
      %gather3A_298 = tpu.vector_load_idx %arg12[%add3A_269, %broadcast_in_dim3A_296] : memref<512x32xf32, #tpu.memory_space<vmem>>[vector<16xi32>, vector<16xi32>], vector<16xf32>,
      %mul3A_299 = arith.mulf %gather3A_297, %gather3A_298 : vector<16xf32>
      %mul3A_300 = vector.broadcast %squeeze3A_98 : f32 to vector<16xf32>
      %mul3A_301 = arith.mulf %mul3A_299, %mul3A_300 : vector<16xf32>
      %add3A_302 = arith.addf %add3A_294, %mul3A_301 : vector<16xf32>
      %broadcast_in_dim3A_303 = arith.constant 4 : i32
      %broadcast_in_dim3A_304 = vector.broadcast %broadcast_in_dim3A_303 : i32 to vector<16xi32>
      %gather3A_305 = tpu.vector_load_idx %arg11[%add3A_269, %broadcast_in_dim3A_304] : memref<512x32xf32, #tpu.memory_space<vmem>>[vector<16xi32>, vector<16xi32>], vector<16xf32>,
      %gather3A_306 = tpu.vector_load_idx %arg12[%add3A_269, %broadcast_in_dim3A_304] : memref<512x32xf32, #tpu.memory_space<vmem>>[vector<16xi32>, vector<16xi32>], vector<16xf32>,
      %mul3A_307 = arith.mulf %gather3A_305, %gather3A_306 : vector<16xf32>
      %mul3A_308 = vector.broadcast %squeeze3A_100 : f32 to vector<16xf32>
      %mul3A_309 = arith.mulf %mul3A_307, %mul3A_308 : vector<16xf32>
      %add3A_310 = arith.addf %add3A_302, %mul3A_309 : vector<16xf32>
      %broadcast_in_dim3A_311 = arith.constant 5 : i32
      %broadcast_in_dim3A_312 = vector.broadcast %broadcast_in_dim3A_311 : i32 to vector<16xi32>
      %gather3A_313 = tpu.vector_load_idx %arg11[%add3A_269, %broadcast_in_dim3A_312] : memref<512x32xf32, #tpu.memory_space<vmem>>[vector<16xi32>, vector<16xi32>], vector<16xf32>,
      %gather3A_314 = tpu.vector_load_idx %arg12[%add3A_269, %broadcast_in_dim3A_312] : memref<512x32xf32, #tpu.memory_space<vmem>>[vector<16xi32>, vector<16xi32>], vector<16xf32>,
      %mul3A_315 = arith.mulf %gather3A_313, %gather3A_314 : vector<16xf32>
      %mul3A_316 = vector.broadcast %squeeze3A_102 : f32 to vector<16xf32>
      %mul3A_317 = arith.mulf %mul3A_315, %mul3A_316 : vector<16xf32>
      %add3A_318 = arith.addf %add3A_310, %mul3A_317 : vector<16xf32>
      %broadcast_in_dim3A_319 = arith.constant 6 : i32
      %broadcast_in_dim3A_320 = vector.broadcast %broadcast_in_dim3A_319 : i32 to vector<16xi32>
      %gather3A_321 = tpu.vector_load_idx %arg11[%add3A_269, %broadcast_in_dim3A_320] : memref<512x32xf32, #tpu.memory_space<vmem>>[vector<16xi32>, vector<16xi32>], vector<16xf32>,
      %gather3A_322 = tpu.vector_load_idx %arg12[%add3A_269, %broadcast_in_dim3A_320] : memref<512x32xf32, #tpu.memory_space<vmem>>[vector<16xi32>, vector<16xi32>], vector<16xf32>,
      %mul3A_323 = arith.mulf %gather3A_321, %gather3A_322 : vector<16xf32>
      %mul3A_324 = vector.broadcast %squeeze3A_104 : f32 to vector<16xf32>
      %mul3A_325 = arith.mulf %mul3A_323, %mul3A_324 : vector<16xf32>
      %add3A_326 = arith.addf %add3A_318, %mul3A_325 : vector<16xf32>
      %broadcast_in_dim3A_327 = arith.constant 7 : i32
      %broadcast_in_dim3A_328 = vector.broadcast %broadcast_in_dim3A_327 : i32 to vector<16xi32>
      %gather3A_329 = tpu.vector_load_idx %arg11[%add3A_269, %broadcast_in_dim3A_328] : memref<512x32xf32, #tpu.memory_space<vmem>>[vector<16xi32>, vector<16xi32>], vector<16xf32>,
      %gather3A_330 = tpu.vector_load_idx %arg12[%add3A_269, %broadcast_in_dim3A_328] : memref<512x32xf32, #tpu.memory_space<vmem>>[vector<16xi32>, vector<16xi32>], vector<16xf32>,
      %mul3A_331 = arith.mulf %gather3A_329, %gather3A_330 : vector<16xf32>
      %mul3A_332 = vector.broadcast %squeeze3A_106 : f32 to vector<16xf32>
      %mul3A_333 = arith.mulf %mul3A_331, %mul3A_332 : vector<16xf32>
      %add3A_334 = arith.addf %add3A_326, %mul3A_333 : vector<16xf32>
      %broadcast_in_dim3A_335 = arith.constant 8 : i32
      %broadcast_in_dim3A_336 = vector.broadcast %broadcast_in_dim3A_335 : i32 to vector<16xi32>
      %gather3A_337 = tpu.vector_load_idx %arg11[%add3A_269, %broadcast_in_dim3A_336] : memref<512x32xf32, #tpu.memory_space<vmem>>[vector<16xi32>, vector<16xi32>], vector<16xf32>,
      %gather3A_338 = tpu.vector_load_idx %arg12[%add3A_269, %broadcast_in_dim3A_336] : memref<512x32xf32, #tpu.memory_space<vmem>>[vector<16xi32>, vector<16xi32>], vector<16xf32>,
      %mul3A_339 = arith.mulf %gather3A_337, %gather3A_338 : vector<16xf32>
      %mul3A_340 = vector.broadcast %squeeze3A_108 : f32 to vector<16xf32>
      %mul3A_341 = arith.mulf %mul3A_339, %mul3A_340 : vector<16xf32>
      %add3A_342 = arith.addf %add3A_334, %mul3A_341 : vector<16xf32>
      %broadcast_in_dim3A_343 = arith.constant 9 : i32
      %broadcast_in_dim3A_344 = vector.broadcast %broadcast_in_dim3A_343 : i32 to vector<16xi32>
      %gather3A_345 = tpu.vector_load_idx %arg11[%add3A_269, %broadcast_in_dim3A_344] : memref<512x32xf32, #tpu.memory_space<vmem>>[vector<16xi32>, vector<16xi32>], vector<16xf32>,
      %gather3A_346 = tpu.vector_load_idx %arg12[%add3A_269, %broadcast_in_dim3A_344] : memref<512x32xf32, #tpu.memory_space<vmem>>[vector<16xi32>, vector<16xi32>], vector<16xf32>,
      %mul3A_347 = arith.mulf %gather3A_345, %gather3A_346 : vector<16xf32>
      %mul3A_348 = vector.broadcast %squeeze3A_110 : f32 to vector<16xf32>
      %mul3A_349 = arith.mulf %mul3A_347, %mul3A_348 : vector<16xf32>
      %add3A_350 = arith.addf %add3A_342, %mul3A_349 : vector<16xf32>
      %broadcast_in_dim3A_351 = arith.constant 10 : i32
      %broadcast_in_dim3A_352 = vector.broadcast %broadcast_in_dim3A_351 : i32 to vector<16xi32>
      %gather3A_353 = tpu.vector_load_idx %arg11[%add3A_269, %broadcast_in_dim3A_352] : memref<512x32xf32, #tpu.memory_space<vmem>>[vector<16xi32>, vector<16xi32>], vector<16xf32>,
      %gather3A_354 = tpu.vector_load_idx %arg12[%add3A_269, %broadcast_in_dim3A_352] : memref<512x32xf32, #tpu.memory_space<vmem>>[vector<16xi32>, vector<16xi32>], vector<16xf32>,
      %mul3A_355 = arith.mulf %gather3A_353, %gather3A_354 : vector<16xf32>
      %mul3A_356 = vector.broadcast %squeeze3A_112 : f32 to vector<16xf32>
      %mul3A_357 = arith.mulf %mul3A_355, %mul3A_356 : vector<16xf32>
      %add3A_358 = arith.addf %add3A_350, %mul3A_357 : vector<16xf32>
      %broadcast_in_dim3A_359 = arith.constant 11 : i32
      %broadcast_in_dim3A_360 = vector.broadcast %broadcast_in_dim3A_359 : i32 to vector<16xi32>
      %gather3A_361 = tpu.vector_load_idx %arg11[%add3A_269, %broadcast_in_dim3A_360] : memref<512x32xf32, #tpu.memory_space<vmem>>[vector<16xi32>, vector<16xi32>], vector<16xf32>,
      %gather3A_362 = tpu.vector_load_idx %arg12[%add3A_269, %broadcast_in_dim3A_360] : memref<512x32xf32, #tpu.memory_space<vmem>>[vector<16xi32>, vector<16xi32>], vector<16xf32>,
      %mul3A_363 = arith.mulf %gather3A_361, %gather3A_362 : vector<16xf32>
      %mul3A_364 = vector.broadcast %squeeze3A_114 : f32 to vector<16xf32>
      %mul3A_365 = arith.mulf %mul3A_363, %mul3A_364 : vector<16xf32>
      %add3A_366 = arith.addf %add3A_358, %mul3A_365 : vector<16xf32>
      %broadcast_in_dim3A_367 = arith.constant 12 : i32
      %broadcast_in_dim3A_368 = vector.broadcast %broadcast_in_dim3A_367 : i32 to vector<16xi32>
      %gather3A_369 = tpu.vector_load_idx %arg11[%add3A_269, %broadcast_in_dim3A_368] : memref<512x32xf32, #tpu.memory_space<vmem>>[vector<16xi32>, vector<16xi32>], vector<16xf32>,
      %gather3A_370 = tpu.vector_load_idx %arg12[%add3A_269, %broadcast_in_dim3A_368] : memref<512x32xf32, #tpu.memory_space<vmem>>[vector<16xi32>, vector<16xi32>], vector<16xf32>,
      %mul3A_371 = arith.mulf %gather3A_369, %gather3A_370 : vector<16xf32>
      %mul3A_372 = vector.broadcast %squeeze3A_116 : f32 to vector<16xf32>
      %mul3A_373 = arith.mulf %mul3A_371, %mul3A_372 : vector<16xf32>
      %add3A_374 = arith.addf %add3A_366, %mul3A_373 : vector<16xf32>
      %broadcast_in_dim3A_375 = arith.constant 13 : i32
      %broadcast_in_dim3A_376 = vector.broadcast %broadcast_in_dim3A_375 : i32 to vector<16xi32>
      %gather3A_377 = tpu.vector_load_idx %arg11[%add3A_269, %broadcast_in_dim3A_376] : memref<512x32xf32, #tpu.memory_space<vmem>>[vector<16xi32>, vector<16xi32>], vector<16xf32>,
      %gather3A_378 = tpu.vector_load_idx %arg12[%add3A_269, %broadcast_in_dim3A_376] : memref<512x32xf32, #tpu.memory_space<vmem>>[vector<16xi32>, vector<16xi32>], vector<16xf32>,
      %mul3A_379 = arith.mulf %gather3A_377, %gather3A_378 : vector<16xf32>
      %mul3A_380 = vector.broadcast %squeeze3A_118 : f32 to vector<16xf32>
      %mul3A_381 = arith.mulf %mul3A_379, %mul3A_380 : vector<16xf32>
      %add3A_382 = arith.addf %add3A_374, %mul3A_381 : vector<16xf32>
      %broadcast_in_dim3A_383 = arith.constant 14 : i32
      %broadcast_in_dim3A_384 = vector.broadcast %broadcast_in_dim3A_383 : i32 to vector<16xi32>
      %gather3A_385 = tpu.vector_load_idx %arg11[%add3A_269, %broadcast_in_dim3A_384] : memref<512x32xf32, #tpu.memory_space<vmem>>[vector<16xi32>, vector<16xi32>], vector<16xf32>,
      %gather3A_386 = tpu.vector_load_idx %arg12[%add3A_269, %broadcast_in_dim3A_384] : memref<512x32xf32, #tpu.memory_space<vmem>>[vector<16xi32>, vector<16xi32>], vector<16xf32>,
      %mul3A_387 = arith.mulf %gather3A_385, %gather3A_386 : vector<16xf32>
      %mul3A_388 = vector.broadcast %squeeze3A_120 : f32 to vector<16xf32>
      %mul3A_389 = arith.mulf %mul3A_387, %mul3A_388 : vector<16xf32>
      %add3A_390 = arith.addf %add3A_382, %mul3A_389 : vector<16xf32>
      %broadcast_in_dim3A_391 = arith.constant 15 : i32
      %broadcast_in_dim3A_392 = vector.broadcast %broadcast_in_dim3A_391 : i32 to vector<16xi32>
      %gather3A_393 = tpu.vector_load_idx %arg11[%add3A_269, %broadcast_in_dim3A_392] : memref<512x32xf32, #tpu.memory_space<vmem>>[vector<16xi32>, vector<16xi32>], vector<16xf32>,
      %gather3A_394 = tpu.vector_load_idx %arg12[%add3A_269, %broadcast_in_dim3A_392] : memref<512x32xf32, #tpu.memory_space<vmem>>[vector<16xi32>, vector<16xi32>], vector<16xf32>,
      %mul3A_395 = arith.mulf %gather3A_393, %gather3A_394 : vector<16xf32>
      %mul3A_396 = vector.broadcast %squeeze3A_122 : f32 to vector<16xf32>
      %mul3A_397 = arith.mulf %mul3A_395, %mul3A_396 : vector<16xf32>
      %add3A_398 = arith.addf %add3A_390, %mul3A_397 : vector<16xf32>
      %broadcast_in_dim3A_399 = arith.constant 16 : i32
      %broadcast_in_dim3A_400 = vector.broadcast %broadcast_in_dim3A_399 : i32 to vector<16xi32>
      %gather3A_401 = tpu.vector_load_idx %arg11[%add3A_269, %broadcast_in_dim3A_400] : memref<512x32xf32, #tpu.memory_space<vmem>>[vector<16xi32>, vector<16xi32>], vector<16xf32>,
      %gather3A_402 = tpu.vector_load_idx %arg12[%add3A_269, %broadcast_in_dim3A_400] : memref<512x32xf32, #tpu.memory_space<vmem>>[vector<16xi32>, vector<16xi32>], vector<16xf32>,
      %mul3A_403 = arith.mulf %gather3A_401, %gather3A_402 : vector<16xf32>
      %mul3A_404 = vector.broadcast %squeeze3A_124 : f32 to vector<16xf32>
      %mul3A_405 = arith.mulf %mul3A_403, %mul3A_404 : vector<16xf32>
      %add3A_406 = arith.addf %add3A_398, %mul3A_405 : vector<16xf32>
      %broadcast_in_dim3A_407 = arith.constant 17 : i32
      %broadcast_in_dim3A_408 = vector.broadcast %broadcast_in_dim3A_407 : i32 to vector<16xi32>
      %gather3A_409 = tpu.vector_load_idx %arg11[%add3A_269, %broadcast_in_dim3A_408] : memref<512x32xf32, #tpu.memory_space<vmem>>[vector<16xi32>, vector<16xi32>], vector<16xf32>,
      %gather3A_410 = tpu.vector_load_idx %arg12[%add3A_269, %broadcast_in_dim3A_408] : memref<512x32xf32, #tpu.memory_space<vmem>>[vector<16xi32>, vector<16xi32>], vector<16xf32>,
      %mul3A_411 = arith.mulf %gather3A_409, %gather3A_410 : vector<16xf32>
      %mul3A_412 = vector.broadcast %squeeze3A_126 : f32 to vector<16xf32>
      %mul3A_413 = arith.mulf %mul3A_411, %mul3A_412 : vector<16xf32>
      %add3A_414 = arith.addf %add3A_406, %mul3A_413 : vector<16xf32>
      %broadcast_in_dim3A_415 = arith.constant 18 : i32
      %broadcast_in_dim3A_416 = vector.broadcast %broadcast_in_dim3A_415 : i32 to vector<16xi32>
      %gather3A_417 = tpu.vector_load_idx %arg11[%add3A_269, %broadcast_in_dim3A_416] : memref<512x32xf32, #tpu.memory_space<vmem>>[vector<16xi32>, vector<16xi32>], vector<16xf32>,
      %gather3A_418 = tpu.vector_load_idx %arg12[%add3A_269, %broadcast_in_dim3A_416] : memref<512x32xf32, #tpu.memory_space<vmem>>[vector<16xi32>, vector<16xi32>], vector<16xf32>,
      %mul3A_419 = arith.mulf %gather3A_417, %gather3A_418 : vector<16xf32>
      %mul3A_420 = vector.broadcast %squeeze3A_128 : f32 to vector<16xf32>
      %mul3A_421 = arith.mulf %mul3A_419, %mul3A_420 : vector<16xf32>
      %add3A_422 = arith.addf %add3A_414, %mul3A_421 : vector<16xf32>
      %broadcast_in_dim3A_423 = arith.constant 19 : i32
      %broadcast_in_dim3A_424 = vector.broadcast %broadcast_in_dim3A_423 : i32 to vector<16xi32>
      %gather3A_425 = tpu.vector_load_idx %arg11[%add3A_269, %broadcast_in_dim3A_424] : memref<512x32xf32, #tpu.memory_space<vmem>>[vector<16xi32>, vector<16xi32>], vector<16xf32>,
      %gather3A_426 = tpu.vector_load_idx %arg12[%add3A_269, %broadcast_in_dim3A_424] : memref<512x32xf32, #tpu.memory_space<vmem>>[vector<16xi32>, vector<16xi32>], vector<16xf32>,
      %mul3A_427 = arith.mulf %gather3A_425, %gather3A_426 : vector<16xf32>
      %mul3A_428 = vector.broadcast %squeeze3A_130 : f32 to vector<16xf32>
      %mul3A_429 = arith.mulf %mul3A_427, %mul3A_428 : vector<16xf32>
      %add3A_430 = arith.addf %add3A_422, %mul3A_429 : vector<16xf32>
      %broadcast_in_dim3A_431 = arith.constant 20 : i32
      %broadcast_in_dim3A_432 = vector.broadcast %broadcast_in_dim3A_431 : i32 to vector<16xi32>
      %gather3A_433 = tpu.vector_load_idx %arg11[%add3A_269, %broadcast_in_dim3A_432] : memref<512x32xf32, #tpu.memory_space<vmem>>[vector<16xi32>, vector<16xi32>], vector<16xf32>,
      %gather3A_434 = tpu.vector_load_idx %arg12[%add3A_269, %broadcast_in_dim3A_432] : memref<512x32xf32, #tpu.memory_space<vmem>>[vector<16xi32>, vector<16xi32>], vector<16xf32>,
      %mul3A_435 = arith.mulf %gather3A_433, %gather3A_434 : vector<16xf32>
      %mul3A_436 = vector.broadcast %squeeze3A_132 : f32 to vector<16xf32>
      %mul3A_437 = arith.mulf %mul3A_435, %mul3A_436 : vector<16xf32>
      %add3A_438 = arith.addf %add3A_430, %mul3A_437 : vector<16xf32>
      %broadcast_in_dim3A_439 = arith.constant 21 : i32
      %broadcast_in_dim3A_440 = vector.broadcast %broadcast_in_dim3A_439 : i32 to vector<16xi32>
      %gather3A_441 = tpu.vector_load_idx %arg11[%add3A_269, %broadcast_in_dim3A_440] : memref<512x32xf32, #tpu.memory_space<vmem>>[vector<16xi32>, vector<16xi32>], vector<16xf32>,
      %gather3A_442 = tpu.vector_load_idx %arg12[%add3A_269, %broadcast_in_dim3A_440] : memref<512x32xf32, #tpu.memory_space<vmem>>[vector<16xi32>, vector<16xi32>], vector<16xf32>,
      %mul3A_443 = arith.mulf %gather3A_441, %gather3A_442 : vector<16xf32>
      %mul3A_444 = vector.broadcast %squeeze3A_134 : f32 to vector<16xf32>
      %mul3A_445 = arith.mulf %mul3A_443, %mul3A_444 : vector<16xf32>
      %add3A_446 = arith.addf %add3A_438, %mul3A_445 : vector<16xf32>
      %broadcast_in_dim3A_447 = arith.constant 22 : i32
      %broadcast_in_dim3A_448 = vector.broadcast %broadcast_in_dim3A_447 : i32 to vector<16xi32>
      %gather3A_449 = tpu.vector_load_idx %arg11[%add3A_269, %broadcast_in_dim3A_448] : memref<512x32xf32, #tpu.memory_space<vmem>>[vector<16xi32>, vector<16xi32>], vector<16xf32>,
      %gather3A_450 = tpu.vector_load_idx %arg12[%add3A_269, %broadcast_in_dim3A_448] : memref<512x32xf32, #tpu.memory_space<vmem>>[vector<16xi32>, vector<16xi32>], vector<16xf32>,
      %mul3A_451 = arith.mulf %gather3A_449, %gather3A_450 : vector<16xf32>
      %mul3A_452 = vector.broadcast %squeeze3A_136 : f32 to vector<16xf32>
      %mul3A_453 = arith.mulf %mul3A_451, %mul3A_452 : vector<16xf32>
      %add3A_454 = arith.addf %add3A_446, %mul3A_453 : vector<16xf32>
      %broadcast_in_dim3A_455 = arith.constant 23 : i32
      %broadcast_in_dim3A_456 = vector.broadcast %broadcast_in_dim3A_455 : i32 to vector<16xi32>
      %gather3A_457 = tpu.vector_load_idx %arg11[%add3A_269, %broadcast_in_dim3A_456] : memref<512x32xf32, #tpu.memory_space<vmem>>[vector<16xi32>, vector<16xi32>], vector<16xf32>,
      %gather3A_458 = tpu.vector_load_idx %arg12[%add3A_269, %broadcast_in_dim3A_456] : memref<512x32xf32, #tpu.memory_space<vmem>>[vector<16xi32>, vector<16xi32>], vector<16xf32>,
      %mul3A_459 = arith.mulf %gather3A_457, %gather3A_458 : vector<16xf32>
      %mul3A_460 = vector.broadcast %squeeze3A_138 : f32 to vector<16xf32>
      %mul3A_461 = arith.mulf %mul3A_459, %mul3A_460 : vector<16xf32>
      %add3A_462 = arith.addf %add3A_454, %mul3A_461 : vector<16xf32>
      %broadcast_in_dim3A_463 = arith.constant 24 : i32
      %broadcast_in_dim3A_464 = vector.broadcast %broadcast_in_dim3A_463 : i32 to vector<16xi32>
      %gather3A_465 = tpu.vector_load_idx %arg11[%add3A_269, %broadcast_in_dim3A_464] : memref<512x32xf32, #tpu.memory_space<vmem>>[vector<16xi32>, vector<16xi32>], vector<16xf32>,
      %gather3A_466 = tpu.vector_load_idx %arg12[%add3A_269, %broadcast_in_dim3A_464] : memref<512x32xf32, #tpu.memory_space<vmem>>[vector<16xi32>, vector<16xi32>], vector<16xf32>,
      %mul3A_467 = arith.mulf %gather3A_465, %gather3A_466 : vector<16xf32>
      %mul3A_468 = vector.broadcast %squeeze3A_140 : f32 to vector<16xf32>
      %mul3A_469 = arith.mulf %mul3A_467, %mul3A_468 : vector<16xf32>
      %add3A_470 = arith.addf %add3A_462, %mul3A_469 : vector<16xf32>
      %broadcast_in_dim3A_471 = arith.constant 25 : i32
      %broadcast_in_dim3A_472 = vector.broadcast %broadcast_in_dim3A_471 : i32 to vector<16xi32>
      %gather3A_473 = tpu.vector_load_idx %arg11[%add3A_269, %broadcast_in_dim3A_472] : memref<512x32xf32, #tpu.memory_space<vmem>>[vector<16xi32>, vector<16xi32>], vector<16xf32>,
      %gather3A_474 = tpu.vector_load_idx %arg12[%add3A_269, %broadcast_in_dim3A_472] : memref<512x32xf32, #tpu.memory_space<vmem>>[vector<16xi32>, vector<16xi32>], vector<16xf32>,
      %mul3A_475 = arith.mulf %gather3A_473, %gather3A_474 : vector<16xf32>
      %mul3A_476 = vector.broadcast %squeeze3A_142 : f32 to vector<16xf32>
      %mul3A_477 = arith.mulf %mul3A_475, %mul3A_476 : vector<16xf32>
      %add3A_478 = arith.addf %add3A_470, %mul3A_477 : vector<16xf32>
      %broadcast_in_dim3A_479 = arith.constant 26 : i32
      %broadcast_in_dim3A_480 = vector.broadcast %broadcast_in_dim3A_479 : i32 to vector<16xi32>
      %gather3A_481 = tpu.vector_load_idx %arg11[%add3A_269, %broadcast_in_dim3A_480] : memref<512x32xf32, #tpu.memory_space<vmem>>[vector<16xi32>, vector<16xi32>], vector<16xf32>,
      %gather3A_482 = tpu.vector_load_idx %arg12[%add3A_269, %broadcast_in_dim3A_480] : memref<512x32xf32, #tpu.memory_space<vmem>>[vector<16xi32>, vector<16xi32>], vector<16xf32>,
      %mul3A_483 = arith.mulf %gather3A_481, %gather3A_482 : vector<16xf32>
      %mul3A_484 = vector.broadcast %squeeze3A_144 : f32 to vector<16xf32>
      %mul3A_485 = arith.mulf %mul3A_483, %mul3A_484 : vector<16xf32>
      %add3A_486 = arith.addf %add3A_478, %mul3A_485 : vector<16xf32>
      %broadcast_in_dim3A_487 = arith.constant 27 : i32
      %broadcast_in_dim3A_488 = vector.broadcast %broadcast_in_dim3A_487 : i32 to vector<16xi32>
      %gather3A_489 = tpu.vector_load_idx %arg11[%add3A_269, %broadcast_in_dim3A_488] : memref<512x32xf32, #tpu.memory_space<vmem>>[vector<16xi32>, vector<16xi32>], vector<16xf32>,
      %gather3A_490 = tpu.vector_load_idx %arg12[%add3A_269, %broadcast_in_dim3A_488] : memref<512x32xf32, #tpu.memory_space<vmem>>[vector<16xi32>, vector<16xi32>], vector<16xf32>,
      %mul3A_491 = arith.mulf %gather3A_489, %gather3A_490 : vector<16xf32>
      %mul3A_492 = vector.broadcast %squeeze3A_146 : f32 to vector<16xf32>
      %mul3A_493 = arith.mulf %mul3A_491, %mul3A_492 : vector<16xf32>
      %add3A_494 = arith.addf %add3A_486, %mul3A_493 : vector<16xf32>
      %broadcast_in_dim3A_495 = arith.constant 28 : i32
      %broadcast_in_dim3A_496 = vector.broadcast %broadcast_in_dim3A_495 : i32 to vector<16xi32>
      %gather3A_497 = tpu.vector_load_idx %arg11[%add3A_269, %broadcast_in_dim3A_496] : memref<512x32xf32, #tpu.memory_space<vmem>>[vector<16xi32>, vector<16xi32>], vector<16xf32>,
      %gather3A_498 = tpu.vector_load_idx %arg12[%add3A_269, %broadcast_in_dim3A_496] : memref<512x32xf32, #tpu.memory_space<vmem>>[vector<16xi32>, vector<16xi32>], vector<16xf32>,
      %mul3A_499 = arith.mulf %gather3A_497, %gather3A_498 : vector<16xf32>
      %mul3A_500 = vector.broadcast %squeeze3A_148 : f32 to vector<16xf32>
      %mul3A_501 = arith.mulf %mul3A_499, %mul3A_500 : vector<16xf32>
      %add3A_502 = arith.addf %add3A_494, %mul3A_501 : vector<16xf32>
      %broadcast_in_dim3A_503 = arith.constant 29 : i32
      %broadcast_in_dim3A_504 = vector.broadcast %broadcast_in_dim3A_503 : i32 to vector<16xi32>
      %gather3A_505 = tpu.vector_load_idx %arg11[%add3A_269, %broadcast_in_dim3A_504] : memref<512x32xf32, #tpu.memory_space<vmem>>[vector<16xi32>, vector<16xi32>], vector<16xf32>,
      %gather3A_506 = tpu.vector_load_idx %arg12[%add3A_269, %broadcast_in_dim3A_504] : memref<512x32xf32, #tpu.memory_space<vmem>>[vector<16xi32>, vector<16xi32>], vector<16xf32>,
      %mul3A_507 = arith.mulf %gather3A_505, %gather3A_506 : vector<16xf32>
      %mul3A_508 = vector.broadcast %squeeze3A_150 : f32 to vector<16xf32>
      %mul3A_509 = arith.mulf %mul3A_507, %mul3A_508 : vector<16xf32>
      %add3A_510 = arith.addf %add3A_502, %mul3A_509 : vector<16xf32>
      %broadcast_in_dim3A_511 = arith.constant 30 : i32
      %broadcast_in_dim3A_512 = vector.broadcast %broadcast_in_dim3A_511 : i32 to vector<16xi32>
      %gather3A_513 = tpu.vector_load_idx %arg11[%add3A_269, %broadcast_in_dim3A_512] : memref<512x32xf32, #tpu.memory_space<vmem>>[vector<16xi32>, vector<16xi32>], vector<16xf32>,
      %gather3A_514 = tpu.vector_load_idx %arg12[%add3A_269, %broadcast_in_dim3A_512] : memref<512x32xf32, #tpu.memory_space<vmem>>[vector<16xi32>, vector<16xi32>], vector<16xf32>,
      %mul3A_515 = arith.mulf %gather3A_513, %gather3A_514 : vector<16xf32>
      %mul3A_516 = vector.broadcast %squeeze3A_152 : f32 to vector<16xf32>
      %mul3A_517 = arith.mulf %mul3A_515, %mul3A_516 : vector<16xf32>
      %add3A_518 = arith.addf %add3A_510, %mul3A_517 : vector<16xf32>
      %broadcast_in_dim3A_519 = arith.constant 31 : i32
      %broadcast_in_dim3A_520 = vector.broadcast %broadcast_in_dim3A_519 : i32 to vector<16xi32>
      %gather3A_521 = tpu.vector_load_idx %arg11[%add3A_269, %broadcast_in_dim3A_520] : memref<512x32xf32, #tpu.memory_space<vmem>>[vector<16xi32>, vector<16xi32>], vector<16xf32>,
      %gather3A_522 = tpu.vector_load_idx %arg12[%add3A_269, %broadcast_in_dim3A_520] : memref<512x32xf32, #tpu.memory_space<vmem>>[vector<16xi32>, vector<16xi32>], vector<16xf32>,
      %mul3A_523 = arith.mulf %gather3A_521, %gather3A_522 : vector<16xf32>
      %mul3A_524 = vector.broadcast %squeeze3A_154 : f32 to vector<16xf32>
      %mul3A_525 = arith.mulf %mul3A_523, %mul3A_524 : vector<16xf32>
      %add3A_526 = arith.addf %add3A_518, %mul3A_525 : vector<16xf32>
      %add3A_527 = vector.broadcast %squeeze3A : f32 to vector<16xf32>
      %add3A_528 = arith.addf %add3A_526, %add3A_527 : vector<16xf32>
      %mul3A_529 = arith.constant 16 : i32
      %mul3A_530 = arith.muli %scan3A_264, %mul3A_529 : i32
      %get3A_531 = arith.index_cast %mul3A_530 : i32 to index
      %get3A_532 = tpu.vector_load %arg14[%get3A_531] {strides = array<i32>} : memref<512xf32, #tpu.memory_space<vmem>>, vector<16xf32>,
      %abs3A = math.absf %add3A_528 : vector<16xf32>
      %neg3A = arith.constant 0.000000e+00 : f32
      %neg3A_533 = vector.broadcast %neg3A : f32 to vector<16xf32>
      %neg3A_534 = arith.subf %neg3A_533, %abs3A : vector<16xf32>
      %exp3A = math.exp %neg3A_534 : vector<16xf32>
      %broadcast_in_dim3A_535 = arith.constant -0.00231785467 : f32
      %broadcast_in_dim3A_536 = vector.broadcast %broadcast_in_dim3A_535 : f32 to vector<16xf32>
      %mul3A_537 = arith.mulf %broadcast_in_dim3A_536, %exp3A : vector<16xf32>
      %add3A_538 = arith.constant 0.0153418975 : f32
      %add3A_539 = vector.broadcast %add3A_538 : f32 to vector<16xf32>
      %add3A_540 = arith.addf %mul3A_537, %add3A_539 : vector<16xf32>
      %mul3A_541 = arith.mulf %add3A_540, %exp3A : vector<16xf32>
      %add3A_542 = arith.constant -0.0476654842 : f32
      %add3A_543 = vector.broadcast %add3A_542 : f32 to vector<16xf32>
      %add3A_544 = arith.addf %mul3A_541, %add3A_543 : vector<16xf32>
      %mul3A_545 = arith.mulf %add3A_544, %exp3A : vector<16xf32>
      %add3A_546 = arith.constant 0.0954856649 : f32
      %add3A_547 = vector.broadcast %add3A_546 : f32 to vector<16xf32>
      %add3A_548 = arith.addf %mul3A_545, %add3A_547 : vector<16xf32>
      %mul3A_549 = arith.mulf %add3A_548, %exp3A : vector<16xf32>
      %add3A_550 = arith.constant -0.14586474 : f32
      %add3A_551 = vector.broadcast %add3A_550 : f32 to vector<16xf32>
      %add3A_552 = arith.addf %mul3A_549, %add3A_551 : vector<16xf32>
      %mul3A_553 = arith.mulf %add3A_552, %exp3A : vector<16xf32>
      %add3A_554 = arith.constant 0.193751663 : f32
      %add3A_555 = vector.broadcast %add3A_554 : f32 to vector<16xf32>
      %add3A_556 = arith.addf %mul3A_553, %add3A_555 : vector<16xf32>
      %mul3A_557 = arith.mulf %add3A_556, %exp3A : vector<16xf32>
      %add3A_558 = arith.constant -0.248784244 : f32
      %add3A_559 = vector.broadcast %add3A_558 : f32 to vector<16xf32>
      %add3A_560 = arith.addf %mul3A_557, %add3A_559 : vector<16xf32>
      %mul3A_561 = arith.mulf %add3A_560, %exp3A : vector<16xf32>
      %add3A_562 = arith.constant 0.333191901 : f32
      %add3A_563 = vector.broadcast %add3A_562 : f32 to vector<16xf32>
      %add3A_564 = arith.addf %mul3A_561, %add3A_563 : vector<16xf32>
      %mul3A_565 = arith.mulf %add3A_564, %exp3A : vector<16xf32>
      %add3A_566 = arith.constant -0.499991417 : f32
      %add3A_567 = vector.broadcast %add3A_566 : f32 to vector<16xf32>
      %add3A_568 = arith.addf %mul3A_565, %add3A_567 : vector<16xf32>
      %mul3A_569 = arith.mulf %add3A_568, %exp3A : vector<16xf32>
      %add3A_570 = arith.constant 0.999999821 : f32
      %add3A_571 = vector.broadcast %add3A_570 : f32 to vector<16xf32>
      %add3A_572 = arith.addf %mul3A_569, %add3A_571 : vector<16xf32>
      %mul3A_573 = arith.mulf %add3A_572, %exp3A : vector<16xf32>
      %add3A_574 = arith.constant 8.18445977E-10 : f32
      %add3A_575 = vector.broadcast %add3A_574 : f32 to vector<16xf32>
      %add3A_576 = arith.addf %mul3A_573, %add3A_575 : vector<16xf32>
      %max3A = arith.constant 0.000000e+00 : f32
      %max3A_577 = vector.broadcast %max3A : f32 to vector<16xf32>
      %max3A_578 = arith.maximumf %add3A_528, %max3A_577 : vector<16xf32>
      %mul3A_579 = arith.mulf %add3A_528, %get3A_532 : vector<16xf32>
      %sub3A = arith.subf %max3A_578, %mul3A_579 : vector<16xf32>
      %add3A_580 = arith.addf %sub3A, %add3A_576 : vector<16xf32>
      %add3A_581 = arith.addf %scan3A_265, %add3A_580 : vector<16xf32>
      scf.yield %add3A_581 : vector<16xf32>
    }
    %scan3A_205 = arith.constant 8 : i32
    %dma_wait3A_206 = arith.constant 2 : i32
    %dma_wait3A_207 = arith.constant 256 : i32
    %dma_wait3A_208 = arith.constant 0 : i32
    %dma_wait3A_209 = tpu.memref_slice %arg11[%dma_wait3A_207, %dma_wait3A_208] : memref<512x32xf32, #tpu.memory_space<vmem>> -> memref<128x32xf32, #tpu.memory_space<vmem>>
    %dma_wait3A_210 = arith.constant 0 : i32
    %dma_wait3A_211 = tpu.memref_slice %arg9[%dma_wait3A_206, %dma_wait3A_210] : memref<4x128xi32, #tpu.memory_space<vmem>> -> memref<1x128xi32, #tpu.memory_space<vmem>>
    %dma_wait3A_212 = tpu.memref_squeeze %dma_wait3A_211 : memref<1x128xi32, #tpu.memory_space<vmem>> -> memref<128xi32, #tpu.memory_space<vmem>>
    %dma_wait3A_213 = arith.constant 0 : i32
    %dma_wait3A_214 = arith.constant 0 : i32
    %dma_wait3A_215 = tpu.memref_slice %arg5[%dma_wait3A_213, %dma_wait3A_214] : memref<1000000x32xf32, #tpu.memory_space<hbm>> -> memref<1000000x32xf32, #tpu.memory_space<hbm>>
    tpu.wait_indirect_dma semaphore(%arg18 : memref<!tpu.dma_semaphore, #tpu.memory_space<semaphore_mem>>) src(%dma_wait3A_215 : memref<1000000x32xf32, #tpu.memory_space<hbm>>) dst(%dma_wait3A_209 : memref<128x32xf32, #tpu.memory_space<vmem>>)
    %dma_wait3A_216 = arith.constant 2 : i32
    %dma_wait3A_217 = arith.constant 256 : i32
    %dma_wait3A_218 = arith.constant 0 : i32
    %dma_wait3A_219 = tpu.memref_slice %arg12[%dma_wait3A_217, %dma_wait3A_218] : memref<512x32xf32, #tpu.memory_space<vmem>> -> memref<128x32xf32, #tpu.memory_space<vmem>>
    %dma_wait3A_220 = arith.constant 0 : i32
    %dma_wait3A_221 = tpu.memref_slice %arg10[%dma_wait3A_216, %dma_wait3A_220] : memref<4x128xi32, #tpu.memory_space<vmem>> -> memref<1x128xi32, #tpu.memory_space<vmem>>
    %dma_wait3A_222 = tpu.memref_squeeze %dma_wait3A_221 : memref<1x128xi32, #tpu.memory_space<vmem>> -> memref<128xi32, #tpu.memory_space<vmem>>
    %dma_wait3A_223 = arith.constant 0 : i32
    %dma_wait3A_224 = arith.constant 0 : i32
    %dma_wait3A_225 = tpu.memref_slice %arg6[%dma_wait3A_223, %dma_wait3A_224] : memref<1000000x32xf32, #tpu.memory_space<hbm>> -> memref<1000000x32xf32, #tpu.memory_space<hbm>>
    tpu.wait_indirect_dma semaphore(%arg18 : memref<!tpu.dma_semaphore, #tpu.memory_space<semaphore_mem>>) src(%dma_wait3A_225 : memref<1000000x32xf32, #tpu.memory_space<hbm>>) dst(%dma_wait3A_219 : memref<128x32xf32, #tpu.memory_space<vmem>>)
    %scan3A_226 = arith.constant 16 : i32
    %scan3A_227 = arith.constant 8 : i32
    %scan3A_228 = arith.addi %scan3A_226, %scan3A_227 : i32
    %scan3A_229 = arith.constant 1 : i32
    %scan3A_230 = scf.for %scan3A_264 = %scan3A_226 to %scan3A_228 step %scan3A_229 iter_args(%scan3A_265 = %scan3A_204) -> (vector<16xf32>)  : i32 {
      %mul3A_266 = arith.constant 16 : i32
      %mul3A_267 = arith.muli %scan3A_264, %mul3A_266 : i32
      %add3A_268 = vector.broadcast %mul3A_267 : i32 to vector<16xi32>
      %add3A_269 = arith.addi %add3A_268, %iota3A : vector<16xi32>
      %broadcast_in_dim3A_270 = arith.constant 0.000000e+00 : f32
      %broadcast_in_dim3A_271 = vector.broadcast %broadcast_in_dim3A_270 : f32 to vector<16xf32>
      %broadcast_in_dim3A_272 = arith.constant 0 : i32
      %broadcast_in_dim3A_273 = vector.broadcast %broadcast_in_dim3A_272 : i32 to vector<16xi32>
      %gather3A = tpu.vector_load_idx %arg11[%add3A_269, %broadcast_in_dim3A_273] : memref<512x32xf32, #tpu.memory_space<vmem>>[vector<16xi32>, vector<16xi32>], vector<16xf32>,
      %gather3A_274 = tpu.vector_load_idx %arg12[%add3A_269, %broadcast_in_dim3A_273] : memref<512x32xf32, #tpu.memory_space<vmem>>[vector<16xi32>, vector<16xi32>], vector<16xf32>,
      %mul3A_275 = arith.mulf %gather3A, %gather3A_274 : vector<16xf32>
      %mul3A_276 = vector.broadcast %squeeze3A_92 : f32 to vector<16xf32>
      %mul3A_277 = arith.mulf %mul3A_275, %mul3A_276 : vector<16xf32>
      %add3A_278 = arith.addf %broadcast_in_dim3A_271, %mul3A_277 : vector<16xf32>
      %broadcast_in_dim3A_279 = arith.constant 1 : i32
      %broadcast_in_dim3A_280 = vector.broadcast %broadcast_in_dim3A_279 : i32 to vector<16xi32>
      %gather3A_281 = tpu.vector_load_idx %arg11[%add3A_269, %broadcast_in_dim3A_280] : memref<512x32xf32, #tpu.memory_space<vmem>>[vector<16xi32>, vector<16xi32>], vector<16xf32>,
      %gather3A_282 = tpu.vector_load_idx %arg12[%add3A_269, %broadcast_in_dim3A_280] : memref<512x32xf32, #tpu.memory_space<vmem>>[vector<16xi32>, vector<16xi32>], vector<16xf32>,
      %mul3A_283 = arith.mulf %gather3A_281, %gather3A_282 : vector<16xf32>
      %mul3A_284 = vector.broadcast %squeeze3A_94 : f32 to vector<16xf32>
      %mul3A_285 = arith.mulf %mul3A_283, %mul3A_284 : vector<16xf32>
      %add3A_286 = arith.addf %add3A_278, %mul3A_285 : vector<16xf32>
      %broadcast_in_dim3A_287 = arith.constant 2 : i32
      %broadcast_in_dim3A_288 = vector.broadcast %broadcast_in_dim3A_287 : i32 to vector<16xi32>
      %gather3A_289 = tpu.vector_load_idx %arg11[%add3A_269, %broadcast_in_dim3A_288] : memref<512x32xf32, #tpu.memory_space<vmem>>[vector<16xi32>, vector<16xi32>], vector<16xf32>,
      %gather3A_290 = tpu.vector_load_idx %arg12[%add3A_269, %broadcast_in_dim3A_288] : memref<512x32xf32, #tpu.memory_space<vmem>>[vector<16xi32>, vector<16xi32>], vector<16xf32>,
      %mul3A_291 = arith.mulf %gather3A_289, %gather3A_290 : vector<16xf32>
      %mul3A_292 = vector.broadcast %squeeze3A_96 : f32 to vector<16xf32>
      %mul3A_293 = arith.mulf %mul3A_291, %mul3A_292 : vector<16xf32>
      %add3A_294 = arith.addf %add3A_286, %mul3A_293 : vector<16xf32>
      %broadcast_in_dim3A_295 = arith.constant 3 : i32
      %broadcast_in_dim3A_296 = vector.broadcast %broadcast_in_dim3A_295 : i32 to vector<16xi32>
      %gather3A_297 = tpu.vector_load_idx %arg11[%add3A_269, %broadcast_in_dim3A_296] : memref<512x32xf32, #tpu.memory_space<vmem>>[vector<16xi32>, vector<16xi32>], vector<16xf32>,
      %gather3A_298 = tpu.vector_load_idx %arg12[%add3A_269, %broadcast_in_dim3A_296] : memref<512x32xf32, #tpu.memory_space<vmem>>[vector<16xi32>, vector<16xi32>], vector<16xf32>,
      %mul3A_299 = arith.mulf %gather3A_297, %gather3A_298 : vector<16xf32>
      %mul3A_300 = vector.broadcast %squeeze3A_98 : f32 to vector<16xf32>
      %mul3A_301 = arith.mulf %mul3A_299, %mul3A_300 : vector<16xf32>
      %add3A_302 = arith.addf %add3A_294, %mul3A_301 : vector<16xf32>
      %broadcast_in_dim3A_303 = arith.constant 4 : i32
      %broadcast_in_dim3A_304 = vector.broadcast %broadcast_in_dim3A_303 : i32 to vector<16xi32>
      %gather3A_305 = tpu.vector_load_idx %arg11[%add3A_269, %broadcast_in_dim3A_304] : memref<512x32xf32, #tpu.memory_space<vmem>>[vector<16xi32>, vector<16xi32>], vector<16xf32>,
      %gather3A_306 = tpu.vector_load_idx %arg12[%add3A_269, %broadcast_in_dim3A_304] : memref<512x32xf32, #tpu.memory_space<vmem>>[vector<16xi32>, vector<16xi32>], vector<16xf32>,
      %mul3A_307 = arith.mulf %gather3A_305, %gather3A_306 : vector<16xf32>
      %mul3A_308 = vector.broadcast %squeeze3A_100 : f32 to vector<16xf32>
      %mul3A_309 = arith.mulf %mul3A_307, %mul3A_308 : vector<16xf32>
      %add3A_310 = arith.addf %add3A_302, %mul3A_309 : vector<16xf32>
      %broadcast_in_dim3A_311 = arith.constant 5 : i32
      %broadcast_in_dim3A_312 = vector.broadcast %broadcast_in_dim3A_311 : i32 to vector<16xi32>
      %gather3A_313 = tpu.vector_load_idx %arg11[%add3A_269, %broadcast_in_dim3A_312] : memref<512x32xf32, #tpu.memory_space<vmem>>[vector<16xi32>, vector<16xi32>], vector<16xf32>,
      %gather3A_314 = tpu.vector_load_idx %arg12[%add3A_269, %broadcast_in_dim3A_312] : memref<512x32xf32, #tpu.memory_space<vmem>>[vector<16xi32>, vector<16xi32>], vector<16xf32>,
      %mul3A_315 = arith.mulf %gather3A_313, %gather3A_314 : vector<16xf32>
      %mul3A_316 = vector.broadcast %squeeze3A_102 : f32 to vector<16xf32>
      %mul3A_317 = arith.mulf %mul3A_315, %mul3A_316 : vector<16xf32>
      %add3A_318 = arith.addf %add3A_310, %mul3A_317 : vector<16xf32>
      %broadcast_in_dim3A_319 = arith.constant 6 : i32
      %broadcast_in_dim3A_320 = vector.broadcast %broadcast_in_dim3A_319 : i32 to vector<16xi32>
      %gather3A_321 = tpu.vector_load_idx %arg11[%add3A_269, %broadcast_in_dim3A_320] : memref<512x32xf32, #tpu.memory_space<vmem>>[vector<16xi32>, vector<16xi32>], vector<16xf32>,
      %gather3A_322 = tpu.vector_load_idx %arg12[%add3A_269, %broadcast_in_dim3A_320] : memref<512x32xf32, #tpu.memory_space<vmem>>[vector<16xi32>, vector<16xi32>], vector<16xf32>,
      %mul3A_323 = arith.mulf %gather3A_321, %gather3A_322 : vector<16xf32>
      %mul3A_324 = vector.broadcast %squeeze3A_104 : f32 to vector<16xf32>
      %mul3A_325 = arith.mulf %mul3A_323, %mul3A_324 : vector<16xf32>
      %add3A_326 = arith.addf %add3A_318, %mul3A_325 : vector<16xf32>
      %broadcast_in_dim3A_327 = arith.constant 7 : i32
      %broadcast_in_dim3A_328 = vector.broadcast %broadcast_in_dim3A_327 : i32 to vector<16xi32>
      %gather3A_329 = tpu.vector_load_idx %arg11[%add3A_269, %broadcast_in_dim3A_328] : memref<512x32xf32, #tpu.memory_space<vmem>>[vector<16xi32>, vector<16xi32>], vector<16xf32>,
      %gather3A_330 = tpu.vector_load_idx %arg12[%add3A_269, %broadcast_in_dim3A_328] : memref<512x32xf32, #tpu.memory_space<vmem>>[vector<16xi32>, vector<16xi32>], vector<16xf32>,
      %mul3A_331 = arith.mulf %gather3A_329, %gather3A_330 : vector<16xf32>
      %mul3A_332 = vector.broadcast %squeeze3A_106 : f32 to vector<16xf32>
      %mul3A_333 = arith.mulf %mul3A_331, %mul3A_332 : vector<16xf32>
      %add3A_334 = arith.addf %add3A_326, %mul3A_333 : vector<16xf32>
      %broadcast_in_dim3A_335 = arith.constant 8 : i32
      %broadcast_in_dim3A_336 = vector.broadcast %broadcast_in_dim3A_335 : i32 to vector<16xi32>
      %gather3A_337 = tpu.vector_load_idx %arg11[%add3A_269, %broadcast_in_dim3A_336] : memref<512x32xf32, #tpu.memory_space<vmem>>[vector<16xi32>, vector<16xi32>], vector<16xf32>,
      %gather3A_338 = tpu.vector_load_idx %arg12[%add3A_269, %broadcast_in_dim3A_336] : memref<512x32xf32, #tpu.memory_space<vmem>>[vector<16xi32>, vector<16xi32>], vector<16xf32>,
      %mul3A_339 = arith.mulf %gather3A_337, %gather3A_338 : vector<16xf32>
      %mul3A_340 = vector.broadcast %squeeze3A_108 : f32 to vector<16xf32>
      %mul3A_341 = arith.mulf %mul3A_339, %mul3A_340 : vector<16xf32>
      %add3A_342 = arith.addf %add3A_334, %mul3A_341 : vector<16xf32>
      %broadcast_in_dim3A_343 = arith.constant 9 : i32
      %broadcast_in_dim3A_344 = vector.broadcast %broadcast_in_dim3A_343 : i32 to vector<16xi32>
      %gather3A_345 = tpu.vector_load_idx %arg11[%add3A_269, %broadcast_in_dim3A_344] : memref<512x32xf32, #tpu.memory_space<vmem>>[vector<16xi32>, vector<16xi32>], vector<16xf32>,
      %gather3A_346 = tpu.vector_load_idx %arg12[%add3A_269, %broadcast_in_dim3A_344] : memref<512x32xf32, #tpu.memory_space<vmem>>[vector<16xi32>, vector<16xi32>], vector<16xf32>,
      %mul3A_347 = arith.mulf %gather3A_345, %gather3A_346 : vector<16xf32>
      %mul3A_348 = vector.broadcast %squeeze3A_110 : f32 to vector<16xf32>
      %mul3A_349 = arith.mulf %mul3A_347, %mul3A_348 : vector<16xf32>
      %add3A_350 = arith.addf %add3A_342, %mul3A_349 : vector<16xf32>
      %broadcast_in_dim3A_351 = arith.constant 10 : i32
      %broadcast_in_dim3A_352 = vector.broadcast %broadcast_in_dim3A_351 : i32 to vector<16xi32>
      %gather3A_353 = tpu.vector_load_idx %arg11[%add3A_269, %broadcast_in_dim3A_352] : memref<512x32xf32, #tpu.memory_space<vmem>>[vector<16xi32>, vector<16xi32>], vector<16xf32>,
      %gather3A_354 = tpu.vector_load_idx %arg12[%add3A_269, %broadcast_in_dim3A_352] : memref<512x32xf32, #tpu.memory_space<vmem>>[vector<16xi32>, vector<16xi32>], vector<16xf32>,
      %mul3A_355 = arith.mulf %gather3A_353, %gather3A_354 : vector<16xf32>
      %mul3A_356 = vector.broadcast %squeeze3A_112 : f32 to vector<16xf32>
      %mul3A_357 = arith.mulf %mul3A_355, %mul3A_356 : vector<16xf32>
      %add3A_358 = arith.addf %add3A_350, %mul3A_357 : vector<16xf32>
      %broadcast_in_dim3A_359 = arith.constant 11 : i32
      %broadcast_in_dim3A_360 = vector.broadcast %broadcast_in_dim3A_359 : i32 to vector<16xi32>
      %gather3A_361 = tpu.vector_load_idx %arg11[%add3A_269, %broadcast_in_dim3A_360] : memref<512x32xf32, #tpu.memory_space<vmem>>[vector<16xi32>, vector<16xi32>], vector<16xf32>,
      %gather3A_362 = tpu.vector_load_idx %arg12[%add3A_269, %broadcast_in_dim3A_360] : memref<512x32xf32, #tpu.memory_space<vmem>>[vector<16xi32>, vector<16xi32>], vector<16xf32>,
      %mul3A_363 = arith.mulf %gather3A_361, %gather3A_362 : vector<16xf32>
      %mul3A_364 = vector.broadcast %squeeze3A_114 : f32 to vector<16xf32>
      %mul3A_365 = arith.mulf %mul3A_363, %mul3A_364 : vector<16xf32>
      %add3A_366 = arith.addf %add3A_358, %mul3A_365 : vector<16xf32>
      %broadcast_in_dim3A_367 = arith.constant 12 : i32
      %broadcast_in_dim3A_368 = vector.broadcast %broadcast_in_dim3A_367 : i32 to vector<16xi32>
      %gather3A_369 = tpu.vector_load_idx %arg11[%add3A_269, %broadcast_in_dim3A_368] : memref<512x32xf32, #tpu.memory_space<vmem>>[vector<16xi32>, vector<16xi32>], vector<16xf32>,
      %gather3A_370 = tpu.vector_load_idx %arg12[%add3A_269, %broadcast_in_dim3A_368] : memref<512x32xf32, #tpu.memory_space<vmem>>[vector<16xi32>, vector<16xi32>], vector<16xf32>,
      %mul3A_371 = arith.mulf %gather3A_369, %gather3A_370 : vector<16xf32>
      %mul3A_372 = vector.broadcast %squeeze3A_116 : f32 to vector<16xf32>
      %mul3A_373 = arith.mulf %mul3A_371, %mul3A_372 : vector<16xf32>
      %add3A_374 = arith.addf %add3A_366, %mul3A_373 : vector<16xf32>
      %broadcast_in_dim3A_375 = arith.constant 13 : i32
      %broadcast_in_dim3A_376 = vector.broadcast %broadcast_in_dim3A_375 : i32 to vector<16xi32>
      %gather3A_377 = tpu.vector_load_idx %arg11[%add3A_269, %broadcast_in_dim3A_376] : memref<512x32xf32, #tpu.memory_space<vmem>>[vector<16xi32>, vector<16xi32>], vector<16xf32>,
      %gather3A_378 = tpu.vector_load_idx %arg12[%add3A_269, %broadcast_in_dim3A_376] : memref<512x32xf32, #tpu.memory_space<vmem>>[vector<16xi32>, vector<16xi32>], vector<16xf32>,
      %mul3A_379 = arith.mulf %gather3A_377, %gather3A_378 : vector<16xf32>
      %mul3A_380 = vector.broadcast %squeeze3A_118 : f32 to vector<16xf32>
      %mul3A_381 = arith.mulf %mul3A_379, %mul3A_380 : vector<16xf32>
      %add3A_382 = arith.addf %add3A_374, %mul3A_381 : vector<16xf32>
      %broadcast_in_dim3A_383 = arith.constant 14 : i32
      %broadcast_in_dim3A_384 = vector.broadcast %broadcast_in_dim3A_383 : i32 to vector<16xi32>
      %gather3A_385 = tpu.vector_load_idx %arg11[%add3A_269, %broadcast_in_dim3A_384] : memref<512x32xf32, #tpu.memory_space<vmem>>[vector<16xi32>, vector<16xi32>], vector<16xf32>,
      %gather3A_386 = tpu.vector_load_idx %arg12[%add3A_269, %broadcast_in_dim3A_384] : memref<512x32xf32, #tpu.memory_space<vmem>>[vector<16xi32>, vector<16xi32>], vector<16xf32>,
      %mul3A_387 = arith.mulf %gather3A_385, %gather3A_386 : vector<16xf32>
      %mul3A_388 = vector.broadcast %squeeze3A_120 : f32 to vector<16xf32>
      %mul3A_389 = arith.mulf %mul3A_387, %mul3A_388 : vector<16xf32>
      %add3A_390 = arith.addf %add3A_382, %mul3A_389 : vector<16xf32>
      %broadcast_in_dim3A_391 = arith.constant 15 : i32
      %broadcast_in_dim3A_392 = vector.broadcast %broadcast_in_dim3A_391 : i32 to vector<16xi32>
      %gather3A_393 = tpu.vector_load_idx %arg11[%add3A_269, %broadcast_in_dim3A_392] : memref<512x32xf32, #tpu.memory_space<vmem>>[vector<16xi32>, vector<16xi32>], vector<16xf32>,
      %gather3A_394 = tpu.vector_load_idx %arg12[%add3A_269, %broadcast_in_dim3A_392] : memref<512x32xf32, #tpu.memory_space<vmem>>[vector<16xi32>, vector<16xi32>], vector<16xf32>,
      %mul3A_395 = arith.mulf %gather3A_393, %gather3A_394 : vector<16xf32>
      %mul3A_396 = vector.broadcast %squeeze3A_122 : f32 to vector<16xf32>
      %mul3A_397 = arith.mulf %mul3A_395, %mul3A_396 : vector<16xf32>
      %add3A_398 = arith.addf %add3A_390, %mul3A_397 : vector<16xf32>
      %broadcast_in_dim3A_399 = arith.constant 16 : i32
      %broadcast_in_dim3A_400 = vector.broadcast %broadcast_in_dim3A_399 : i32 to vector<16xi32>
      %gather3A_401 = tpu.vector_load_idx %arg11[%add3A_269, %broadcast_in_dim3A_400] : memref<512x32xf32, #tpu.memory_space<vmem>>[vector<16xi32>, vector<16xi32>], vector<16xf32>,
      %gather3A_402 = tpu.vector_load_idx %arg12[%add3A_269, %broadcast_in_dim3A_400] : memref<512x32xf32, #tpu.memory_space<vmem>>[vector<16xi32>, vector<16xi32>], vector<16xf32>,
      %mul3A_403 = arith.mulf %gather3A_401, %gather3A_402 : vector<16xf32>
      %mul3A_404 = vector.broadcast %squeeze3A_124 : f32 to vector<16xf32>
      %mul3A_405 = arith.mulf %mul3A_403, %mul3A_404 : vector<16xf32>
      %add3A_406 = arith.addf %add3A_398, %mul3A_405 : vector<16xf32>
      %broadcast_in_dim3A_407 = arith.constant 17 : i32
      %broadcast_in_dim3A_408 = vector.broadcast %broadcast_in_dim3A_407 : i32 to vector<16xi32>
      %gather3A_409 = tpu.vector_load_idx %arg11[%add3A_269, %broadcast_in_dim3A_408] : memref<512x32xf32, #tpu.memory_space<vmem>>[vector<16xi32>, vector<16xi32>], vector<16xf32>,
      %gather3A_410 = tpu.vector_load_idx %arg12[%add3A_269, %broadcast_in_dim3A_408] : memref<512x32xf32, #tpu.memory_space<vmem>>[vector<16xi32>, vector<16xi32>], vector<16xf32>,
      %mul3A_411 = arith.mulf %gather3A_409, %gather3A_410 : vector<16xf32>
      %mul3A_412 = vector.broadcast %squeeze3A_126 : f32 to vector<16xf32>
      %mul3A_413 = arith.mulf %mul3A_411, %mul3A_412 : vector<16xf32>
      %add3A_414 = arith.addf %add3A_406, %mul3A_413 : vector<16xf32>
      %broadcast_in_dim3A_415 = arith.constant 18 : i32
      %broadcast_in_dim3A_416 = vector.broadcast %broadcast_in_dim3A_415 : i32 to vector<16xi32>
      %gather3A_417 = tpu.vector_load_idx %arg11[%add3A_269, %broadcast_in_dim3A_416] : memref<512x32xf32, #tpu.memory_space<vmem>>[vector<16xi32>, vector<16xi32>], vector<16xf32>,
      %gather3A_418 = tpu.vector_load_idx %arg12[%add3A_269, %broadcast_in_dim3A_416] : memref<512x32xf32, #tpu.memory_space<vmem>>[vector<16xi32>, vector<16xi32>], vector<16xf32>,
      %mul3A_419 = arith.mulf %gather3A_417, %gather3A_418 : vector<16xf32>
      %mul3A_420 = vector.broadcast %squeeze3A_128 : f32 to vector<16xf32>
      %mul3A_421 = arith.mulf %mul3A_419, %mul3A_420 : vector<16xf32>
      %add3A_422 = arith.addf %add3A_414, %mul3A_421 : vector<16xf32>
      %broadcast_in_dim3A_423 = arith.constant 19 : i32
      %broadcast_in_dim3A_424 = vector.broadcast %broadcast_in_dim3A_423 : i32 to vector<16xi32>
      %gather3A_425 = tpu.vector_load_idx %arg11[%add3A_269, %broadcast_in_dim3A_424] : memref<512x32xf32, #tpu.memory_space<vmem>>[vector<16xi32>, vector<16xi32>], vector<16xf32>,
      %gather3A_426 = tpu.vector_load_idx %arg12[%add3A_269, %broadcast_in_dim3A_424] : memref<512x32xf32, #tpu.memory_space<vmem>>[vector<16xi32>, vector<16xi32>], vector<16xf32>,
      %mul3A_427 = arith.mulf %gather3A_425, %gather3A_426 : vector<16xf32>
      %mul3A_428 = vector.broadcast %squeeze3A_130 : f32 to vector<16xf32>
      %mul3A_429 = arith.mulf %mul3A_427, %mul3A_428 : vector<16xf32>
      %add3A_430 = arith.addf %add3A_422, %mul3A_429 : vector<16xf32>
      %broadcast_in_dim3A_431 = arith.constant 20 : i32
      %broadcast_in_dim3A_432 = vector.broadcast %broadcast_in_dim3A_431 : i32 to vector<16xi32>
      %gather3A_433 = tpu.vector_load_idx %arg11[%add3A_269, %broadcast_in_dim3A_432] : memref<512x32xf32, #tpu.memory_space<vmem>>[vector<16xi32>, vector<16xi32>], vector<16xf32>,
      %gather3A_434 = tpu.vector_load_idx %arg12[%add3A_269, %broadcast_in_dim3A_432] : memref<512x32xf32, #tpu.memory_space<vmem>>[vector<16xi32>, vector<16xi32>], vector<16xf32>,
      %mul3A_435 = arith.mulf %gather3A_433, %gather3A_434 : vector<16xf32>
      %mul3A_436 = vector.broadcast %squeeze3A_132 : f32 to vector<16xf32>
      %mul3A_437 = arith.mulf %mul3A_435, %mul3A_436 : vector<16xf32>
      %add3A_438 = arith.addf %add3A_430, %mul3A_437 : vector<16xf32>
      %broadcast_in_dim3A_439 = arith.constant 21 : i32
      %broadcast_in_dim3A_440 = vector.broadcast %broadcast_in_dim3A_439 : i32 to vector<16xi32>
      %gather3A_441 = tpu.vector_load_idx %arg11[%add3A_269, %broadcast_in_dim3A_440] : memref<512x32xf32, #tpu.memory_space<vmem>>[vector<16xi32>, vector<16xi32>], vector<16xf32>,
      %gather3A_442 = tpu.vector_load_idx %arg12[%add3A_269, %broadcast_in_dim3A_440] : memref<512x32xf32, #tpu.memory_space<vmem>>[vector<16xi32>, vector<16xi32>], vector<16xf32>,
      %mul3A_443 = arith.mulf %gather3A_441, %gather3A_442 : vector<16xf32>
      %mul3A_444 = vector.broadcast %squeeze3A_134 : f32 to vector<16xf32>
      %mul3A_445 = arith.mulf %mul3A_443, %mul3A_444 : vector<16xf32>
      %add3A_446 = arith.addf %add3A_438, %mul3A_445 : vector<16xf32>
      %broadcast_in_dim3A_447 = arith.constant 22 : i32
      %broadcast_in_dim3A_448 = vector.broadcast %broadcast_in_dim3A_447 : i32 to vector<16xi32>
      %gather3A_449 = tpu.vector_load_idx %arg11[%add3A_269, %broadcast_in_dim3A_448] : memref<512x32xf32, #tpu.memory_space<vmem>>[vector<16xi32>, vector<16xi32>], vector<16xf32>,
      %gather3A_450 = tpu.vector_load_idx %arg12[%add3A_269, %broadcast_in_dim3A_448] : memref<512x32xf32, #tpu.memory_space<vmem>>[vector<16xi32>, vector<16xi32>], vector<16xf32>,
      %mul3A_451 = arith.mulf %gather3A_449, %gather3A_450 : vector<16xf32>
      %mul3A_452 = vector.broadcast %squeeze3A_136 : f32 to vector<16xf32>
      %mul3A_453 = arith.mulf %mul3A_451, %mul3A_452 : vector<16xf32>
      %add3A_454 = arith.addf %add3A_446, %mul3A_453 : vector<16xf32>
      %broadcast_in_dim3A_455 = arith.constant 23 : i32
      %broadcast_in_dim3A_456 = vector.broadcast %broadcast_in_dim3A_455 : i32 to vector<16xi32>
      %gather3A_457 = tpu.vector_load_idx %arg11[%add3A_269, %broadcast_in_dim3A_456] : memref<512x32xf32, #tpu.memory_space<vmem>>[vector<16xi32>, vector<16xi32>], vector<16xf32>,
      %gather3A_458 = tpu.vector_load_idx %arg12[%add3A_269, %broadcast_in_dim3A_456] : memref<512x32xf32, #tpu.memory_space<vmem>>[vector<16xi32>, vector<16xi32>], vector<16xf32>,
      %mul3A_459 = arith.mulf %gather3A_457, %gather3A_458 : vector<16xf32>
      %mul3A_460 = vector.broadcast %squeeze3A_138 : f32 to vector<16xf32>
      %mul3A_461 = arith.mulf %mul3A_459, %mul3A_460 : vector<16xf32>
      %add3A_462 = arith.addf %add3A_454, %mul3A_461 : vector<16xf32>
      %broadcast_in_dim3A_463 = arith.constant 24 : i32
      %broadcast_in_dim3A_464 = vector.broadcast %broadcast_in_dim3A_463 : i32 to vector<16xi32>
      %gather3A_465 = tpu.vector_load_idx %arg11[%add3A_269, %broadcast_in_dim3A_464] : memref<512x32xf32, #tpu.memory_space<vmem>>[vector<16xi32>, vector<16xi32>], vector<16xf32>,
      %gather3A_466 = tpu.vector_load_idx %arg12[%add3A_269, %broadcast_in_dim3A_464] : memref<512x32xf32, #tpu.memory_space<vmem>>[vector<16xi32>, vector<16xi32>], vector<16xf32>,
      %mul3A_467 = arith.mulf %gather3A_465, %gather3A_466 : vector<16xf32>
      %mul3A_468 = vector.broadcast %squeeze3A_140 : f32 to vector<16xf32>
      %mul3A_469 = arith.mulf %mul3A_467, %mul3A_468 : vector<16xf32>
      %add3A_470 = arith.addf %add3A_462, %mul3A_469 : vector<16xf32>
      %broadcast_in_dim3A_471 = arith.constant 25 : i32
      %broadcast_in_dim3A_472 = vector.broadcast %broadcast_in_dim3A_471 : i32 to vector<16xi32>
      %gather3A_473 = tpu.vector_load_idx %arg11[%add3A_269, %broadcast_in_dim3A_472] : memref<512x32xf32, #tpu.memory_space<vmem>>[vector<16xi32>, vector<16xi32>], vector<16xf32>,
      %gather3A_474 = tpu.vector_load_idx %arg12[%add3A_269, %broadcast_in_dim3A_472] : memref<512x32xf32, #tpu.memory_space<vmem>>[vector<16xi32>, vector<16xi32>], vector<16xf32>,
      %mul3A_475 = arith.mulf %gather3A_473, %gather3A_474 : vector<16xf32>
      %mul3A_476 = vector.broadcast %squeeze3A_142 : f32 to vector<16xf32>
      %mul3A_477 = arith.mulf %mul3A_475, %mul3A_476 : vector<16xf32>
      %add3A_478 = arith.addf %add3A_470, %mul3A_477 : vector<16xf32>
      %broadcast_in_dim3A_479 = arith.constant 26 : i32
      %broadcast_in_dim3A_480 = vector.broadcast %broadcast_in_dim3A_479 : i32 to vector<16xi32>
      %gather3A_481 = tpu.vector_load_idx %arg11[%add3A_269, %broadcast_in_dim3A_480] : memref<512x32xf32, #tpu.memory_space<vmem>>[vector<16xi32>, vector<16xi32>], vector<16xf32>,
      %gather3A_482 = tpu.vector_load_idx %arg12[%add3A_269, %broadcast_in_dim3A_480] : memref<512x32xf32, #tpu.memory_space<vmem>>[vector<16xi32>, vector<16xi32>], vector<16xf32>,
      %mul3A_483 = arith.mulf %gather3A_481, %gather3A_482 : vector<16xf32>
      %mul3A_484 = vector.broadcast %squeeze3A_144 : f32 to vector<16xf32>
      %mul3A_485 = arith.mulf %mul3A_483, %mul3A_484 : vector<16xf32>
      %add3A_486 = arith.addf %add3A_478, %mul3A_485 : vector<16xf32>
      %broadcast_in_dim3A_487 = arith.constant 27 : i32
      %broadcast_in_dim3A_488 = vector.broadcast %broadcast_in_dim3A_487 : i32 to vector<16xi32>
      %gather3A_489 = tpu.vector_load_idx %arg11[%add3A_269, %broadcast_in_dim3A_488] : memref<512x32xf32, #tpu.memory_space<vmem>>[vector<16xi32>, vector<16xi32>], vector<16xf32>,
      %gather3A_490 = tpu.vector_load_idx %arg12[%add3A_269, %broadcast_in_dim3A_488] : memref<512x32xf32, #tpu.memory_space<vmem>>[vector<16xi32>, vector<16xi32>], vector<16xf32>,
      %mul3A_491 = arith.mulf %gather3A_489, %gather3A_490 : vector<16xf32>
      %mul3A_492 = vector.broadcast %squeeze3A_146 : f32 to vector<16xf32>
      %mul3A_493 = arith.mulf %mul3A_491, %mul3A_492 : vector<16xf32>
      %add3A_494 = arith.addf %add3A_486, %mul3A_493 : vector<16xf32>
      %broadcast_in_dim3A_495 = arith.constant 28 : i32
      %broadcast_in_dim3A_496 = vector.broadcast %broadcast_in_dim3A_495 : i32 to vector<16xi32>
      %gather3A_497 = tpu.vector_load_idx %arg11[%add3A_269, %broadcast_in_dim3A_496] : memref<512x32xf32, #tpu.memory_space<vmem>>[vector<16xi32>, vector<16xi32>], vector<16xf32>,
      %gather3A_498 = tpu.vector_load_idx %arg12[%add3A_269, %broadcast_in_dim3A_496] : memref<512x32xf32, #tpu.memory_space<vmem>>[vector<16xi32>, vector<16xi32>], vector<16xf32>,
      %mul3A_499 = arith.mulf %gather3A_497, %gather3A_498 : vector<16xf32>
      %mul3A_500 = vector.broadcast %squeeze3A_148 : f32 to vector<16xf32>
      %mul3A_501 = arith.mulf %mul3A_499, %mul3A_500 : vector<16xf32>
      %add3A_502 = arith.addf %add3A_494, %mul3A_501 : vector<16xf32>
      %broadcast_in_dim3A_503 = arith.constant 29 : i32
      %broadcast_in_dim3A_504 = vector.broadcast %broadcast_in_dim3A_503 : i32 to vector<16xi32>
      %gather3A_505 = tpu.vector_load_idx %arg11[%add3A_269, %broadcast_in_dim3A_504] : memref<512x32xf32, #tpu.memory_space<vmem>>[vector<16xi32>, vector<16xi32>], vector<16xf32>,
      %gather3A_506 = tpu.vector_load_idx %arg12[%add3A_269, %broadcast_in_dim3A_504] : memref<512x32xf32, #tpu.memory_space<vmem>>[vector<16xi32>, vector<16xi32>], vector<16xf32>,
      %mul3A_507 = arith.mulf %gather3A_505, %gather3A_506 : vector<16xf32>
      %mul3A_508 = vector.broadcast %squeeze3A_150 : f32 to vector<16xf32>
      %mul3A_509 = arith.mulf %mul3A_507, %mul3A_508 : vector<16xf32>
      %add3A_510 = arith.addf %add3A_502, %mul3A_509 : vector<16xf32>
      %broadcast_in_dim3A_511 = arith.constant 30 : i32
      %broadcast_in_dim3A_512 = vector.broadcast %broadcast_in_dim3A_511 : i32 to vector<16xi32>
      %gather3A_513 = tpu.vector_load_idx %arg11[%add3A_269, %broadcast_in_dim3A_512] : memref<512x32xf32, #tpu.memory_space<vmem>>[vector<16xi32>, vector<16xi32>], vector<16xf32>,
      %gather3A_514 = tpu.vector_load_idx %arg12[%add3A_269, %broadcast_in_dim3A_512] : memref<512x32xf32, #tpu.memory_space<vmem>>[vector<16xi32>, vector<16xi32>], vector<16xf32>,
      %mul3A_515 = arith.mulf %gather3A_513, %gather3A_514 : vector<16xf32>
      %mul3A_516 = vector.broadcast %squeeze3A_152 : f32 to vector<16xf32>
      %mul3A_517 = arith.mulf %mul3A_515, %mul3A_516 : vector<16xf32>
      %add3A_518 = arith.addf %add3A_510, %mul3A_517 : vector<16xf32>
      %broadcast_in_dim3A_519 = arith.constant 31 : i32
      %broadcast_in_dim3A_520 = vector.broadcast %broadcast_in_dim3A_519 : i32 to vector<16xi32>
      %gather3A_521 = tpu.vector_load_idx %arg11[%add3A_269, %broadcast_in_dim3A_520] : memref<512x32xf32, #tpu.memory_space<vmem>>[vector<16xi32>, vector<16xi32>], vector<16xf32>,
      %gather3A_522 = tpu.vector_load_idx %arg12[%add3A_269, %broadcast_in_dim3A_520] : memref<512x32xf32, #tpu.memory_space<vmem>>[vector<16xi32>, vector<16xi32>], vector<16xf32>,
      %mul3A_523 = arith.mulf %gather3A_521, %gather3A_522 : vector<16xf32>
      %mul3A_524 = vector.broadcast %squeeze3A_154 : f32 to vector<16xf32>
      %mul3A_525 = arith.mulf %mul3A_523, %mul3A_524 : vector<16xf32>
      %add3A_526 = arith.addf %add3A_518, %mul3A_525 : vector<16xf32>
      %add3A_527 = vector.broadcast %squeeze3A : f32 to vector<16xf32>
      %add3A_528 = arith.addf %add3A_526, %add3A_527 : vector<16xf32>
      %mul3A_529 = arith.constant 16 : i32
      %mul3A_530 = arith.muli %scan3A_264, %mul3A_529 : i32
      %get3A_531 = arith.index_cast %mul3A_530 : i32 to index
      %get3A_532 = tpu.vector_load %arg14[%get3A_531] {strides = array<i32>} : memref<512xf32, #tpu.memory_space<vmem>>, vector<16xf32>,
      %abs3A = math.absf %add3A_528 : vector<16xf32>
      %neg3A = arith.constant 0.000000e+00 : f32
      %neg3A_533 = vector.broadcast %neg3A : f32 to vector<16xf32>
      %neg3A_534 = arith.subf %neg3A_533, %abs3A : vector<16xf32>
      %exp3A = math.exp %neg3A_534 : vector<16xf32>
      %broadcast_in_dim3A_535 = arith.constant -0.00231785467 : f32
      %broadcast_in_dim3A_536 = vector.broadcast %broadcast_in_dim3A_535 : f32 to vector<16xf32>
      %mul3A_537 = arith.mulf %broadcast_in_dim3A_536, %exp3A : vector<16xf32>
      %add3A_538 = arith.constant 0.0153418975 : f32
      %add3A_539 = vector.broadcast %add3A_538 : f32 to vector<16xf32>
      %add3A_540 = arith.addf %mul3A_537, %add3A_539 : vector<16xf32>
      %mul3A_541 = arith.mulf %add3A_540, %exp3A : vector<16xf32>
      %add3A_542 = arith.constant -0.0476654842 : f32
      %add3A_543 = vector.broadcast %add3A_542 : f32 to vector<16xf32>
      %add3A_544 = arith.addf %mul3A_541, %add3A_543 : vector<16xf32>
      %mul3A_545 = arith.mulf %add3A_544, %exp3A : vector<16xf32>
      %add3A_546 = arith.constant 0.0954856649 : f32
      %add3A_547 = vector.broadcast %add3A_546 : f32 to vector<16xf32>
      %add3A_548 = arith.addf %mul3A_545, %add3A_547 : vector<16xf32>
      %mul3A_549 = arith.mulf %add3A_548, %exp3A : vector<16xf32>
      %add3A_550 = arith.constant -0.14586474 : f32
      %add3A_551 = vector.broadcast %add3A_550 : f32 to vector<16xf32>
      %add3A_552 = arith.addf %mul3A_549, %add3A_551 : vector<16xf32>
      %mul3A_553 = arith.mulf %add3A_552, %exp3A : vector<16xf32>
      %add3A_554 = arith.constant 0.193751663 : f32
      %add3A_555 = vector.broadcast %add3A_554 : f32 to vector<16xf32>
      %add3A_556 = arith.addf %mul3A_553, %add3A_555 : vector<16xf32>
      %mul3A_557 = arith.mulf %add3A_556, %exp3A : vector<16xf32>
      %add3A_558 = arith.constant -0.248784244 : f32
      %add3A_559 = vector.broadcast %add3A_558 : f32 to vector<16xf32>
      %add3A_560 = arith.addf %mul3A_557, %add3A_559 : vector<16xf32>
      %mul3A_561 = arith.mulf %add3A_560, %exp3A : vector<16xf32>
      %add3A_562 = arith.constant 0.333191901 : f32
      %add3A_563 = vector.broadcast %add3A_562 : f32 to vector<16xf32>
      %add3A_564 = arith.addf %mul3A_561, %add3A_563 : vector<16xf32>
      %mul3A_565 = arith.mulf %add3A_564, %exp3A : vector<16xf32>
      %add3A_566 = arith.constant -0.499991417 : f32
      %add3A_567 = vector.broadcast %add3A_566 : f32 to vector<16xf32>
      %add3A_568 = arith.addf %mul3A_565, %add3A_567 : vector<16xf32>
      %mul3A_569 = arith.mulf %add3A_568, %exp3A : vector<16xf32>
      %add3A_570 = arith.constant 0.999999821 : f32
      %add3A_571 = vector.broadcast %add3A_570 : f32 to vector<16xf32>
      %add3A_572 = arith.addf %mul3A_569, %add3A_571 : vector<16xf32>
      %mul3A_573 = arith.mulf %add3A_572, %exp3A : vector<16xf32>
      %add3A_574 = arith.constant 8.18445977E-10 : f32
      %add3A_575 = vector.broadcast %add3A_574 : f32 to vector<16xf32>
      %add3A_576 = arith.addf %mul3A_573, %add3A_575 : vector<16xf32>
      %max3A = arith.constant 0.000000e+00 : f32
      %max3A_577 = vector.broadcast %max3A : f32 to vector<16xf32>
      %max3A_578 = arith.maximumf %add3A_528, %max3A_577 : vector<16xf32>
      %mul3A_579 = arith.mulf %add3A_528, %get3A_532 : vector<16xf32>
      %sub3A = arith.subf %max3A_578, %mul3A_579 : vector<16xf32>
      %add3A_580 = arith.addf %sub3A, %add3A_576 : vector<16xf32>
      %add3A_581 = arith.addf %scan3A_265, %add3A_580 : vector<16xf32>
      scf.yield %add3A_581 : vector<16xf32>
    }
    %scan3A_231 = arith.constant 8 : i32
    %dma_wait3A_232 = arith.constant 3 : i32
    %dma_wait3A_233 = arith.constant 384 : i32
    %dma_wait3A_234 = arith.constant 0 : i32
    %dma_wait3A_235 = tpu.memref_slice %arg11[%dma_wait3A_233, %dma_wait3A_234] : memref<512x32xf32, #tpu.memory_space<vmem>> -> memref<128x32xf32, #tpu.memory_space<vmem>>
    %dma_wait3A_236 = arith.constant 0 : i32
    %dma_wait3A_237 = tpu.memref_slice %arg9[%dma_wait3A_232, %dma_wait3A_236] : memref<4x128xi32, #tpu.memory_space<vmem>> -> memref<1x128xi32, #tpu.memory_space<vmem>>
    %dma_wait3A_238 = tpu.memref_squeeze %dma_wait3A_237 : memref<1x128xi32, #tpu.memory_space<vmem>> -> memref<128xi32, #tpu.memory_space<vmem>>
    %dma_wait3A_239 = arith.constant 0 : i32
    %dma_wait3A_240 = arith.constant 0 : i32
    %dma_wait3A_241 = tpu.memref_slice %arg5[%dma_wait3A_239, %dma_wait3A_240] : memref<1000000x32xf32, #tpu.memory_space<hbm>> -> memref<1000000x32xf32, #tpu.memory_space<hbm>>
    tpu.wait_indirect_dma semaphore(%arg18 : memref<!tpu.dma_semaphore, #tpu.memory_space<semaphore_mem>>) src(%dma_wait3A_241 : memref<1000000x32xf32, #tpu.memory_space<hbm>>) dst(%dma_wait3A_235 : memref<128x32xf32, #tpu.memory_space<vmem>>)
    %dma_wait3A_242 = arith.constant 3 : i32
    %dma_wait3A_243 = arith.constant 384 : i32
    %dma_wait3A_244 = arith.constant 0 : i32
    %dma_wait3A_245 = tpu.memref_slice %arg12[%dma_wait3A_243, %dma_wait3A_244] : memref<512x32xf32, #tpu.memory_space<vmem>> -> memref<128x32xf32, #tpu.memory_space<vmem>>
    %dma_wait3A_246 = arith.constant 0 : i32
    %dma_wait3A_247 = tpu.memref_slice %arg10[%dma_wait3A_242, %dma_wait3A_246] : memref<4x128xi32, #tpu.memory_space<vmem>> -> memref<1x128xi32, #tpu.memory_space<vmem>>
    %dma_wait3A_248 = tpu.memref_squeeze %dma_wait3A_247 : memref<1x128xi32, #tpu.memory_space<vmem>> -> memref<128xi32, #tpu.memory_space<vmem>>
    %dma_wait3A_249 = arith.constant 0 : i32
    %dma_wait3A_250 = arith.constant 0 : i32
    %dma_wait3A_251 = tpu.memref_slice %arg6[%dma_wait3A_249, %dma_wait3A_250] : memref<1000000x32xf32, #tpu.memory_space<hbm>> -> memref<1000000x32xf32, #tpu.memory_space<hbm>>
    tpu.wait_indirect_dma semaphore(%arg18 : memref<!tpu.dma_semaphore, #tpu.memory_space<semaphore_mem>>) src(%dma_wait3A_251 : memref<1000000x32xf32, #tpu.memory_space<hbm>>) dst(%dma_wait3A_245 : memref<128x32xf32, #tpu.memory_space<vmem>>)
    %scan3A_252 = arith.constant 24 : i32
    %scan3A_253 = arith.constant 8 : i32
    %scan3A_254 = arith.addi %scan3A_252, %scan3A_253 : i32
    %scan3A_255 = arith.constant 1 : i32
    %scan3A_256 = scf.for %scan3A_264 = %scan3A_252 to %scan3A_254 step %scan3A_255 iter_args(%scan3A_265 = %scan3A_230) -> (vector<16xf32>)  : i32 {
      %mul3A_266 = arith.constant 16 : i32
      %mul3A_267 = arith.muli %scan3A_264, %mul3A_266 : i32
      %add3A_268 = vector.broadcast %mul3A_267 : i32 to vector<16xi32>
      %add3A_269 = arith.addi %add3A_268, %iota3A : vector<16xi32>
      %broadcast_in_dim3A_270 = arith.constant 0.000000e+00 : f32
      %broadcast_in_dim3A_271 = vector.broadcast %broadcast_in_dim3A_270 : f32 to vector<16xf32>
      %broadcast_in_dim3A_272 = arith.constant 0 : i32
      %broadcast_in_dim3A_273 = vector.broadcast %broadcast_in_dim3A_272 : i32 to vector<16xi32>
      %gather3A = tpu.vector_load_idx %arg11[%add3A_269, %broadcast_in_dim3A_273] : memref<512x32xf32, #tpu.memory_space<vmem>>[vector<16xi32>, vector<16xi32>], vector<16xf32>,
      %gather3A_274 = tpu.vector_load_idx %arg12[%add3A_269, %broadcast_in_dim3A_273] : memref<512x32xf32, #tpu.memory_space<vmem>>[vector<16xi32>, vector<16xi32>], vector<16xf32>,
      %mul3A_275 = arith.mulf %gather3A, %gather3A_274 : vector<16xf32>
      %mul3A_276 = vector.broadcast %squeeze3A_92 : f32 to vector<16xf32>
      %mul3A_277 = arith.mulf %mul3A_275, %mul3A_276 : vector<16xf32>
      %add3A_278 = arith.addf %broadcast_in_dim3A_271, %mul3A_277 : vector<16xf32>
      %broadcast_in_dim3A_279 = arith.constant 1 : i32
      %broadcast_in_dim3A_280 = vector.broadcast %broadcast_in_dim3A_279 : i32 to vector<16xi32>
      %gather3A_281 = tpu.vector_load_idx %arg11[%add3A_269, %broadcast_in_dim3A_280] : memref<512x32xf32, #tpu.memory_space<vmem>>[vector<16xi32>, vector<16xi32>], vector<16xf32>,
      %gather3A_282 = tpu.vector_load_idx %arg12[%add3A_269, %broadcast_in_dim3A_280] : memref<512x32xf32, #tpu.memory_space<vmem>>[vector<16xi32>, vector<16xi32>], vector<16xf32>,
      %mul3A_283 = arith.mulf %gather3A_281, %gather3A_282 : vector<16xf32>
      %mul3A_284 = vector.broadcast %squeeze3A_94 : f32 to vector<16xf32>
      %mul3A_285 = arith.mulf %mul3A_283, %mul3A_284 : vector<16xf32>
      %add3A_286 = arith.addf %add3A_278, %mul3A_285 : vector<16xf32>
      %broadcast_in_dim3A_287 = arith.constant 2 : i32
      %broadcast_in_dim3A_288 = vector.broadcast %broadcast_in_dim3A_287 : i32 to vector<16xi32>
      %gather3A_289 = tpu.vector_load_idx %arg11[%add3A_269, %broadcast_in_dim3A_288] : memref<512x32xf32, #tpu.memory_space<vmem>>[vector<16xi32>, vector<16xi32>], vector<16xf32>,
      %gather3A_290 = tpu.vector_load_idx %arg12[%add3A_269, %broadcast_in_dim3A_288] : memref<512x32xf32, #tpu.memory_space<vmem>>[vector<16xi32>, vector<16xi32>], vector<16xf32>,
      %mul3A_291 = arith.mulf %gather3A_289, %gather3A_290 : vector<16xf32>
      %mul3A_292 = vector.broadcast %squeeze3A_96 : f32 to vector<16xf32>
      %mul3A_293 = arith.mulf %mul3A_291, %mul3A_292 : vector<16xf32>
      %add3A_294 = arith.addf %add3A_286, %mul3A_293 : vector<16xf32>
      %broadcast_in_dim3A_295 = arith.constant 3 : i32
      %broadcast_in_dim3A_296 = vector.broadcast %broadcast_in_dim3A_295 : i32 to vector<16xi32>
      %gather3A_297 = tpu.vector_load_idx %arg11[%add3A_269, %broadcast_in_dim3A_296] : memref<512x32xf32, #tpu.memory_space<vmem>>[vector<16xi32>, vector<16xi32>], vector<16xf32>,
      %gather3A_298 = tpu.vector_load_idx %arg12[%add3A_269, %broadcast_in_dim3A_296] : memref<512x32xf32, #tpu.memory_space<vmem>>[vector<16xi32>, vector<16xi32>], vector<16xf32>,
      %mul3A_299 = arith.mulf %gather3A_297, %gather3A_298 : vector<16xf32>
      %mul3A_300 = vector.broadcast %squeeze3A_98 : f32 to vector<16xf32>
      %mul3A_301 = arith.mulf %mul3A_299, %mul3A_300 : vector<16xf32>
      %add3A_302 = arith.addf %add3A_294, %mul3A_301 : vector<16xf32>
      %broadcast_in_dim3A_303 = arith.constant 4 : i32
      %broadcast_in_dim3A_304 = vector.broadcast %broadcast_in_dim3A_303 : i32 to vector<16xi32>
      %gather3A_305 = tpu.vector_load_idx %arg11[%add3A_269, %broadcast_in_dim3A_304] : memref<512x32xf32, #tpu.memory_space<vmem>>[vector<16xi32>, vector<16xi32>], vector<16xf32>,
      %gather3A_306 = tpu.vector_load_idx %arg12[%add3A_269, %broadcast_in_dim3A_304] : memref<512x32xf32, #tpu.memory_space<vmem>>[vector<16xi32>, vector<16xi32>], vector<16xf32>,
      %mul3A_307 = arith.mulf %gather3A_305, %gather3A_306 : vector<16xf32>
      %mul3A_308 = vector.broadcast %squeeze3A_100 : f32 to vector<16xf32>
      %mul3A_309 = arith.mulf %mul3A_307, %mul3A_308 : vector<16xf32>
      %add3A_310 = arith.addf %add3A_302, %mul3A_309 : vector<16xf32>
      %broadcast_in_dim3A_311 = arith.constant 5 : i32
      %broadcast_in_dim3A_312 = vector.broadcast %broadcast_in_dim3A_311 : i32 to vector<16xi32>
      %gather3A_313 = tpu.vector_load_idx %arg11[%add3A_269, %broadcast_in_dim3A_312] : memref<512x32xf32, #tpu.memory_space<vmem>>[vector<16xi32>, vector<16xi32>], vector<16xf32>,
      %gather3A_314 = tpu.vector_load_idx %arg12[%add3A_269, %broadcast_in_dim3A_312] : memref<512x32xf32, #tpu.memory_space<vmem>>[vector<16xi32>, vector<16xi32>], vector<16xf32>,
      %mul3A_315 = arith.mulf %gather3A_313, %gather3A_314 : vector<16xf32>
      %mul3A_316 = vector.broadcast %squeeze3A_102 : f32 to vector<16xf32>
      %mul3A_317 = arith.mulf %mul3A_315, %mul3A_316 : vector<16xf32>
      %add3A_318 = arith.addf %add3A_310, %mul3A_317 : vector<16xf32>
      %broadcast_in_dim3A_319 = arith.constant 6 : i32
      %broadcast_in_dim3A_320 = vector.broadcast %broadcast_in_dim3A_319 : i32 to vector<16xi32>
      %gather3A_321 = tpu.vector_load_idx %arg11[%add3A_269, %broadcast_in_dim3A_320] : memref<512x32xf32, #tpu.memory_space<vmem>>[vector<16xi32>, vector<16xi32>], vector<16xf32>,
      %gather3A_322 = tpu.vector_load_idx %arg12[%add3A_269, %broadcast_in_dim3A_320] : memref<512x32xf32, #tpu.memory_space<vmem>>[vector<16xi32>, vector<16xi32>], vector<16xf32>,
      %mul3A_323 = arith.mulf %gather3A_321, %gather3A_322 : vector<16xf32>
      %mul3A_324 = vector.broadcast %squeeze3A_104 : f32 to vector<16xf32>
      %mul3A_325 = arith.mulf %mul3A_323, %mul3A_324 : vector<16xf32>
      %add3A_326 = arith.addf %add3A_318, %mul3A_325 : vector<16xf32>
      %broadcast_in_dim3A_327 = arith.constant 7 : i32
      %broadcast_in_dim3A_328 = vector.broadcast %broadcast_in_dim3A_327 : i32 to vector<16xi32>
      %gather3A_329 = tpu.vector_load_idx %arg11[%add3A_269, %broadcast_in_dim3A_328] : memref<512x32xf32, #tpu.memory_space<vmem>>[vector<16xi32>, vector<16xi32>], vector<16xf32>,
      %gather3A_330 = tpu.vector_load_idx %arg12[%add3A_269, %broadcast_in_dim3A_328] : memref<512x32xf32, #tpu.memory_space<vmem>>[vector<16xi32>, vector<16xi32>], vector<16xf32>,
      %mul3A_331 = arith.mulf %gather3A_329, %gather3A_330 : vector<16xf32>
      %mul3A_332 = vector.broadcast %squeeze3A_106 : f32 to vector<16xf32>
      %mul3A_333 = arith.mulf %mul3A_331, %mul3A_332 : vector<16xf32>
      %add3A_334 = arith.addf %add3A_326, %mul3A_333 : vector<16xf32>
      %broadcast_in_dim3A_335 = arith.constant 8 : i32
      %broadcast_in_dim3A_336 = vector.broadcast %broadcast_in_dim3A_335 : i32 to vector<16xi32>
      %gather3A_337 = tpu.vector_load_idx %arg11[%add3A_269, %broadcast_in_dim3A_336] : memref<512x32xf32, #tpu.memory_space<vmem>>[vector<16xi32>, vector<16xi32>], vector<16xf32>,
      %gather3A_338 = tpu.vector_load_idx %arg12[%add3A_269, %broadcast_in_dim3A_336] : memref<512x32xf32, #tpu.memory_space<vmem>>[vector<16xi32>, vector<16xi32>], vector<16xf32>,
      %mul3A_339 = arith.mulf %gather3A_337, %gather3A_338 : vector<16xf32>
      %mul3A_340 = vector.broadcast %squeeze3A_108 : f32 to vector<16xf32>
      %mul3A_341 = arith.mulf %mul3A_339, %mul3A_340 : vector<16xf32>
      %add3A_342 = arith.addf %add3A_334, %mul3A_341 : vector<16xf32>
      %broadcast_in_dim3A_343 = arith.constant 9 : i32
      %broadcast_in_dim3A_344 = vector.broadcast %broadcast_in_dim3A_343 : i32 to vector<16xi32>
      %gather3A_345 = tpu.vector_load_idx %arg11[%add3A_269, %broadcast_in_dim3A_344] : memref<512x32xf32, #tpu.memory_space<vmem>>[vector<16xi32>, vector<16xi32>], vector<16xf32>,
      %gather3A_346 = tpu.vector_load_idx %arg12[%add3A_269, %broadcast_in_dim3A_344] : memref<512x32xf32, #tpu.memory_space<vmem>>[vector<16xi32>, vector<16xi32>], vector<16xf32>,
      %mul3A_347 = arith.mulf %gather3A_345, %gather3A_346 : vector<16xf32>
      %mul3A_348 = vector.broadcast %squeeze3A_110 : f32 to vector<16xf32>
      %mul3A_349 = arith.mulf %mul3A_347, %mul3A_348 : vector<16xf32>
      %add3A_350 = arith.addf %add3A_342, %mul3A_349 : vector<16xf32>
      %broadcast_in_dim3A_351 = arith.constant 10 : i32
      %broadcast_in_dim3A_352 = vector.broadcast %broadcast_in_dim3A_351 : i32 to vector<16xi32>
      %gather3A_353 = tpu.vector_load_idx %arg11[%add3A_269, %broadcast_in_dim3A_352] : memref<512x32xf32, #tpu.memory_space<vmem>>[vector<16xi32>, vector<16xi32>], vector<16xf32>,
      %gather3A_354 = tpu.vector_load_idx %arg12[%add3A_269, %broadcast_in_dim3A_352] : memref<512x32xf32, #tpu.memory_space<vmem>>[vector<16xi32>, vector<16xi32>], vector<16xf32>,
      %mul3A_355 = arith.mulf %gather3A_353, %gather3A_354 : vector<16xf32>
      %mul3A_356 = vector.broadcast %squeeze3A_112 : f32 to vector<16xf32>
      %mul3A_357 = arith.mulf %mul3A_355, %mul3A_356 : vector<16xf32>
      %add3A_358 = arith.addf %add3A_350, %mul3A_357 : vector<16xf32>
      %broadcast_in_dim3A_359 = arith.constant 11 : i32
      %broadcast_in_dim3A_360 = vector.broadcast %broadcast_in_dim3A_359 : i32 to vector<16xi32>
      %gather3A_361 = tpu.vector_load_idx %arg11[%add3A_269, %broadcast_in_dim3A_360] : memref<512x32xf32, #tpu.memory_space<vmem>>[vector<16xi32>, vector<16xi32>], vector<16xf32>,
      %gather3A_362 = tpu.vector_load_idx %arg12[%add3A_269, %broadcast_in_dim3A_360] : memref<512x32xf32, #tpu.memory_space<vmem>>[vector<16xi32>, vector<16xi32>], vector<16xf32>,
      %mul3A_363 = arith.mulf %gather3A_361, %gather3A_362 : vector<16xf32>
      %mul3A_364 = vector.broadcast %squeeze3A_114 : f32 to vector<16xf32>
      %mul3A_365 = arith.mulf %mul3A_363, %mul3A_364 : vector<16xf32>
      %add3A_366 = arith.addf %add3A_358, %mul3A_365 : vector<16xf32>
      %broadcast_in_dim3A_367 = arith.constant 12 : i32
      %broadcast_in_dim3A_368 = vector.broadcast %broadcast_in_dim3A_367 : i32 to vector<16xi32>
      %gather3A_369 = tpu.vector_load_idx %arg11[%add3A_269, %broadcast_in_dim3A_368] : memref<512x32xf32, #tpu.memory_space<vmem>>[vector<16xi32>, vector<16xi32>], vector<16xf32>,
      %gather3A_370 = tpu.vector_load_idx %arg12[%add3A_269, %broadcast_in_dim3A_368] : memref<512x32xf32, #tpu.memory_space<vmem>>[vector<16xi32>, vector<16xi32>], vector<16xf32>,
      %mul3A_371 = arith.mulf %gather3A_369, %gather3A_370 : vector<16xf32>
      %mul3A_372 = vector.broadcast %squeeze3A_116 : f32 to vector<16xf32>
      %mul3A_373 = arith.mulf %mul3A_371, %mul3A_372 : vector<16xf32>
      %add3A_374 = arith.addf %add3A_366, %mul3A_373 : vector<16xf32>
      %broadcast_in_dim3A_375 = arith.constant 13 : i32
      %broadcast_in_dim3A_376 = vector.broadcast %broadcast_in_dim3A_375 : i32 to vector<16xi32>
      %gather3A_377 = tpu.vector_load_idx %arg11[%add3A_269, %broadcast_in_dim3A_376] : memref<512x32xf32, #tpu.memory_space<vmem>>[vector<16xi32>, vector<16xi32>], vector<16xf32>,
      %gather3A_378 = tpu.vector_load_idx %arg12[%add3A_269, %broadcast_in_dim3A_376] : memref<512x32xf32, #tpu.memory_space<vmem>>[vector<16xi32>, vector<16xi32>], vector<16xf32>,
      %mul3A_379 = arith.mulf %gather3A_377, %gather3A_378 : vector<16xf32>
      %mul3A_380 = vector.broadcast %squeeze3A_118 : f32 to vector<16xf32>
      %mul3A_381 = arith.mulf %mul3A_379, %mul3A_380 : vector<16xf32>
      %add3A_382 = arith.addf %add3A_374, %mul3A_381 : vector<16xf32>
      %broadcast_in_dim3A_383 = arith.constant 14 : i32
      %broadcast_in_dim3A_384 = vector.broadcast %broadcast_in_dim3A_383 : i32 to vector<16xi32>
      %gather3A_385 = tpu.vector_load_idx %arg11[%add3A_269, %broadcast_in_dim3A_384] : memref<512x32xf32, #tpu.memory_space<vmem>>[vector<16xi32>, vector<16xi32>], vector<16xf32>,
      %gather3A_386 = tpu.vector_load_idx %arg12[%add3A_269, %broadcast_in_dim3A_384] : memref<512x32xf32, #tpu.memory_space<vmem>>[vector<16xi32>, vector<16xi32>], vector<16xf32>,
      %mul3A_387 = arith.mulf %gather3A_385, %gather3A_386 : vector<16xf32>
      %mul3A_388 = vector.broadcast %squeeze3A_120 : f32 to vector<16xf32>
      %mul3A_389 = arith.mulf %mul3A_387, %mul3A_388 : vector<16xf32>
      %add3A_390 = arith.addf %add3A_382, %mul3A_389 : vector<16xf32>
      %broadcast_in_dim3A_391 = arith.constant 15 : i32
      %broadcast_in_dim3A_392 = vector.broadcast %broadcast_in_dim3A_391 : i32 to vector<16xi32>
      %gather3A_393 = tpu.vector_load_idx %arg11[%add3A_269, %broadcast_in_dim3A_392] : memref<512x32xf32, #tpu.memory_space<vmem>>[vector<16xi32>, vector<16xi32>], vector<16xf32>,
      %gather3A_394 = tpu.vector_load_idx %arg12[%add3A_269, %broadcast_in_dim3A_392] : memref<512x32xf32, #tpu.memory_space<vmem>>[vector<16xi32>, vector<16xi32>], vector<16xf32>,
      %mul3A_395 = arith.mulf %gather3A_393, %gather3A_394 : vector<16xf32>
      %mul3A_396 = vector.broadcast %squeeze3A_122 : f32 to vector<16xf32>
      %mul3A_397 = arith.mulf %mul3A_395, %mul3A_396 : vector<16xf32>
      %add3A_398 = arith.addf %add3A_390, %mul3A_397 : vector<16xf32>
      %broadcast_in_dim3A_399 = arith.constant 16 : i32
      %broadcast_in_dim3A_400 = vector.broadcast %broadcast_in_dim3A_399 : i32 to vector<16xi32>
      %gather3A_401 = tpu.vector_load_idx %arg11[%add3A_269, %broadcast_in_dim3A_400] : memref<512x32xf32, #tpu.memory_space<vmem>>[vector<16xi32>, vector<16xi32>], vector<16xf32>,
      %gather3A_402 = tpu.vector_load_idx %arg12[%add3A_269, %broadcast_in_dim3A_400] : memref<512x32xf32, #tpu.memory_space<vmem>>[vector<16xi32>, vector<16xi32>], vector<16xf32>,
      %mul3A_403 = arith.mulf %gather3A_401, %gather3A_402 : vector<16xf32>
      %mul3A_404 = vector.broadcast %squeeze3A_124 : f32 to vector<16xf32>
      %mul3A_405 = arith.mulf %mul3A_403, %mul3A_404 : vector<16xf32>
      %add3A_406 = arith.addf %add3A_398, %mul3A_405 : vector<16xf32>
      %broadcast_in_dim3A_407 = arith.constant 17 : i32
      %broadcast_in_dim3A_408 = vector.broadcast %broadcast_in_dim3A_407 : i32 to vector<16xi32>
      %gather3A_409 = tpu.vector_load_idx %arg11[%add3A_269, %broadcast_in_dim3A_408] : memref<512x32xf32, #tpu.memory_space<vmem>>[vector<16xi32>, vector<16xi32>], vector<16xf32>,
      %gather3A_410 = tpu.vector_load_idx %arg12[%add3A_269, %broadcast_in_dim3A_408] : memref<512x32xf32, #tpu.memory_space<vmem>>[vector<16xi32>, vector<16xi32>], vector<16xf32>,
      %mul3A_411 = arith.mulf %gather3A_409, %gather3A_410 : vector<16xf32>
      %mul3A_412 = vector.broadcast %squeeze3A_126 : f32 to vector<16xf32>
      %mul3A_413 = arith.mulf %mul3A_411, %mul3A_412 : vector<16xf32>
      %add3A_414 = arith.addf %add3A_406, %mul3A_413 : vector<16xf32>
      %broadcast_in_dim3A_415 = arith.constant 18 : i32
      %broadcast_in_dim3A_416 = vector.broadcast %broadcast_in_dim3A_415 : i32 to vector<16xi32>
      %gather3A_417 = tpu.vector_load_idx %arg11[%add3A_269, %broadcast_in_dim3A_416] : memref<512x32xf32, #tpu.memory_space<vmem>>[vector<16xi32>, vector<16xi32>], vector<16xf32>,
      %gather3A_418 = tpu.vector_load_idx %arg12[%add3A_269, %broadcast_in_dim3A_416] : memref<512x32xf32, #tpu.memory_space<vmem>>[vector<16xi32>, vector<16xi32>], vector<16xf32>,
      %mul3A_419 = arith.mulf %gather3A_417, %gather3A_418 : vector<16xf32>
      %mul3A_420 = vector.broadcast %squeeze3A_128 : f32 to vector<16xf32>
      %mul3A_421 = arith.mulf %mul3A_419, %mul3A_420 : vector<16xf32>
      %add3A_422 = arith.addf %add3A_414, %mul3A_421 : vector<16xf32>
      %broadcast_in_dim3A_423 = arith.constant 19 : i32
      %broadcast_in_dim3A_424 = vector.broadcast %broadcast_in_dim3A_423 : i32 to vector<16xi32>
      %gather3A_425 = tpu.vector_load_idx %arg11[%add3A_269, %broadcast_in_dim3A_424] : memref<512x32xf32, #tpu.memory_space<vmem>>[vector<16xi32>, vector<16xi32>], vector<16xf32>,
      %gather3A_426 = tpu.vector_load_idx %arg12[%add3A_269, %broadcast_in_dim3A_424] : memref<512x32xf32, #tpu.memory_space<vmem>>[vector<16xi32>, vector<16xi32>], vector<16xf32>,
      %mul3A_427 = arith.mulf %gather3A_425, %gather3A_426 : vector<16xf32>
      %mul3A_428 = vector.broadcast %squeeze3A_130 : f32 to vector<16xf32>
      %mul3A_429 = arith.mulf %mul3A_427, %mul3A_428 : vector<16xf32>
      %add3A_430 = arith.addf %add3A_422, %mul3A_429 : vector<16xf32>
      %broadcast_in_dim3A_431 = arith.constant 20 : i32
      %broadcast_in_dim3A_432 = vector.broadcast %broadcast_in_dim3A_431 : i32 to vector<16xi32>
      %gather3A_433 = tpu.vector_load_idx %arg11[%add3A_269, %broadcast_in_dim3A_432] : memref<512x32xf32, #tpu.memory_space<vmem>>[vector<16xi32>, vector<16xi32>], vector<16xf32>,
      %gather3A_434 = tpu.vector_load_idx %arg12[%add3A_269, %broadcast_in_dim3A_432] : memref<512x32xf32, #tpu.memory_space<vmem>>[vector<16xi32>, vector<16xi32>], vector<16xf32>,
      %mul3A_435 = arith.mulf %gather3A_433, %gather3A_434 : vector<16xf32>
      %mul3A_436 = vector.broadcast %squeeze3A_132 : f32 to vector<16xf32>
      %mul3A_437 = arith.mulf %mul3A_435, %mul3A_436 : vector<16xf32>
      %add3A_438 = arith.addf %add3A_430, %mul3A_437 : vector<16xf32>
      %broadcast_in_dim3A_439 = arith.constant 21 : i32
      %broadcast_in_dim3A_440 = vector.broadcast %broadcast_in_dim3A_439 : i32 to vector<16xi32>
      %gather3A_441 = tpu.vector_load_idx %arg11[%add3A_269, %broadcast_in_dim3A_440] : memref<512x32xf32, #tpu.memory_space<vmem>>[vector<16xi32>, vector<16xi32>], vector<16xf32>,
      %gather3A_442 = tpu.vector_load_idx %arg12[%add3A_269, %broadcast_in_dim3A_440] : memref<512x32xf32, #tpu.memory_space<vmem>>[vector<16xi32>, vector<16xi32>], vector<16xf32>,
      %mul3A_443 = arith.mulf %gather3A_441, %gather3A_442 : vector<16xf32>
      %mul3A_444 = vector.broadcast %squeeze3A_134 : f32 to vector<16xf32>
      %mul3A_445 = arith.mulf %mul3A_443, %mul3A_444 : vector<16xf32>
      %add3A_446 = arith.addf %add3A_438, %mul3A_445 : vector<16xf32>
      %broadcast_in_dim3A_447 = arith.constant 22 : i32
      %broadcast_in_dim3A_448 = vector.broadcast %broadcast_in_dim3A_447 : i32 to vector<16xi32>
      %gather3A_449 = tpu.vector_load_idx %arg11[%add3A_269, %broadcast_in_dim3A_448] : memref<512x32xf32, #tpu.memory_space<vmem>>[vector<16xi32>, vector<16xi32>], vector<16xf32>,
      %gather3A_450 = tpu.vector_load_idx %arg12[%add3A_269, %broadcast_in_dim3A_448] : memref<512x32xf32, #tpu.memory_space<vmem>>[vector<16xi32>, vector<16xi32>], vector<16xf32>,
      %mul3A_451 = arith.mulf %gather3A_449, %gather3A_450 : vector<16xf32>
      %mul3A_452 = vector.broadcast %squeeze3A_136 : f32 to vector<16xf32>
      %mul3A_453 = arith.mulf %mul3A_451, %mul3A_452 : vector<16xf32>
      %add3A_454 = arith.addf %add3A_446, %mul3A_453 : vector<16xf32>
      %broadcast_in_dim3A_455 = arith.constant 23 : i32
      %broadcast_in_dim3A_456 = vector.broadcast %broadcast_in_dim3A_455 : i32 to vector<16xi32>
      %gather3A_457 = tpu.vector_load_idx %arg11[%add3A_269, %broadcast_in_dim3A_456] : memref<512x32xf32, #tpu.memory_space<vmem>>[vector<16xi32>, vector<16xi32>], vector<16xf32>,
      %gather3A_458 = tpu.vector_load_idx %arg12[%add3A_269, %broadcast_in_dim3A_456] : memref<512x32xf32, #tpu.memory_space<vmem>>[vector<16xi32>, vector<16xi32>], vector<16xf32>,
      %mul3A_459 = arith.mulf %gather3A_457, %gather3A_458 : vector<16xf32>
      %mul3A_460 = vector.broadcast %squeeze3A_138 : f32 to vector<16xf32>
      %mul3A_461 = arith.mulf %mul3A_459, %mul3A_460 : vector<16xf32>
      %add3A_462 = arith.addf %add3A_454, %mul3A_461 : vector<16xf32>
      %broadcast_in_dim3A_463 = arith.constant 24 : i32
      %broadcast_in_dim3A_464 = vector.broadcast %broadcast_in_dim3A_463 : i32 to vector<16xi32>
      %gather3A_465 = tpu.vector_load_idx %arg11[%add3A_269, %broadcast_in_dim3A_464] : memref<512x32xf32, #tpu.memory_space<vmem>>[vector<16xi32>, vector<16xi32>], vector<16xf32>,
      %gather3A_466 = tpu.vector_load_idx %arg12[%add3A_269, %broadcast_in_dim3A_464] : memref<512x32xf32, #tpu.memory_space<vmem>>[vector<16xi32>, vector<16xi32>], vector<16xf32>,
      %mul3A_467 = arith.mulf %gather3A_465, %gather3A_466 : vector<16xf32>
      %mul3A_468 = vector.broadcast %squeeze3A_140 : f32 to vector<16xf32>
      %mul3A_469 = arith.mulf %mul3A_467, %mul3A_468 : vector<16xf32>
      %add3A_470 = arith.addf %add3A_462, %mul3A_469 : vector<16xf32>
      %broadcast_in_dim3A_471 = arith.constant 25 : i32
      %broadcast_in_dim3A_472 = vector.broadcast %broadcast_in_dim3A_471 : i32 to vector<16xi32>
      %gather3A_473 = tpu.vector_load_idx %arg11[%add3A_269, %broadcast_in_dim3A_472] : memref<512x32xf32, #tpu.memory_space<vmem>>[vector<16xi32>, vector<16xi32>], vector<16xf32>,
      %gather3A_474 = tpu.vector_load_idx %arg12[%add3A_269, %broadcast_in_dim3A_472] : memref<512x32xf32, #tpu.memory_space<vmem>>[vector<16xi32>, vector<16xi32>], vector<16xf32>,
      %mul3A_475 = arith.mulf %gather3A_473, %gather3A_474 : vector<16xf32>
      %mul3A_476 = vector.broadcast %squeeze3A_142 : f32 to vector<16xf32>
      %mul3A_477 = arith.mulf %mul3A_475, %mul3A_476 : vector<16xf32>
      %add3A_478 = arith.addf %add3A_470, %mul3A_477 : vector<16xf32>
      %broadcast_in_dim3A_479 = arith.constant 26 : i32
      %broadcast_in_dim3A_480 = vector.broadcast %broadcast_in_dim3A_479 : i32 to vector<16xi32>
      %gather3A_481 = tpu.vector_load_idx %arg11[%add3A_269, %broadcast_in_dim3A_480] : memref<512x32xf32, #tpu.memory_space<vmem>>[vector<16xi32>, vector<16xi32>], vector<16xf32>,
      %gather3A_482 = tpu.vector_load_idx %arg12[%add3A_269, %broadcast_in_dim3A_480] : memref<512x32xf32, #tpu.memory_space<vmem>>[vector<16xi32>, vector<16xi32>], vector<16xf32>,
      %mul3A_483 = arith.mulf %gather3A_481, %gather3A_482 : vector<16xf32>
      %mul3A_484 = vector.broadcast %squeeze3A_144 : f32 to vector<16xf32>
      %mul3A_485 = arith.mulf %mul3A_483, %mul3A_484 : vector<16xf32>
      %add3A_486 = arith.addf %add3A_478, %mul3A_485 : vector<16xf32>
      %broadcast_in_dim3A_487 = arith.constant 27 : i32
      %broadcast_in_dim3A_488 = vector.broadcast %broadcast_in_dim3A_487 : i32 to vector<16xi32>
      %gather3A_489 = tpu.vector_load_idx %arg11[%add3A_269, %broadcast_in_dim3A_488] : memref<512x32xf32, #tpu.memory_space<vmem>>[vector<16xi32>, vector<16xi32>], vector<16xf32>,
      %gather3A_490 = tpu.vector_load_idx %arg12[%add3A_269, %broadcast_in_dim3A_488] : memref<512x32xf32, #tpu.memory_space<vmem>>[vector<16xi32>, vector<16xi32>], vector<16xf32>,
      %mul3A_491 = arith.mulf %gather3A_489, %gather3A_490 : vector<16xf32>
      %mul3A_492 = vector.broadcast %squeeze3A_146 : f32 to vector<16xf32>
      %mul3A_493 = arith.mulf %mul3A_491, %mul3A_492 : vector<16xf32>
      %add3A_494 = arith.addf %add3A_486, %mul3A_493 : vector<16xf32>
      %broadcast_in_dim3A_495 = arith.constant 28 : i32
      %broadcast_in_dim3A_496 = vector.broadcast %broadcast_in_dim3A_495 : i32 to vector<16xi32>
      %gather3A_497 = tpu.vector_load_idx %arg11[%add3A_269, %broadcast_in_dim3A_496] : memref<512x32xf32, #tpu.memory_space<vmem>>[vector<16xi32>, vector<16xi32>], vector<16xf32>,
      %gather3A_498 = tpu.vector_load_idx %arg12[%add3A_269, %broadcast_in_dim3A_496] : memref<512x32xf32, #tpu.memory_space<vmem>>[vector<16xi32>, vector<16xi32>], vector<16xf32>,
      %mul3A_499 = arith.mulf %gather3A_497, %gather3A_498 : vector<16xf32>
      %mul3A_500 = vector.broadcast %squeeze3A_148 : f32 to vector<16xf32>
      %mul3A_501 = arith.mulf %mul3A_499, %mul3A_500 : vector<16xf32>
      %add3A_502 = arith.addf %add3A_494, %mul3A_501 : vector<16xf32>
      %broadcast_in_dim3A_503 = arith.constant 29 : i32
      %broadcast_in_dim3A_504 = vector.broadcast %broadcast_in_dim3A_503 : i32 to vector<16xi32>
      %gather3A_505 = tpu.vector_load_idx %arg11[%add3A_269, %broadcast_in_dim3A_504] : memref<512x32xf32, #tpu.memory_space<vmem>>[vector<16xi32>, vector<16xi32>], vector<16xf32>,
      %gather3A_506 = tpu.vector_load_idx %arg12[%add3A_269, %broadcast_in_dim3A_504] : memref<512x32xf32, #tpu.memory_space<vmem>>[vector<16xi32>, vector<16xi32>], vector<16xf32>,
      %mul3A_507 = arith.mulf %gather3A_505, %gather3A_506 : vector<16xf32>
      %mul3A_508 = vector.broadcast %squeeze3A_150 : f32 to vector<16xf32>
      %mul3A_509 = arith.mulf %mul3A_507, %mul3A_508 : vector<16xf32>
      %add3A_510 = arith.addf %add3A_502, %mul3A_509 : vector<16xf32>
      %broadcast_in_dim3A_511 = arith.constant 30 : i32
      %broadcast_in_dim3A_512 = vector.broadcast %broadcast_in_dim3A_511 : i32 to vector<16xi32>
      %gather3A_513 = tpu.vector_load_idx %arg11[%add3A_269, %broadcast_in_dim3A_512] : memref<512x32xf32, #tpu.memory_space<vmem>>[vector<16xi32>, vector<16xi32>], vector<16xf32>,
      %gather3A_514 = tpu.vector_load_idx %arg12[%add3A_269, %broadcast_in_dim3A_512] : memref<512x32xf32, #tpu.memory_space<vmem>>[vector<16xi32>, vector<16xi32>], vector<16xf32>,
      %mul3A_515 = arith.mulf %gather3A_513, %gather3A_514 : vector<16xf32>
      %mul3A_516 = vector.broadcast %squeeze3A_152 : f32 to vector<16xf32>
      %mul3A_517 = arith.mulf %mul3A_515, %mul3A_516 : vector<16xf32>
      %add3A_518 = arith.addf %add3A_510, %mul3A_517 : vector<16xf32>
      %broadcast_in_dim3A_519 = arith.constant 31 : i32
      %broadcast_in_dim3A_520 = vector.broadcast %broadcast_in_dim3A_519 : i32 to vector<16xi32>
      %gather3A_521 = tpu.vector_load_idx %arg11[%add3A_269, %broadcast_in_dim3A_520] : memref<512x32xf32, #tpu.memory_space<vmem>>[vector<16xi32>, vector<16xi32>], vector<16xf32>,
      %gather3A_522 = tpu.vector_load_idx %arg12[%add3A_269, %broadcast_in_dim3A_520] : memref<512x32xf32, #tpu.memory_space<vmem>>[vector<16xi32>, vector<16xi32>], vector<16xf32>,
      %mul3A_523 = arith.mulf %gather3A_521, %gather3A_522 : vector<16xf32>
      %mul3A_524 = vector.broadcast %squeeze3A_154 : f32 to vector<16xf32>
      %mul3A_525 = arith.mulf %mul3A_523, %mul3A_524 : vector<16xf32>
      %add3A_526 = arith.addf %add3A_518, %mul3A_525 : vector<16xf32>
      %add3A_527 = vector.broadcast %squeeze3A : f32 to vector<16xf32>
      %add3A_528 = arith.addf %add3A_526, %add3A_527 : vector<16xf32>
      %mul3A_529 = arith.constant 16 : i32
      %mul3A_530 = arith.muli %scan3A_264, %mul3A_529 : i32
      %get3A_531 = arith.index_cast %mul3A_530 : i32 to index
      %get3A_532 = tpu.vector_load %arg14[%get3A_531] {strides = array<i32>} : memref<512xf32, #tpu.memory_space<vmem>>, vector<16xf32>,
      %abs3A = math.absf %add3A_528 : vector<16xf32>
      %neg3A = arith.constant 0.000000e+00 : f32
      %neg3A_533 = vector.broadcast %neg3A : f32 to vector<16xf32>
      %neg3A_534 = arith.subf %neg3A_533, %abs3A : vector<16xf32>
      %exp3A = math.exp %neg3A_534 : vector<16xf32>
      %broadcast_in_dim3A_535 = arith.constant -0.00231785467 : f32
      %broadcast_in_dim3A_536 = vector.broadcast %broadcast_in_dim3A_535 : f32 to vector<16xf32>
      %mul3A_537 = arith.mulf %broadcast_in_dim3A_536, %exp3A : vector<16xf32>
      %add3A_538 = arith.constant 0.0153418975 : f32
      %add3A_539 = vector.broadcast %add3A_538 : f32 to vector<16xf32>
      %add3A_540 = arith.addf %mul3A_537, %add3A_539 : vector<16xf32>
      %mul3A_541 = arith.mulf %add3A_540, %exp3A : vector<16xf32>
      %add3A_542 = arith.constant -0.0476654842 : f32
      %add3A_543 = vector.broadcast %add3A_542 : f32 to vector<16xf32>
      %add3A_544 = arith.addf %mul3A_541, %add3A_543 : vector<16xf32>
      %mul3A_545 = arith.mulf %add3A_544, %exp3A : vector<16xf32>
      %add3A_546 = arith.constant 0.0954856649 : f32
      %add3A_547 = vector.broadcast %add3A_546 : f32 to vector<16xf32>
      %add3A_548 = arith.addf %mul3A_545, %add3A_547 : vector<16xf32>
      %mul3A_549 = arith.mulf %add3A_548, %exp3A : vector<16xf32>
      %add3A_550 = arith.constant -0.14586474 : f32
      %add3A_551 = vector.broadcast %add3A_550 : f32 to vector<16xf32>
      %add3A_552 = arith.addf %mul3A_549, %add3A_551 : vector<16xf32>
      %mul3A_553 = arith.mulf %add3A_552, %exp3A : vector<16xf32>
      %add3A_554 = arith.constant 0.193751663 : f32
      %add3A_555 = vector.broadcast %add3A_554 : f32 to vector<16xf32>
      %add3A_556 = arith.addf %mul3A_553, %add3A_555 : vector<16xf32>
      %mul3A_557 = arith.mulf %add3A_556, %exp3A : vector<16xf32>
      %add3A_558 = arith.constant -0.248784244 : f32
      %add3A_559 = vector.broadcast %add3A_558 : f32 to vector<16xf32>
      %add3A_560 = arith.addf %mul3A_557, %add3A_559 : vector<16xf32>
      %mul3A_561 = arith.mulf %add3A_560, %exp3A : vector<16xf32>
      %add3A_562 = arith.constant 0.333191901 : f32
      %add3A_563 = vector.broadcast %add3A_562 : f32 to vector<16xf32>
      %add3A_564 = arith.addf %mul3A_561, %add3A_563 : vector<16xf32>
      %mul3A_565 = arith.mulf %add3A_564, %exp3A : vector<16xf32>
      %add3A_566 = arith.constant -0.499991417 : f32
      %add3A_567 = vector.broadcast %add3A_566 : f32 to vector<16xf32>
      %add3A_568 = arith.addf %mul3A_565, %add3A_567 : vector<16xf32>
      %mul3A_569 = arith.mulf %add3A_568, %exp3A : vector<16xf32>
      %add3A_570 = arith.constant 0.999999821 : f32
      %add3A_571 = vector.broadcast %add3A_570 : f32 to vector<16xf32>
      %add3A_572 = arith.addf %mul3A_569, %add3A_571 : vector<16xf32>
      %mul3A_573 = arith.mulf %add3A_572, %exp3A : vector<16xf32>
      %add3A_574 = arith.constant 8.18445977E-10 : f32
      %add3A_575 = vector.broadcast %add3A_574 : f32 to vector<16xf32>
      %add3A_576 = arith.addf %mul3A_573, %add3A_575 : vector<16xf32>
      %max3A = arith.constant 0.000000e+00 : f32
      %max3A_577 = vector.broadcast %max3A : f32 to vector<16xf32>
      %max3A_578 = arith.maximumf %add3A_528, %max3A_577 : vector<16xf32>
      %mul3A_579 = arith.mulf %add3A_528, %get3A_532 : vector<16xf32>
      %sub3A = arith.subf %max3A_578, %mul3A_579 : vector<16xf32>
      %add3A_580 = arith.addf %sub3A, %add3A_576 : vector<16xf32>
      %add3A_581 = arith.addf %scan3A_265, %add3A_580 : vector<16xf32>
      scf.yield %add3A_581 : vector<16xf32>
    }
    %scan3A_257 = arith.constant 8 : i32
    %mul3A_258 = arith.constant 6.10351563E-5 : f32
    %mul3A_259 = vector.broadcast %mul3A_258 : f32 to vector<16xf32>
    %mul3A_260 = arith.mulf %scan3A_256, %mul3A_259 : vector<16xf32>
    %swap3A = arith.constant 0 : index
    %swap3A_261 = tpu.vector_load %arg15[%swap3A] {strides = array<i32>} : memref<16xf32, #tpu.memory_space<vmem>>, vector<16xf32>,
    tpu.vector_store %arg15[%swap3A], %mul3A_260 {strides = array<i32>} : memref<16xf32, #tpu.memory_space<vmem>>, vector<16xf32>,
    "tpu.region"() ({
      %run_scoped3A = tpu.sem_alloc : memref<!tpu.dma_semaphore, #tpu.memory_space<semaphore_mem>>
      %dma_start3A_264 = arith.constant 0 : i32
      %dma_start3A_265 = tpu.memref_slice %arg17[%arg1, %dma_start3A_264] : memref<16x16xf32, #tpu.memory_space<vmem_shared>> -> memref<1x16xf32, #tpu.memory_space<vmem_shared>>
      %dma_start3A_266 = tpu.memref_squeeze %dma_start3A_265 : memref<1x16xf32, #tpu.memory_space<vmem_shared>> -> memref<16xf32, #tpu.memory_space<vmem_shared>>
      %dma_start3A_267 = arith.constant 0 : i32
      %dma_start3A_268 = tpu.memref_slice %arg17[%arg1, %dma_start3A_267] : memref<16x16xf32, #tpu.memory_space<vmem_shared>> -> memref<1x16xf32, #tpu.memory_space<vmem_shared>>
      %dma_start3A_269 = tpu.memref_squeeze %dma_start3A_268 : memref<1x16xf32, #tpu.memory_space<vmem_shared>> -> memref<16xf32, #tpu.memory_space<vmem_shared>>
      tpu.enqueue_dma source(%arg15 : memref<16xf32, #tpu.memory_space<vmem>>) target(%dma_start3A_269 : memref<16xf32, #tpu.memory_space<vmem_shared>>) target_semaphore(%run_scoped3A : memref<!tpu.dma_semaphore, #tpu.memory_space<semaphore_mem>>)
      %dma_wait3A_270 = arith.constant 0 : i32
      %dma_wait3A_271 = tpu.memref_slice %arg17[%arg1, %dma_wait3A_270] : memref<16x16xf32, #tpu.memory_space<vmem_shared>> -> memref<1x16xf32, #tpu.memory_space<vmem_shared>>
      %dma_wait3A_272 = tpu.memref_squeeze %dma_wait3A_271 : memref<1x16xf32, #tpu.memory_space<vmem_shared>> -> memref<16xf32, #tpu.memory_space<vmem_shared>>
      %dma_wait3A_273 = arith.constant 0 : i32
      %dma_wait3A_274 = tpu.memref_slice %arg17[%arg1, %dma_wait3A_273] : memref<16x16xf32, #tpu.memory_space<vmem_shared>> -> memref<1x16xf32, #tpu.memory_space<vmem_shared>>
      %dma_wait3A_275 = tpu.memref_squeeze %dma_wait3A_274 : memref<1x16xf32, #tpu.memory_space<vmem_shared>> -> memref<16xf32, #tpu.memory_space<vmem_shared>>
      tpu.wait_dma2 semaphore(%run_scoped3A : memref<!tpu.dma_semaphore, #tpu.memory_space<semaphore_mem>>) src(%arg15 : memref<16xf32, #tpu.memory_space<vmem>>) dst(%dma_wait3A_275 : memref<16xf32, #tpu.memory_space<vmem_shared>>)
      tpu.yield
    }) : () -> ()
    %barrier3A = arith.constant 0 : index
    tpu.barrier barrier_id(%barrier3A)
    %eq3A = arith.constant 0 : i32
    %eq3A_262 = arith.cmpi eq, %arg1, %eq3A : i32
    %convert_element_type3A = arith.extui %eq3A_262 : i1 to i32
    %cond3A = arith.constant 0 : i32
    %cond3A_263 = arith.cmpi ne, %convert_element_type3A, %cond3A : i32
    scf.if %cond3A_263 {
      "tpu.region"() ({
        %run_scoped3A = tpu.sem_alloc : memref<!tpu.dma_semaphore, #tpu.memory_space<semaphore_mem>>
        tpu.enqueue_dma source(%arg17 : memref<16x16xf32, #tpu.memory_space<vmem_shared>>) target(%arg16 : memref<16x16xf32, #tpu.memory_space<vmem>>) target_semaphore(%run_scoped3A : memref<!tpu.dma_semaphore, #tpu.memory_space<semaphore_mem>>)
        tpu.wait_dma2 semaphore(%run_scoped3A : memref<!tpu.dma_semaphore, #tpu.memory_space<semaphore_mem>>) src(%arg17 : memref<16x16xf32, #tpu.memory_space<vmem_shared>>) dst(%arg16 : memref<16x16xf32, #tpu.memory_space<vmem>>)
        tpu.yield
      }) : () -> ()
      %get3A_264 = arith.constant 0 : i32
      %get3A_265 = arith.index_cast %get3A_264 : i32 to index
      %get3A_266 = arith.constant 0 : index
      %get3A_267 = tpu.vector_load %arg16[%get3A_265, %get3A_266] {strides = array<i32>} : memref<16x16xf32, #tpu.memory_space<vmem>>, vector<16xf32>,
      %get3A_268 = arith.constant 1 : i32
      %get3A_269 = arith.index_cast %get3A_268 : i32 to index
      %get3A_270 = arith.constant 0 : index
      %get3A_271 = tpu.vector_load %arg16[%get3A_269, %get3A_270] {strides = array<i32>} : memref<16x16xf32, #tpu.memory_space<vmem>>, vector<16xf32>,
      %add3A_272 = arith.addf %get3A_267, %get3A_271 : vector<16xf32>
      %get3A_273 = arith.constant 2 : i32
      %get3A_274 = arith.index_cast %get3A_273 : i32 to index
      %get3A_275 = arith.constant 0 : index
      %get3A_276 = tpu.vector_load %arg16[%get3A_274, %get3A_275] {strides = array<i32>} : memref<16x16xf32, #tpu.memory_space<vmem>>, vector<16xf32>,
      %add3A_277 = arith.addf %add3A_272, %get3A_276 : vector<16xf32>
      %get3A_278 = arith.constant 3 : i32
      %get3A_279 = arith.index_cast %get3A_278 : i32 to index
      %get3A_280 = arith.constant 0 : index
      %get3A_281 = tpu.vector_load %arg16[%get3A_279, %get3A_280] {strides = array<i32>} : memref<16x16xf32, #tpu.memory_space<vmem>>, vector<16xf32>,
      %add3A_282 = arith.addf %add3A_277, %get3A_281 : vector<16xf32>
      %get3A_283 = arith.constant 4 : i32
      %get3A_284 = arith.index_cast %get3A_283 : i32 to index
      %get3A_285 = arith.constant 0 : index
      %get3A_286 = tpu.vector_load %arg16[%get3A_284, %get3A_285] {strides = array<i32>} : memref<16x16xf32, #tpu.memory_space<vmem>>, vector<16xf32>,
      %add3A_287 = arith.addf %add3A_282, %get3A_286 : vector<16xf32>
      %get3A_288 = arith.constant 5 : i32
      %get3A_289 = arith.index_cast %get3A_288 : i32 to index
      %get3A_290 = arith.constant 0 : index
      %get3A_291 = tpu.vector_load %arg16[%get3A_289, %get3A_290] {strides = array<i32>} : memref<16x16xf32, #tpu.memory_space<vmem>>, vector<16xf32>,
      %add3A_292 = arith.addf %add3A_287, %get3A_291 : vector<16xf32>
      %get3A_293 = arith.constant 6 : i32
      %get3A_294 = arith.index_cast %get3A_293 : i32 to index
      %get3A_295 = arith.constant 0 : index
      %get3A_296 = tpu.vector_load %arg16[%get3A_294, %get3A_295] {strides = array<i32>} : memref<16x16xf32, #tpu.memory_space<vmem>>, vector<16xf32>,
      %add3A_297 = arith.addf %add3A_292, %get3A_296 : vector<16xf32>
      %get3A_298 = arith.constant 7 : i32
      %get3A_299 = arith.index_cast %get3A_298 : i32 to index
      %get3A_300 = arith.constant 0 : index
      %get3A_301 = tpu.vector_load %arg16[%get3A_299, %get3A_300] {strides = array<i32>} : memref<16x16xf32, #tpu.memory_space<vmem>>, vector<16xf32>,
      %add3A_302 = arith.addf %add3A_297, %get3A_301 : vector<16xf32>
      %get3A_303 = arith.constant 8 : i32
      %get3A_304 = arith.index_cast %get3A_303 : i32 to index
      %get3A_305 = arith.constant 0 : index
      %get3A_306 = tpu.vector_load %arg16[%get3A_304, %get3A_305] {strides = array<i32>} : memref<16x16xf32, #tpu.memory_space<vmem>>, vector<16xf32>,
      %add3A_307 = arith.addf %add3A_302, %get3A_306 : vector<16xf32>
      %get3A_308 = arith.constant 9 : i32
      %get3A_309 = arith.index_cast %get3A_308 : i32 to index
      %get3A_310 = arith.constant 0 : index
      %get3A_311 = tpu.vector_load %arg16[%get3A_309, %get3A_310] {strides = array<i32>} : memref<16x16xf32, #tpu.memory_space<vmem>>, vector<16xf32>,
      %add3A_312 = arith.addf %add3A_307, %get3A_311 : vector<16xf32>
      %get3A_313 = arith.constant 10 : i32
      %get3A_314 = arith.index_cast %get3A_313 : i32 to index
      %get3A_315 = arith.constant 0 : index
      %get3A_316 = tpu.vector_load %arg16[%get3A_314, %get3A_315] {strides = array<i32>} : memref<16x16xf32, #tpu.memory_space<vmem>>, vector<16xf32>,
      %add3A_317 = arith.addf %add3A_312, %get3A_316 : vector<16xf32>
      %get3A_318 = arith.constant 11 : i32
      %get3A_319 = arith.index_cast %get3A_318 : i32 to index
      %get3A_320 = arith.constant 0 : index
      %get3A_321 = tpu.vector_load %arg16[%get3A_319, %get3A_320] {strides = array<i32>} : memref<16x16xf32, #tpu.memory_space<vmem>>, vector<16xf32>,
      %add3A_322 = arith.addf %add3A_317, %get3A_321 : vector<16xf32>
      %get3A_323 = arith.constant 12 : i32
      %get3A_324 = arith.index_cast %get3A_323 : i32 to index
      %get3A_325 = arith.constant 0 : index
      %get3A_326 = tpu.vector_load %arg16[%get3A_324, %get3A_325] {strides = array<i32>} : memref<16x16xf32, #tpu.memory_space<vmem>>, vector<16xf32>,
      %add3A_327 = arith.addf %add3A_322, %get3A_326 : vector<16xf32>
      %get3A_328 = arith.constant 13 : i32
      %get3A_329 = arith.index_cast %get3A_328 : i32 to index
      %get3A_330 = arith.constant 0 : index
      %get3A_331 = tpu.vector_load %arg16[%get3A_329, %get3A_330] {strides = array<i32>} : memref<16x16xf32, #tpu.memory_space<vmem>>, vector<16xf32>,
      %add3A_332 = arith.addf %add3A_327, %get3A_331 : vector<16xf32>
      %get3A_333 = arith.constant 14 : i32
      %get3A_334 = arith.index_cast %get3A_333 : i32 to index
      %get3A_335 = arith.constant 0 : index
      %get3A_336 = tpu.vector_load %arg16[%get3A_334, %get3A_335] {strides = array<i32>} : memref<16x16xf32, #tpu.memory_space<vmem>>, vector<16xf32>,
      %add3A_337 = arith.addf %add3A_332, %get3A_336 : vector<16xf32>
      %get3A_338 = arith.constant 15 : i32
      %get3A_339 = arith.index_cast %get3A_338 : i32 to index
      %get3A_340 = arith.constant 0 : index
      %get3A_341 = tpu.vector_load %arg16[%get3A_339, %get3A_340] {strides = array<i32>} : memref<16x16xf32, #tpu.memory_space<vmem>>, vector<16xf32>,
      %add3A_342 = arith.addf %add3A_337, %get3A_341 : vector<16xf32>
      %swap3A_343 = arith.constant 0 : index
      %swap3A_344 = tpu.vector_load %arg15[%swap3A_343] {strides = array<i32>} : memref<16xf32, #tpu.memory_space<vmem>>, vector<16xf32>,
      tpu.vector_store %arg15[%swap3A_343], %add3A_342 {strides = array<i32>} : memref<16xf32, #tpu.memory_space<vmem>>, vector<16xf32>,
      "tpu.region"() ({
        %run_scoped3A = tpu.sem_alloc : memref<!tpu.dma_semaphore, #tpu.memory_space<semaphore_mem>>
        %dma_start3A_345 = arith.constant 0 : i32
        %dma_start3A_346 = tpu.memref_slice %arg8[%arg0, %dma_start3A_345] : memref<2x16xf32, #tpu.memory_space<hbm>> -> memref<1x16xf32, #tpu.memory_space<hbm>>
        %dma_start3A_347 = tpu.memref_squeeze %dma_start3A_346 : memref<1x16xf32, #tpu.memory_space<hbm>> -> memref<16xf32, #tpu.memory_space<hbm>>
        %dma_start3A_348 = arith.constant 0 : i32
        %dma_start3A_349 = tpu.memref_slice %arg8[%arg0, %dma_start3A_348] : memref<2x16xf32, #tpu.memory_space<hbm>> -> memref<1x16xf32, #tpu.memory_space<hbm>>
        %dma_start3A_350 = tpu.memref_squeeze %dma_start3A_349 : memref<1x16xf32, #tpu.memory_space<hbm>> -> memref<16xf32, #tpu.memory_space<hbm>>
        tpu.enqueue_dma source(%arg15 : memref<16xf32, #tpu.memory_space<vmem>>) target(%dma_start3A_350 : memref<16xf32, #tpu.memory_space<hbm>>) target_semaphore(%run_scoped3A : memref<!tpu.dma_semaphore, #tpu.memory_space<semaphore_mem>>)
        %dma_wait3A_351 = arith.constant 0 : i32
        %dma_wait3A_352 = tpu.memref_slice %arg8[%arg0, %dma_wait3A_351] : memref<2x16xf32, #tpu.memory_space<hbm>> -> memref<1x16xf32, #tpu.memory_space<hbm>>
        %dma_wait3A_353 = tpu.memref_squeeze %dma_wait3A_352 : memref<1x16xf32, #tpu.memory_space<hbm>> -> memref<16xf32, #tpu.memory_space<hbm>>
        %dma_wait3A_354 = arith.constant 0 : i32
        %dma_wait3A_355 = tpu.memref_slice %arg8[%arg0, %dma_wait3A_354] : memref<2x16xf32, #tpu.memory_space<hbm>> -> memref<1x16xf32, #tpu.memory_space<hbm>>
        %dma_wait3A_356 = tpu.memref_squeeze %dma_wait3A_355 : memref<1x16xf32, #tpu.memory_space<hbm>> -> memref<16xf32, #tpu.memory_space<hbm>>
        tpu.wait_dma2 semaphore(%run_scoped3A : memref<!tpu.dma_semaphore, #tpu.memory_space<semaphore_mem>>) src(%arg15 : memref<16xf32, #tpu.memory_space<vmem>>) dst(%dma_wait3A_356 : memref<16xf32, #tpu.memory_space<hbm>>)
        tpu.yield
      }) : () -> ()
    } else {
    }
    return
  }
}

</mosaic_0001>

<sc_bundles>
// kernel: kernel.3.cloned.1.call-start
scs
__scs_entry_jumppad:
0x0: {  	(pc) =	sbr.rel $0x88, $3  }
0x1: {  	(tag) =	ssettag $0x0;
	lr =	simm.s32 $0x1  }
0x2: {  	[smem:$0x3F9A] =	sst lr;
	_ =	strace $0xD0000000  }
0x3: {  	_ = 	snop  }
0x4: {  	_ = 	snop  }
0x5: {  	_ = 	snop  }
0x6: {  	_ = 	snop  }
0x7: {  	_ = 	snop  }
__scs_overlays_trampoline_lowered:
0x8: {  	[smem:$0x3FA9] =	sst s0  }
0x9: {  	[smem:$0x3FAA] =	sst s1  }
0xa: {  	[smem:$0x3FAB] =	sst s2  }
0xb: {  	[smem:$0x3FAC] =	sst s3  }
0xc: {  	[smem:$0x3FAD] =	sst s4  }
0xd: {  	[smem:$0x3FAE] =	sst s5  }
0xe: {  	[smem:$0x3FAF] =	sst s6  }
0xf: {  	[smem:$0x3FB0] =	sst s7  }
0x10: {  	[smem:$0x3FB1] =	sst s8  }
0x11: {  	[smem:$0x3FB2] =	sst s9;
	s0 =	simm.s32 @!p0 $0x0  }
0x12: {  	s1 =	sld [smem:$0x3F98];
	s0 =	simm.s32 @p0 $0x1  }
0x13: {  	[smem:$0x3FB3] =	sst s0;
	s0 =	simm.s32 @!p1 $0x0  }
0x14: {  	s2 =	sld [smem:$0x3F97];
	s0 =	simm.s32 @p1 $0x1  }
0x15: {  	[smem:$0x3FB4] =	sst s0;
	s0 =	simm.s32 @!p2 $0x0  }
0x16: {  	s3 =	sld [smem:$0x3FDB];
	s0 =	simm.s32 @p2 $0x1  }
0x17: {  	s4 =	simm.s32 $0x1BF5;
	[smem:$0x3FB6] =	sst s0  }
0x18: {  	s0 =	sld [smem:$0x3F99];
	_ =	swait.ge [sflag:s4], $0x0  }
0x19: {  	s7 =	sld [smem:$0x3F9A]  }
0x1a: {  	s8 =	sadd.s32 $0xFFFFE003, lr  }
0x1b: {  	s9 =	sadd.s32 $0xFFFFFEF7, lr;
	s5 =	simm.s32 $0xFFFFFFFF;
	p2 =	slt.u32 s8, $0xFFFFF086  }
0x1c: {  	p1 =	slt.u32 s9, $0xF7A;
	s5 =	simm.s32 @!p2 $0x0  }
0x1d: {  	s5 =	simm.s32 @p1 $0x1;
	p0 =	seq.s32 s7, s2  }
0x1e: {  	s7 =	smul.u32 @!p0 $0xF7A, s2;
	p2 =	seq.s32 @!p0 s5, $0x0  }
0x1f: {  	s9 =	smul.u32 $0xF7A, s1;
	s8 =	simm.s32 @!p0 $0x1BF5;
	p2 =	por !p2, p0  }
0x20: {  	[sflag:s8] =	ssyncset.s32 @!p0 $0xFFFFF086;
	s6 =	sadd.s32 @!p0 s3, s7;
	s7 =	simm.s32 @!p0 $0x108  }
0x21: {  	s3 =	sadd.s32 s3, s9;
	s6 =	sadd.s32 @!p0 $0x88, s6;
	s7 =	simm.s32 @p2 $0x1082  }
0x22: {  	[simem:s7], [sflag:s8] =	dma.local @!p0 [hbm:s6], $0xF7A  }
0x23: {  	s9 =	sor.u32 $0xD0000000, s2;
	s6 =	simm.s32 $0x108;
	_ =	swait.ge @!p0 [sflag:s8], $0x0  }
0x24: {  	s3 =	sadd.s32 $0x88, s3;
	s6 =	simm.s32 @!p1 $0x1082;
	[sflag:s4] =	ssyncset.s32 $0xFFFFF086  }
0x25: {  	[simem:s6], [sflag:s4] =	dma.local [hbm:s3], $0xF7A  }
0x26: {  	[smem:$0x3F9A] =	sst s1;
	(tag) =	ssettag s2;
	_ =	strace s9  }
0x27: {  	s1 =	sld [smem:$0x3FAA]  }
0x28: {  	s2 =	sld [smem:$0x3FAB]  }
0x29: {  	s4 =	sld [smem:$0x3FAD]  }
0x2a: {  	p0 =	seq.s32 s5, $0x0;
	s5 =	sld [smem:$0x3FAE]  }
0x2b: {  	s6 =	sld [smem:$0x3FAF]  }
0x2c: {  	s7 =	sld [smem:$0x3FB0]  }
0x2d: {  	s3 =	simm.s32 $0x108;
	s8 =	sld [smem:$0x3FB1]  }
0x2e: {  	s3 =	simm.s32 @!p0 $0x1082;
	s9 =	sld [smem:$0x3FB2]  }
0x2f: {  	lr =	sadd.s32 s0, s3;
	s0 =	sld [smem:$0x3FA9]  }
0x30: {  	s3 =	sld [smem:$0x3FAC]  }
0x31: {  	[smem:$0x3FB5] =	sst s10  }
0x32: {  	s10 =	sld [smem:$0x3FB3];
	_ =	sdelay $0x3  }
0x33: {  	p0 =	seq.s32 s10, $0x1;
	s10 =	sld [smem:$0x3FB5];
	_ =	sdelay $0x3  }
0x34: {  	[smem:$0x3FB5] =	sst s10  }
0x35: {  	s10 =	sld [smem:$0x3FB4];
	_ =	sdelay $0x3  }
0x36: {  	p1 =	seq.s32 s10, $0x1;
	s10 =	sld [smem:$0x3FB5];
	_ =	sdelay $0x3  }
0x37: {  	[smem:$0x3FB5] =	sst s10  }
0x38: {  	s10 =	sld [smem:$0x3FB6]  }
0x39: {  	_ = 	snop;
	(pc) =	sbr.ind lr, $3  }
0x3a: {  	_ = 	snop  }
0x3b: {  	_ = 	snop  }
0x3c: {  	p2 =	seq.s32 s10, $0x1;
	s10 =	sld [smem:$0x3FB5]  }
0x3d: {  	_ =	shalt  }
0x3e: {  	_ =	shalt  }
0x3f: {  	_ =	shalt  }
0x40: {  	_ =	shalt  }
0x41: {  	_ =	shalt  }
0x42: {  	_ =	shalt  }
0x43: {  	_ =	shalt  }
0x44: {  	_ =	shalt  }
0x45: {  	_ =	shalt  }
0x46: {  	_ =	shalt  }
0x47: {  	_ =	shalt  }
0x48: {  	_ =	shalt  }
0x49: {  	_ =	shalt  }
0x4a: {  	_ =	shalt  }
0x4b: {  	_ =	shalt  }
0x4c: {  	_ =	shalt  }
0x4d: {  	_ =	shalt  }
0x4e: {  	_ =	shalt  }
0x4f: {  	_ =	shalt  }
0x50: {  	_ =	shalt  }
0x51: {  	_ =	shalt  }
0x52: {  	_ =	shalt  }
0x53: {  	_ =	shalt  }
0x54: {  	_ =	shalt  }
0x55: {  	_ =	shalt  }
0x56: {  	_ =	shalt  }
0x57: {  	_ =	shalt  }
0x58: {  	_ =	shalt  }
0x59: {  	_ =	shalt  }
0x5a: {  	_ =	shalt  }
0x5b: {  	_ =	shalt  }
0x5c: {  	_ =	shalt  }
0x5d: {  	_ =	shalt  }
0x5e: {  	_ =	shalt  }
0x5f: {  	_ =	shalt  }
0x60: {  	_ =	shalt  }
0x61: {  	_ =	shalt  }
0x62: {  	_ =	shalt  }
0x63: {  	_ =	shalt  }
0x64: {  	_ =	shalt  }
0x65: {  	_ =	shalt  }
0x66: {  	_ =	shalt  }
0x67: {  	_ =	shalt  }
0x68: {  	_ =	shalt  }
0x69: {  	_ =	shalt  }
0x6a: {  	_ =	shalt  }
0x6b: {  	_ =	shalt  }
0x6c: {  	_ =	shalt  }
0x6d: {  	_ =	shalt  }
0x6e: {  	_ =	shalt  }
0x6f: {  	_ =	shalt  }
0x70: {  	_ =	shalt  }
0x71: {  	_ =	shalt  }
0x72: {  	_ =	shalt  }
0x73: {  	_ =	shalt  }
0x74: {  	_ =	shalt  }
0x75: {  	_ =	shalt  }
0x76: {  	_ =	shalt  }
0x77: {  	_ =	shalt  }
0x78: {  	_ =	shalt  }
0x79: {  	_ =	shalt  }
0x7a: {  	_ =	shalt  }
0x7b: {  	_ =	shalt  }
0x7c: {  	_ =	shalt  }
0x7d: {  	_ =	shalt  }
0x7e: {  	_ =	shalt  }
0x7f: {  	_ =	shalt  }
0x80: {  	_ =	shalt  }
0x81: {  	_ =	shalt  }
0x82: {  	_ =	shalt  }
0x83: {  	_ =	shalt  }
0x84: {  	_ =	shalt  }
0x85: {  	_ =	shalt  }
0x86: {  	_ =	shalt  }
0x87: {  	_ =	shalt  }
.Lfunc_end0:
.L_simem_size_0:
called_computation_lowered:
.L_overlay_start_0:
0x88: {  	s2 =	sld [smem:$0x3FD9]  }
0x89: {  	s3 =	sld [smem:$0x3FFE];
	_ =	sdelay $0x1  }
0x8a: {  	s1 =	srdreg.scid  }
0x8b: {  	s0 =	sand.u32 $0x1, s1  }
0x8c: {  	s17 =	sshll.u32 s0, $0xA;
	s2 =	sadd.s32 s3, s2  }
0x8d: {  	s2 =	sadd.s32 s2, s17  }
0x8e: {  	[smem:$0x3FC1] =	sst s2  }
0x8f: {  	_ = 	snop  }
0x90: {  	s2 =	sld [smem:$0x3FC9]  }
0x91: {  	s18 =	sld [smem:$0x3FC8]  }
0x92: {  	s4 =	sld [smem:$0x3FC7]  }
0x93: {  	s5 =	sld [smem:$0x3FD0];
	(tm) =	ssettm $0x1  }
0x94: {  	s6 =	sld [smem:$0x3FFB];
	_ =	sdelay $0x3  }
0x95: {  	_ =	strace s6  }
0x96: {  	s6 =	sld [smem:$0x3FFC];
	_ =	sdelay $0x3  }
0x97: {  	_ =	strace s6  }
0x98: {  	s6 =	sld [smem:$0x3FFD];
	_ =	sdelay $0x3  }
0x99: {  	_ =	strace s6  }
0x9a: {  	_ =	strace $0x8FFFFFFF  }
0x9b: {  	s19 =	sld [smem:$0x3FDB];
	_ =	sdelay $0x1  }
0x9c: {  	s7 =	simm.s32 $_scs_section_size  }
0x9d: {  	s8 =	simm.s32 $_size__tile_overlayer_lowered;
	s9 =	simm.s32 $_tile_overlayer_lowered  }
0x9e: {  	s22 =	simm.s32 $0x1BFF;
	s21 =	sshll.u32 s9, $0x1;
	s6 =	sadd.s32 s7, s19  }
0x9f: {  	s10 =	simm.s32 $0x0;
	s20 =	sshll.u32 s8, $0x1;
	s8 =	sadd.s32 s21, s6  }
0xa0: {  	[timem:s10], [sflag:s22] =	dma.local [hbm:s8], s20  }
0xa1: {  	_ =	swait.ge [sflag:s22], s20  }
0xa2: {  	s7 =	ssub.s32 $0x0, s20;
	[sflag:s22] =	ssyncset.done $0x0  }
0xa3: {  	[sflag:s22] =	ssyncadd.s32 s7;
	_ =	sdelay $0x1  }
0xa4: {  	s23 =	simm.s32 $0x1B8B  }
0xa5: {  	_ =	swait.ge [sflag:s23], $0x1  }
0xa6: {  	[sflag:s23] =	ssyncset.done $0x0  }
0xa7: {  	s25 =	simm.s32 $0x1B8E;
	s24 =	sld [smem:$0x3FFE];
	[sflag:s23] =	ssyncadd.s32 $0xFFFFFFFF  }
0xa8: {  	s26 =	simm.s32 $execute0_lowered;
	[smem:$0x3FD2] =	sst s25  }
0xa9: {  	s8 =	sshll.u32 s26, $0x1;
	_ =	strace $0x80000046;
	[dreg:$0x1] =	wrdreg $0xFFFFFFFF  }
0xaa: {  	s28 =	simm.s32 $_size_execute0_lowered;
	s6 =	sadd.s32 s6, s8;
	[dreg:$0x0] =	wrdreg $0x0  }
0xab: {  	s8 =	sshll.u32 s28, $0x1;
	[dreg:$0x2] =	wrdreg s6  }
0xac: {  	[dreg:$0x3] =	wrdreg s8  }
0xad: {  	[dreg:$0x4] =	wrdreg $0xC0  }
0xae: {  	_ =	task [dreg:s10], $0x5FFFF  }
0xaf: {  	[dreg:$0x1] =	wrdreg $0xFFFFFFFF  }
0xb0: {  	[dreg:$0x0] =	wrdreg $0x60  }
0xb1: {  	[dreg:$0x2] =	wrdreg s2  }
0xb2: {  	[dreg:$0x3] =	wrdreg s18  }
0xb3: {  	[dreg:$0x4] =	wrdreg s4  }
0xb4: {  	[dreg:$0x5] =	wrdreg s24  }
0xb5: {  	[dreg:$0x6] =	wrdreg s5  }
0xb6: {  	[dreg:$0x7] =	wrdreg $0x87400  }
0xb7: {  	[dreg:$0x8] =	wrdreg $0x9  }
0xb8: {  	_ =	task.clear_ibuf [dreg:s10], $0x9FFFF;
	_ =	strace $0x90000046  }
0xb9: {  	s29 =	simm.s32 $0x9;
	_ =	strace $0x80000048  }
0xba: {  	_ =	swait.ge [sflag:s29], $0x1  }
0xbb: {  	[sflag:s29] =	ssyncadd.s32 $0xFFFFFFFF  }
0xbc: {  	_ =	strace $0x90000048  }
0xbd: {  	_ =	sfence  }
0xbe: {  	s30 =	sld [smem:$0x0];
	_ =	sdelay $0x2  }
0xbf: {  	s31 =	sshll.u32 s1, $0xD;
	s1 =	sshrl.u32 s1, $0x2  }
0xc0: {  	s3 =	sand.u32 $0x4000, s31;
	s1 =	sadd.s32 s1, s30  }
0xc1: {  	s0 =	sor.u32 s3, s0;
	s1 =	sshll.u32 s1, $0x11  }
0xc2: {  	s0 =	sor.u32 s1, s0  }
0xc3: {  	s0 =	sadd.s32 $0x8F2B, s0  }
0xc4: {  	[sflag:s0] =	ssyncadd.remote.s32 $0x1  }
0xc5: {  	_ =	sfence.sel $0xFFFF  }
0xc6: {  	[dreg:$0x0] =	wrdreg $0xFFFFFFFF;
	(pc) =	sbr.abs _section_cstart, $3  }
0xc7: {  	[dreg:$0x1] =	wrdreg $0xFFFFFFFF  }
0xc8: {  	_ =	task.clear_ibuf [dreg:s10], $0x2FFFF;
	_ =	strace $0x9FFFFFFF  }
0xc9: {  	(tm) =	ssettm $0x7FFFFFFF  }
tec
execute0_lowered:
.L_overlay_start_1:
0x0: {  	(tag) =	ssettag $0x1  }
0x1: {  	s0 =	rddreg [dreg:$0x0]  }
0x2: {  	s1 =	rddreg [dreg:$0x1]  }
0x3: {  	s8 =	rddreg [dreg:$0x2]  }
0x4: {  	s6 =	rddreg [dreg:$0x3]  }
0x5: {  	s2 =	rddreg [dreg:$0x5]  }
0x6: {  	s3 =	simm.s32 $0x0;
	s7 =	srdreg.scid;
	s14 =	stileid.u32  }
0x7: {  	s13 =	simm.s32 $0x200;
	s15 =	simm.s32 $0x80;
	s16 =	simm.s32 $0x400  }
0x8: {  	s17 =	simm.s32 $0x4400;
	s19 =	simm.s32 $0x280;
	s20 =	simm.s32 $0x5400  }
0x9: {  	s21 =	simm.s32 $0x100;
	s22 =	simm.s32 $0x2400;
	s23 =	simm.s32 $0x300  }
0xa: {  	s24 =	simm.s32 $0x6400;
	s28 =	simm.s32 $0x380;
	s29 =	simm.s32 $0x7400  }
0xb: {  	s30 =	simm.s32 $0x1;
	s31 =	simm.s32 $0x8630;
	[smem:$0x7FF] =	sst s3  }
0xc: {  	s4 =	sadd.s32 $0x1313000, s6;
	s5 =	sadd.s32 $0xF42600, s6;
	s7 =	sand.u32 $0x1, s7  }
0xd: {  	s10 =	sshll.u32 s14, $0x7;
	s26 =	sshll.u32 s14, $0x4;
	p0 =	sne.s32 s14, $0x0  }
0xe: {  	_ =	strace $0x80000047;
	s9 =	ssub.s32 $0x2, s7;
	s11 =	sshll.u32 s7, $0x6  }
0xf: {  	s7 =	sshll.u32 s7, $0x1;
	s12 =	sshrl.u32 s9, $0x1;
	s10 =	sor.u32 s11, s10  }
0x10: {  	s25 =	sadd.s32 s7, s6;
	s12 =	ssub.s32 s9, s12;
	s6 =	sadd.s32 s0, s10  }
0x11: {  	s7 =	sadd.s32 s1, s10;
	s8 =	sadd.s32 s8, s10;
	s9 =	sadd.s32 s26, s2  }
0x12: {  	v0 =	vlaneseq.u32;
	s10 =	sadd.s32 $0x200, s25;
	s25 =	simm.s32 $0x180;
	s26 =	simm.s32 $0x3400  }
0x13: {  	v0 =	vmul.u32 $0x20, v0;
	s0 =	simm.s32 $0x0;
	s11 =	smax.u32 s12, $0x1;
	s12 =	simm.s32 $0x2  }
.LBB2_1:
0x14: {  	[tilespmem:s3], [sflag:$0x2] =	stream.linear.gather [hbm4b:s6+s3], $0x200, $0x38;
	[tilespmem:$0x8750] =	vst v63  }
0x15: {  	_ =	swait.ge [sflag:s12], $0x200  }
0x16: {  	[sflag:s12] =	ssyncset.done $0x0  }
0x17: {  	[sflag:s12] =	ssyncadd.s32 $0xFFFFFE00  }
0x18: {  	[tilespmem:s13], [sflag:$0x2] =	stream.linear.gather [hbm4b:s7+s3], $0x200, $0x38;
	[tilespmem:$0x8750] =	vst v63  }
0x19: {  	_ =	swait.ge [sflag:s12], $0x200  }
0x1a: {  	[sflag:s12] =	ssyncset.done $0x0  }
0x1b: {  	[sflag:s12] =	ssyncadd.s32 $0xFFFFFE00  }
0x1c: {  	s14 =	simm.s32 $0x8400;
	s1 =	rddreg [dreg:$0x4]  }
0x1d: {  	[tilespmem:s14], [sflag:$0x2] =	stream.linear.gather [hbm4b:s1+s3], $0x30, $0x38;
	[tilespmem:$0x8750] =	vst v63  }
0x1e: {  	_ =	swait.ge [sflag:s12], $0x30  }
0x1f: {  	[sflag:s12] =	ssyncset.done $0x0  }
0x20: {  	s1 =	simm.s32 $0x8430;
	[sflag:s12] =	ssyncadd.s32 $0xFFFFFFD0  }
0x21: {  	[tilespmem:s1], [sflag:$0x2] =	stream.linear.gather [hbm4b:s8+s3], $0x200, $0x38;
	[tilespmem:$0x8750] =	vst v63  }
0x22: {  	_ =	swait.ge [sflag:s12], $0x200  }
0x23: {  	[sflag:s12] =	ssyncset.done $0x0  }
0x24: {  	[sflag:s12] =	ssyncadd.s32 $0xFFFFFE00  }
0x25: {  	[tilespmem:s16], [sflag:$0x1] =	stream.indirect.gather [hbm4b:s4+s15], $0x20, s3, s15, $0xb8;
	[tilespmem:$0x8750] =	vst v63  }
0x26: {  	_ = 	snop  }
0x27: {  	[tilespmem:s17], [sflag:$0x1] =	stream.indirect.gather [hbm4b:s5+s15], $0x20, s13, s15, $0xb8;
	[tilespmem:$0x8750] =	vst v63  }
0x28: {  	s18 =	simm.s32 $0x1400  }
0x29: {  	[tilespmem:s18], [sflag:$0x1] =	stream.indirect.gather [hbm4b:s4+s15], $0x20, s15, s15, $0xb8;
	[tilespmem:$0x8750] =	vst v63  }
0x2a: {  	_ = 	snop  }
0x2b: {  	[tilespmem:s20], [sflag:$0x1] =	stream.indirect.gather [hbm4b:s5+s15], $0x20, s19, s15, $0xb8;
	[tilespmem:$0x8750] =	vst v63  }
0x2c: {  	_ = 	snop  }
0x2d: {  	[tilespmem:s22], [sflag:$0x1] =	stream.indirect.gather [hbm4b:s4+s15], $0x20, s21, s15, $0xb8;
	[tilespmem:$0x8750] =	vst v63  }
0x2e: {  	_ = 	snop  }
0x2f: {  	[tilespmem:s24], [sflag:$0x1] =	stream.indirect.gather [hbm4b:s5+s15], $0x20, s23, s15, $0xb8;
	[tilespmem:$0x8750] =	vst v63  }
0x30: {  	_ = 	snop  }
0x31: {  	[tilespmem:s26], [sflag:$0x1] =	stream.indirect.gather [hbm4b:s4+s15], $0x20, s25, s15, $0xb8;
	[tilespmem:$0x8750] =	vst v63  }
0x32: {  	_ = 	snop  }
0x33: {  	[tilespmem:s29], [sflag:$0x1] =	stream.indirect.gather [hbm4b:s5+s15], $0x20, s28, s15, $0xb8;
	[tilespmem:$0x8750] =	vst v63  }
0x34: {  	v17 =	vld [tilespmem:$0x8400]  }
0x35: {  	v2 =	vmov s3;
	v33 =	vld [tilespmem:$0x8410]  }
0x36: {  	v2 =	vshll.u32 v2, $0x5;
	v1 =	vld.msk [tilespmem:$0x8420 ss:$0x0], $0xffff;
	_ =	swait.ge [sflag:s30], $0x1000  }
0x37: {  	v28 =	vor.u32 v0, v2;
	[sflag:s30] =	ssyncset.done $0x0  }
0x38: {  	[sflag:s30] =	ssyncadd.s32 $0xFFFFF000  }
0x39: {  	v2 =	vor.u32 $0x2, v28;
	_ =	swait.ge [sflag:s30], $0x1000  }
0x3a: {  	v3 =	vor.u32 $0x1, v28;
	[sflag:s30] =	ssyncset.done $0x0  }
0x3b: {  	[sflag:s30] =	ssyncadd.s32 $0xFFFFF000  }
0x3c: {  	v4 =	vld.idx.msk [tilespmem:v28+s16+$0x0], $0xffff  }
0x3d: {  	v6 =	vor.u32 $0x3, v28;
	v7 =	vld.idx.msk [tilespmem:v28+s17+$0x0], $0xffff  }
0x3e: {  	v8 =	vld.idx.msk [tilespmem:v2+s16+$0x0], $0xffff  }
0x3f: {  	v14 =	vor.u32 $0x6, v28;
	v9 =	vld.idx.msk [tilespmem:v3+s16+$0x0], $0xffff  }
0x40: {  	v3 =	vld.idx.msk [tilespmem:v3+s17+$0x0], $0xffff  }
0x41: {  	v10 =	vor.u32 $0x4, v28;
	v11 =	vld.idx.msk [tilespmem:v2+s17+$0x0], $0xffff  }
0x42: {  	v13 =	vld.idx.msk [tilespmem:v6+s16+$0x0], $0xffff  }
0x43: {  	v12 =	vor.u32 $0x5, v28;
	v6 =	vld.idx.msk [tilespmem:v6+s17+$0x0], $0xffff  }
0x44: {  	v19 =	vld.idx.msk [tilespmem:v14+s16+$0x0], $0xffff  }
0x45: {  	v5 =	vbroadcast v17, $0x0;
	v14 =	vld.idx.msk [tilespmem:v14+s17+$0x0], $0xffff;
	v4 =	vmul.f32 v7, v4  }
0x46: {  	v20 =	vor.u32 $0x9, v28;
	v2 =	vbroadcast v17, $0x1;
	v7 =	vld.idx.msk [tilespmem:v10+s16+$0x0], $0xffff  }
0x47: {  	v15 =	vor.u32 $0x7, v28;
	v9 =	vmul.f32 v3, v9;
	v10 =	vld.idx.msk [tilespmem:v10+s17+$0x0], $0xffff;
	v4 =	vmul.f32 v4, v5  }
0x48: {  	v16 =	vor.u32 $0x8, v28;
	v8 =	vmul.f32 v11, v8;
	v11 =	vld.idx.msk [tilespmem:v12+s16+$0x0], $0xffff  }
0x49: {  	v3 =	vbroadcast v17, $0x2;
	v12 =	vld.idx.msk [tilespmem:v12+s17+$0x0], $0xffff;
	v9 =	vmul.f32 v9, v2;
	v18 =	vadd.f32 $0.0e+00, v4  }
0x4a: {  	v13 =	vmul.f32 v6, v13;
	v14 =	vmul.f32 v14, v19  }
0x4b: {  	v19 =	vld.idx.msk [tilespmem:v20+s17+$0x0], $0xffff;
	v8 =	vmul.f32 v8, v3;
	v4 =	vbroadcast v17, $0x3;
	v9 =	vadd.f32 v9, v18  }
0x4c: {  	v21 =	vor.u32 $0xA, v28;
	v18 =	vld.idx.msk [tilespmem:v15+s16+$0x0], $0xffff  }
0x4d: {  	v6 =	vbroadcast v17, $0x4;
	v8 =	vadd.f32 v8, v9;
	v9 =	vmul.f32 v13, v4;
	v13 =	vld.idx.msk [tilespmem:v15+s17+$0x0], $0xffff  }
0x4e: {  	v22 =	vor.u32 $0xB, v28;
	v10 =	vmul.f32 v10, v7;
	v11 =	vmul.f32 v12, v11;
	v12 =	vld.idx.msk [tilespmem:v16+s17+$0x0], $0xffff  }
0x4f: {  	v7 =	vbroadcast v17, $0x5;
	v15 =	vld.idx.msk [tilespmem:v16+s16+$0x0], $0xffff  }
0x50: {  	v23 =	vor.u32 $0xC, v28;
	v10 =	vmul.f32 v10, v6;
	v16 =	vld.idx.msk [tilespmem:v20+s16+$0x0], $0xffff;
	v9 =	vadd.f32 v9, v8  }
0x51: {  	v24 =	vor.u32 $0xD, v28;
	v11 =	vmul.f32 v11, v7;
	v20 =	vld.idx.msk [tilespmem:v21+s16+$0x0], $0xffff  }
0x52: {  	v8 =	vbroadcast v17, $0x6;
	v10 =	vadd.f32 v10, v9;
	v13 =	vmul.f32 v13, v18;
	v18 =	vld.idx.msk [tilespmem:v21+s17+$0x0], $0xffff  }
0x53: {  	v25 =	vor.u32 $0xE, v28;
	v9 =	vbroadcast v17, $0x7;
	v21 =	vld.idx.msk [tilespmem:v22+s16+$0x0], $0xffff  }
0x54: {  	v14 =	vmul.f32 v14, v8;
	v12 =	vmul.f32 v12, v15;
	v15 =	vld.idx.msk [tilespmem:v22+s17+$0x0], $0xffff;
	v11 =	vadd.f32 v11, v10  }
0x55: {  	v26 =	vor.u32 $0xF, v28;
	v22 =	vld.idx.msk [tilespmem:v23+s16+$0x0], $0xffff;
	v16 =	vmul.f32 v19, v16  }
0x56: {  	v19 =	vld.idx.msk [tilespmem:v23+s17+$0x0], $0xffff;
	v10 =	vbroadcast v17, $0x8;
	v13 =	vmul.f32 v13, v9;
	v14 =	vadd.f32 v14, v11  }
0x57: {  	v35 =	vor.u32 $0x17, v28;
	v23 =	vld.idx.msk [tilespmem:v24+s16+$0x0], $0xffff;
	v11 =	vbroadcast v17, $0x9  }
0x58: {  	v13 =	vadd.f32 v13, v14;
	v14 =	vmul.f32 v12, v10;
	v18 =	vmul.f32 v18, v20;
	v20 =	vld.idx.msk [tilespmem:v24+s17+$0x0], $0xffff  }
0x59: {  	v27 =	vor.u32 $0x10, v28;
	v36 =	vor.u32 $0x18, v28;
	v12 =	vbroadcast v17, $0xA;
	v24 =	vld.idx.msk [tilespmem:v25+s16+$0x0], $0xffff  }
0x5a: {  	v16 =	vmul.f32 v16, v11;
	v15 =	vmul.f32 v15, v21;
	v21 =	vld.idx.msk [tilespmem:v25+s17+$0x0], $0xffff;
	v14 =	vadd.f32 v14, v13  }
0x5b: {  	v29 =	vor.u32 $0x11, v28;
	v25 =	vld.idx.msk [tilespmem:v26+s16+$0x0], $0xffff;
	v19 =	vmul.f32 v19, v22  }
0x5c: {  	v22 =	vld.idx.msk [tilespmem:v26+s17+$0x0], $0xffff;
	v13 =	vbroadcast v17, $0xB;
	v18 =	vmul.f32 v18, v12;
	v16 =	vadd.f32 v16, v14  }
0x5d: {  	v30 =	vor.u32 $0x12, v28;
	v59 =	vld.idx.msk [tilespmem:v35+s16+$0x0], $0xffff  }
0x5e: {  	v60 =	vld.idx.msk [tilespmem:v36+s16+$0x0], $0xffff;
	v14 =	vbroadcast v17, $0xC;
	v16 =	vadd.f32 v18, v16;
	v18 =	vmul.f32 v15, v13  }
0x5f: {  	v31 =	vor.u32 $0x13, v28;
	v26 =	vld.idx.msk [tilespmem:v27+s16+$0x0], $0xffff;
	v20 =	vmul.f32 v20, v23  }
0x60: {  	v23 =	vld.idx.msk [tilespmem:v27+s17+$0x0], $0xffff;
	v15 =	vbroadcast v17, $0xD;
	v19 =	vmul.f32 v19, v14;
	v18 =	vadd.f32 v18, v16  }
0x61: {  	v32 =	vor.u32 $0x14, v28;
	v27 =	vld.idx.msk [tilespmem:v29+s16+$0x0], $0xffff;
	v22 =	vmul.f32 v22, v25;
	v16 =	vbroadcast v17, $0xE  }
0x62: {  	v25 =	vld.idx.msk [tilespmem:v30+s17+$0x0], $0xffff;
	v18 =	vadd.f32 v19, v18;
	v19 =	vmul.f32 v20, v15;
	v20 =	vmul.f32 v21, v24  }
0x63: {  	v17 =	vbroadcast v17, $0xF;
	v21 =	vld.idx.msk [tilespmem:v29+s17+$0x0], $0xffff  }
0x64: {  	v24 =	vld.idx.msk [tilespmem:v30+s16+$0x0], $0xffff;
	v29 =	vor.u32 $0x15, v28;
	v19 =	vadd.f32 v19, v18;
	v20 =	vmul.f32 v20, v16  }
0x65: {  	v34 =	vor.u32 $0x16, v28;
	v30 =	vld.idx.msk [tilespmem:v31+s16+$0x0], $0xffff;
	v22 =	vmul.f32 v22, v17  }
0x66: {  	v23 =	vmul.f32 v23, v26;
	v26 =	vld.idx.msk [tilespmem:v31+s17+$0x0], $0xffff;
	v18 =	vbroadcast v33, $0x0;
	v20 =	vadd.f32 v20, v19  }
0x67: {  	v31 =	vld.idx.msk [tilespmem:v32+s16+$0x0], $0xffff;
	v19 =	vbroadcast v33, $0x1  }
0x68: {  	v23 =	vmul.f32 v23, v18;
	v21 =	vmul.f32 v21, v27;
	v27 =	vld.idx.msk [tilespmem:v32+s17+$0x0], $0xffff;
	v22 =	vadd.f32 v22, v20  }
0x69: {  	v37 =	vor.u32 $0x19, v28;
	v58 =	vld.idx.msk [tilespmem:v29+s16+$0x0], $0xffff;
	v24 =	vmul.f32 v25, v24  }
0x6a: {  	v25 =	vld.idx.msk [tilespmem:v29+s17+$0x0], $0xffff;
	v20 =	vbroadcast v33, $0x2;
	v22 =	vadd.f32 v23, v22;
	v23 =	vmul.f32 v21, v19  }
0x6b: {  	v38 =	vor.u32 $0x1A, v28;
	v29 =	vld.idx.msk [tilespmem:v34+s16+$0x0], $0xffff;
	v26 =	vmul.f32 v26, v30  }
0x6c: {  	v30 =	vld.idx.msk [tilespmem:v34+s17+$0x0], $0xffff;
	v21 =	vbroadcast v33, $0x3;
	v24 =	vmul.f32 v24, v20;
	v23 =	vadd.f32 v23, v22  }
0x6d: {  	v39 =	vor.u32 $0x1B, v28;
	v61 =	vld.idx.msk [tilespmem:v36+s17+$0x0], $0xffff;
	v22 =	vbroadcast v33, $0x4  }
0x6e: {  	v26 =	vmul.f32 v26, v21;
	v27 =	vmul.f32 v27, v31;
	v31 =	vld.idx.msk [tilespmem:v35+s17+$0x0], $0xffff;
	v24 =	vadd.f32 v24, v23  }
0x6f: {  	v40 =	vor.u32 $0x1C, v28;
	v62 =	vld.idx.msk [tilespmem:v37+s16+$0x0], $0xffff;
	v25 =	vmul.f32 v25, v58  }
0x70: {  	v63 =	vld.idx.msk [tilespmem:v38+s16+$0x0], $0xffff;
	v23 =	vbroadcast v33, $0x5;
	v27 =	vmul.f32 v27, v22;
	v26 =	vadd.f32 v26, v24  }
0x71: {  	v41 =	vor.u32 $0x1D, v28;
	v48 =	vld.idx.msk [tilespmem:v38+s17+$0x0], $0xffff;
	v29 =	vmul.f32 v30, v29  }
0x72: {  	s18 =	simm.s32 $0x10;
	v30 =	vld.idx.msk [tilespmem:v37+s17+$0x0], $0xffff;
	v24 =	vbroadcast v33, $0x6;
	v26 =	vadd.f32 v27, v26;
	v27 =	vmul.f32 v25, v23  }
0x73: {  	v43 =	vor.u32 $0x1E, v28;
	v50 =	vmov s18;
	v42 =	vld.idx.msk [tilespmem:v39+s16+$0x0], $0xffff;
	v31 =	vmul.f32 v31, v59  }
0x74: {  	v49 =	vld.idx.msk [tilespmem:v39+s17+$0x0], $0xffff;
	v25 =	vbroadcast v33, $0x7;
	v29 =	vmul.f32 v29, v24;
	v27 =	vadd.f32 v27, v26  }
0x75: {  	v44 =	vor.u32 $0x1F, v28;
	v52 =	vshll.u32 v50, $0x5;
	v51 =	vld.idx.msk [tilespmem:v40+s16+$0x0], $0xffff;
	v32 =	vmul.f32 v61, v60  }
0x76: {  	v53 =	vld.idx.msk [tilespmem:v41+s16+$0x0], $0xffff;
	v26 =	vbroadcast v33, $0x8;
	v31 =	vmul.f32 v31, v25;
	v29 =	vadd.f32 v29, v27  }
0x77: {  	v38 =	vor.u32 v0, v52;
	v54 =	vld.idx.msk [tilespmem:v41+s17+$0x0], $0xffff;
	v30 =	vmul.f32 v30, v62  }
0x78: {  	v55 =	vld.idx.msk [tilespmem:v43+s16+$0x0], $0xffff;
	v27 =	vbroadcast v33, $0x9;
	v28 =	vadd.f32 v31, v29;
	v29 =	vmul.f32 v32, v26  }
0x79: {  	v57 =	vor.u32 $0x1, v38;
	v34 =	vmul.f32 v48, v63;
	v31 =	vld.idx.msk [tilespmem:v40+s17+$0x0], $0xffff  }
0x7a: {  	v43 =	vld.idx.msk [tilespmem:v43+s17+$0x0], $0xffff;
	v30 =	vmul.f32 v30, v27;
	v32 =	vbroadcast v33, $0xA;
	v29 =	vadd.f32 v29, v28  }
0x7b: {  	v45 =	vld.idx.msk [tilespmem:v44+s16+$0x0], $0xffff;
	v35 =	vmul.f32 v49, v42  }
0x7c: {  	v44 =	vld.idx.msk [tilespmem:v44+s17+$0x0], $0xffff;
	v28 =	vbroadcast v33, $0xB;
	v34 =	vmul.f32 v34, v32;
	v30 =	vadd.f32 v30, v29  }
0x7d: {  	v56 =	vor.u32 $0x2, v38;
	v47 =	vld.idx.msk [tilespmem:v38+s17+$0x0], $0xffff;
	v29 =	vbroadcast v33, $0xC  }
0x7e: {  	v58 =	vld.idx.msk [tilespmem:v38+s16+$0x0], $0xffff;
	v35 =	vmul.f32 v35, v28;
	v31 =	vmul.f32 v31, v51;
	v34 =	vadd.f32 v34, v30  }
0x7f: {  	v46 =	vor.u32 $0x3, v38;
	v48 =	vld.idx.msk [tilespmem:v57+s16+$0x0], $0xffff;
	v59 =	vmul.f32 v54, v53  }
0x80: {  	v42 =	vld.idx.msk [tilespmem:v57+s17+$0x0], $0xffff;
	v30 =	vbroadcast v33, $0xD;
	v61 =	vmul.f32 v31, v29;
	v34 =	vadd.f32 v35, v34  }
0x81: {  	v63 =	vor.u32 $0x5, v38;
	v49 =	vor.u32 $0x4, v38;
	v37 =	vmul.f32 v43, v55  }
0x82: {  	v60 =	vld.idx.msk [tilespmem:v56+s16+$0x0], $0xffff;
	v31 =	vbroadcast v33, $0xE;
	v35 =	vmul.f32 v59, v30;
	v34 =	vadd.f32 v61, v34  }
0x83: {  	v57 =	vor.u32 $0x7, v38;
	v62 =	vld.idx.msk [tilespmem:v56+s17+$0x0], $0xffff;
	v39 =	vmul.f32 v47, v58;
	v51 =	vmul.f32 v44, v45  }
0x84: {  	v52 =	vld.idx.msk [tilespmem:v46+s16+$0x0], $0xffff;
	v33 =	vbroadcast v33, $0xF;
	v53 =	vmul.f32 v37, v31;
	v34 =	vadd.f32 v35, v34  }
0x85: {  	v55 =	vor.u32 $0x6, v38;
	v54 =	vld.idx.msk [tilespmem:v46+s17+$0x0], $0xffff;
	v42 =	vmul.f32 v42, v48  }
0x86: {  	v56 =	vld.idx.msk [tilespmem:v49+s16+$0x0], $0xffff;
	v39 =	vmul.f32 v39, v5;
	v43 =	vmul.f32 v51, v33;
	v35 =	vadd.f32 v53, v34  }
0x87: {  	v58 =	vld.idx.msk [tilespmem:v49+s17+$0x0], $0xffff;
	v42 =	vmul.f32 v42, v2  }
0x88: {  	v41 =	vld.idx.msk [tilespmem:v63+s17+$0x0], $0xffff;
	v39 =	vadd.f32 $0.0e+00, v39;
	v36 =	vmul.f32 v62, v60;
	v35 =	vadd.f32 v43, v35  }
0x89: {  	v50 =	vld.idx.msk [tilespmem:v57+s16+$0x0], $0xffff;
	v60 =	vor.u32 $0x8, v38  }
0x8a: {  	v39 =	vadd.f32 v42, v39;
	v36 =	vmul.f32 v36, v3;
	v59 =	vld.idx.msk [tilespmem:v63+s16+$0x0], $0xffff;
	v35 =	vadd.f32 v35, v1  }
0x8b: {  	v49 =	vor.u32 $0x9, v38;
	v62 =	vld.idx.msk [tilespmem:v55+s17+$0x0], $0xffff;
	v37 =	vmul.f32 v54, v52  }
0x8c: {  	v36 =	vadd.f32 v36, v39;
	v54 =	vmul.f32 v58, v56;
	v61 =	vld.idx.msk [tilespmem:v55+s16+$0x0], $0xffff;
	v63 =	vand.u32 $0x7FFFFFFF, v35  }
0x8d: {  	v51 =	vor.u32 $0xA, v38;
	v55 =	vld.idx.msk [tilespmem:v57+s17+$0x0], $0xffff;
	v37 =	vmul.f32 v37, v4;
	v45 =	vsub.f32 $0.0e+00, v63  }
0x8e: {  	v47 =	vld.idx.msk [tilespmem:v60+s16+$0x0], $0xffff;
	v56 =	vmul.f32 v54, v6  }
0x8f: {  	v58 =	vld.idx.msk [tilespmem:v60+s17+$0x0], $0xffff;
	v36 =	vadd.f32 v37, v36;
	v57 =	vmul.f32 v41, v59;
	v45 =	vmul.f32 $1.442695020e+00, v45  }
0x90: {  	v48 =	vor.u32 $0xB, v38;
	v59 =	vld.idx.msk [tilespmem:v49+s16+$0x0], $0xffff  }
0x91: {  	v34 =	vld [tilespmem:s1+$0x0];
	v36 =	vadd.f32 v56, v36;
	v60 =	vmul.f32 v57, v7;
	(erf) = vpow2.f32 v45  }
0x92: {  	v44 =	vld.idx.msk [tilespmem:v51+s16+$0x0], $0xffff;
	v61 =	vmul.f32 v62, v61;
	v53 =	vmul.f32 v55, v50;
	v50 =	vor.u32 $0xE, v38  }
0x93: {  	v62 =	vld.idx.msk [tilespmem:v49+s17+$0x0], $0xffff;
	v43 =	vor.u32 $0xC, v38  }
0x94: {  	v54 =	vld.idx.msk [tilespmem:v51+s17+$0x0], $0xffff;
	v36 =	vadd.f32 v60, v36;
	v52 =	vmul.f32 v61, v8  }
0x95: {  	v49 =	vld.idx.msk [tilespmem:v48+s16+$0x0], $0xffff;
	v63 =	vor.u32 $0xD, v38  }
0x96: {  	v56 =	vmul.f32 v58, v47;
	v57 =	vld.idx.msk [tilespmem:v48+s17+$0x0], $0xffff;
	v55 =	vmul.f32 v53, v9;
	v36 =	vadd.f32 v52, v36  }
0x97: {  	v48 =	vor.u32 $0xF, v38;
	v46 =	vld.idx.msk [tilespmem:v50+s16+$0x0], $0xffff  }
0x98: {  	v58 =	vmul.f32 v56, v10;
	v59 =	vmul.f32 v62, v59;
	v47 =	vld.idx.msk [tilespmem:v43+s16+$0x0], $0xffff;
	v36 =	vadd.f32 v55, v36  }
0x99: {  	v44 =	vmul.f32 v54, v44;
	v60 =	vld.idx.msk [tilespmem:v43+s17+$0x0], $0xffff  }
0x9a: {  	v62 =	vor.u32 $0x10, v38;
	v39 =	vmul.f32 v59, v11;
	v36 =	vadd.f32 v58, v36;
	v61 =	vld.idx.msk [tilespmem:v63+s16+$0x0], $0xffff;
	v37 =	vpop (erf)  }
0x9b: {  	v51 =	vor.u32 $0x11, v38;
	v45 =	vld.idx.msk [tilespmem:v63+s17+$0x0], $0xffff;
	v52 =	vmul.f32 $-2.317854670e-03, v37  }
0x9c: {  	v40 =	vmul.f32 v57, v49;
	v56 =	vld.idx.msk [tilespmem:v50+s17+$0x0], $0xffff;
	v36 =	vadd.f32 v39, v36;
	v63 =	vmul.f32 v44, v12  }
0x9d: {  	v49 =	vld.idx.msk [tilespmem:v48+s16+$0x0], $0xffff;
	v50 =	vor.u32 $0x12, v38;
	v52 =	vadd.f32 $1.534189750e-02, v52  }
0x9e: {  	v57 =	vmul.f32 v40, v13;
	v59 =	vld.idx.msk [tilespmem:v48+s17+$0x0], $0xffff;
	v58 =	vmul.f32 v60, v47;
	v36 =	vadd.f32 v63, v36  }
0x9f: {  	v48 =	vor.u32 $0x13, v38;
	v47 =	vld.idx.msk [tilespmem:v62+s16+$0x0], $0xffff;
	v52 =	vmul.f32 v52, v37  }
0xa0: {  	v62 =	vld.idx.msk [tilespmem:v62+s17+$0x0], $0xffff;
	v60 =	vmul.f32 v58, v14;
	v36 =	vadd.f32 v57, v36;
	v61 =	vmul.f32 v45, v61  }
0xa1: {  	v43 =	vld.idx.msk [tilespmem:v51+s16+$0x0], $0xffff;
	v56 =	vmul.f32 v56, v46;
	v52 =	vadd.f32 $-4.766548420e-02, v52  }
0xa2: {  	v57 =	vld.idx.msk [tilespmem:v51+s17+$0x0], $0xffff;
	v51 =	vor.u32 $0x15, v38;
	v36 =	vadd.f32 v60, v36;
	v63 =	vmul.f32 v61, v15  }
0xa3: {  	v46 =	vld.idx.msk [tilespmem:v50+s16+$0x0], $0xffff;
	v45 =	vor.u32 $0x14, v38;
	v52 =	vmul.f32 v52, v37  }
0xa4: {  	v59 =	vmul.f32 v59, v49;
	v49 =	vld.idx.msk [tilespmem:v48+s16+$0x0], $0xffff;
	v58 =	vmul.f32 v56, v16;
	v36 =	vadd.f32 v63, v36  }
0xa5: {  	v62 =	vmul.f32 v62, v47;
	v60 =	vld.idx.msk [tilespmem:v50+s17+$0x0], $0xffff;
	v50 =	vor.u32 $0x16, v38;
	v52 =	vadd.f32 $9.548566490e-02, v52  }
0xa6: {  	v61 =	vmul.f32 v59, v17;
	v63 =	vld.idx.msk [tilespmem:v48+s17+$0x0], $0xffff;
	v36 =	vadd.f32 v58, v36  }
0xa7: {  	v56 =	vmul.f32 v62, v18;
	v44 =	vld.idx.msk [tilespmem:v51+s16+$0x0], $0xffff;
	v52 =	vmul.f32 v52, v37  }
0xa8: {  	v48 =	vor.u32 $0x17, v38;
	v57 =	vmul.f32 v57, v43;
	v47 =	vld.idx.msk [tilespmem:v45+s16+$0x0], $0xffff;
	v36 =	vadd.f32 v61, v36  }
0xa9: {  	v58 =	vld.idx.msk [tilespmem:v45+s17+$0x0], $0xffff;
	v45 =	vor.u32 $0x18, v38;
	v52 =	vadd.f32 $-1.458647400e-01, v52  }
0xaa: {  	v59 =	vmul.f32 v57, v19;
	v60 =	vmul.f32 v60, v46;
	v46 =	vld.idx.msk [tilespmem:v50+s16+$0x0], $0xffff;
	v36 =	vadd.f32 v56, v36  }
0xab: {  	v53 =	vor.u32 $0x1B, v38;
	v61 =	vld.idx.msk [tilespmem:v51+s17+$0x0], $0xffff;
	v52 =	vmul.f32 v52, v37  }
0xac: {  	v42 =	vld.idx.msk [tilespmem:v50+s17+$0x0], $0xffff;
	v62 =	vmul.f32 v60, v20;
	v63 =	vmul.f32 v63, v49;
	v36 =	vadd.f32 v59, v36  }
0xad: {  	v51 =	vor.u32 $0x19, v38;
	v49 =	vld.idx.msk [tilespmem:v48+s16+$0x0], $0xffff;
	v52 =	vadd.f32 $1.937516630e-01, v52  }
0xae: {  	v43 =	vld.idx.msk [tilespmem:v48+s17+$0x0], $0xffff;
	v56 =	vmul.f32 v63, v21;
	v57 =	vmul.f32 v58, v47;
	v36 =	vadd.f32 v62, v36  }
0xaf: {  	v50 =	vor.u32 $0x1A, v38;
	v48 =	vld.idx.msk [tilespmem:v45+s16+$0x0], $0xffff;
	v58 =	vmul.f32 v52, v37  }
0xb0: {  	v59 =	vmul.f32 v57, v22;
	v60 =	vmul.f32 v61, v44;
	v61 =	vld.idx.msk [tilespmem:v45+s17+$0x0], $0xffff;
	v36 =	vadd.f32 v56, v36  }
0xb1: {  	v55 =	vor.u32 $0x1D, v38;
	v40 =	vld.idx.msk [tilespmem:v53+s16+$0x0], $0xffff;
	v62 =	vadd.f32 $-2.487842440e-01, v58  }
0xb2: {  	v45 =	vld.idx.msk [tilespmem:v51+s16+$0x0], $0xffff;
	v57 =	vmul.f32 v42, v46;
	v63 =	vmul.f32 v60, v23;
	v36 =	vadd.f32 v59, v36  }
0xb3: {  	v52 =	vor.u32 $0x1C, v38;
	v58 =	vld.idx.msk [tilespmem:v51+s17+$0x0], $0xffff;
	v44 =	vmul.f32 v62, v37  }
0xb4: {  	v54 =	vld.idx.msk [tilespmem:v50+s16+$0x0], $0xffff;
	v43 =	vmul.f32 v43, v49;
	v59 =	vmul.f32 v57, v24;
	v36 =	vadd.f32 v63, v36  }
0xb5: {  	s18 =	simm.s32 $0x20;
	v47 =	vor.u32 $0x1E, v38;
	v49 =	vld.idx.msk [tilespmem:v50+s17+$0x0], $0xffff;
	v48 =	vmul.f32 v61, v48;
	v60 =	vadd.f32 $3.331919010e-01, v44  }
0xb6: {  	v42 =	vld.idx.msk [tilespmem:v55+s16+$0x0], $0xffff;
	v43 =	vmul.f32 v43, v25;
	v61 =	vmov s18;
	v39 =	vadd.f32 v59, v36  }
0xb7: {  	v50 =	vshll.u32 v61, $0x5;
	v63 =	vmul.f32 v48, v26;
	v44 =	vld.idx.msk [tilespmem:v53+s17+$0x0], $0xffff;
	v62 =	vmul.f32 v60, v37  }
0xb8: {  	v48 =	vor.u32 $0x1F, v38;
	v39 =	vadd.f32 v43, v39;
	v41 =	vld.idx.msk [tilespmem:v52+s16+$0x0], $0xffff;
	v45 =	vmul.f32 v58, v45  }
0xb9: {  	v38 =	vor.u32 v0, v50;
	v46 =	vld.idx.msk [tilespmem:v52+s17+$0x0], $0xffff;
	v56 =	vadd.f32 $-4.999914170e-01, v62  }
0xba: {  	v43 =	vld.idx.msk [tilespmem:v47+s16+$0x0], $0xffff;
	v50 =	vadd.f32 v63, v39;
	v52 =	vmul.f32 v49, v54;
	v51 =	vmul.f32 v45, v27  }
0xbb: {  	s14 =	simm.s32 $0x30;
	v36 =	vimm.f32 $0.0e+00;
	v53 =	vor.u32 $0x2, v38;
	v45 =	vld.idx.msk [tilespmem:v55+s17+$0x0], $0xffff;
	v39 =	vmul.f32 v56, v37  }
.LBB2_2:
0xbc: {  	p1 =	sne.s32 s14, $0x70;
	v49 =	vadd.f32 v51, v50;
	v50 =	vmul.f32 v52, v32;
	v40 =	vmul.f32 v44, v40;
	v44 =	vld.idx.msk [tilespmem:v47+s17+$0x0], $0xffff  }
0xbd: {  	v47 =	vor.u32 $0x1, v38;
	v51 =	vld.idx.msk [tilespmem:v48+s16+$0x0], $0xffff;
	v39 =	vadd.f32 $9.999998210e-01, v39  }
0xbe: {  	v41 =	vmul.f32 v46, v41;
	v49 =	vadd.f32 v50, v49;
	v40 =	vmul.f32 v40, v28;
	v46 =	vld.idx.msk [tilespmem:v48+s17+$0x0], $0xffff  }
0xbf: {  	v34 =	vmul.f32 v35, v34;
	v50 =	vor.u32 $0x3, v38;
	v48 =	vld.idx.msk [tilespmem:v38+s16+$0x0], $0xffff;
	v37 =	vmul.f32 v39, v37  }
0xc0: {  	v35 =	vmax.f32 v35, $0.0e+00;
	v42 =	vmul.f32 v45, v42;
	v39 =	vld.idx.msk [tilespmem:v38+s17+$0x0], $0xffff;
	v40 =	vadd.f32 v40, v49  }
0xc1: {  	v34 =	vsub.f32 v35, v34;
	v41 =	vmul.f32 v41, v29;
	v45 =	vld.idx.msk [tilespmem:v53+s16+$0x0], $0xffff;
	v37 =	vadd.f32 $8.184459770e-10, v37  }
0xc2: {  	v49 =	vor.u32 $0x4, v38;
	v43 =	vmul.f32 v44, v43;
	v35 =	vld.idx.msk [tilespmem:v47+s16+$0x0], $0xffff  }
0xc3: {  	v40 =	vadd.f32 v41, v40;
	v41 =	vmul.f32 v42, v30;
	v44 =	vld.idx.msk [tilespmem:v47+s17+$0x0], $0xffff;
	v34 =	vadd.f32 v37, v34  }
0xc4: {  	v42 =	vor.u32 $0x5, v38;
	v46 =	vmul.f32 v46, v51;
	v37 =	vld.idx.msk [tilespmem:v53+s17+$0x0], $0xffff  }
0xc5: {  	v40 =	vadd.f32 v41, v40;
	v41 =	vmul.f32 v43, v31;
	v47 =	vld.idx.msk [tilespmem:v50+s16+$0x0], $0xffff;
	v36 =	vadd.f32 v34, v36  }
0xc6: {  	s1 =	sadd.s32 $0x10, s1;
	v43 =	vld.idx.msk [tilespmem:v50+s17+$0x0], $0xffff;
	v50 =	vor.u32 $0x6, v38  }
0xc7: {  	v39 =	vmul.f32 v39, v48;
	v40 =	vadd.f32 v41, v40;
	v41 =	vmul.f32 v46, v33;
	v34 =	vld [tilespmem:s1+$0x0]  }
0xc8: {  	v48 =	vor.u32 $0x7, v38;
	v46 =	vld.idx.msk [tilespmem:v49+s16+$0x0], $0xffff  }
0xc9: {  	v39 =	vmul.f32 v39, v5;
	v35 =	vmul.f32 v44, v35;
	v40 =	vadd.f32 v41, v40;
	v44 =	vld.idx.msk [tilespmem:v49+s17+$0x0], $0xffff  }
0xca: {  	v37 =	vmul.f32 v37, v45;
	v45 =	vor.u32 $0x8, v38;
	v41 =	vld.idx.msk [tilespmem:v42+s16+$0x0], $0xffff  }
0xcb: {  	v39 =	vadd.f32 $0.0e+00, v39;
	v49 =	vmul.f32 v35, v2;
	v35 =	vadd.f32 v40, v1;
	v42 =	vld.idx.msk [tilespmem:v42+s17+$0x0], $0xffff  }
0xcc: {  	v40 =	vmul.f32 v43, v47;
	v47 =	vor.u32 $0x9, v38;
	v43 =	vld.idx.msk [tilespmem:v50+s16+$0x0], $0xffff  }
0xcd: {  	v37 =	vmul.f32 v37, v3;
	v39 =	vadd.f32 v49, v39;
	v49 =	vld.idx.msk [tilespmem:v50+s17+$0x0], $0xffff;
	v50 =	vand.u32 $0x7FFFFFFF, v35  }
0xce: {  	v52 =	vor.u32 $0xA, v38;
	v51 =	vld.idx.msk [tilespmem:v48+s16+$0x0], $0xffff;
	v50 =	vsub.f32 $0.0e+00, v50  }
0xcf: {  	v37 =	vadd.f32 v37, v39;
	v39 =	vmul.f32 v40, v4;
	v40 =	vmul.f32 v44, v46;
	v44 =	vld.idx.msk [tilespmem:v48+s17+$0x0], $0xffff  }
0xd0: {  	v48 =	vor.u32 $0xB, v38;
	v46 =	vld.idx.msk [tilespmem:v45+s16+$0x0], $0xffff;
	v50 =	vmul.f32 $1.442695020e+00, v50  }
0xd1: {  	v37 =	vadd.f32 v39, v37;
	v39 =	vmul.f32 v40, v6;
	v40 =	vmul.f32 v42, v41;
	v41 =	vld.idx.msk [tilespmem:v45+s17+$0x0], $0xffff  }
0xd2: {  	v45 =	vor.u32 $0xC, v38;
	v42 =	vld.idx.msk [tilespmem:v47+s16+$0x0], $0xffff;
	(erf) = vpow2.f32 v50  }
0xd3: {  	v37 =	vadd.f32 v39, v37;
	v39 =	vmul.f32 v40, v7;
	v40 =	vmul.f32 v49, v43;
	v43 =	vld.idx.msk [tilespmem:v47+s17+$0x0], $0xffff  }
0xd4: {  	v49 =	vor.u32 $0xD, v38;
	v47 =	vld.idx.msk [tilespmem:v52+s16+$0x0], $0xffff  }
0xd5: {  	v37 =	vadd.f32 v39, v37;
	v39 =	vmul.f32 v40, v8;
	v40 =	vmul.f32 v44, v51;
	v44 =	vld.idx.msk [tilespmem:v52+s17+$0x0], $0xffff  }
0xd6: {  	v51 =	vor.u32 $0xE, v38;
	v50 =	vld.idx.msk [tilespmem:v48+s16+$0x0], $0xffff  }
0xd7: {  	v37 =	vadd.f32 v39, v37;
	v39 =	vmul.f32 v40, v9;
	v40 =	vmul.f32 v41, v46;
	v41 =	vld.idx.msk [tilespmem:v48+s17+$0x0], $0xffff  }
0xd8: {  	v48 =	vor.u32 $0xF, v38;
	v46 =	vld.idx.msk [tilespmem:v45+s16+$0x0], $0xffff  }
0xd9: {  	v52 =	vadd.f32 v39, v37;
	v39 =	vmul.f32 v40, v10;
	v40 =	vmul.f32 v43, v42;
	v42 =	vld.idx.msk [tilespmem:v45+s17+$0x0], $0xffff  }
0xda: {  	v45 =	vor.u32 $0x10, v38;
	v43 =	vld.idx.msk [tilespmem:v49+s16+$0x0], $0xffff  }
0xdb: {  	v39 =	vadd.f32 v39, v52;
	v40 =	vmul.f32 v40, v11;
	v44 =	vmul.f32 v44, v47;
	v47 =	vld.idx.msk [tilespmem:v49+s17+$0x0], $0xffff;
	v37 =	vpop (erf)  }
0xdc: {  	v52 =	vor.u32 $0x11, v38;
	v49 =	vld.idx.msk [tilespmem:v51+s16+$0x0], $0xffff;
	v53 =	vmul.f32 $-2.317854670e-03, v37  }
0xdd: {  	v39 =	vadd.f32 v40, v39;
	v40 =	vmul.f32 v44, v12;
	v41 =	vmul.f32 v41, v50;
	v44 =	vld.idx.msk [tilespmem:v51+s17+$0x0], $0xffff  }
0xde: {  	v51 =	vor.u32 $0x12, v38;
	v50 =	vld.idx.msk [tilespmem:v48+s16+$0x0], $0xffff;
	v53 =	vadd.f32 $1.534189750e-02, v53  }
0xdf: {  	v39 =	vadd.f32 v40, v39;
	v40 =	vmul.f32 v41, v13;
	v41 =	vmul.f32 v42, v46;
	v42 =	vld.idx.msk [tilespmem:v48+s17+$0x0], $0xffff  }
0xe0: {  	v48 =	vor.u32 $0x13, v38;
	v46 =	vld.idx.msk [tilespmem:v45+s16+$0x0], $0xffff;
	v53 =	vmul.f32 v53, v37  }
0xe1: {  	v39 =	vadd.f32 v40, v39;
	v40 =	vmul.f32 v41, v14;
	v41 =	vmul.f32 v47, v43;
	v43 =	vld.idx.msk [tilespmem:v45+s17+$0x0], $0xffff  }
0xe2: {  	v47 =	vor.u32 $0x14, v38;
	v45 =	vld.idx.msk [tilespmem:v52+s16+$0x0], $0xffff;
	v53 =	vadd.f32 $-4.766548420e-02, v53  }
0xe3: {  	v39 =	vadd.f32 v40, v39;
	v40 =	vmul.f32 v41, v15;
	v41 =	vmul.f32 v44, v49;
	v44 =	vld.idx.msk [tilespmem:v52+s17+$0x0], $0xffff  }
0xe4: {  	v52 =	vor.u32 $0x15, v38;
	v49 =	vld.idx.msk [tilespmem:v51+s16+$0x0], $0xffff;
	v53 =	vmul.f32 v53, v37  }
0xe5: {  	v39 =	vadd.f32 v40, v39;
	v40 =	vmul.f32 v41, v16;
	v41 =	vmul.f32 v42, v50;
	v42 =	vld.idx.msk [tilespmem:v51+s17+$0x0], $0xffff  }
0xe6: {  	v51 =	vor.u32 $0x16, v38;
	v50 =	vld.idx.msk [tilespmem:v48+s16+$0x0], $0xffff;
	v53 =	vadd.f32 $9.548566490e-02, v53  }
0xe7: {  	v39 =	vadd.f32 v40, v39;
	v40 =	vmul.f32 v41, v17;
	v41 =	vmul.f32 v43, v46;
	v43 =	vld.idx.msk [tilespmem:v48+s17+$0x0], $0xffff  }
0xe8: {  	v48 =	vor.u32 $0x17, v38;
	v46 =	vld.idx.msk [tilespmem:v47+s16+$0x0], $0xffff;
	v53 =	vmul.f32 v53, v37  }
0xe9: {  	v39 =	vadd.f32 v40, v39;
	v40 =	vmul.f32 v41, v18;
	v41 =	vmul.f32 v44, v45;
	v44 =	vld.idx.msk [tilespmem:v47+s17+$0x0], $0xffff  }
0xea: {  	v47 =	vor.u32 $0x18, v38;
	v45 =	vld.idx.msk [tilespmem:v52+s16+$0x0], $0xffff;
	v53 =	vadd.f32 $-1.458647400e-01, v53  }
0xeb: {  	v39 =	vadd.f32 v40, v39;
	v40 =	vmul.f32 v41, v19;
	v41 =	vmul.f32 v42, v49;
	v42 =	vld.idx.msk [tilespmem:v52+s17+$0x0], $0xffff  }
0xec: {  	v52 =	vor.u32 $0x19, v38;
	v49 =	vld.idx.msk [tilespmem:v51+s16+$0x0], $0xffff;
	v53 =	vmul.f32 v53, v37  }
0xed: {  	v39 =	vadd.f32 v40, v39;
	v40 =	vmul.f32 v41, v20;
	v41 =	vmul.f32 v43, v50;
	v43 =	vld.idx.msk [tilespmem:v51+s17+$0x0], $0xffff  }
0xee: {  	v51 =	vor.u32 $0x1A, v38;
	v50 =	vld.idx.msk [tilespmem:v48+s16+$0x0], $0xffff;
	v53 =	vadd.f32 $1.937516630e-01, v53  }
0xef: {  	v39 =	vadd.f32 v40, v39;
	v40 =	vmul.f32 v41, v21;
	v41 =	vmul.f32 v44, v46;
	v44 =	vld.idx.msk [tilespmem:v48+s17+$0x0], $0xffff  }
0xf0: {  	v48 =	vor.u32 $0x1B, v38;
	v46 =	vld.idx.msk [tilespmem:v47+s16+$0x0], $0xffff;
	v53 =	vmul.f32 v53, v37  }
0xf1: {  	v39 =	vadd.f32 v40, v39;
	v40 =	vmul.f32 v41, v22;
	v41 =	vmul.f32 v42, v45;
	v42 =	vld.idx.msk [tilespmem:v47+s17+$0x0], $0xffff  }
0xf2: {  	v54 =	vor.u32 $0x1C, v38;
	v45 =	vld.idx.msk [tilespmem:v52+s16+$0x0], $0xffff;
	v47 =	vadd.f32 $-2.487842440e-01, v53  }
0xf3: {  	v39 =	vadd.f32 v40, v39;
	v40 =	vmul.f32 v41, v23;
	v41 =	vmul.f32 v43, v49;
	v43 =	vld.idx.msk [tilespmem:v52+s17+$0x0], $0xffff  }
0xf4: {  	v53 =	vor.u32 $0x1D, v38;
	v49 =	vld.idx.msk [tilespmem:v51+s16+$0x0], $0xffff;
	v52 =	vmul.f32 v47, v37  }
0xf5: {  	v39 =	vadd.f32 v40, v39;
	v41 =	vmul.f32 v41, v24;
	v44 =	vmul.f32 v44, v50;
	v55 =	vld.idx.msk [tilespmem:v51+s17+$0x0], $0xffff  }
0xf6: {  	v50 =	vmov s14;
	v47 =	vor.u32 $0x1E, v38;
	v40 =	vld.idx.msk [tilespmem:v48+s16+$0x0], $0xffff;
	v51 =	vadd.f32 $3.331919010e-01, v52  }
0xf7: {  	v39 =	vadd.f32 v41, v39;
	v52 =	vmul.f32 v44, v25;
	v42 =	vmul.f32 v42, v46;
	v44 =	vld.idx.msk [tilespmem:v48+s17+$0x0], $0xffff  }
.Ltmp0:
0xf8: {  	v50 =	vshll.u32 v50, $0x5;
	v48 =	vor.u32 $0x1F, v38;
	v41 =	vld.idx.msk [tilespmem:v54+s16+$0x0], $0xffff;
	v51 =	vmul.f32 v51, v37;
	(pc) =	sbr.rel @p1 .LBB2_2-.Ltmp0, $4  }
0xf9: {  	v39 =	vadd.f32 v52, v39;
	v52 =	vmul.f32 v42, v26;
	v43 =	vmul.f32 v43, v45;
	v46 =	vld.idx.msk [tilespmem:v54+s17+$0x0], $0xffff  }
0xfa: {  	v38 =	vor.u32 v0, v50;
	v42 =	vld.idx.msk [tilespmem:v53+s16+$0x0], $0xffff;
	v54 =	vadd.f32 $-4.999914170e-01, v51  }
0xfb: {  	v50 =	vadd.f32 v52, v39;
	v51 =	vmul.f32 v43, v27;
	v52 =	vmul.f32 v55, v49;
	v45 =	vld.idx.msk [tilespmem:v53+s17+$0x0], $0xffff  }
0xfc: {  	s14 =	sadd.s32 $0x10, s14;
	v53 =	vor.u32 $0x2, v38;
	v43 =	vld.idx.msk [tilespmem:v47+s16+$0x0], $0xffff;
	v39 =	vmul.f32 v54, v37  }
0xfd: {  	_ =	sdelay $0x2  }
0xfe: {  	v54 =	vor.u32 $0x1, v38  }
0xff: {  	v49 =	vld.idx.msk [tilespmem:v47+s17+$0x0], $0xffff  }
0x100: {  	v63 =	vld.idx.msk [tilespmem:v48+s16+$0x0], $0xffff  }
0x101: {  	v55 =	vld.idx.msk [tilespmem:v38+s16+$0x0], $0xffff  }
0x102: {  	v56 =	vor.u32 $0x3, v38;
	v57 =	vld.idx.msk [tilespmem:v38+s17+$0x0], $0xffff  }
0x103: {  	v58 =	vld.idx.msk [tilespmem:v54+s16+$0x0], $0xffff  }
0x104: {  	v59 =	vor.u32 $0x4, v38;
	v54 =	vld.idx.msk [tilespmem:v54+s17+$0x0], $0xffff  }
0x105: {  	v60 =	vld.idx.msk [tilespmem:v53+s16+$0x0], $0xffff  }
0x106: {  	v47 =	vld.idx.msk [tilespmem:v53+s17+$0x0], $0xffff;
	v61 =	vor.u32 $0x5, v38  }
0x107: {  	v62 =	vld.idx.msk [tilespmem:v56+s16+$0x0], $0xffff;
	v55 =	vmul.f32 v57, v55  }
0x108: {  	v56 =	vld.idx.msk [tilespmem:v56+s17+$0x0], $0xffff;
	v57 =	vor.u32 $0x6, v38  }
0x109: {  	[tilespmem:$0x1FFF0] =	vst v63;
	v63 =	vld.idx.msk [tilespmem:v59+s16+$0x0], $0xffff;
	v55 =	vmul.f32 v55, v5;
	v54 =	vmul.f32 v54, v58  }
0x10a: {  	v59 =	vld.idx.msk [tilespmem:v59+s17+$0x0], $0xffff;
	v58 =	vor.u32 $0x7, v38  }
0x10b: {  	v53 =	vmul.f32 v47, v60;
	v60 =	vld.idx.msk [tilespmem:v61+s16+$0x0], $0xffff;
	v55 =	vadd.f32 $0.0e+00, v55;
	v54 =	vmul.f32 v54, v2  }
0x10c: {  	v47 =	vor.u32 $0x8, v38;
	v61 =	vld.idx.msk [tilespmem:v61+s17+$0x0], $0xffff  }
0x10d: {  	v53 =	vmul.f32 v53, v3;
	v56 =	vmul.f32 v56, v62;
	v62 =	vld.idx.msk [tilespmem:v57+s16+$0x0], $0xffff;
	v54 =	vadd.f32 v54, v55  }
0x10e: {  	v57 =	vld.idx.msk [tilespmem:v57+s17+$0x0], $0xffff;
	v55 =	vor.u32 $0x9, v38  }
0x10f: {  	v59 =	vmul.f32 v59, v63;
	v56 =	vmul.f32 v56, v4;
	v53 =	vadd.f32 v53, v54;
	v54 =	vld.idx.msk [tilespmem:v58+s16+$0x0], $0xffff  }
0x110: {  	v63 =	vor.u32 $0xA, v38;
	v58 =	vld.idx.msk [tilespmem:v58+s17+$0x0], $0xffff  }
0x111: {  	v60 =	vmul.f32 v61, v60;
	v59 =	vmul.f32 v59, v6;
	v53 =	vadd.f32 v56, v53;
	v56 =	vld.idx.msk [tilespmem:v47+s16+$0x0], $0xffff  }
0x112: {  	v61 =	vor.u32 $0xB, v38;
	v47 =	vld.idx.msk [tilespmem:v47+s17+$0x0], $0xffff  }
0x113: {  	v60 =	vmul.f32 v60, v7;
	v57 =	vmul.f32 v57, v62;
	v53 =	vadd.f32 v59, v53;
	v59 =	vld.idx.msk [tilespmem:v55+s16+$0x0], $0xffff  }
0x114: {  	v62 =	vor.u32 $0xC, v38;
	v55 =	vld.idx.msk [tilespmem:v55+s17+$0x0], $0xffff  }
0x115: {  	v57 =	vmul.f32 v57, v8;
	v54 =	vmul.f32 v58, v54;
	v53 =	vadd.f32 v60, v53;
	v60 =	vld.idx.msk [tilespmem:v63+s16+$0x0], $0xffff  }
0x116: {  	v58 =	vor.u32 $0xD, v38;
	v63 =	vld.idx.msk [tilespmem:v63+s17+$0x0], $0xffff  }
0x117: {  	v54 =	vmul.f32 v54, v9;
	v47 =	vmul.f32 v47, v56;
	v53 =	vadd.f32 v57, v53;
	v57 =	vld.idx.msk [tilespmem:v61+s16+$0x0], $0xffff  }
0x118: {  	v56 =	vor.u32 $0xE, v38;
	v61 =	vld.idx.msk [tilespmem:v61+s17+$0x0], $0xffff  }
0x119: {  	v47 =	vmul.f32 v47, v10;
	v55 =	vmul.f32 v55, v59;
	v53 =	vadd.f32 v54, v53;
	v54 =	vld.idx.msk [tilespmem:v62+s16+$0x0], $0xffff  }
0x11a: {  	v59 =	vor.u32 $0xF, v38;
	v62 =	vld.idx.msk [tilespmem:v62+s17+$0x0], $0xffff  }
0x11b: {  	v55 =	vmul.f32 v55, v11;
	v60 =	vmul.f32 v63, v60;
	v47 =	vadd.f32 v47, v53;
	v53 =	vld.idx.msk [tilespmem:v58+s16+$0x0], $0xffff  }
0x11c: {  	v63 =	vor.u32 $0x10, v38;
	v58 =	vld.idx.msk [tilespmem:v58+s17+$0x0], $0xffff  }
0x11d: {  	v60 =	vmul.f32 v60, v12;
	v57 =	vmul.f32 v61, v57;
	v47 =	vadd.f32 v55, v47;
	v55 =	vld.idx.msk [tilespmem:v56+s16+$0x0], $0xffff  }
0x11e: {  	v61 =	vor.u32 $0x11, v38;
	v56 =	vld.idx.msk [tilespmem:v56+s17+$0x0], $0xffff  }
0x11f: {  	v57 =	vmul.f32 v57, v13;
	v54 =	vmul.f32 v62, v54;
	v47 =	vadd.f32 v60, v47;
	v60 =	vld.idx.msk [tilespmem:v59+s16+$0x0], $0xffff  }
0x120: {  	v62 =	vor.u32 $0x12, v38;
	v59 =	vld.idx.msk [tilespmem:v59+s17+$0x0], $0xffff  }
0x121: {  	v54 =	vmul.f32 v54, v14;
	v53 =	vmul.f32 v58, v53;
	v47 =	vadd.f32 v57, v47;
	v57 =	vld.idx.msk [tilespmem:v63+s16+$0x0], $0xffff  }
0x122: {  	v58 =	vor.u32 $0x13, v38;
	v63 =	vld.idx.msk [tilespmem:v63+s17+$0x0], $0xffff  }
0x123: {  	v53 =	vmul.f32 v53, v15;
	v55 =	vmul.f32 v56, v55;
	v47 =	vadd.f32 v54, v47;
	v54 =	vld.idx.msk [tilespmem:v61+s16+$0x0], $0xffff  }
0x124: {  	v56 =	vor.u32 $0x14, v38;
	v61 =	vld.idx.msk [tilespmem:v61+s17+$0x0], $0xffff  }
0x125: {  	v55 =	vmul.f32 v55, v16;
	v59 =	vmul.f32 v59, v60;
	v47 =	vadd.f32 v53, v47;
	v53 =	vld.idx.msk [tilespmem:v62+s16+$0x0], $0xffff  }
0x126: {  	v60 =	vor.u32 $0x15, v38;
	v62 =	vld.idx.msk [tilespmem:v62+s17+$0x0], $0xffff  }
0x127: {  	v59 =	vmul.f32 v59, v17;
	v57 =	vmul.f32 v63, v57;
	v47 =	vadd.f32 v55, v47;
	v55 =	vld.idx.msk [tilespmem:v58+s16+$0x0], $0xffff  }
0x128: {  	v63 =	vor.u32 $0x16, v38;
	v58 =	vld.idx.msk [tilespmem:v58+s17+$0x0], $0xffff  }
0x129: {  	v57 =	vmul.f32 v57, v18;
	v54 =	vmul.f32 v61, v54;
	v47 =	vadd.f32 v59, v47;
	v59 =	vld.idx.msk [tilespmem:v56+s16+$0x0], $0xffff  }
0x12a: {  	v61 =	vor.u32 $0x17, v38;
	v56 =	vld.idx.msk [tilespmem:v56+s17+$0x0], $0xffff  }
0x12b: {  	v54 =	vmul.f32 v54, v19;
	v53 =	vmul.f32 v62, v53;
	v47 =	vadd.f32 v57, v47;
	v57 =	vld.idx.msk [tilespmem:v60+s16+$0x0], $0xffff  }
0x12c: {  	v62 =	vor.u32 $0x18, v38;
	v60 =	vld.idx.msk [tilespmem:v60+s17+$0x0], $0xffff  }
0x12d: {  	v53 =	vmul.f32 v53, v20;
	v55 =	vmul.f32 v58, v55;
	v47 =	vadd.f32 v54, v47;
	v54 =	vld.idx.msk [tilespmem:v63+s16+$0x0], $0xffff  }
0x12e: {  	v58 =	vor.u32 $0x19, v38;
	v63 =	vld.idx.msk [tilespmem:v63+s17+$0x0], $0xffff  }
0x12f: {  	v55 =	vmul.f32 v55, v21;
	v56 =	vmul.f32 v56, v59;
	v47 =	vadd.f32 v53, v47;
	v53 =	vld.idx.msk [tilespmem:v61+s16+$0x0], $0xffff  }
0x130: {  	v59 =	vor.u32 $0x1A, v38;
	v61 =	vld.idx.msk [tilespmem:v61+s17+$0x0], $0xffff  }
0x131: {  	v56 =	vmul.f32 v56, v22;
	v57 =	vmul.f32 v60, v57;
	v47 =	vadd.f32 v55, v47;
	v55 =	vld.idx.msk [tilespmem:v62+s16+$0x0], $0xffff  }
0x132: {  	v60 =	vor.u32 $0x1B, v38;
	v62 =	vld.idx.msk [tilespmem:v62+s17+$0x0], $0xffff  }
0x133: {  	v57 =	vmul.f32 v57, v23;
	v54 =	vmul.f32 v63, v54;
	v47 =	vadd.f32 v56, v47;
	v56 =	vld.idx.msk [tilespmem:v58+s16+$0x0], $0xffff  }
0x134: {  	v63 =	vor.u32 $0x1C, v38;
	v58 =	vld.idx.msk [tilespmem:v58+s17+$0x0], $0xffff  }
0x135: {  	v54 =	vmul.f32 v54, v24;
	v53 =	vmul.f32 v61, v53;
	v47 =	vadd.f32 v57, v47;
	v57 =	vld.idx.msk [tilespmem:v59+s16+$0x0], $0xffff  }
0x136: {  	v61 =	vor.u32 $0x1D, v38;
	v59 =	vld.idx.msk [tilespmem:v59+s17+$0x0], $0xffff  }
0x137: {  	v53 =	vmul.f32 v53, v25;
	v55 =	vmul.f32 v62, v55;
	v47 =	vadd.f32 v54, v47;
	v54 =	vld.idx.msk [tilespmem:v60+s16+$0x0], $0xffff  }
0x138: {  	v62 =	vor.u32 $0x1E, v38;
	v38 =	vor.u32 $0x1F, v38;
	v60 =	vld.idx.msk [tilespmem:v60+s17+$0x0], $0xffff  }
0x139: {  	v55 =	vmul.f32 v55, v26;
	v47 =	vadd.f32 v53, v47;
	v53 =	vmul.f32 v58, v56;
	v56 =	vld.idx.msk [tilespmem:v63+s16+$0x0], $0xffff  }
0x13a: {  	v50 =	vadd.f32 v51, v50;
	v58 =	vld.idx.msk [tilespmem:v63+s17+$0x0], $0xffff  }
0x13b: {  	v51 =	vld.idx.msk [tilespmem:v61+s17+$0x0], $0xffff;
	v47 =	vadd.f32 v55, v47;
	v55 =	vmul.f32 v59, v57;
	v53 =	vmul.f32 v53, v27  }
0x13c: {  	v57 =	vld.idx.msk [tilespmem:v61+s16+$0x0], $0xffff  }
0x13d: {  	v48 =	vld.idx.msk [tilespmem:v48+s17+$0x0], $0xffff;
	v63 =	vmul.f32 v60, v54;
	v47 =	vadd.f32 v53, v47;
	v59 =	vmul.f32 v55, v32  }
0x13e: {  	v40 =	vmul.f32 v44, v40;
	v44 =	vmul.f32 v52, v32;
	v61 =	vld.idx.msk [tilespmem:v38+s16+$0x0], $0xffff  }
0x13f: {  	v60 =	vld.idx.msk [tilespmem:v62+s17+$0x0], $0xffff;
	v52 =	vmul.f32 v63, v28;
	v47 =	vadd.f32 v59, v47  }
0x140: {  	v41 =	vmul.f32 v46, v41;
	v44 =	vadd.f32 v44, v50;
	v40 =	vmul.f32 v40, v28;
	v53 =	vld.idx.msk [tilespmem:v62+s16+$0x0], $0xffff  }
0x141: {  	v62 =	vmul.f32 v58, v56;
	v63 =	vadd.f32 v52, v47;
	v52 =	vmul.f32 v51, v57;
	v57 =	vld [tilespmem:$0x1FFF0]  }
0x142: {  	v42 =	vmul.f32 v45, v42;
	v41 =	vmul.f32 v41, v29;
	v40 =	vadd.f32 v40, v44;
	v38 =	vld.idx.msk [tilespmem:v38+s17+$0x0], $0xffff  }
0x143: {  	v54 =	vmul.f32 v62, v29  }
0x144: {  	v43 =	vmul.f32 v49, v43;
	v40 =	vadd.f32 v41, v40;
	v55 =	vmul.f32 v42, v30  }
0x145: {  	v56 =	vmul.f32 v60, v53;
	v44 =	vadd.f32 v54, v63;
	v45 =	vmul.f32 v52, v30  }
0x146: {  	v58 =	vmul.f32 v43, v31;
	v40 =	vadd.f32 v55, v40;
	v46 =	vmul.f32 v48, v57  }
0x147: {  	v38 =	vmul.f32 v38, v61;
	v42 =	vmul.f32 v56, v31;
	v59 =	vadd.f32 v45, v44  }
0x148: {  	v40 =	vadd.f32 v58, v40;
	v60 =	vmul.f32 v46, v33  }
0x149: {  	v38 =	vmul.f32 v38, v33;
	v42 =	vadd.f32 v42, v59  }
0x14a: {  	v40 =	vadd.f32 v60, v40  }
0x14b: {  	v38 =	vadd.f32 v38, v42  }
0x14c: {  	v42 =	vadd.f32 v40, v1  }
0x14d: {  	v38 =	vadd.f32 v38, v1  }
0x14e: {  	v40 =	vand.u32 $0x7FFFFFFF, v42  }
0x14f: {  	v61 =	vand.u32 $0x7FFFFFFF, v38;
	v40 =	vsub.f32 $0.0e+00, v40  }
0x150: {  	v41 =	vsub.f32 $0.0e+00, v61  }
0x151: {  	v40 =	vmul.f32 $1.442695020e+00, v40  }
0x152: {  	v41 =	vmul.f32 $1.442695020e+00, v41  }
0x153: {  	(erf) = vpow2.f32 v40  }
0x154: {  	(erf) = vpow2.f32 v41;
	_ =	sdelay $0x7  }
0x155: {  	s1 =	sadd.s32 $0x10, s1;
	s14 =	simm.s32 $0x80;
	v44 =	vpop (erf)  }
0x156: {  	v43 =	vld [tilespmem:s1+$0x0];
	s1 =	sadd.s32 $0x10, s1;
	v62 =	vmov s14;
	v41 =	vpop (erf)  }
0x157: {  	v45 =	vshll.u32 v62, $0x5;
	v40 =	vld [tilespmem:s1+$0x0];
	_ =	swait.ge [sflag:s30], $0x1000  }
0x158: {  	v45 =	vor.u32 v0, v45;
	[sflag:s30] =	ssyncset.done $0x0  }
0x159: {  	[sflag:s30] =	ssyncadd.s32 $0xFFFFF000  }
0x15a: {  	v63 =	vor.u32 $0x1, v45;
	_ =	swait.ge [sflag:s30], $0x1000  }
0x15b: {  	[sflag:s30] =	ssyncset.done $0x0  }
0x15c: {  	v56 =	vor.u32 $0x2, v45;
	[sflag:s30] =	ssyncadd.s32 $0xFFFFF000  }
0x15d: {  	v57 =	vld.idx.msk [tilespmem:v45+s16+$0x0], $0xffff  }
0x15e: {  	v62 =	vor.u32 $0x4, v45;
	v59 =	vld.idx.msk [tilespmem:v45+s17+$0x0], $0xffff  }
0x15f: {  	v61 =	vld.idx.msk [tilespmem:v63+s16+$0x0], $0xffff  }
0x160: {  	v54 =	vor.u32 $0x5, v45;
	v46 =	vld.idx.msk [tilespmem:v63+s17+$0x0], $0xffff  }
0x161: {  	v63 =	vld.idx.msk [tilespmem:v56+s16+$0x0], $0xffff  }
0x162: {  	v58 =	vor.u32 $0x3, v45;
	v47 =	vld.idx.msk [tilespmem:v56+s17+$0x0], $0xffff  }
0x163: {  	v56 =	vld.idx.msk [tilespmem:v62+s16+$0x0], $0xffff  }
0x164: {  	v52 =	vld.idx.msk [tilespmem:v62+s17+$0x0], $0xffff  }
0x165: {  	v62 =	vld.idx.msk [tilespmem:v54+s16+$0x0], $0xffff  }
0x166: {  	v54 =	vld.idx.msk [tilespmem:v54+s17+$0x0], $0xffff  }
0x167: {  	v60 =	vld.idx.msk [tilespmem:v58+s16+$0x0], $0xffff  }
0x168: {  	v50 =	vor.u32 $0x6, v45;
	v49 =	vld.idx.msk [tilespmem:v58+s17+$0x0], $0xffff;
	v48 =	vmul.f32 v59, v57;
	_ =	sdelay $0x1  }
0x169: {  	v46 =	vmul.f32 v46, v61;
	v61 =	vor.u32 $0x7, v45;
	v48 =	vmul.f32 v48, v5  }
0x16a: {  	v47 =	vmul.f32 v47, v63;
	v63 =	vor.u32 $0x8, v45;
	v53 =	vmul.f32 v54, v62  }
0x16b: {  	v62 =	vor.u32 $0xB, v45;
	v46 =	vmul.f32 v46, v2;
	v48 =	vadd.f32 $0.0e+00, v48  }
0x16c: {  	v49 =	vmul.f32 v49, v60;
	v60 =	vld.idx.msk [tilespmem:v50+s16+$0x0], $0xffff  }
0x16d: {  	v50 =	vld.idx.msk [tilespmem:v50+s17+$0x0], $0xffff;
	v47 =	vmul.f32 v47, v3;
	v46 =	vadd.f32 v46, v48  }
0x16e: {  	v51 =	vld.idx.msk [tilespmem:v61+s17+$0x0], $0xffff;
	v48 =	vor.u32 $0x9, v45  }
0x16f: {  	v52 =	vmul.f32 v52, v56;
	v49 =	vmul.f32 v49, v4;
	v57 =	vld.idx.msk [tilespmem:v63+s17+$0x0], $0xffff;
	v46 =	vadd.f32 v47, v46  }
0x170: {  	v56 =	vor.u32 $0xA, v45;
	v54 =	vld.idx.msk [tilespmem:v62+s17+$0x0], $0xffff  }
0x171: {  	v52 =	vmul.f32 v52, v6;
	v47 =	vld.idx.msk [tilespmem:v61+s16+$0x0], $0xffff;
	v46 =	vadd.f32 v49, v46  }
0x172: {  	v50 =	vmul.f32 v50, v60;
	v60 =	vor.u32 $0xC, v45;
	v61 =	vld.idx.msk [tilespmem:v63+s16+$0x0], $0xffff  }
0x173: {  	v53 =	vmul.f32 v53, v7;
	v63 =	vld.idx.msk [tilespmem:v48+s16+$0x0], $0xffff;
	v46 =	vadd.f32 v52, v46  }
0x174: {  	v48 =	vld.idx.msk [tilespmem:v48+s17+$0x0], $0xffff  }
0x175: {  	v46 =	vadd.f32 v53, v46;
	v53 =	vld.idx.msk [tilespmem:v56+s16+$0x0], $0xffff  }
0x176: {  	v50 =	vmul.f32 v50, v8;
	v47 =	vmul.f32 v51, v47;
	v51 =	vor.u32 $0xD, v45;
	v56 =	vld.idx.msk [tilespmem:v56+s17+$0x0], $0xffff  }
0x177: {  	v55 =	vld.idx.msk [tilespmem:v60+s17+$0x0], $0xffff;
	v49 =	vmul.f32 v57, v61  }
0x178: {  	v61 =	vor.u32 $0xE, v45;
	v47 =	vmul.f32 v47, v9;
	v46 =	vadd.f32 v50, v46;
	v50 =	vld.idx.msk [tilespmem:v62+s16+$0x0], $0xffff  }
0x179: {  	v62 =	vld.idx.msk [tilespmem:v60+s16+$0x0], $0xffff;
	v48 =	vmul.f32 v48, v63;
	v63 =	vor.u32 $0xF, v45  }
0x17a: {  	v49 =	vmul.f32 v49, v10;
	v46 =	vadd.f32 v47, v46  }
0x17b: {  	v60 =	vld.idx.msk [tilespmem:v51+s16+$0x0], $0xffff;
	v53 =	vmul.f32 v56, v53  }
0x17c: {  	v48 =	vmul.f32 v48, v11;
	v51 =	vld.idx.msk [tilespmem:v51+s17+$0x0], $0xffff;
	v56 =	vor.u32 $0x10, v45;
	v46 =	vadd.f32 v49, v46  }
0x17d: {  	v57 =	vld.idx.msk [tilespmem:v61+s17+$0x0], $0xffff;
	v53 =	vmul.f32 v53, v12;
	v50 =	vmul.f32 v54, v50  }
0x17e: {  	v47 =	vmul.f32 v55, v62;
	v62 =	vor.u32 $0x12, v45;
	v52 =	vld.idx.msk [tilespmem:v63+s17+$0x0], $0xffff;
	v46 =	vadd.f32 v48, v46  }
0x17f: {  	v54 =	vor.u32 $0x11, v45;
	v48 =	vld.idx.msk [tilespmem:v61+s16+$0x0], $0xffff  }
0x180: {  	v61 =	vld.idx.msk [tilespmem:v63+s16+$0x0], $0xffff;
	v50 =	vmul.f32 v50, v13;
	v46 =	vadd.f32 v53, v46  }
0x181: {  	v47 =	vmul.f32 v47, v14;
	v63 =	vld.idx.msk [tilespmem:v56+s16+$0x0], $0xffff  }
0x182: {  	v49 =	vmul.f32 v51, v60;
	v60 =	vor.u32 $0x13, v45;
	v56 =	vld.idx.msk [tilespmem:v56+s17+$0x0], $0xffff;
	v46 =	vadd.f32 v50, v46  }
0x183: {  	v55 =	vld.idx.msk [tilespmem:v62+s17+$0x0], $0xffff  }
0x184: {  	v48 =	vmul.f32 v57, v48;
	v57 =	vor.u32 $0x14, v45;
	v46 =	vadd.f32 v47, v46;
	v47 =	vld.idx.msk [tilespmem:v54+s16+$0x0], $0xffff  }
0x185: {  	v49 =	vmul.f32 v49, v15;
	v54 =	vld.idx.msk [tilespmem:v54+s17+$0x0], $0xffff  }
0x186: {  	v53 =	vor.u32 $0x15, v45;
	v61 =	vmul.f32 v52, v61;
	v52 =	vld.idx.msk [tilespmem:v62+s16+$0x0], $0xffff  }
0x187: {  	v50 =	vld.idx.msk [tilespmem:v60+s16+$0x0], $0xffff;
	v48 =	vmul.f32 v48, v16;
	v63 =	vmul.f32 v56, v63;
	v46 =	vadd.f32 v49, v46  }
0x188: {  	v51 =	vld.idx.msk [tilespmem:v60+s17+$0x0], $0xffff;
	v62 =	vmul.f32 v61, v17;
	v56 =	vor.u32 $0x16, v45;
	v61 =	vmul.f32 $-2.317854670e-03, v44  }
0x189: {  	v60 =	vmul.f32 v63, v18;
	v46 =	vadd.f32 v48, v46;
	v49 =	vld.idx.msk [tilespmem:v57+s16+$0x0], $0xffff  }
0x18a: {  	v63 =	vor.u32 $0x18, v45;
	v57 =	vld.idx.msk [tilespmem:v57+s17+$0x0], $0xffff;
	v47 =	vmul.f32 v54, v47;
	v54 =	vadd.f32 $1.534189750e-02, v61  }
0x18b: {  	v46 =	vadd.f32 v62, v46;
	v62 =	vld.idx.msk [tilespmem:v53+s16+$0x0], $0xffff  }
0x18c: {  	v48 =	vor.u32 $0x17, v45;
	v53 =	vld.idx.msk [tilespmem:v53+s17+$0x0], $0xffff;
	v54 =	vmul.f32 v54, v44  }
0x18d: {  	v52 =	vmul.f32 v55, v52;
	v47 =	vmul.f32 v47, v19;
	v46 =	vadd.f32 v60, v46;
	v60 =	vld.idx.msk [tilespmem:v56+s16+$0x0], $0xffff  }
0x18e: {  	v56 =	vld.idx.msk [tilespmem:v56+s17+$0x0], $0xffff;
	v61 =	vadd.f32 $-4.766548420e-02, v54;
	v54 =	vor.u32 $0x19, v45  }
0x18f: {  	v50 =	vmul.f32 v51, v50;
	v52 =	vmul.f32 v52, v20;
	v55 =	vld.idx.msk [tilespmem:v63+s16+$0x0], $0xffff;
	v46 =	vadd.f32 v47, v46  }
0x190: {  	v51 =	vor.u32 $0x1B, v45;
	v47 =	vld.idx.msk [tilespmem:v63+s17+$0x0], $0xffff  }
0x191: {  	v50 =	vmul.f32 v50, v21;
	v49 =	vmul.f32 v57, v49;
	v57 =	vld.idx.msk [tilespmem:v48+s16+$0x0], $0xffff;
	v46 =	vadd.f32 v52, v46  }
0x192: {  	v48 =	vld.idx.msk [tilespmem:v48+s17+$0x0], $0xffff;
	v62 =	vmul.f32 v53, v62;
	v53 =	vor.u32 $0x1A, v45  }
0x193: {  	v49 =	vmul.f32 v49, v22;
	v60 =	vmul.f32 v56, v60;
	v46 =	vadd.f32 v50, v46;
	v56 =	vld.idx.msk [tilespmem:v54+s16+$0x0], $0xffff  }
0x194: {  	v63 =	vmul.f32 v62, v23;
	v62 =	vor.u32 $0x1C, v45;
	v54 =	vld.idx.msk [tilespmem:v54+s17+$0x0], $0xffff  }
0x195: {  	v52 =	vmul.f32 v61, v44;
	v47 =	vmul.f32 v47, v55;
	v55 =	vld.idx.msk [tilespmem:v51+s16+$0x0], $0xffff;
	v46 =	vadd.f32 v49, v46  }
0x196: {  	v51 =	vld.idx.msk [tilespmem:v51+s17+$0x0], $0xffff  }
0x197: {  	v52 =	vadd.f32 $9.548566490e-02, v52;
	v48 =	vmul.f32 v48, v57;
	v46 =	vadd.f32 v63, v46;
	v63 =	vld.idx.msk [tilespmem:v53+s16+$0x0], $0xffff  }
0x198: {  	v34 =	vmul.f32 v35, v34;
	v61 =	vmul.f32 v60, v24;
	v60 =	vor.u32 $0x1D, v45;
	v53 =	vld.idx.msk [tilespmem:v53+s17+$0x0], $0xffff  }
0x199: {  	v39 =	vadd.f32 $9.999998210e-01, v39;
	v52 =	vmul.f32 v52, v44;
	v48 =	vmul.f32 v48, v25;
	v50 =	vld.idx.msk [tilespmem:v62+s17+$0x0], $0xffff  }
0x19a: {  	v54 =	vmul.f32 v54, v56;
	v56 =	vld.idx.msk [tilespmem:v62+s16+$0x0], $0xffff;
	v62 =	vor.u32 $0x1F, v45;
	v46 =	vadd.f32 v61, v46  }
0x19b: {  	v37 =	vmul.f32 v39, v37;
	s14 =	simm.s32 $0x90;
	v47 =	vmul.f32 v47, v26;
	v52 =	vadd.f32 $-1.458647400e-01, v52  }
0x19c: {  	v61 =	vmov s14;
	v46 =	vadd.f32 v48, v46;
	v48 =	vor.u32 $0x1E, v45  }
0x19d: {  	v52 =	vmul.f32 v52, v44;
	v57 =	vld.idx.msk [tilespmem:v60+s16+$0x0], $0xffff;
	v53 =	vmul.f32 v53, v63;
	v63 =	vshll.u32 v61, $0x5  }
0x19e: {  	v59 =	vld.idx.msk [tilespmem:v60+s17+$0x0], $0xffff;
	v54 =	vmul.f32 v54, v27;
	v46 =	vadd.f32 v47, v46;
	v45 =	vor.u32 v0, v63  }
0x19f: {  	v37 =	vadd.f32 $8.184459770e-10, v37;
	v51 =	vmul.f32 v51, v55;
	v52 =	vadd.f32 $1.937516630e-01, v52;
	v61 =	vld.idx.msk [tilespmem:v62+s17+$0x0], $0xffff  }
0x1a0: {  	v53 =	vmul.f32 v53, v32;
	v39 =	vor.u32 $0x2, v45;
	v46 =	vadd.f32 v54, v46;
	v54 =	vld.idx.msk [tilespmem:v62+s16+$0x0], $0xffff  }
0x1a1: {  	v43 =	vmul.f32 v42, v43;
	v42 =	vmax.f32 v42, $0.0e+00;
	v52 =	vmul.f32 v52, v44;
	v60 =	vld.idx.msk [tilespmem:v48+s16+$0x0], $0xffff  }
0x1a2: {  	v51 =	vmul.f32 v51, v28;
	v48 =	vld.idx.msk [tilespmem:v48+s17+$0x0], $0xffff;
	v46 =	vadd.f32 v53, v46;
	v53 =	vor.u32 $0x1, v45  }
0x1a3: {  	v47 =	vmul.f32 v59, v57;
	v59 =	vmax.f32 v35, $0.0e+00;
	v52 =	vadd.f32 $-2.487842440e-01, v52;
	v62 =	vld.idx.msk [tilespmem:v45+s16+$0x0], $0xffff  }
0x1a4: {  	v50 =	vmul.f32 v50, v56;
	v63 =	vor.u32 $0x3, v45;
	v34 =	vsub.f32 v59, v34;
	v58 =	vld.idx.msk [tilespmem:v45+s17+$0x0], $0xffff  }
0x1a5: {  	v42 =	vsub.f32 v42, v43;
	v57 =	vor.u32 $0x4, v45;
	v52 =	vmul.f32 v52, v44;
	v35 =	vld.idx.msk [tilespmem:v39+s16+$0x0], $0xffff  }
0x1a6: {  	v50 =	vmul.f32 v50, v29;
	v34 =	vadd.f32 v37, v34;
	v46 =	vadd.f32 v51, v46;
	v39 =	vld.idx.msk [tilespmem:v39+s17+$0x0], $0xffff  }
0x1a7: {  	v37 =	vor.u32 $0x5, v45;
	v52 =	vadd.f32 $3.331919010e-01, v52;
	v48 =	vmul.f32 v48, v60;
	v60 =	vld.idx.msk [tilespmem:v53+s16+$0x0], $0xffff  }
0x1a8: {  	v47 =	vmul.f32 v47, v30;
	v54 =	vmul.f32 v61, v54;
	v46 =	vadd.f32 v50, v46;
	v53 =	vld.idx.msk [tilespmem:v53+s17+$0x0], $0xffff  }
0x1a9: {  	v55 =	vor.u32 $0x7, v45;
	v52 =	vmul.f32 v52, v44;
	v61 =	vmul.f32 v48, v31;
	v48 =	vld.idx.msk [tilespmem:v63+s16+$0x0], $0xffff  }
0x1aa: {  	v36 =	vadd.f32 v34, v36;
	v46 =	vadd.f32 v47, v46;
	v49 =	vmul.f32 v58, v62;
	v63 =	vld.idx.msk [tilespmem:v63+s17+$0x0], $0xffff  }
0x1ab: {  	v51 =	vor.u32 $0x6, v45;
	v62 =	vadd.f32 $-4.999914170e-01, v52;
	v58 =	vmul.f32 v54, v33  }
0x1ac: {  	v56 =	vld.idx.msk [tilespmem:v37+s16+$0x0], $0xffff;
	v39 =	vmul.f32 v39, v35;
	v46 =	vadd.f32 v61, v46;
	v59 =	vmul.f32 v49, v5  }
0x1ad: {  	v52 =	vor.u32 $0x8, v45;
	v50 =	vmul.f32 v62, v44;
	v61 =	vld.idx.msk [tilespmem:v57+s17+$0x0], $0xffff;
	v62 =	vmul.f32 $-2.317854670e-03, v41  }
0x1ae: {  	v39 =	vmul.f32 v39, v3;
	v60 =	vmul.f32 v53, v60;
	v53 =	vld.idx.msk [tilespmem:v57+s16+$0x0], $0xffff;
	v46 =	vadd.f32 v58, v46  }
0x1af: {  	v37 =	vld.idx.msk [tilespmem:v37+s17+$0x0], $0xffff;
	v34 =	vadd.f32 $0.0e+00, v59;
	v50 =	vadd.f32 $9.999998210e-01, v50;
	v63 =	vmul.f32 v63, v48  }
0x1b0: {  	v58 =	vadd.f32 $1.534189750e-02, v62;
	v62 =	vld.idx.msk [tilespmem:v55+s16+$0x0], $0xffff;
	v49 =	vmul.f32 v60, v2;
	v35 =	vadd.f32 v46, v1  }
0x1b1: {  	v55 =	vld.idx.msk [tilespmem:v55+s17+$0x0], $0xffff;
	v44 =	vmul.f32 v50, v44;
	v46 =	vmul.f32 v63, v4;
	v63 =	vor.u32 $0xA, v45  }
0x1b2: {  	v60 =	vld.idx.msk [tilespmem:v51+s16+$0x0], $0xffff;
	v57 =	vadd.f32 v49, v34;
	v59 =	vand.u32 $0x7FFFFFFF, v35;
	v49 =	vmul.f32 v58, v41  }
0x1b3: {  	v51 =	vld.idx.msk [tilespmem:v51+s17+$0x0], $0xffff;
	v54 =	vsub.f32 $0.0e+00, v59;
	v47 =	vmul.f32 v61, v53;
	v61 =	vor.u32 $0x9, v45  }
0x1b4: {  	v37 =	vmul.f32 v37, v56;
	v39 =	vadd.f32 v39, v57;
	v49 =	vadd.f32 $-4.766548420e-02, v49  }
0x1b5: {  	v58 =	vld.idx.msk [tilespmem:v52+s16+$0x0], $0xffff;
	v44 =	vadd.f32 $8.184459770e-10, v44;
	v59 =	vor.u32 $0xB, v45;
	v54 =	vmul.f32 $1.442695020e+00, v54  }
0x1b6: {  	v52 =	vld.idx.msk [tilespmem:v52+s17+$0x0], $0xffff;
	v47 =	vmul.f32 v47, v6;
	v39 =	vadd.f32 v46, v39;
	v49 =	vmul.f32 v49, v41  }
0x1b7: {  	v46 =	vmul.f32 v55, v62;
	v62 =	vor.u32 $0xD, v45;
	(erf) = vpow2.f32 v54;
	v54 =	vld.idx.msk [tilespmem:v63+s16+$0x0], $0xffff  }
0x1b8: {  	v37 =	vmul.f32 v37, v7;
	v48 =	vmul.f32 v51, v60;
	v39 =	vadd.f32 v47, v39;
	v60 =	vld.idx.msk [tilespmem:v61+s16+$0x0], $0xffff  }
0x1b9: {  	v42 =	vadd.f32 v44, v42;
	v53 =	vld.idx.msk [tilespmem:v61+s17+$0x0], $0xffff;
	v61 =	vadd.f32 $9.548566490e-02, v49  }
0x1ba: {  	v44 =	vor.u32 $0xE, v45;
	v48 =	vmul.f32 v48, v8;
	v63 =	vld.idx.msk [tilespmem:v63+s17+$0x0], $0xffff;
	v37 =	vadd.f32 v37, v39  }
0x1bb: {  	v47 =	vld.idx.msk [tilespmem:v59+s17+$0x0], $0xffff;
	v39 =	vor.u32 $0xC, v45;
	v43 =	vmul.f32 v61, v41  }
0x1bc: {  	v46 =	vmul.f32 v46, v9;
	v51 =	vld.idx.msk [tilespmem:v62+s16+$0x0], $0xffff;
	v37 =	vadd.f32 v48, v37  }
0x1bd: {  	v50 =	vmul.f32 v52, v58;
	v48 =	vld.idx.msk [tilespmem:v59+s16+$0x0], $0xffff;
	v59 =	vadd.f32 $-1.458647400e-01, v43  }
0x1be: {  	v49 =	vld.idx.msk [tilespmem:v62+s17+$0x0], $0xffff;
	v58 =	vmul.f32 v53, v60;
	v60 =	vor.u32 $0xF, v45;
	v37 =	vadd.f32 v46, v37  }
0x1bf: {  	v36 =	vadd.f32 v42, v36;
	v61 =	vmul.f32 v63, v54;
	v63 =	vld.idx.msk [tilespmem:v44+s16+$0x0], $0xffff  }
0x1c0: {  	v57 =	vmul.f32 v50, v10;
	v54 =	vor.u32 $0x10, v45;
	v42 =	vmul.f32 v59, v41;
	v52 =	vld.idx.msk [tilespmem:v39+s16+$0x0], $0xffff  }
0x1c1: {  	v53 =	vmul.f32 v61, v12;
	v59 =	vor.u32 $0x12, v45;
	v39 =	vld.idx.msk [tilespmem:v39+s17+$0x0], $0xffff  }
0x1c2: {  	v44 =	vld.idx.msk [tilespmem:v44+s17+$0x0], $0xffff;
	v50 =	vmul.f32 v58, v11;
	v46 =	vadd.f32 v57, v37;
	v42 =	vadd.f32 $1.937516630e-01, v42;
	v37 =	vpop (erf)  }
0x1c3: {  	v57 =	vor.u32 $0x11, v45;
	v47 =	vmul.f32 v47, v48;
	v58 =	vld.idx.msk [tilespmem:v60+s16+$0x0], $0xffff;
	v62 =	vmul.f32 $-2.317854670e-03, v37  }
0x1c4: {  	v61 =	vor.u32 $0x13, v45;
	v46 =	vadd.f32 v50, v46;
	v42 =	vmul.f32 v42, v41;
	v43 =	vld.idx.msk [tilespmem:v60+s17+$0x0], $0xffff  }
0x1c5: {  	v49 =	vmul.f32 v49, v51;
	v60 =	vld.idx.msk [tilespmem:v54+s16+$0x0], $0xffff;
	v47 =	vmul.f32 v47, v13;
	v55 =	vadd.f32 $1.534189750e-02, v62  }
0x1c6: {  	v54 =	vld.idx.msk [tilespmem:v54+s17+$0x0], $0xffff;
	v46 =	vadd.f32 v53, v46;
	v39 =	vmul.f32 v39, v52;
	v42 =	vadd.f32 $-2.487842440e-01, v42  }
0x1c7: {  	v44 =	vmul.f32 v44, v63;
	v63 =	vor.u32 $0x14, v45;
	v52 =	vld.idx.msk [tilespmem:v59+s17+$0x0], $0xffff;
	v55 =	vmul.f32 v55, v37  }
0x1c8: {  	v62 =	vld.idx.msk [tilespmem:v57+s16+$0x0], $0xffff;
	v46 =	vadd.f32 v47, v46;
	v39 =	vmul.f32 v39, v14;
	v42 =	vmul.f32 v42, v41  }
0x1c9: {  	v49 =	vmul.f32 v49, v15;
	v44 =	vmul.f32 v44, v16;
	v48 =	vld.idx.msk [tilespmem:v57+s17+$0x0], $0xffff;
	v55 =	vadd.f32 $-4.766548420e-02, v55  }
0x1ca: {  	v57 =	vld.idx.msk [tilespmem:v59+s16+$0x0], $0xffff;
	v43 =	vmul.f32 v43, v58;
	v39 =	vadd.f32 v39, v46;
	v42 =	vadd.f32 $3.331919010e-01, v42  }
0x1cb: {  	v58 =	vor.u32 $0x15, v45;
	v47 =	vmul.f32 v54, v60;
	v55 =	vmul.f32 v55, v37  }
0x1cc: {  	v51 =	vld.idx.msk [tilespmem:v61+s17+$0x0], $0xffff;
	v60 =	vor.u32 $0x16, v45;
	v39 =	vadd.f32 v49, v39;
	v42 =	vmul.f32 v42, v41  }
0x1cd: {  	v59 =	vld.idx.msk [tilespmem:v61+s16+$0x0], $0xffff;
	v43 =	vmul.f32 v43, v17;
	v47 =	vmul.f32 v47, v18;
	v55 =	vadd.f32 $9.548566490e-02, v55  }
0x1ce: {  	v61 =	vld.idx.msk [tilespmem:v63+s16+$0x0], $0xffff;
	v46 =	vmul.f32 v48, v62;
	v39 =	vadd.f32 v44, v39;
	v42 =	vadd.f32 $-4.999914170e-01, v42  }
0x1cf: {  	v50 =	vld.idx.msk [tilespmem:v63+s17+$0x0], $0xffff;
	v62 =	vor.u32 $0x17, v45;
	v49 =	vmul.f32 v52, v57;
	v55 =	vmul.f32 v55, v37  }
0x1d0: {  	v57 =	vor.u32 $0x18, v45;
	v63 =	vld.idx.msk [tilespmem:v58+s16+$0x0], $0xffff;
	v39 =	vadd.f32 v43, v39;
	v42 =	vmul.f32 v42, v41  }
0x1d1: {  	v40 =	vmul.f32 v38, v40;
	v46 =	vmul.f32 v46, v19;
	v53 =	vld.idx.msk [tilespmem:v58+s17+$0x0], $0xffff;
	v55 =	vadd.f32 $-1.458647400e-01, v55  }
0x1d2: {  	v58 =	vld.idx.msk [tilespmem:v60+s16+$0x0], $0xffff;
	v49 =	vmul.f32 v49, v20;
	v39 =	vadd.f32 v47, v39;
	v42 =	vadd.f32 $9.999998210e-01, v42  }
0x1d3: {  	v44 =	vmul.f32 v51, v59;
	v59 =	vor.u32 $0x19, v45;
	v54 =	vld.idx.msk [tilespmem:v60+s17+$0x0], $0xffff;
	v55 =	vmul.f32 v55, v37  }
0x1d4: {  	v48 =	vld.idx.msk [tilespmem:v62+s17+$0x0], $0xffff;
	v39 =	vadd.f32 v46, v39;
	v41 =	vmul.f32 v42, v41;
	v42 =	vor.u32 $0x1A, v45  }
0x1d5: {  	v38 =	vmax.f32 v38, $0.0e+00;
	v43 =	vmul.f32 v50, v61;
	v61 =	vld.idx.msk [tilespmem:v57+s16+$0x0], $0xffff;
	v55 =	vadd.f32 $1.937516630e-01, v55  }
0x1d6: {  	v38 =	vsub.f32 v38, v40;
	v44 =	vmul.f32 v44, v21;
	v52 =	vld.idx.msk [tilespmem:v57+s17+$0x0], $0xffff;
	v39 =	vadd.f32 v49, v39  }
0x1d7: {  	v47 =	vmul.f32 v53, v63;
	v49 =	vld.idx.msk [tilespmem:v62+s16+$0x0], $0xffff;
	v62 =	vor.u32 $0x1B, v45;
	v60 =	vmul.f32 v55, v37  }
0x1d8: {  	v43 =	vmul.f32 v43, v22;
	v51 =	vld.idx.msk [tilespmem:v59+s17+$0x0], $0xffff;
	v46 =	vmul.f32 v54, v58;
	v39 =	vadd.f32 v44, v39  }
0x1d9: {  	v63 =	vor.u32 $0x1C, v45;
	v47 =	vmul.f32 v47, v23;
	v55 =	vld.idx.msk [tilespmem:v42+s16+$0x0], $0xffff;
	v50 =	vadd.f32 $-2.487842440e-01, v60  }
0x1da: {  	v41 =	vadd.f32 $8.184459770e-10, v41;
	v46 =	vmul.f32 v46, v24;
	v58 =	vld.idx.msk [tilespmem:v42+s17+$0x0], $0xffff;
	v39 =	vadd.f32 v43, v39  }
0x1db: {  	v56 =	vor.u32 $0x1D, v45;
	v61 =	vmul.f32 v52, v61;
	v43 =	vld.idx.msk [tilespmem:v59+s16+$0x0], $0xffff;
	v50 =	vmul.f32 v50, v37  }
0x1dc: {  	s18 =	simm.s32 $0xA0;
	v38 =	vadd.f32 v41, v38;
	v48 =	vmul.f32 v48, v49;
	v40 =	vld.idx.msk [tilespmem:v62+s16+$0x0], $0xffff;
	v39 =	vadd.f32 v47, v39  }
0x1dd: {  	s1 =	simm.s32 $0x84B0;
	v52 =	vmul.f32 v61, v26;
	v44 =	vld.idx.msk [tilespmem:v62+s17+$0x0], $0xffff;
	v62 =	vmov s18;
	v59 =	vadd.f32 $3.331919010e-01, v50  }
0x1de: {  	v34 =	vld [tilespmem:s1+$0x0];
	v47 =	vor.u32 $0x1E, v45;
	v60 =	vmul.f32 v48, v25;
	v39 =	vadd.f32 v46, v39  }
0x1df: {  	v41 =	vld.idx.msk [tilespmem:v63+s16+$0x0], $0xffff;
	v36 =	vadd.f32 v38, v36;
	v38 =	vshll.u32 v62, $0x5;
	v50 =	vmul.f32 v59, v37  }
0x1e0: {  	v42 =	vld.idx.msk [tilespmem:v56+s16+$0x0], $0xffff;
	v48 =	vor.u32 $0x1F, v45;
	v43 =	vmul.f32 v51, v43;
	v39 =	vadd.f32 v60, v39  }
0x1e1: {  	v38 =	vor.u32 v0, v38;
	v46 =	vld.idx.msk [tilespmem:v63+s17+$0x0], $0xffff;
	v63 =	vadd.f32 $-4.999914170e-01, v50  }
0x1e2: {  	v45 =	vld.idx.msk [tilespmem:v56+s17+$0x0], $0xffff;
	v51 =	vmul.f32 v43, v27;
	v50 =	vadd.f32 v52, v39;
	v52 =	vmul.f32 v58, v55  }
0x1e3: {  	s14 =	simm.s32 $0xB0;
	v53 =	vor.u32 $0x2, v38;
	v43 =	vld.idx.msk [tilespmem:v47+s16+$0x0], $0xffff;
	v39 =	vmul.f32 v63, v37  }
.LBB2_4:
0x1e4: {  	p1 =	sne.s32 s14, $0xF0;
	v49 =	vadd.f32 v51, v50;
	v50 =	vmul.f32 v52, v32;
	v40 =	vmul.f32 v44, v40;
	v44 =	vld.idx.msk [tilespmem:v47+s17+$0x0], $0xffff  }
0x1e5: {  	v47 =	vor.u32 $0x1, v38;
	v51 =	vld.idx.msk [tilespmem:v48+s16+$0x0], $0xffff;
	v39 =	vadd.f32 $9.999998210e-01, v39  }
0x1e6: {  	v41 =	vmul.f32 v46, v41;
	v49 =	vadd.f32 v50, v49;
	v40 =	vmul.f32 v40, v28;
	v46 =	vld.idx.msk [tilespmem:v48+s17+$0x0], $0xffff  }
0x1e7: {  	v34 =	vmul.f32 v35, v34;
	v50 =	vor.u32 $0x3, v38;
	v48 =	vld.idx.msk [tilespmem:v38+s16+$0x0], $0xffff;
	v37 =	vmul.f32 v39, v37  }
0x1e8: {  	v35 =	vmax.f32 v35, $0.0e+00;
	v42 =	vmul.f32 v45, v42;
	v39 =	vld.idx.msk [tilespmem:v38+s17+$0x0], $0xffff;
	v40 =	vadd.f32 v40, v49  }
0x1e9: {  	v34 =	vsub.f32 v35, v34;
	v41 =	vmul.f32 v41, v29;
	v45 =	vld.idx.msk [tilespmem:v53+s16+$0x0], $0xffff;
	v37 =	vadd.f32 $8.184459770e-10, v37  }
0x1ea: {  	v49 =	vor.u32 $0x4, v38;
	v43 =	vmul.f32 v44, v43;
	v35 =	vld.idx.msk [tilespmem:v47+s16+$0x0], $0xffff  }
0x1eb: {  	v40 =	vadd.f32 v41, v40;
	v41 =	vmul.f32 v42, v30;
	v44 =	vld.idx.msk [tilespmem:v47+s17+$0x0], $0xffff;
	v34 =	vadd.f32 v37, v34  }
0x1ec: {  	v42 =	vor.u32 $0x5, v38;
	v46 =	vmul.f32 v46, v51;
	v37 =	vld.idx.msk [tilespmem:v53+s17+$0x0], $0xffff  }
0x1ed: {  	v40 =	vadd.f32 v41, v40;
	v41 =	vmul.f32 v43, v31;
	v47 =	vld.idx.msk [tilespmem:v50+s16+$0x0], $0xffff;
	v36 =	vadd.f32 v34, v36  }
0x1ee: {  	s1 =	sadd.s32 $0x10, s1;
	v43 =	vld.idx.msk [tilespmem:v50+s17+$0x0], $0xffff;
	v50 =	vor.u32 $0x6, v38  }
0x1ef: {  	v39 =	vmul.f32 v39, v48;
	v40 =	vadd.f32 v41, v40;
	v41 =	vmul.f32 v46, v33;
	v34 =	vld [tilespmem:s1+$0x0]  }
0x1f0: {  	v48 =	vor.u32 $0x7, v38;
	v46 =	vld.idx.msk [tilespmem:v49+s16+$0x0], $0xffff  }
0x1f1: {  	v39 =	vmul.f32 v39, v5;
	v35 =	vmul.f32 v44, v35;
	v40 =	vadd.f32 v41, v40;
	v44 =	vld.idx.msk [tilespmem:v49+s17+$0x0], $0xffff  }
0x1f2: {  	v37 =	vmul.f32 v37, v45;
	v45 =	vor.u32 $0x8, v38;
	v41 =	vld.idx.msk [tilespmem:v42+s16+$0x0], $0xffff  }
0x1f3: {  	v39 =	vadd.f32 $0.0e+00, v39;
	v49 =	vmul.f32 v35, v2;
	v35 =	vadd.f32 v40, v1;
	v42 =	vld.idx.msk [tilespmem:v42+s17+$0x0], $0xffff  }
0x1f4: {  	v40 =	vmul.f32 v43, v47;
	v47 =	vor.u32 $0x9, v38;
	v43 =	vld.idx.msk [tilespmem:v50+s16+$0x0], $0xffff  }
0x1f5: {  	v37 =	vmul.f32 v37, v3;
	v39 =	vadd.f32 v49, v39;
	v49 =	vld.idx.msk [tilespmem:v50+s17+$0x0], $0xffff;
	v50 =	vand.u32 $0x7FFFFFFF, v35  }
0x1f6: {  	v52 =	vor.u32 $0xA, v38;
	v51 =	vld.idx.msk [tilespmem:v48+s16+$0x0], $0xffff;
	v50 =	vsub.f32 $0.0e+00, v50  }
0x1f7: {  	v37 =	vadd.f32 v37, v39;
	v39 =	vmul.f32 v40, v4;
	v40 =	vmul.f32 v44, v46;
	v44 =	vld.idx.msk [tilespmem:v48+s17+$0x0], $0xffff  }
0x1f8: {  	v48 =	vor.u32 $0xB, v38;
	v46 =	vld.idx.msk [tilespmem:v45+s16+$0x0], $0xffff;
	v50 =	vmul.f32 $1.442695020e+00, v50  }
0x1f9: {  	v37 =	vadd.f32 v39, v37;
	v39 =	vmul.f32 v40, v6;
	v40 =	vmul.f32 v42, v41;
	v41 =	vld.idx.msk [tilespmem:v45+s17+$0x0], $0xffff  }
0x1fa: {  	v45 =	vor.u32 $0xC, v38;
	v42 =	vld.idx.msk [tilespmem:v47+s16+$0x0], $0xffff;
	(erf) = vpow2.f32 v50  }
0x1fb: {  	v37 =	vadd.f32 v39, v37;
	v39 =	vmul.f32 v40, v7;
	v40 =	vmul.f32 v49, v43;
	v43 =	vld.idx.msk [tilespmem:v47+s17+$0x0], $0xffff  }
0x1fc: {  	v49 =	vor.u32 $0xD, v38;
	v47 =	vld.idx.msk [tilespmem:v52+s16+$0x0], $0xffff  }
0x1fd: {  	v37 =	vadd.f32 v39, v37;
	v39 =	vmul.f32 v40, v8;
	v40 =	vmul.f32 v44, v51;
	v44 =	vld.idx.msk [tilespmem:v52+s17+$0x0], $0xffff  }
0x1fe: {  	v51 =	vor.u32 $0xE, v38;
	v50 =	vld.idx.msk [tilespmem:v48+s16+$0x0], $0xffff  }
0x1ff: {  	v37 =	vadd.f32 v39, v37;
	v39 =	vmul.f32 v40, v9;
	v40 =	vmul.f32 v41, v46;
	v41 =	vld.idx.msk [tilespmem:v48+s17+$0x0], $0xffff  }
0x200: {  	v48 =	vor.u32 $0xF, v38;
	v46 =	vld.idx.msk [tilespmem:v45+s16+$0x0], $0xffff  }
0x201: {  	v52 =	vadd.f32 v39, v37;
	v39 =	vmul.f32 v40, v10;
	v40 =	vmul.f32 v43, v42;
	v42 =	vld.idx.msk [tilespmem:v45+s17+$0x0], $0xffff  }
0x202: {  	v45 =	vor.u32 $0x10, v38;
	v43 =	vld.idx.msk [tilespmem:v49+s16+$0x0], $0xffff  }
0x203: {  	v39 =	vadd.f32 v39, v52;
	v40 =	vmul.f32 v40, v11;
	v44 =	vmul.f32 v44, v47;
	v47 =	vld.idx.msk [tilespmem:v49+s17+$0x0], $0xffff;
	v37 =	vpop (erf)  }
0x204: {  	v52 =	vor.u32 $0x11, v38;
	v49 =	vld.idx.msk [tilespmem:v51+s16+$0x0], $0xffff;
	v53 =	vmul.f32 $-2.317854670e-03, v37  }
0x205: {  	v39 =	vadd.f32 v40, v39;
	v40 =	vmul.f32 v44, v12;
	v41 =	vmul.f32 v41, v50;
	v44 =	vld.idx.msk [tilespmem:v51+s17+$0x0], $0xffff  }
0x206: {  	v51 =	vor.u32 $0x12, v38;
	v50 =	vld.idx.msk [tilespmem:v48+s16+$0x0], $0xffff;
	v53 =	vadd.f32 $1.534189750e-02, v53  }
0x207: {  	v39 =	vadd.f32 v40, v39;
	v40 =	vmul.f32 v41, v13;
	v41 =	vmul.f32 v42, v46;
	v42 =	vld.idx.msk [tilespmem:v48+s17+$0x0], $0xffff  }
0x208: {  	v48 =	vor.u32 $0x13, v38;
	v46 =	vld.idx.msk [tilespmem:v45+s16+$0x0], $0xffff;
	v53 =	vmul.f32 v53, v37  }
0x209: {  	v39 =	vadd.f32 v40, v39;
	v40 =	vmul.f32 v41, v14;
	v41 =	vmul.f32 v47, v43;
	v43 =	vld.idx.msk [tilespmem:v45+s17+$0x0], $0xffff  }
0x20a: {  	v47 =	vor.u32 $0x14, v38;
	v45 =	vld.idx.msk [tilespmem:v52+s16+$0x0], $0xffff;
	v53 =	vadd.f32 $-4.766548420e-02, v53  }
0x20b: {  	v39 =	vadd.f32 v40, v39;
	v40 =	vmul.f32 v41, v15;
	v41 =	vmul.f32 v44, v49;
	v44 =	vld.idx.msk [tilespmem:v52+s17+$0x0], $0xffff  }
0x20c: {  	v52 =	vor.u32 $0x15, v38;
	v49 =	vld.idx.msk [tilespmem:v51+s16+$0x0], $0xffff;
	v53 =	vmul.f32 v53, v37  }
0x20d: {  	v39 =	vadd.f32 v40, v39;
	v40 =	vmul.f32 v41, v16;
	v41 =	vmul.f32 v42, v50;
	v42 =	vld.idx.msk [tilespmem:v51+s17+$0x0], $0xffff  }
0x20e: {  	v51 =	vor.u32 $0x16, v38;
	v50 =	vld.idx.msk [tilespmem:v48+s16+$0x0], $0xffff;
	v53 =	vadd.f32 $9.548566490e-02, v53  }
0x20f: {  	v39 =	vadd.f32 v40, v39;
	v40 =	vmul.f32 v41, v17;
	v41 =	vmul.f32 v43, v46;
	v43 =	vld.idx.msk [tilespmem:v48+s17+$0x0], $0xffff  }
0x210: {  	v48 =	vor.u32 $0x17, v38;
	v46 =	vld.idx.msk [tilespmem:v47+s16+$0x0], $0xffff;
	v53 =	vmul.f32 v53, v37  }
0x211: {  	v39 =	vadd.f32 v40, v39;
	v40 =	vmul.f32 v41, v18;
	v41 =	vmul.f32 v44, v45;
	v44 =	vld.idx.msk [tilespmem:v47+s17+$0x0], $0xffff  }
0x212: {  	v47 =	vor.u32 $0x18, v38;
	v45 =	vld.idx.msk [tilespmem:v52+s16+$0x0], $0xffff;
	v53 =	vadd.f32 $-1.458647400e-01, v53  }
0x213: {  	v39 =	vadd.f32 v40, v39;
	v40 =	vmul.f32 v41, v19;
	v41 =	vmul.f32 v42, v49;
	v42 =	vld.idx.msk [tilespmem:v52+s17+$0x0], $0xffff  }
0x214: {  	v52 =	vor.u32 $0x19, v38;
	v49 =	vld.idx.msk [tilespmem:v51+s16+$0x0], $0xffff;
	v53 =	vmul.f32 v53, v37  }
0x215: {  	v39 =	vadd.f32 v40, v39;
	v40 =	vmul.f32 v41, v20;
	v41 =	vmul.f32 v43, v50;
	v43 =	vld.idx.msk [tilespmem:v51+s17+$0x0], $0xffff  }
0x216: {  	v51 =	vor.u32 $0x1A, v38;
	v50 =	vld.idx.msk [tilespmem:v48+s16+$0x0], $0xffff;
	v53 =	vadd.f32 $1.937516630e-01, v53  }
0x217: {  	v39 =	vadd.f32 v40, v39;
	v40 =	vmul.f32 v41, v21;
	v41 =	vmul.f32 v44, v46;
	v44 =	vld.idx.msk [tilespmem:v48+s17+$0x0], $0xffff  }
0x218: {  	v48 =	vor.u32 $0x1B, v38;
	v46 =	vld.idx.msk [tilespmem:v47+s16+$0x0], $0xffff;
	v53 =	vmul.f32 v53, v37  }
0x219: {  	v39 =	vadd.f32 v40, v39;
	v40 =	vmul.f32 v41, v22;
	v41 =	vmul.f32 v42, v45;
	v42 =	vld.idx.msk [tilespmem:v47+s17+$0x0], $0xffff  }
0x21a: {  	v54 =	vor.u32 $0x1C, v38;
	v45 =	vld.idx.msk [tilespmem:v52+s16+$0x0], $0xffff;
	v47 =	vadd.f32 $-2.487842440e-01, v53  }
0x21b: {  	v39 =	vadd.f32 v40, v39;
	v40 =	vmul.f32 v41, v23;
	v41 =	vmul.f32 v43, v49;
	v43 =	vld.idx.msk [tilespmem:v52+s17+$0x0], $0xffff  }
0x21c: {  	v53 =	vor.u32 $0x1D, v38;
	v49 =	vld.idx.msk [tilespmem:v51+s16+$0x0], $0xffff;
	v52 =	vmul.f32 v47, v37  }
0x21d: {  	v39 =	vadd.f32 v40, v39;
	v41 =	vmul.f32 v41, v24;
	v44 =	vmul.f32 v44, v50;
	v55 =	vld.idx.msk [tilespmem:v51+s17+$0x0], $0xffff  }
0x21e: {  	v50 =	vmov s14;
	v47 =	vor.u32 $0x1E, v38;
	v40 =	vld.idx.msk [tilespmem:v48+s16+$0x0], $0xffff;
	v51 =	vadd.f32 $3.331919010e-01, v52  }
0x21f: {  	v39 =	vadd.f32 v41, v39;
	v52 =	vmul.f32 v44, v25;
	v42 =	vmul.f32 v42, v46;
	v44 =	vld.idx.msk [tilespmem:v48+s17+$0x0], $0xffff  }
.Ltmp1:
0x220: {  	v50 =	vshll.u32 v50, $0x5;
	v48 =	vor.u32 $0x1F, v38;
	v41 =	vld.idx.msk [tilespmem:v54+s16+$0x0], $0xffff;
	v51 =	vmul.f32 v51, v37;
	(pc) =	sbr.rel @p1 .LBB2_4-.Ltmp1, $4  }
0x221: {  	v39 =	vadd.f32 v52, v39;
	v52 =	vmul.f32 v42, v26;
	v43 =	vmul.f32 v43, v45;
	v46 =	vld.idx.msk [tilespmem:v54+s17+$0x0], $0xffff  }
0x222: {  	v38 =	vor.u32 v0, v50;
	v42 =	vld.idx.msk [tilespmem:v53+s16+$0x0], $0xffff;
	v54 =	vadd.f32 $-4.999914170e-01, v51  }
0x223: {  	v50 =	vadd.f32 v52, v39;
	v51 =	vmul.f32 v43, v27;
	v52 =	vmul.f32 v55, v49;
	v45 =	vld.idx.msk [tilespmem:v53+s17+$0x0], $0xffff  }
0x224: {  	s14 =	sadd.s32 $0x10, s14;
	v53 =	vor.u32 $0x2, v38;
	v43 =	vld.idx.msk [tilespmem:v47+s16+$0x0], $0xffff;
	v39 =	vmul.f32 v54, v37  }
0x225: {  	_ =	sdelay $0x2  }
0x226: {  	v54 =	vor.u32 $0x1, v38  }
0x227: {  	v49 =	vld.idx.msk [tilespmem:v47+s17+$0x0], $0xffff  }
0x228: {  	v63 =	vld.idx.msk [tilespmem:v48+s16+$0x0], $0xffff  }
0x229: {  	v55 =	vld.idx.msk [tilespmem:v38+s16+$0x0], $0xffff  }
0x22a: {  	v56 =	vor.u32 $0x3, v38;
	v57 =	vld.idx.msk [tilespmem:v38+s17+$0x0], $0xffff  }
0x22b: {  	v58 =	vld.idx.msk [tilespmem:v54+s16+$0x0], $0xffff  }
0x22c: {  	v59 =	vor.u32 $0x4, v38;
	v54 =	vld.idx.msk [tilespmem:v54+s17+$0x0], $0xffff  }
0x22d: {  	v60 =	vld.idx.msk [tilespmem:v53+s16+$0x0], $0xffff  }
0x22e: {  	v47 =	vld.idx.msk [tilespmem:v53+s17+$0x0], $0xffff;
	v61 =	vor.u32 $0x5, v38  }
0x22f: {  	v62 =	vld.idx.msk [tilespmem:v56+s16+$0x0], $0xffff;
	v55 =	vmul.f32 v57, v55  }
0x230: {  	v56 =	vld.idx.msk [tilespmem:v56+s17+$0x0], $0xffff;
	v57 =	vor.u32 $0x6, v38  }
0x231: {  	[tilespmem:$0x1FFE0] =	vst v63;
	v63 =	vld.idx.msk [tilespmem:v59+s16+$0x0], $0xffff;
	v55 =	vmul.f32 v55, v5;
	v54 =	vmul.f32 v54, v58  }
0x232: {  	v59 =	vld.idx.msk [tilespmem:v59+s17+$0x0], $0xffff;
	v58 =	vor.u32 $0x7, v38  }
0x233: {  	v53 =	vmul.f32 v47, v60;
	v60 =	vld.idx.msk [tilespmem:v61+s16+$0x0], $0xffff;
	v55 =	vadd.f32 $0.0e+00, v55;
	v54 =	vmul.f32 v54, v2  }
0x234: {  	v47 =	vor.u32 $0x8, v38;
	v61 =	vld.idx.msk [tilespmem:v61+s17+$0x0], $0xffff  }
0x235: {  	v53 =	vmul.f32 v53, v3;
	v56 =	vmul.f32 v56, v62;
	v62 =	vld.idx.msk [tilespmem:v57+s16+$0x0], $0xffff;
	v54 =	vadd.f32 v54, v55  }
0x236: {  	v57 =	vld.idx.msk [tilespmem:v57+s17+$0x0], $0xffff;
	v55 =	vor.u32 $0x9, v38  }
0x237: {  	v59 =	vmul.f32 v59, v63;
	v56 =	vmul.f32 v56, v4;
	v53 =	vadd.f32 v53, v54;
	v54 =	vld.idx.msk [tilespmem:v58+s16+$0x0], $0xffff  }
0x238: {  	v63 =	vor.u32 $0xA, v38;
	v58 =	vld.idx.msk [tilespmem:v58+s17+$0x0], $0xffff  }
0x239: {  	v60 =	vmul.f32 v61, v60;
	v59 =	vmul.f32 v59, v6;
	v53 =	vadd.f32 v56, v53;
	v56 =	vld.idx.msk [tilespmem:v47+s16+$0x0], $0xffff  }
0x23a: {  	v61 =	vor.u32 $0xB, v38;
	v47 =	vld.idx.msk [tilespmem:v47+s17+$0x0], $0xffff  }
0x23b: {  	v60 =	vmul.f32 v60, v7;
	v57 =	vmul.f32 v57, v62;
	v53 =	vadd.f32 v59, v53;
	v59 =	vld.idx.msk [tilespmem:v55+s16+$0x0], $0xffff  }
0x23c: {  	v62 =	vor.u32 $0xC, v38;
	v55 =	vld.idx.msk [tilespmem:v55+s17+$0x0], $0xffff  }
0x23d: {  	v57 =	vmul.f32 v57, v8;
	v54 =	vmul.f32 v58, v54;
	v53 =	vadd.f32 v60, v53;
	v60 =	vld.idx.msk [tilespmem:v63+s16+$0x0], $0xffff  }
0x23e: {  	v58 =	vor.u32 $0xD, v38;
	v63 =	vld.idx.msk [tilespmem:v63+s17+$0x0], $0xffff  }
0x23f: {  	v54 =	vmul.f32 v54, v9;
	v47 =	vmul.f32 v47, v56;
	v53 =	vadd.f32 v57, v53;
	v57 =	vld.idx.msk [tilespmem:v61+s16+$0x0], $0xffff  }
0x240: {  	v56 =	vor.u32 $0xE, v38;
	v61 =	vld.idx.msk [tilespmem:v61+s17+$0x0], $0xffff  }
0x241: {  	v47 =	vmul.f32 v47, v10;
	v55 =	vmul.f32 v55, v59;
	v53 =	vadd.f32 v54, v53;
	v54 =	vld.idx.msk [tilespmem:v62+s16+$0x0], $0xffff  }
0x242: {  	v59 =	vor.u32 $0xF, v38;
	v62 =	vld.idx.msk [tilespmem:v62+s17+$0x0], $0xffff  }
0x243: {  	v55 =	vmul.f32 v55, v11;
	v60 =	vmul.f32 v63, v60;
	v47 =	vadd.f32 v47, v53;
	v53 =	vld.idx.msk [tilespmem:v58+s16+$0x0], $0xffff  }
0x244: {  	v63 =	vor.u32 $0x10, v38;
	v58 =	vld.idx.msk [tilespmem:v58+s17+$0x0], $0xffff  }
0x245: {  	v60 =	vmul.f32 v60, v12;
	v57 =	vmul.f32 v61, v57;
	v47 =	vadd.f32 v55, v47;
	v55 =	vld.idx.msk [tilespmem:v56+s16+$0x0], $0xffff  }
0x246: {  	v61 =	vor.u32 $0x11, v38;
	v56 =	vld.idx.msk [tilespmem:v56+s17+$0x0], $0xffff  }
0x247: {  	v57 =	vmul.f32 v57, v13;
	v54 =	vmul.f32 v62, v54;
	v47 =	vadd.f32 v60, v47;
	v60 =	vld.idx.msk [tilespmem:v59+s16+$0x0], $0xffff  }
0x248: {  	v62 =	vor.u32 $0x12, v38;
	v59 =	vld.idx.msk [tilespmem:v59+s17+$0x0], $0xffff  }
0x249: {  	v54 =	vmul.f32 v54, v14;
	v53 =	vmul.f32 v58, v53;
	v47 =	vadd.f32 v57, v47;
	v57 =	vld.idx.msk [tilespmem:v63+s16+$0x0], $0xffff  }
0x24a: {  	v58 =	vor.u32 $0x13, v38;
	v63 =	vld.idx.msk [tilespmem:v63+s17+$0x0], $0xffff  }
0x24b: {  	v53 =	vmul.f32 v53, v15;
	v55 =	vmul.f32 v56, v55;
	v47 =	vadd.f32 v54, v47;
	v54 =	vld.idx.msk [tilespmem:v61+s16+$0x0], $0xffff  }
0x24c: {  	v56 =	vor.u32 $0x14, v38;
	v61 =	vld.idx.msk [tilespmem:v61+s17+$0x0], $0xffff  }
0x24d: {  	v55 =	vmul.f32 v55, v16;
	v59 =	vmul.f32 v59, v60;
	v47 =	vadd.f32 v53, v47;
	v53 =	vld.idx.msk [tilespmem:v62+s16+$0x0], $0xffff  }
0x24e: {  	v60 =	vor.u32 $0x15, v38;
	v62 =	vld.idx.msk [tilespmem:v62+s17+$0x0], $0xffff  }
0x24f: {  	v59 =	vmul.f32 v59, v17;
	v57 =	vmul.f32 v63, v57;
	v47 =	vadd.f32 v55, v47;
	v55 =	vld.idx.msk [tilespmem:v58+s16+$0x0], $0xffff  }
0x250: {  	v63 =	vor.u32 $0x16, v38;
	v58 =	vld.idx.msk [tilespmem:v58+s17+$0x0], $0xffff  }
0x251: {  	v57 =	vmul.f32 v57, v18;
	v54 =	vmul.f32 v61, v54;
	v47 =	vadd.f32 v59, v47;
	v59 =	vld.idx.msk [tilespmem:v56+s16+$0x0], $0xffff  }
0x252: {  	v61 =	vor.u32 $0x17, v38;
	v56 =	vld.idx.msk [tilespmem:v56+s17+$0x0], $0xffff  }
0x253: {  	v54 =	vmul.f32 v54, v19;
	v53 =	vmul.f32 v62, v53;
	v47 =	vadd.f32 v57, v47;
	v57 =	vld.idx.msk [tilespmem:v60+s16+$0x0], $0xffff  }
0x254: {  	v62 =	vor.u32 $0x18, v38;
	v60 =	vld.idx.msk [tilespmem:v60+s17+$0x0], $0xffff  }
0x255: {  	v53 =	vmul.f32 v53, v20;
	v55 =	vmul.f32 v58, v55;
	v47 =	vadd.f32 v54, v47;
	v54 =	vld.idx.msk [tilespmem:v63+s16+$0x0], $0xffff  }
0x256: {  	v58 =	vor.u32 $0x19, v38;
	v63 =	vld.idx.msk [tilespmem:v63+s17+$0x0], $0xffff  }
0x257: {  	v55 =	vmul.f32 v55, v21;
	v56 =	vmul.f32 v56, v59;
	v47 =	vadd.f32 v53, v47;
	v53 =	vld.idx.msk [tilespmem:v61+s16+$0x0], $0xffff  }
0x258: {  	v59 =	vor.u32 $0x1A, v38;
	v61 =	vld.idx.msk [tilespmem:v61+s17+$0x0], $0xffff  }
0x259: {  	v56 =	vmul.f32 v56, v22;
	v57 =	vmul.f32 v60, v57;
	v47 =	vadd.f32 v55, v47;
	v55 =	vld.idx.msk [tilespmem:v62+s16+$0x0], $0xffff  }
0x25a: {  	v60 =	vor.u32 $0x1B, v38;
	v62 =	vld.idx.msk [tilespmem:v62+s17+$0x0], $0xffff  }
0x25b: {  	v57 =	vmul.f32 v57, v23;
	v54 =	vmul.f32 v63, v54;
	v47 =	vadd.f32 v56, v47;
	v56 =	vld.idx.msk [tilespmem:v58+s16+$0x0], $0xffff  }
0x25c: {  	v63 =	vor.u32 $0x1C, v38;
	v58 =	vld.idx.msk [tilespmem:v58+s17+$0x0], $0xffff  }
0x25d: {  	v54 =	vmul.f32 v54, v24;
	v53 =	vmul.f32 v61, v53;
	v47 =	vadd.f32 v57, v47;
	v57 =	vld.idx.msk [tilespmem:v59+s16+$0x0], $0xffff  }
0x25e: {  	v61 =	vor.u32 $0x1D, v38;
	v59 =	vld.idx.msk [tilespmem:v59+s17+$0x0], $0xffff  }
0x25f: {  	v53 =	vmul.f32 v53, v25;
	v55 =	vmul.f32 v62, v55;
	v47 =	vadd.f32 v54, v47;
	v54 =	vld.idx.msk [tilespmem:v60+s16+$0x0], $0xffff  }
0x260: {  	v62 =	vor.u32 $0x1E, v38;
	v38 =	vor.u32 $0x1F, v38;
	v60 =	vld.idx.msk [tilespmem:v60+s17+$0x0], $0xffff  }
0x261: {  	v55 =	vmul.f32 v55, v26;
	v47 =	vadd.f32 v53, v47;
	v53 =	vmul.f32 v58, v56;
	v56 =	vld.idx.msk [tilespmem:v63+s16+$0x0], $0xffff  }
0x262: {  	v50 =	vadd.f32 v51, v50;
	v58 =	vld.idx.msk [tilespmem:v63+s17+$0x0], $0xffff  }
0x263: {  	v51 =	vld.idx.msk [tilespmem:v61+s17+$0x0], $0xffff;
	v47 =	vadd.f32 v55, v47;
	v55 =	vmul.f32 v59, v57;
	v53 =	vmul.f32 v53, v27  }
0x264: {  	v57 =	vld.idx.msk [tilespmem:v61+s16+$0x0], $0xffff  }
0x265: {  	v48 =	vld.idx.msk [tilespmem:v48+s17+$0x0], $0xffff;
	v63 =	vmul.f32 v60, v54;
	v47 =	vadd.f32 v53, v47;
	v59 =	vmul.f32 v55, v32  }
0x266: {  	v40 =	vmul.f32 v44, v40;
	v44 =	vmul.f32 v52, v32;
	v61 =	vld.idx.msk [tilespmem:v38+s16+$0x0], $0xffff  }
0x267: {  	v60 =	vld.idx.msk [tilespmem:v62+s17+$0x0], $0xffff;
	v52 =	vmul.f32 v63, v28;
	v47 =	vadd.f32 v59, v47  }
0x268: {  	v41 =	vmul.f32 v46, v41;
	v44 =	vadd.f32 v44, v50;
	v40 =	vmul.f32 v40, v28;
	v53 =	vld.idx.msk [tilespmem:v62+s16+$0x0], $0xffff  }
0x269: {  	v62 =	vmul.f32 v58, v56;
	v63 =	vadd.f32 v52, v47;
	v52 =	vmul.f32 v51, v57;
	v57 =	vld [tilespmem:$0x1FFE0]  }
0x26a: {  	v42 =	vmul.f32 v45, v42;
	v41 =	vmul.f32 v41, v29;
	v40 =	vadd.f32 v40, v44;
	v38 =	vld.idx.msk [tilespmem:v38+s17+$0x0], $0xffff  }
0x26b: {  	v54 =	vmul.f32 v62, v29  }
0x26c: {  	v43 =	vmul.f32 v49, v43;
	v40 =	vadd.f32 v41, v40;
	v55 =	vmul.f32 v42, v30  }
0x26d: {  	v56 =	vmul.f32 v60, v53;
	v44 =	vadd.f32 v54, v63;
	v45 =	vmul.f32 v52, v30  }
0x26e: {  	v58 =	vmul.f32 v43, v31;
	v40 =	vadd.f32 v55, v40;
	v46 =	vmul.f32 v48, v57  }
0x26f: {  	v38 =	vmul.f32 v38, v61;
	v42 =	vmul.f32 v56, v31;
	v59 =	vadd.f32 v45, v44  }
0x270: {  	v40 =	vadd.f32 v58, v40;
	v60 =	vmul.f32 v46, v33  }
0x271: {  	v38 =	vmul.f32 v38, v33;
	v42 =	vadd.f32 v42, v59  }
0x272: {  	v40 =	vadd.f32 v60, v40  }
0x273: {  	v38 =	vadd.f32 v38, v42  }
0x274: {  	v42 =	vadd.f32 v40, v1  }
0x275: {  	v38 =	vadd.f32 v38, v1  }
0x276: {  	v40 =	vand.u32 $0x7FFFFFFF, v42  }
0x277: {  	v61 =	vand.u32 $0x7FFFFFFF, v38;
	v40 =	vsub.f32 $0.0e+00, v40  }
0x278: {  	v41 =	vsub.f32 $0.0e+00, v61  }
0x279: {  	v40 =	vmul.f32 $1.442695020e+00, v40  }
0x27a: {  	v41 =	vmul.f32 $1.442695020e+00, v41  }
0x27b: {  	(erf) = vpow2.f32 v40  }
0x27c: {  	(erf) = vpow2.f32 v41;
	_ =	sdelay $0x7  }
0x27d: {  	s1 =	sadd.s32 $0x10, s1;
	s14 =	simm.s32 $0x100;
	v44 =	vpop (erf)  }
0x27e: {  	v43 =	vld [tilespmem:s1+$0x0];
	s1 =	sadd.s32 $0x10, s1;
	v62 =	vmov s14;
	v41 =	vpop (erf)  }
0x27f: {  	v45 =	vshll.u32 v62, $0x5;
	v40 =	vld [tilespmem:s1+$0x0];
	_ =	swait.ge [sflag:s30], $0x1000  }
0x280: {  	v45 =	vor.u32 v0, v45;
	[sflag:s30] =	ssyncset.done $0x0  }
0x281: {  	[sflag:s30] =	ssyncadd.s32 $0xFFFFF000  }
0x282: {  	v63 =	vor.u32 $0x1, v45;
	_ =	swait.ge [sflag:s30], $0x1000  }
0x283: {  	[sflag:s30] =	ssyncset.done $0x0  }
0x284: {  	v56 =	vor.u32 $0x2, v45;
	[sflag:s30] =	ssyncadd.s32 $0xFFFFF000  }
0x285: {  	v57 =	vld.idx.msk [tilespmem:v45+s16+$0x0], $0xffff  }
0x286: {  	v62 =	vor.u32 $0x4, v45;
	v59 =	vld.idx.msk [tilespmem:v45+s17+$0x0], $0xffff  }
0x287: {  	v61 =	vld.idx.msk [tilespmem:v63+s16+$0x0], $0xffff  }
0x288: {  	v54 =	vor.u32 $0x5, v45;
	v46 =	vld.idx.msk [tilespmem:v63+s17+$0x0], $0xffff  }
0x289: {  	v63 =	vld.idx.msk [tilespmem:v56+s16+$0x0], $0xffff  }
0x28a: {  	v58 =	vor.u32 $0x3, v45;
	v47 =	vld.idx.msk [tilespmem:v56+s17+$0x0], $0xffff  }
0x28b: {  	v56 =	vld.idx.msk [tilespmem:v62+s16+$0x0], $0xffff  }
0x28c: {  	v52 =	vld.idx.msk [tilespmem:v62+s17+$0x0], $0xffff  }
0x28d: {  	v62 =	vld.idx.msk [tilespmem:v54+s16+$0x0], $0xffff  }
0x28e: {  	v54 =	vld.idx.msk [tilespmem:v54+s17+$0x0], $0xffff  }
0x28f: {  	v60 =	vld.idx.msk [tilespmem:v58+s16+$0x0], $0xffff  }
0x290: {  	v50 =	vor.u32 $0x6, v45;
	v49 =	vld.idx.msk [tilespmem:v58+s17+$0x0], $0xffff;
	v48 =	vmul.f32 v59, v57;
	_ =	sdelay $0x1  }
0x291: {  	v46 =	vmul.f32 v46, v61;
	v61 =	vor.u32 $0x7, v45;
	v48 =	vmul.f32 v48, v5  }
0x292: {  	v47 =	vmul.f32 v47, v63;
	v63 =	vor.u32 $0x8, v45;
	v53 =	vmul.f32 v54, v62  }
0x293: {  	v62 =	vor.u32 $0xB, v45;
	v46 =	vmul.f32 v46, v2;
	v48 =	vadd.f32 $0.0e+00, v48  }
0x294: {  	v49 =	vmul.f32 v49, v60;
	v60 =	vld.idx.msk [tilespmem:v50+s16+$0x0], $0xffff  }
0x295: {  	v50 =	vld.idx.msk [tilespmem:v50+s17+$0x0], $0xffff;
	v47 =	vmul.f32 v47, v3;
	v46 =	vadd.f32 v46, v48  }
0x296: {  	v51 =	vld.idx.msk [tilespmem:v61+s17+$0x0], $0xffff;
	v48 =	vor.u32 $0x9, v45  }
0x297: {  	v52 =	vmul.f32 v52, v56;
	v49 =	vmul.f32 v49, v4;
	v57 =	vld.idx.msk [tilespmem:v63+s17+$0x0], $0xffff;
	v46 =	vadd.f32 v47, v46  }
0x298: {  	v56 =	vor.u32 $0xA, v45;
	v54 =	vld.idx.msk [tilespmem:v62+s17+$0x0], $0xffff  }
0x299: {  	v52 =	vmul.f32 v52, v6;
	v47 =	vld.idx.msk [tilespmem:v61+s16+$0x0], $0xffff;
	v46 =	vadd.f32 v49, v46  }
0x29a: {  	v50 =	vmul.f32 v50, v60;
	v60 =	vor.u32 $0xC, v45;
	v61 =	vld.idx.msk [tilespmem:v63+s16+$0x0], $0xffff  }
0x29b: {  	v53 =	vmul.f32 v53, v7;
	v63 =	vld.idx.msk [tilespmem:v48+s16+$0x0], $0xffff;
	v46 =	vadd.f32 v52, v46  }
0x29c: {  	v48 =	vld.idx.msk [tilespmem:v48+s17+$0x0], $0xffff  }
0x29d: {  	v46 =	vadd.f32 v53, v46;
	v53 =	vld.idx.msk [tilespmem:v56+s16+$0x0], $0xffff  }
0x29e: {  	v50 =	vmul.f32 v50, v8;
	v47 =	vmul.f32 v51, v47;
	v51 =	vor.u32 $0xD, v45;
	v56 =	vld.idx.msk [tilespmem:v56+s17+$0x0], $0xffff  }
0x29f: {  	v55 =	vld.idx.msk [tilespmem:v60+s17+$0x0], $0xffff;
	v49 =	vmul.f32 v57, v61  }
0x2a0: {  	v61 =	vor.u32 $0xE, v45;
	v47 =	vmul.f32 v47, v9;
	v46 =	vadd.f32 v50, v46;
	v50 =	vld.idx.msk [tilespmem:v62+s16+$0x0], $0xffff  }
0x2a1: {  	v62 =	vld.idx.msk [tilespmem:v60+s16+$0x0], $0xffff;
	v48 =	vmul.f32 v48, v63;
	v63 =	vor.u32 $0xF, v45  }
0x2a2: {  	v49 =	vmul.f32 v49, v10;
	v46 =	vadd.f32 v47, v46  }
0x2a3: {  	v60 =	vld.idx.msk [tilespmem:v51+s16+$0x0], $0xffff;
	v53 =	vmul.f32 v56, v53  }
0x2a4: {  	v48 =	vmul.f32 v48, v11;
	v51 =	vld.idx.msk [tilespmem:v51+s17+$0x0], $0xffff;
	v56 =	vor.u32 $0x10, v45;
	v46 =	vadd.f32 v49, v46  }
0x2a5: {  	v57 =	vld.idx.msk [tilespmem:v61+s17+$0x0], $0xffff;
	v53 =	vmul.f32 v53, v12;
	v50 =	vmul.f32 v54, v50  }
0x2a6: {  	v47 =	vmul.f32 v55, v62;
	v62 =	vor.u32 $0x12, v45;
	v52 =	vld.idx.msk [tilespmem:v63+s17+$0x0], $0xffff;
	v46 =	vadd.f32 v48, v46  }
0x2a7: {  	v54 =	vor.u32 $0x11, v45;
	v48 =	vld.idx.msk [tilespmem:v61+s16+$0x0], $0xffff  }
0x2a8: {  	v61 =	vld.idx.msk [tilespmem:v63+s16+$0x0], $0xffff;
	v50 =	vmul.f32 v50, v13;
	v46 =	vadd.f32 v53, v46  }
0x2a9: {  	v47 =	vmul.f32 v47, v14;
	v63 =	vld.idx.msk [tilespmem:v56+s16+$0x0], $0xffff  }
0x2aa: {  	v49 =	vmul.f32 v51, v60;
	v60 =	vor.u32 $0x13, v45;
	v56 =	vld.idx.msk [tilespmem:v56+s17+$0x0], $0xffff;
	v46 =	vadd.f32 v50, v46  }
0x2ab: {  	v55 =	vld.idx.msk [tilespmem:v62+s17+$0x0], $0xffff  }
0x2ac: {  	v48 =	vmul.f32 v57, v48;
	v57 =	vor.u32 $0x14, v45;
	v46 =	vadd.f32 v47, v46;
	v47 =	vld.idx.msk [tilespmem:v54+s16+$0x0], $0xffff  }
0x2ad: {  	v49 =	vmul.f32 v49, v15;
	v54 =	vld.idx.msk [tilespmem:v54+s17+$0x0], $0xffff  }
0x2ae: {  	v53 =	vor.u32 $0x15, v45;
	v61 =	vmul.f32 v52, v61;
	v52 =	vld.idx.msk [tilespmem:v62+s16+$0x0], $0xffff  }
0x2af: {  	v50 =	vld.idx.msk [tilespmem:v60+s16+$0x0], $0xffff;
	v48 =	vmul.f32 v48, v16;
	v63 =	vmul.f32 v56, v63;
	v46 =	vadd.f32 v49, v46  }
0x2b0: {  	v51 =	vld.idx.msk [tilespmem:v60+s17+$0x0], $0xffff;
	v62 =	vmul.f32 v61, v17;
	v56 =	vor.u32 $0x16, v45;
	v61 =	vmul.f32 $-2.317854670e-03, v44  }
0x2b1: {  	v60 =	vmul.f32 v63, v18;
	v46 =	vadd.f32 v48, v46;
	v49 =	vld.idx.msk [tilespmem:v57+s16+$0x0], $0xffff  }
0x2b2: {  	v63 =	vor.u32 $0x18, v45;
	v57 =	vld.idx.msk [tilespmem:v57+s17+$0x0], $0xffff;
	v47 =	vmul.f32 v54, v47;
	v54 =	vadd.f32 $1.534189750e-02, v61  }
0x2b3: {  	v46 =	vadd.f32 v62, v46;
	v62 =	vld.idx.msk [tilespmem:v53+s16+$0x0], $0xffff  }
0x2b4: {  	v48 =	vor.u32 $0x17, v45;
	v53 =	vld.idx.msk [tilespmem:v53+s17+$0x0], $0xffff;
	v54 =	vmul.f32 v54, v44  }
0x2b5: {  	v52 =	vmul.f32 v55, v52;
	v47 =	vmul.f32 v47, v19;
	v46 =	vadd.f32 v60, v46;
	v60 =	vld.idx.msk [tilespmem:v56+s16+$0x0], $0xffff  }
0x2b6: {  	v56 =	vld.idx.msk [tilespmem:v56+s17+$0x0], $0xffff;
	v61 =	vadd.f32 $-4.766548420e-02, v54;
	v54 =	vor.u32 $0x19, v45  }
0x2b7: {  	v50 =	vmul.f32 v51, v50;
	v52 =	vmul.f32 v52, v20;
	v55 =	vld.idx.msk [tilespmem:v63+s16+$0x0], $0xffff;
	v46 =	vadd.f32 v47, v46  }
0x2b8: {  	v51 =	vor.u32 $0x1B, v45;
	v47 =	vld.idx.msk [tilespmem:v63+s17+$0x0], $0xffff  }
0x2b9: {  	v50 =	vmul.f32 v50, v21;
	v49 =	vmul.f32 v57, v49;
	v57 =	vld.idx.msk [tilespmem:v48+s16+$0x0], $0xffff;
	v46 =	vadd.f32 v52, v46  }
0x2ba: {  	v48 =	vld.idx.msk [tilespmem:v48+s17+$0x0], $0xffff;
	v62 =	vmul.f32 v53, v62;
	v53 =	vor.u32 $0x1A, v45  }
0x2bb: {  	v49 =	vmul.f32 v49, v22;
	v60 =	vmul.f32 v56, v60;
	v46 =	vadd.f32 v50, v46;
	v56 =	vld.idx.msk [tilespmem:v54+s16+$0x0], $0xffff  }
0x2bc: {  	v63 =	vmul.f32 v62, v23;
	v62 =	vor.u32 $0x1C, v45;
	v54 =	vld.idx.msk [tilespmem:v54+s17+$0x0], $0xffff  }
0x2bd: {  	v52 =	vmul.f32 v61, v44;
	v47 =	vmul.f32 v47, v55;
	v55 =	vld.idx.msk [tilespmem:v51+s16+$0x0], $0xffff;
	v46 =	vadd.f32 v49, v46  }
0x2be: {  	v51 =	vld.idx.msk [tilespmem:v51+s17+$0x0], $0xffff  }
0x2bf: {  	v52 =	vadd.f32 $9.548566490e-02, v52;
	v48 =	vmul.f32 v48, v57;
	v46 =	vadd.f32 v63, v46;
	v63 =	vld.idx.msk [tilespmem:v53+s16+$0x0], $0xffff  }
0x2c0: {  	v34 =	vmul.f32 v35, v34;
	v61 =	vmul.f32 v60, v24;
	v60 =	vor.u32 $0x1D, v45;
	v53 =	vld.idx.msk [tilespmem:v53+s17+$0x0], $0xffff  }
0x2c1: {  	v39 =	vadd.f32 $9.999998210e-01, v39;
	v52 =	vmul.f32 v52, v44;
	v48 =	vmul.f32 v48, v25;
	v50 =	vld.idx.msk [tilespmem:v62+s17+$0x0], $0xffff  }
0x2c2: {  	v54 =	vmul.f32 v54, v56;
	v56 =	vld.idx.msk [tilespmem:v62+s16+$0x0], $0xffff;
	v62 =	vor.u32 $0x1F, v45;
	v46 =	vadd.f32 v61, v46  }
0x2c3: {  	v37 =	vmul.f32 v39, v37;
	s14 =	simm.s32 $0x110;
	v47 =	vmul.f32 v47, v26;
	v52 =	vadd.f32 $-1.458647400e-01, v52  }
0x2c4: {  	v61 =	vmov s14;
	v46 =	vadd.f32 v48, v46;
	v48 =	vor.u32 $0x1E, v45  }
0x2c5: {  	v52 =	vmul.f32 v52, v44;
	v57 =	vld.idx.msk [tilespmem:v60+s16+$0x0], $0xffff;
	v53 =	vmul.f32 v53, v63;
	v63 =	vshll.u32 v61, $0x5  }
0x2c6: {  	v59 =	vld.idx.msk [tilespmem:v60+s17+$0x0], $0xffff;
	v54 =	vmul.f32 v54, v27;
	v46 =	vadd.f32 v47, v46;
	v45 =	vor.u32 v0, v63  }
0x2c7: {  	v37 =	vadd.f32 $8.184459770e-10, v37;
	v51 =	vmul.f32 v51, v55;
	v52 =	vadd.f32 $1.937516630e-01, v52;
	v61 =	vld.idx.msk [tilespmem:v62+s17+$0x0], $0xffff  }
0x2c8: {  	v53 =	vmul.f32 v53, v32;
	v39 =	vor.u32 $0x2, v45;
	v46 =	vadd.f32 v54, v46;
	v54 =	vld.idx.msk [tilespmem:v62+s16+$0x0], $0xffff  }
0x2c9: {  	v43 =	vmul.f32 v42, v43;
	v42 =	vmax.f32 v42, $0.0e+00;
	v52 =	vmul.f32 v52, v44;
	v60 =	vld.idx.msk [tilespmem:v48+s16+$0x0], $0xffff  }
0x2ca: {  	v51 =	vmul.f32 v51, v28;
	v48 =	vld.idx.msk [tilespmem:v48+s17+$0x0], $0xffff;
	v46 =	vadd.f32 v53, v46;
	v53 =	vor.u32 $0x1, v45  }
0x2cb: {  	v47 =	vmul.f32 v59, v57;
	v59 =	vmax.f32 v35, $0.0e+00;
	v52 =	vadd.f32 $-2.487842440e-01, v52;
	v62 =	vld.idx.msk [tilespmem:v45+s16+$0x0], $0xffff  }
0x2cc: {  	v50 =	vmul.f32 v50, v56;
	v63 =	vor.u32 $0x3, v45;
	v34 =	vsub.f32 v59, v34;
	v58 =	vld.idx.msk [tilespmem:v45+s17+$0x0], $0xffff  }
0x2cd: {  	v42 =	vsub.f32 v42, v43;
	v57 =	vor.u32 $0x4, v45;
	v52 =	vmul.f32 v52, v44;
	v35 =	vld.idx.msk [tilespmem:v39+s16+$0x0], $0xffff  }
0x2ce: {  	v50 =	vmul.f32 v50, v29;
	v34 =	vadd.f32 v37, v34;
	v46 =	vadd.f32 v51, v46;
	v39 =	vld.idx.msk [tilespmem:v39+s17+$0x0], $0xffff  }
0x2cf: {  	v37 =	vor.u32 $0x5, v45;
	v52 =	vadd.f32 $3.331919010e-01, v52;
	v48 =	vmul.f32 v48, v60;
	v60 =	vld.idx.msk [tilespmem:v53+s16+$0x0], $0xffff  }
0x2d0: {  	v47 =	vmul.f32 v47, v30;
	v54 =	vmul.f32 v61, v54;
	v46 =	vadd.f32 v50, v46;
	v53 =	vld.idx.msk [tilespmem:v53+s17+$0x0], $0xffff  }
0x2d1: {  	v55 =	vor.u32 $0x7, v45;
	v52 =	vmul.f32 v52, v44;
	v61 =	vmul.f32 v48, v31;
	v48 =	vld.idx.msk [tilespmem:v63+s16+$0x0], $0xffff  }
0x2d2: {  	v36 =	vadd.f32 v34, v36;
	v46 =	vadd.f32 v47, v46;
	v49 =	vmul.f32 v58, v62;
	v63 =	vld.idx.msk [tilespmem:v63+s17+$0x0], $0xffff  }
0x2d3: {  	v51 =	vor.u32 $0x6, v45;
	v62 =	vadd.f32 $-4.999914170e-01, v52;
	v58 =	vmul.f32 v54, v33  }
0x2d4: {  	v56 =	vld.idx.msk [tilespmem:v37+s16+$0x0], $0xffff;
	v39 =	vmul.f32 v39, v35;
	v46 =	vadd.f32 v61, v46;
	v59 =	vmul.f32 v49, v5  }
0x2d5: {  	v52 =	vor.u32 $0x8, v45;
	v50 =	vmul.f32 v62, v44;
	v61 =	vld.idx.msk [tilespmem:v57+s17+$0x0], $0xffff;
	v62 =	vmul.f32 $-2.317854670e-03, v41  }
0x2d6: {  	v39 =	vmul.f32 v39, v3;
	v60 =	vmul.f32 v53, v60;
	v53 =	vld.idx.msk [tilespmem:v57+s16+$0x0], $0xffff;
	v46 =	vadd.f32 v58, v46  }
0x2d7: {  	v37 =	vld.idx.msk [tilespmem:v37+s17+$0x0], $0xffff;
	v34 =	vadd.f32 $0.0e+00, v59;
	v50 =	vadd.f32 $9.999998210e-01, v50;
	v63 =	vmul.f32 v63, v48  }
0x2d8: {  	v58 =	vadd.f32 $1.534189750e-02, v62;
	v62 =	vld.idx.msk [tilespmem:v55+s16+$0x0], $0xffff;
	v49 =	vmul.f32 v60, v2;
	v35 =	vadd.f32 v46, v1  }
0x2d9: {  	v55 =	vld.idx.msk [tilespmem:v55+s17+$0x0], $0xffff;
	v44 =	vmul.f32 v50, v44;
	v46 =	vmul.f32 v63, v4;
	v63 =	vor.u32 $0xA, v45  }
0x2da: {  	v60 =	vld.idx.msk [tilespmem:v51+s16+$0x0], $0xffff;
	v57 =	vadd.f32 v49, v34;
	v59 =	vand.u32 $0x7FFFFFFF, v35;
	v49 =	vmul.f32 v58, v41  }
0x2db: {  	v51 =	vld.idx.msk [tilespmem:v51+s17+$0x0], $0xffff;
	v54 =	vsub.f32 $0.0e+00, v59;
	v47 =	vmul.f32 v61, v53;
	v61 =	vor.u32 $0x9, v45  }
0x2dc: {  	v37 =	vmul.f32 v37, v56;
	v39 =	vadd.f32 v39, v57;
	v49 =	vadd.f32 $-4.766548420e-02, v49  }
0x2dd: {  	v58 =	vld.idx.msk [tilespmem:v52+s16+$0x0], $0xffff;
	v44 =	vadd.f32 $8.184459770e-10, v44;
	v59 =	vor.u32 $0xB, v45;
	v54 =	vmul.f32 $1.442695020e+00, v54  }
0x2de: {  	v52 =	vld.idx.msk [tilespmem:v52+s17+$0x0], $0xffff;
	v47 =	vmul.f32 v47, v6;
	v39 =	vadd.f32 v46, v39;
	v49 =	vmul.f32 v49, v41  }
0x2df: {  	v46 =	vmul.f32 v55, v62;
	v62 =	vor.u32 $0xD, v45;
	(erf) = vpow2.f32 v54;
	v54 =	vld.idx.msk [tilespmem:v63+s16+$0x0], $0xffff  }
0x2e0: {  	v37 =	vmul.f32 v37, v7;
	v48 =	vmul.f32 v51, v60;
	v39 =	vadd.f32 v47, v39;
	v60 =	vld.idx.msk [tilespmem:v61+s16+$0x0], $0xffff  }
0x2e1: {  	v42 =	vadd.f32 v44, v42;
	v53 =	vld.idx.msk [tilespmem:v61+s17+$0x0], $0xffff;
	v61 =	vadd.f32 $9.548566490e-02, v49  }
0x2e2: {  	v44 =	vor.u32 $0xE, v45;
	v48 =	vmul.f32 v48, v8;
	v63 =	vld.idx.msk [tilespmem:v63+s17+$0x0], $0xffff;
	v37 =	vadd.f32 v37, v39  }
0x2e3: {  	v47 =	vld.idx.msk [tilespmem:v59+s17+$0x0], $0xffff;
	v39 =	vor.u32 $0xC, v45;
	v43 =	vmul.f32 v61, v41  }
0x2e4: {  	v46 =	vmul.f32 v46, v9;
	v51 =	vld.idx.msk [tilespmem:v62+s16+$0x0], $0xffff;
	v37 =	vadd.f32 v48, v37  }
0x2e5: {  	v50 =	vmul.f32 v52, v58;
	v48 =	vld.idx.msk [tilespmem:v59+s16+$0x0], $0xffff;
	v59 =	vadd.f32 $-1.458647400e-01, v43  }
0x2e6: {  	v49 =	vld.idx.msk [tilespmem:v62+s17+$0x0], $0xffff;
	v58 =	vmul.f32 v53, v60;
	v60 =	vor.u32 $0xF, v45;
	v37 =	vadd.f32 v46, v37  }
0x2e7: {  	v36 =	vadd.f32 v42, v36;
	v61 =	vmul.f32 v63, v54;
	v63 =	vld.idx.msk [tilespmem:v44+s16+$0x0], $0xffff  }
0x2e8: {  	v57 =	vmul.f32 v50, v10;
	v54 =	vor.u32 $0x10, v45;
	v42 =	vmul.f32 v59, v41;
	v52 =	vld.idx.msk [tilespmem:v39+s16+$0x0], $0xffff  }
0x2e9: {  	v53 =	vmul.f32 v61, v12;
	v59 =	vor.u32 $0x12, v45;
	v39 =	vld.idx.msk [tilespmem:v39+s17+$0x0], $0xffff  }
0x2ea: {  	v44 =	vld.idx.msk [tilespmem:v44+s17+$0x0], $0xffff;
	v50 =	vmul.f32 v58, v11;
	v46 =	vadd.f32 v57, v37;
	v42 =	vadd.f32 $1.937516630e-01, v42;
	v37 =	vpop (erf)  }
0x2eb: {  	v57 =	vor.u32 $0x11, v45;
	v47 =	vmul.f32 v47, v48;
	v58 =	vld.idx.msk [tilespmem:v60+s16+$0x0], $0xffff;
	v62 =	vmul.f32 $-2.317854670e-03, v37  }
0x2ec: {  	v61 =	vor.u32 $0x13, v45;
	v46 =	vadd.f32 v50, v46;
	v42 =	vmul.f32 v42, v41;
	v43 =	vld.idx.msk [tilespmem:v60+s17+$0x0], $0xffff  }
0x2ed: {  	v49 =	vmul.f32 v49, v51;
	v60 =	vld.idx.msk [tilespmem:v54+s16+$0x0], $0xffff;
	v47 =	vmul.f32 v47, v13;
	v55 =	vadd.f32 $1.534189750e-02, v62  }
0x2ee: {  	v54 =	vld.idx.msk [tilespmem:v54+s17+$0x0], $0xffff;
	v46 =	vadd.f32 v53, v46;
	v39 =	vmul.f32 v39, v52;
	v42 =	vadd.f32 $-2.487842440e-01, v42  }
0x2ef: {  	v44 =	vmul.f32 v44, v63;
	v63 =	vor.u32 $0x14, v45;
	v52 =	vld.idx.msk [tilespmem:v59+s17+$0x0], $0xffff;
	v55 =	vmul.f32 v55, v37  }
0x2f0: {  	v62 =	vld.idx.msk [tilespmem:v57+s16+$0x0], $0xffff;
	v46 =	vadd.f32 v47, v46;
	v39 =	vmul.f32 v39, v14;
	v42 =	vmul.f32 v42, v41  }
0x2f1: {  	v49 =	vmul.f32 v49, v15;
	v44 =	vmul.f32 v44, v16;
	v48 =	vld.idx.msk [tilespmem:v57+s17+$0x0], $0xffff;
	v55 =	vadd.f32 $-4.766548420e-02, v55  }
0x2f2: {  	v57 =	vld.idx.msk [tilespmem:v59+s16+$0x0], $0xffff;
	v43 =	vmul.f32 v43, v58;
	v39 =	vadd.f32 v39, v46;
	v42 =	vadd.f32 $3.331919010e-01, v42  }
0x2f3: {  	v58 =	vor.u32 $0x15, v45;
	v47 =	vmul.f32 v54, v60;
	v55 =	vmul.f32 v55, v37  }
0x2f4: {  	v51 =	vld.idx.msk [tilespmem:v61+s17+$0x0], $0xffff;
	v60 =	vor.u32 $0x16, v45;
	v39 =	vadd.f32 v49, v39;
	v42 =	vmul.f32 v42, v41  }
0x2f5: {  	v59 =	vld.idx.msk [tilespmem:v61+s16+$0x0], $0xffff;
	v43 =	vmul.f32 v43, v17;
	v47 =	vmul.f32 v47, v18;
	v55 =	vadd.f32 $9.548566490e-02, v55  }
0x2f6: {  	v61 =	vld.idx.msk [tilespmem:v63+s16+$0x0], $0xffff;
	v46 =	vmul.f32 v48, v62;
	v39 =	vadd.f32 v44, v39;
	v42 =	vadd.f32 $-4.999914170e-01, v42  }
0x2f7: {  	v50 =	vld.idx.msk [tilespmem:v63+s17+$0x0], $0xffff;
	v62 =	vor.u32 $0x17, v45;
	v49 =	vmul.f32 v52, v57;
	v55 =	vmul.f32 v55, v37  }
0x2f8: {  	v57 =	vor.u32 $0x18, v45;
	v63 =	vld.idx.msk [tilespmem:v58+s16+$0x0], $0xffff;
	v39 =	vadd.f32 v43, v39;
	v42 =	vmul.f32 v42, v41  }
0x2f9: {  	v40 =	vmul.f32 v38, v40;
	v46 =	vmul.f32 v46, v19;
	v53 =	vld.idx.msk [tilespmem:v58+s17+$0x0], $0xffff;
	v55 =	vadd.f32 $-1.458647400e-01, v55  }
0x2fa: {  	v58 =	vld.idx.msk [tilespmem:v60+s16+$0x0], $0xffff;
	v49 =	vmul.f32 v49, v20;
	v39 =	vadd.f32 v47, v39;
	v42 =	vadd.f32 $9.999998210e-01, v42  }
0x2fb: {  	v44 =	vmul.f32 v51, v59;
	v59 =	vor.u32 $0x19, v45;
	v54 =	vld.idx.msk [tilespmem:v60+s17+$0x0], $0xffff;
	v55 =	vmul.f32 v55, v37  }
0x2fc: {  	v48 =	vld.idx.msk [tilespmem:v62+s17+$0x0], $0xffff;
	v39 =	vadd.f32 v46, v39;
	v41 =	vmul.f32 v42, v41;
	v42 =	vor.u32 $0x1A, v45  }
0x2fd: {  	v38 =	vmax.f32 v38, $0.0e+00;
	v43 =	vmul.f32 v50, v61;
	v61 =	vld.idx.msk [tilespmem:v57+s16+$0x0], $0xffff;
	v55 =	vadd.f32 $1.937516630e-01, v55  }
0x2fe: {  	v38 =	vsub.f32 v38, v40;
	v44 =	vmul.f32 v44, v21;
	v52 =	vld.idx.msk [tilespmem:v57+s17+$0x0], $0xffff;
	v39 =	vadd.f32 v49, v39  }
0x2ff: {  	v47 =	vmul.f32 v53, v63;
	v49 =	vld.idx.msk [tilespmem:v62+s16+$0x0], $0xffff;
	v62 =	vor.u32 $0x1B, v45;
	v60 =	vmul.f32 v55, v37  }
0x300: {  	v43 =	vmul.f32 v43, v22;
	v51 =	vld.idx.msk [tilespmem:v59+s17+$0x0], $0xffff;
	v46 =	vmul.f32 v54, v58;
	v39 =	vadd.f32 v44, v39  }
0x301: {  	v63 =	vor.u32 $0x1C, v45;
	v47 =	vmul.f32 v47, v23;
	v55 =	vld.idx.msk [tilespmem:v42+s16+$0x0], $0xffff;
	v50 =	vadd.f32 $-2.487842440e-01, v60  }
0x302: {  	v41 =	vadd.f32 $8.184459770e-10, v41;
	v46 =	vmul.f32 v46, v24;
	v58 =	vld.idx.msk [tilespmem:v42+s17+$0x0], $0xffff;
	v39 =	vadd.f32 v43, v39  }
0x303: {  	v56 =	vor.u32 $0x1D, v45;
	v61 =	vmul.f32 v52, v61;
	v43 =	vld.idx.msk [tilespmem:v59+s16+$0x0], $0xffff;
	v50 =	vmul.f32 v50, v37  }
0x304: {  	s18 =	simm.s32 $0x120;
	v38 =	vadd.f32 v41, v38;
	v48 =	vmul.f32 v48, v49;
	v40 =	vld.idx.msk [tilespmem:v62+s16+$0x0], $0xffff;
	v39 =	vadd.f32 v47, v39  }
0x305: {  	s1 =	simm.s32 $0x8530;
	v52 =	vmul.f32 v61, v26;
	v44 =	vld.idx.msk [tilespmem:v62+s17+$0x0], $0xffff;
	v62 =	vmov s18;
	v59 =	vadd.f32 $3.331919010e-01, v50  }
0x306: {  	v34 =	vld [tilespmem:s1+$0x0];
	v47 =	vor.u32 $0x1E, v45;
	v60 =	vmul.f32 v48, v25;
	v39 =	vadd.f32 v46, v39  }
0x307: {  	v41 =	vld.idx.msk [tilespmem:v63+s16+$0x0], $0xffff;
	v36 =	vadd.f32 v38, v36;
	v38 =	vshll.u32 v62, $0x5;
	v50 =	vmul.f32 v59, v37  }
0x308: {  	v42 =	vld.idx.msk [tilespmem:v56+s16+$0x0], $0xffff;
	v48 =	vor.u32 $0x1F, v45;
	v43 =	vmul.f32 v51, v43;
	v39 =	vadd.f32 v60, v39  }
0x309: {  	v38 =	vor.u32 v0, v38;
	v46 =	vld.idx.msk [tilespmem:v63+s17+$0x0], $0xffff;
	v63 =	vadd.f32 $-4.999914170e-01, v50  }
0x30a: {  	v45 =	vld.idx.msk [tilespmem:v56+s17+$0x0], $0xffff;
	v51 =	vmul.f32 v43, v27;
	v50 =	vadd.f32 v52, v39;
	v52 =	vmul.f32 v58, v55  }
0x30b: {  	s14 =	simm.s32 $0x130;
	v53 =	vor.u32 $0x2, v38;
	v43 =	vld.idx.msk [tilespmem:v47+s16+$0x0], $0xffff;
	v39 =	vmul.f32 v63, v37  }
.LBB2_6:
0x30c: {  	p1 =	sne.s32 s14, $0x170;
	v49 =	vadd.f32 v51, v50;
	v50 =	vmul.f32 v52, v32;
	v40 =	vmul.f32 v44, v40;
	v44 =	vld.idx.msk [tilespmem:v47+s17+$0x0], $0xffff  }
0x30d: {  	v47 =	vor.u32 $0x1, v38;
	v51 =	vld.idx.msk [tilespmem:v48+s16+$0x0], $0xffff;
	v39 =	vadd.f32 $9.999998210e-01, v39  }
0x30e: {  	v41 =	vmul.f32 v46, v41;
	v49 =	vadd.f32 v50, v49;
	v40 =	vmul.f32 v40, v28;
	v46 =	vld.idx.msk [tilespmem:v48+s17+$0x0], $0xffff  }
0x30f: {  	v34 =	vmul.f32 v35, v34;
	v50 =	vor.u32 $0x3, v38;
	v48 =	vld.idx.msk [tilespmem:v38+s16+$0x0], $0xffff;
	v37 =	vmul.f32 v39, v37  }
0x310: {  	v35 =	vmax.f32 v35, $0.0e+00;
	v42 =	vmul.f32 v45, v42;
	v39 =	vld.idx.msk [tilespmem:v38+s17+$0x0], $0xffff;
	v40 =	vadd.f32 v40, v49  }
0x311: {  	v34 =	vsub.f32 v35, v34;
	v41 =	vmul.f32 v41, v29;
	v45 =	vld.idx.msk [tilespmem:v53+s16+$0x0], $0xffff;
	v37 =	vadd.f32 $8.184459770e-10, v37  }
0x312: {  	v49 =	vor.u32 $0x4, v38;
	v43 =	vmul.f32 v44, v43;
	v35 =	vld.idx.msk [tilespmem:v47+s16+$0x0], $0xffff  }
0x313: {  	v40 =	vadd.f32 v41, v40;
	v41 =	vmul.f32 v42, v30;
	v44 =	vld.idx.msk [tilespmem:v47+s17+$0x0], $0xffff;
	v34 =	vadd.f32 v37, v34  }
0x314: {  	v42 =	vor.u32 $0x5, v38;
	v46 =	vmul.f32 v46, v51;
	v37 =	vld.idx.msk [tilespmem:v53+s17+$0x0], $0xffff  }
0x315: {  	v40 =	vadd.f32 v41, v40;
	v41 =	vmul.f32 v43, v31;
	v47 =	vld.idx.msk [tilespmem:v50+s16+$0x0], $0xffff;
	v36 =	vadd.f32 v34, v36  }
0x316: {  	s1 =	sadd.s32 $0x10, s1;
	v43 =	vld.idx.msk [tilespmem:v50+s17+$0x0], $0xffff;
	v50 =	vor.u32 $0x6, v38  }
0x317: {  	v39 =	vmul.f32 v39, v48;
	v40 =	vadd.f32 v41, v40;
	v41 =	vmul.f32 v46, v33;
	v34 =	vld [tilespmem:s1+$0x0]  }
0x318: {  	v48 =	vor.u32 $0x7, v38;
	v46 =	vld.idx.msk [tilespmem:v49+s16+$0x0], $0xffff  }
0x319: {  	v39 =	vmul.f32 v39, v5;
	v35 =	vmul.f32 v44, v35;
	v40 =	vadd.f32 v41, v40;
	v44 =	vld.idx.msk [tilespmem:v49+s17+$0x0], $0xffff  }
0x31a: {  	v37 =	vmul.f32 v37, v45;
	v45 =	vor.u32 $0x8, v38;
	v41 =	vld.idx.msk [tilespmem:v42+s16+$0x0], $0xffff  }
0x31b: {  	v39 =	vadd.f32 $0.0e+00, v39;
	v49 =	vmul.f32 v35, v2;
	v35 =	vadd.f32 v40, v1;
	v42 =	vld.idx.msk [tilespmem:v42+s17+$0x0], $0xffff  }
0x31c: {  	v40 =	vmul.f32 v43, v47;
	v47 =	vor.u32 $0x9, v38;
	v43 =	vld.idx.msk [tilespmem:v50+s16+$0x0], $0xffff  }
0x31d: {  	v37 =	vmul.f32 v37, v3;
	v39 =	vadd.f32 v49, v39;
	v49 =	vld.idx.msk [tilespmem:v50+s17+$0x0], $0xffff;
	v50 =	vand.u32 $0x7FFFFFFF, v35  }
0x31e: {  	v52 =	vor.u32 $0xA, v38;
	v51 =	vld.idx.msk [tilespmem:v48+s16+$0x0], $0xffff;
	v50 =	vsub.f32 $0.0e+00, v50  }
0x31f: {  	v37 =	vadd.f32 v37, v39;
	v39 =	vmul.f32 v40, v4;
	v40 =	vmul.f32 v44, v46;
	v44 =	vld.idx.msk [tilespmem:v48+s17+$0x0], $0xffff  }
0x320: {  	v48 =	vor.u32 $0xB, v38;
	v46 =	vld.idx.msk [tilespmem:v45+s16+$0x0], $0xffff;
	v50 =	vmul.f32 $1.442695020e+00, v50  }
0x321: {  	v37 =	vadd.f32 v39, v37;
	v39 =	vmul.f32 v40, v6;
	v40 =	vmul.f32 v42, v41;
	v41 =	vld.idx.msk [tilespmem:v45+s17+$0x0], $0xffff  }
0x322: {  	v45 =	vor.u32 $0xC, v38;
	v42 =	vld.idx.msk [tilespmem:v47+s16+$0x0], $0xffff;
	(erf) = vpow2.f32 v50  }
0x323: {  	v37 =	vadd.f32 v39, v37;
	v39 =	vmul.f32 v40, v7;
	v40 =	vmul.f32 v49, v43;
	v43 =	vld.idx.msk [tilespmem:v47+s17+$0x0], $0xffff  }
0x324: {  	v49 =	vor.u32 $0xD, v38;
	v47 =	vld.idx.msk [tilespmem:v52+s16+$0x0], $0xffff  }
0x325: {  	v37 =	vadd.f32 v39, v37;
	v39 =	vmul.f32 v40, v8;
	v40 =	vmul.f32 v44, v51;
	v44 =	vld.idx.msk [tilespmem:v52+s17+$0x0], $0xffff  }
0x326: {  	v51 =	vor.u32 $0xE, v38;
	v50 =	vld.idx.msk [tilespmem:v48+s16+$0x0], $0xffff  }
0x327: {  	v37 =	vadd.f32 v39, v37;
	v39 =	vmul.f32 v40, v9;
	v40 =	vmul.f32 v41, v46;
	v41 =	vld.idx.msk [tilespmem:v48+s17+$0x0], $0xffff  }
0x328: {  	v48 =	vor.u32 $0xF, v38;
	v46 =	vld.idx.msk [tilespmem:v45+s16+$0x0], $0xffff  }
0x329: {  	v52 =	vadd.f32 v39, v37;
	v39 =	vmul.f32 v40, v10;
	v40 =	vmul.f32 v43, v42;
	v42 =	vld.idx.msk [tilespmem:v45+s17+$0x0], $0xffff  }
0x32a: {  	v45 =	vor.u32 $0x10, v38;
	v43 =	vld.idx.msk [tilespmem:v49+s16+$0x0], $0xffff  }
0x32b: {  	v39 =	vadd.f32 v39, v52;
	v40 =	vmul.f32 v40, v11;
	v44 =	vmul.f32 v44, v47;
	v47 =	vld.idx.msk [tilespmem:v49+s17+$0x0], $0xffff;
	v37 =	vpop (erf)  }
0x32c: {  	v52 =	vor.u32 $0x11, v38;
	v49 =	vld.idx.msk [tilespmem:v51+s16+$0x0], $0xffff;
	v53 =	vmul.f32 $-2.317854670e-03, v37  }
0x32d: {  	v39 =	vadd.f32 v40, v39;
	v40 =	vmul.f32 v44, v12;
	v41 =	vmul.f32 v41, v50;
	v44 =	vld.idx.msk [tilespmem:v51+s17+$0x0], $0xffff  }
0x32e: {  	v51 =	vor.u32 $0x12, v38;
	v50 =	vld.idx.msk [tilespmem:v48+s16+$0x0], $0xffff;
	v53 =	vadd.f32 $1.534189750e-02, v53  }
0x32f: {  	v39 =	vadd.f32 v40, v39;
	v40 =	vmul.f32 v41, v13;
	v41 =	vmul.f32 v42, v46;
	v42 =	vld.idx.msk [tilespmem:v48+s17+$0x0], $0xffff  }
0x330: {  	v48 =	vor.u32 $0x13, v38;
	v46 =	vld.idx.msk [tilespmem:v45+s16+$0x0], $0xffff;
	v53 =	vmul.f32 v53, v37  }
0x331: {  	v39 =	vadd.f32 v40, v39;
	v40 =	vmul.f32 v41, v14;
	v41 =	vmul.f32 v47, v43;
	v43 =	vld.idx.msk [tilespmem:v45+s17+$0x0], $0xffff  }
0x332: {  	v47 =	vor.u32 $0x14, v38;
	v45 =	vld.idx.msk [tilespmem:v52+s16+$0x0], $0xffff;
	v53 =	vadd.f32 $-4.766548420e-02, v53  }
0x333: {  	v39 =	vadd.f32 v40, v39;
	v40 =	vmul.f32 v41, v15;
	v41 =	vmul.f32 v44, v49;
	v44 =	vld.idx.msk [tilespmem:v52+s17+$0x0], $0xffff  }
0x334: {  	v52 =	vor.u32 $0x15, v38;
	v49 =	vld.idx.msk [tilespmem:v51+s16+$0x0], $0xffff;
	v53 =	vmul.f32 v53, v37  }
0x335: {  	v39 =	vadd.f32 v40, v39;
	v40 =	vmul.f32 v41, v16;
	v41 =	vmul.f32 v42, v50;
	v42 =	vld.idx.msk [tilespmem:v51+s17+$0x0], $0xffff  }
0x336: {  	v51 =	vor.u32 $0x16, v38;
	v50 =	vld.idx.msk [tilespmem:v48+s16+$0x0], $0xffff;
	v53 =	vadd.f32 $9.548566490e-02, v53  }
0x337: {  	v39 =	vadd.f32 v40, v39;
	v40 =	vmul.f32 v41, v17;
	v41 =	vmul.f32 v43, v46;
	v43 =	vld.idx.msk [tilespmem:v48+s17+$0x0], $0xffff  }
0x338: {  	v48 =	vor.u32 $0x17, v38;
	v46 =	vld.idx.msk [tilespmem:v47+s16+$0x0], $0xffff;
	v53 =	vmul.f32 v53, v37  }
0x339: {  	v39 =	vadd.f32 v40, v39;
	v40 =	vmul.f32 v41, v18;
	v41 =	vmul.f32 v44, v45;
	v44 =	vld.idx.msk [tilespmem:v47+s17+$0x0], $0xffff  }
0x33a: {  	v47 =	vor.u32 $0x18, v38;
	v45 =	vld.idx.msk [tilespmem:v52+s16+$0x0], $0xffff;
	v53 =	vadd.f32 $-1.458647400e-01, v53  }
0x33b: {  	v39 =	vadd.f32 v40, v39;
	v40 =	vmul.f32 v41, v19;
	v41 =	vmul.f32 v42, v49;
	v42 =	vld.idx.msk [tilespmem:v52+s17+$0x0], $0xffff  }
0x33c: {  	v52 =	vor.u32 $0x19, v38;
	v49 =	vld.idx.msk [tilespmem:v51+s16+$0x0], $0xffff;
	v53 =	vmul.f32 v53, v37  }
0x33d: {  	v39 =	vadd.f32 v40, v39;
	v40 =	vmul.f32 v41, v20;
	v41 =	vmul.f32 v43, v50;
	v43 =	vld.idx.msk [tilespmem:v51+s17+$0x0], $0xffff  }
0x33e: {  	v51 =	vor.u32 $0x1A, v38;
	v50 =	vld.idx.msk [tilespmem:v48+s16+$0x0], $0xffff;
	v53 =	vadd.f32 $1.937516630e-01, v53  }
0x33f: {  	v39 =	vadd.f32 v40, v39;
	v40 =	vmul.f32 v41, v21;
	v41 =	vmul.f32 v44, v46;
	v44 =	vld.idx.msk [tilespmem:v48+s17+$0x0], $0xffff  }
0x340: {  	v48 =	vor.u32 $0x1B, v38;
	v46 =	vld.idx.msk [tilespmem:v47+s16+$0x0], $0xffff;
	v53 =	vmul.f32 v53, v37  }
0x341: {  	v39 =	vadd.f32 v40, v39;
	v40 =	vmul.f32 v41, v22;
	v41 =	vmul.f32 v42, v45;
	v42 =	vld.idx.msk [tilespmem:v47+s17+$0x0], $0xffff  }
0x342: {  	v54 =	vor.u32 $0x1C, v38;
	v45 =	vld.idx.msk [tilespmem:v52+s16+$0x0], $0xffff;
	v47 =	vadd.f32 $-2.487842440e-01, v53  }
0x343: {  	v39 =	vadd.f32 v40, v39;
	v40 =	vmul.f32 v41, v23;
	v41 =	vmul.f32 v43, v49;
	v43 =	vld.idx.msk [tilespmem:v52+s17+$0x0], $0xffff  }
0x344: {  	v53 =	vor.u32 $0x1D, v38;
	v49 =	vld.idx.msk [tilespmem:v51+s16+$0x0], $0xffff;
	v52 =	vmul.f32 v47, v37  }
0x345: {  	v39 =	vadd.f32 v40, v39;
	v41 =	vmul.f32 v41, v24;
	v44 =	vmul.f32 v44, v50;
	v55 =	vld.idx.msk [tilespmem:v51+s17+$0x0], $0xffff  }
0x346: {  	v50 =	vmov s14;
	v47 =	vor.u32 $0x1E, v38;
	v40 =	vld.idx.msk [tilespmem:v48+s16+$0x0], $0xffff;
	v51 =	vadd.f32 $3.331919010e-01, v52  }
0x347: {  	v39 =	vadd.f32 v41, v39;
	v52 =	vmul.f32 v44, v25;
	v42 =	vmul.f32 v42, v46;
	v44 =	vld.idx.msk [tilespmem:v48+s17+$0x0], $0xffff  }
.Ltmp2:
0x348: {  	v50 =	vshll.u32 v50, $0x5;
	v48 =	vor.u32 $0x1F, v38;
	v41 =	vld.idx.msk [tilespmem:v54+s16+$0x0], $0xffff;
	v51 =	vmul.f32 v51, v37;
	(pc) =	sbr.rel @p1 .LBB2_6-.Ltmp2, $4  }
0x349: {  	v39 =	vadd.f32 v52, v39;
	v52 =	vmul.f32 v42, v26;
	v43 =	vmul.f32 v43, v45;
	v46 =	vld.idx.msk [tilespmem:v54+s17+$0x0], $0xffff  }
0x34a: {  	v38 =	vor.u32 v0, v50;
	v42 =	vld.idx.msk [tilespmem:v53+s16+$0x0], $0xffff;
	v54 =	vadd.f32 $-4.999914170e-01, v51  }
0x34b: {  	v50 =	vadd.f32 v52, v39;
	v51 =	vmul.f32 v43, v27;
	v52 =	vmul.f32 v55, v49;
	v45 =	vld.idx.msk [tilespmem:v53+s17+$0x0], $0xffff  }
0x34c: {  	s14 =	sadd.s32 $0x10, s14;
	v53 =	vor.u32 $0x2, v38;
	v43 =	vld.idx.msk [tilespmem:v47+s16+$0x0], $0xffff;
	v39 =	vmul.f32 v54, v37  }
0x34d: {  	_ =	sdelay $0x2  }
0x34e: {  	v54 =	vor.u32 $0x1, v38  }
0x34f: {  	v49 =	vld.idx.msk [tilespmem:v47+s17+$0x0], $0xffff  }
0x350: {  	v63 =	vld.idx.msk [tilespmem:v48+s16+$0x0], $0xffff  }
0x351: {  	v55 =	vld.idx.msk [tilespmem:v38+s16+$0x0], $0xffff  }
0x352: {  	v56 =	vor.u32 $0x3, v38;
	v57 =	vld.idx.msk [tilespmem:v38+s17+$0x0], $0xffff  }
0x353: {  	v58 =	vld.idx.msk [tilespmem:v54+s16+$0x0], $0xffff  }
0x354: {  	v59 =	vor.u32 $0x4, v38;
	v54 =	vld.idx.msk [tilespmem:v54+s17+$0x0], $0xffff  }
0x355: {  	v60 =	vld.idx.msk [tilespmem:v53+s16+$0x0], $0xffff  }
0x356: {  	v47 =	vld.idx.msk [tilespmem:v53+s17+$0x0], $0xffff;
	v61 =	vor.u32 $0x5, v38  }
0x357: {  	v62 =	vld.idx.msk [tilespmem:v56+s16+$0x0], $0xffff;
	v55 =	vmul.f32 v57, v55  }
0x358: {  	v56 =	vld.idx.msk [tilespmem:v56+s17+$0x0], $0xffff;
	v57 =	vor.u32 $0x6, v38  }
0x359: {  	[tilespmem:$0x1FFD0] =	vst v63;
	v63 =	vld.idx.msk [tilespmem:v59+s16+$0x0], $0xffff;
	v55 =	vmul.f32 v55, v5;
	v54 =	vmul.f32 v54, v58  }
0x35a: {  	v59 =	vld.idx.msk [tilespmem:v59+s17+$0x0], $0xffff;
	v58 =	vor.u32 $0x7, v38  }
0x35b: {  	v53 =	vmul.f32 v47, v60;
	v60 =	vld.idx.msk [tilespmem:v61+s16+$0x0], $0xffff;
	v55 =	vadd.f32 $0.0e+00, v55;
	v54 =	vmul.f32 v54, v2  }
0x35c: {  	v47 =	vor.u32 $0x8, v38;
	v61 =	vld.idx.msk [tilespmem:v61+s17+$0x0], $0xffff  }
0x35d: {  	v53 =	vmul.f32 v53, v3;
	v56 =	vmul.f32 v56, v62;
	v62 =	vld.idx.msk [tilespmem:v57+s16+$0x0], $0xffff;
	v54 =	vadd.f32 v54, v55  }
0x35e: {  	v57 =	vld.idx.msk [tilespmem:v57+s17+$0x0], $0xffff;
	v55 =	vor.u32 $0x9, v38  }
0x35f: {  	v59 =	vmul.f32 v59, v63;
	v56 =	vmul.f32 v56, v4;
	v53 =	vadd.f32 v53, v54;
	v54 =	vld.idx.msk [tilespmem:v58+s16+$0x0], $0xffff  }
0x360: {  	v63 =	vor.u32 $0xA, v38;
	v58 =	vld.idx.msk [tilespmem:v58+s17+$0x0], $0xffff  }
0x361: {  	v60 =	vmul.f32 v61, v60;
	v59 =	vmul.f32 v59, v6;
	v53 =	vadd.f32 v56, v53;
	v56 =	vld.idx.msk [tilespmem:v47+s16+$0x0], $0xffff  }
0x362: {  	v61 =	vor.u32 $0xB, v38;
	v47 =	vld.idx.msk [tilespmem:v47+s17+$0x0], $0xffff  }
0x363: {  	v60 =	vmul.f32 v60, v7;
	v57 =	vmul.f32 v57, v62;
	v53 =	vadd.f32 v59, v53;
	v59 =	vld.idx.msk [tilespmem:v55+s16+$0x0], $0xffff  }
0x364: {  	v62 =	vor.u32 $0xC, v38;
	v55 =	vld.idx.msk [tilespmem:v55+s17+$0x0], $0xffff  }
0x365: {  	v57 =	vmul.f32 v57, v8;
	v54 =	vmul.f32 v58, v54;
	v53 =	vadd.f32 v60, v53;
	v60 =	vld.idx.msk [tilespmem:v63+s16+$0x0], $0xffff  }
0x366: {  	v58 =	vor.u32 $0xD, v38;
	v63 =	vld.idx.msk [tilespmem:v63+s17+$0x0], $0xffff  }
0x367: {  	v54 =	vmul.f32 v54, v9;
	v47 =	vmul.f32 v47, v56;
	v53 =	vadd.f32 v57, v53;
	v57 =	vld.idx.msk [tilespmem:v61+s16+$0x0], $0xffff  }
0x368: {  	v56 =	vor.u32 $0xE, v38;
	v61 =	vld.idx.msk [tilespmem:v61+s17+$0x0], $0xffff  }
0x369: {  	v47 =	vmul.f32 v47, v10;
	v55 =	vmul.f32 v55, v59;
	v53 =	vadd.f32 v54, v53;
	v54 =	vld.idx.msk [tilespmem:v62+s16+$0x0], $0xffff  }
0x36a: {  	v59 =	vor.u32 $0xF, v38;
	v62 =	vld.idx.msk [tilespmem:v62+s17+$0x0], $0xffff  }
0x36b: {  	v55 =	vmul.f32 v55, v11;
	v60 =	vmul.f32 v63, v60;
	v47 =	vadd.f32 v47, v53;
	v53 =	vld.idx.msk [tilespmem:v58+s16+$0x0], $0xffff  }
0x36c: {  	v63 =	vor.u32 $0x10, v38;
	v58 =	vld.idx.msk [tilespmem:v58+s17+$0x0], $0xffff  }
0x36d: {  	v60 =	vmul.f32 v60, v12;
	v57 =	vmul.f32 v61, v57;
	v47 =	vadd.f32 v55, v47;
	v55 =	vld.idx.msk [tilespmem:v56+s16+$0x0], $0xffff  }
0x36e: {  	v61 =	vor.u32 $0x11, v38;
	v56 =	vld.idx.msk [tilespmem:v56+s17+$0x0], $0xffff  }
0x36f: {  	v57 =	vmul.f32 v57, v13;
	v54 =	vmul.f32 v62, v54;
	v47 =	vadd.f32 v60, v47;
	v60 =	vld.idx.msk [tilespmem:v59+s16+$0x0], $0xffff  }
0x370: {  	v62 =	vor.u32 $0x12, v38;
	v59 =	vld.idx.msk [tilespmem:v59+s17+$0x0], $0xffff  }
0x371: {  	v54 =	vmul.f32 v54, v14;
	v53 =	vmul.f32 v58, v53;
	v47 =	vadd.f32 v57, v47;
	v57 =	vld.idx.msk [tilespmem:v63+s16+$0x0], $0xffff  }
0x372: {  	v58 =	vor.u32 $0x13, v38;
	v63 =	vld.idx.msk [tilespmem:v63+s17+$0x0], $0xffff  }
0x373: {  	v53 =	vmul.f32 v53, v15;
	v55 =	vmul.f32 v56, v55;
	v47 =	vadd.f32 v54, v47;
	v54 =	vld.idx.msk [tilespmem:v61+s16+$0x0], $0xffff  }
0x374: {  	v56 =	vor.u32 $0x14, v38;
	v61 =	vld.idx.msk [tilespmem:v61+s17+$0x0], $0xffff  }
0x375: {  	v55 =	vmul.f32 v55, v16;
	v59 =	vmul.f32 v59, v60;
	v47 =	vadd.f32 v53, v47;
	v53 =	vld.idx.msk [tilespmem:v62+s16+$0x0], $0xffff  }
0x376: {  	v60 =	vor.u32 $0x15, v38;
	v62 =	vld.idx.msk [tilespmem:v62+s17+$0x0], $0xffff  }
0x377: {  	v59 =	vmul.f32 v59, v17;
	v57 =	vmul.f32 v63, v57;
	v47 =	vadd.f32 v55, v47;
	v55 =	vld.idx.msk [tilespmem:v58+s16+$0x0], $0xffff  }
0x378: {  	v63 =	vor.u32 $0x16, v38;
	v58 =	vld.idx.msk [tilespmem:v58+s17+$0x0], $0xffff  }
0x379: {  	v57 =	vmul.f32 v57, v18;
	v54 =	vmul.f32 v61, v54;
	v47 =	vadd.f32 v59, v47;
	v59 =	vld.idx.msk [tilespmem:v56+s16+$0x0], $0xffff  }
0x37a: {  	v61 =	vor.u32 $0x17, v38;
	v56 =	vld.idx.msk [tilespmem:v56+s17+$0x0], $0xffff  }
0x37b: {  	v54 =	vmul.f32 v54, v19;
	v53 =	vmul.f32 v62, v53;
	v47 =	vadd.f32 v57, v47;
	v57 =	vld.idx.msk [tilespmem:v60+s16+$0x0], $0xffff  }
0x37c: {  	v62 =	vor.u32 $0x18, v38;
	v60 =	vld.idx.msk [tilespmem:v60+s17+$0x0], $0xffff  }
0x37d: {  	v53 =	vmul.f32 v53, v20;
	v55 =	vmul.f32 v58, v55;
	v47 =	vadd.f32 v54, v47;
	v54 =	vld.idx.msk [tilespmem:v63+s16+$0x0], $0xffff  }
0x37e: {  	v58 =	vor.u32 $0x19, v38;
	v63 =	vld.idx.msk [tilespmem:v63+s17+$0x0], $0xffff  }
0x37f: {  	v55 =	vmul.f32 v55, v21;
	v56 =	vmul.f32 v56, v59;
	v47 =	vadd.f32 v53, v47;
	v53 =	vld.idx.msk [tilespmem:v61+s16+$0x0], $0xffff  }
0x380: {  	v59 =	vor.u32 $0x1A, v38;
	v61 =	vld.idx.msk [tilespmem:v61+s17+$0x0], $0xffff  }
0x381: {  	v56 =	vmul.f32 v56, v22;
	v57 =	vmul.f32 v60, v57;
	v47 =	vadd.f32 v55, v47;
	v55 =	vld.idx.msk [tilespmem:v62+s16+$0x0], $0xffff  }
0x382: {  	v60 =	vor.u32 $0x1B, v38;
	v62 =	vld.idx.msk [tilespmem:v62+s17+$0x0], $0xffff  }
0x383: {  	v57 =	vmul.f32 v57, v23;
	v54 =	vmul.f32 v63, v54;
	v47 =	vadd.f32 v56, v47;
	v56 =	vld.idx.msk [tilespmem:v58+s16+$0x0], $0xffff  }
0x384: {  	v63 =	vor.u32 $0x1C, v38;
	v58 =	vld.idx.msk [tilespmem:v58+s17+$0x0], $0xffff  }
0x385: {  	v54 =	vmul.f32 v54, v24;
	v53 =	vmul.f32 v61, v53;
	v47 =	vadd.f32 v57, v47;
	v57 =	vld.idx.msk [tilespmem:v59+s16+$0x0], $0xffff  }
0x386: {  	v61 =	vor.u32 $0x1D, v38;
	v59 =	vld.idx.msk [tilespmem:v59+s17+$0x0], $0xffff  }
0x387: {  	v53 =	vmul.f32 v53, v25;
	v55 =	vmul.f32 v62, v55;
	v47 =	vadd.f32 v54, v47;
	v54 =	vld.idx.msk [tilespmem:v60+s16+$0x0], $0xffff  }
0x388: {  	v62 =	vor.u32 $0x1E, v38;
	v38 =	vor.u32 $0x1F, v38;
	v60 =	vld.idx.msk [tilespmem:v60+s17+$0x0], $0xffff  }
0x389: {  	v55 =	vmul.f32 v55, v26;
	v47 =	vadd.f32 v53, v47;
	v53 =	vmul.f32 v58, v56;
	v56 =	vld.idx.msk [tilespmem:v63+s16+$0x0], $0xffff  }
0x38a: {  	v50 =	vadd.f32 v51, v50;
	v58 =	vld.idx.msk [tilespmem:v63+s17+$0x0], $0xffff  }
0x38b: {  	v51 =	vld.idx.msk [tilespmem:v61+s17+$0x0], $0xffff;
	v47 =	vadd.f32 v55, v47;
	v55 =	vmul.f32 v59, v57;
	v53 =	vmul.f32 v53, v27  }
0x38c: {  	v57 =	vld.idx.msk [tilespmem:v61+s16+$0x0], $0xffff  }
0x38d: {  	v48 =	vld.idx.msk [tilespmem:v48+s17+$0x0], $0xffff;
	v63 =	vmul.f32 v60, v54;
	v47 =	vadd.f32 v53, v47;
	v59 =	vmul.f32 v55, v32  }
0x38e: {  	v40 =	vmul.f32 v44, v40;
	v44 =	vmul.f32 v52, v32;
	v61 =	vld.idx.msk [tilespmem:v38+s16+$0x0], $0xffff  }
0x38f: {  	v60 =	vld.idx.msk [tilespmem:v62+s17+$0x0], $0xffff;
	v52 =	vmul.f32 v63, v28;
	v47 =	vadd.f32 v59, v47  }
0x390: {  	v41 =	vmul.f32 v46, v41;
	v44 =	vadd.f32 v44, v50;
	v40 =	vmul.f32 v40, v28;
	v53 =	vld.idx.msk [tilespmem:v62+s16+$0x0], $0xffff  }
0x391: {  	v62 =	vmul.f32 v58, v56;
	v63 =	vadd.f32 v52, v47;
	v52 =	vmul.f32 v51, v57;
	v57 =	vld [tilespmem:$0x1FFD0]  }
0x392: {  	v42 =	vmul.f32 v45, v42;
	v41 =	vmul.f32 v41, v29;
	v40 =	vadd.f32 v40, v44;
	v38 =	vld.idx.msk [tilespmem:v38+s17+$0x0], $0xffff  }
0x393: {  	v54 =	vmul.f32 v62, v29  }
0x394: {  	v43 =	vmul.f32 v49, v43;
	v40 =	vadd.f32 v41, v40;
	v55 =	vmul.f32 v42, v30  }
0x395: {  	v56 =	vmul.f32 v60, v53;
	v44 =	vadd.f32 v54, v63;
	v45 =	vmul.f32 v52, v30  }
0x396: {  	v58 =	vmul.f32 v43, v31;
	v40 =	vadd.f32 v55, v40;
	v46 =	vmul.f32 v48, v57  }
0x397: {  	v38 =	vmul.f32 v38, v61;
	v42 =	vmul.f32 v56, v31;
	v59 =	vadd.f32 v45, v44  }
0x398: {  	v40 =	vadd.f32 v58, v40;
	v60 =	vmul.f32 v46, v33  }
0x399: {  	v38 =	vmul.f32 v38, v33;
	v42 =	vadd.f32 v42, v59  }
0x39a: {  	v40 =	vadd.f32 v60, v40  }
0x39b: {  	v38 =	vadd.f32 v38, v42  }
0x39c: {  	v42 =	vadd.f32 v40, v1  }
0x39d: {  	v38 =	vadd.f32 v38, v1  }
0x39e: {  	v40 =	vand.u32 $0x7FFFFFFF, v42  }
0x39f: {  	v61 =	vand.u32 $0x7FFFFFFF, v38;
	v40 =	vsub.f32 $0.0e+00, v40  }
0x3a0: {  	v41 =	vsub.f32 $0.0e+00, v61  }
0x3a1: {  	v40 =	vmul.f32 $1.442695020e+00, v40  }
0x3a2: {  	v41 =	vmul.f32 $1.442695020e+00, v41  }
0x3a3: {  	(erf) = vpow2.f32 v40  }
0x3a4: {  	(erf) = vpow2.f32 v41;
	_ =	sdelay $0x7  }
0x3a5: {  	s1 =	sadd.s32 $0x10, s1;
	s14 =	simm.s32 $0x180;
	v44 =	vpop (erf)  }
0x3a6: {  	v43 =	vld [tilespmem:s1+$0x0];
	s1 =	sadd.s32 $0x10, s1;
	v62 =	vmov s14;
	v41 =	vpop (erf)  }
0x3a7: {  	v45 =	vshll.u32 v62, $0x5;
	v40 =	vld [tilespmem:s1+$0x0];
	_ =	swait.ge [sflag:s30], $0x1000  }
0x3a8: {  	v45 =	vor.u32 v0, v45;
	[sflag:s30] =	ssyncset.done $0x0  }
0x3a9: {  	[sflag:s30] =	ssyncadd.s32 $0xFFFFF000  }
0x3aa: {  	v63 =	vor.u32 $0x1, v45;
	_ =	swait.ge [sflag:s30], $0x1000  }
0x3ab: {  	[sflag:s30] =	ssyncset.done $0x0  }
0x3ac: {  	v56 =	vor.u32 $0x2, v45;
	[sflag:s30] =	ssyncadd.s32 $0xFFFFF000  }
0x3ad: {  	v57 =	vld.idx.msk [tilespmem:v45+s16+$0x0], $0xffff  }
0x3ae: {  	v62 =	vor.u32 $0x4, v45;
	v59 =	vld.idx.msk [tilespmem:v45+s17+$0x0], $0xffff  }
0x3af: {  	v61 =	vld.idx.msk [tilespmem:v63+s16+$0x0], $0xffff  }
0x3b0: {  	v54 =	vor.u32 $0x5, v45;
	v46 =	vld.idx.msk [tilespmem:v63+s17+$0x0], $0xffff  }
0x3b1: {  	v63 =	vld.idx.msk [tilespmem:v56+s16+$0x0], $0xffff  }
0x3b2: {  	v58 =	vor.u32 $0x3, v45;
	v47 =	vld.idx.msk [tilespmem:v56+s17+$0x0], $0xffff  }
0x3b3: {  	v56 =	vld.idx.msk [tilespmem:v62+s16+$0x0], $0xffff  }
0x3b4: {  	v52 =	vld.idx.msk [tilespmem:v62+s17+$0x0], $0xffff  }
0x3b5: {  	v62 =	vld.idx.msk [tilespmem:v54+s16+$0x0], $0xffff  }
0x3b6: {  	v54 =	vld.idx.msk [tilespmem:v54+s17+$0x0], $0xffff  }
0x3b7: {  	v60 =	vld.idx.msk [tilespmem:v58+s16+$0x0], $0xffff  }
0x3b8: {  	v50 =	vor.u32 $0x6, v45;
	v49 =	vld.idx.msk [tilespmem:v58+s17+$0x0], $0xffff;
	v48 =	vmul.f32 v59, v57;
	_ =	sdelay $0x1  }
0x3b9: {  	v46 =	vmul.f32 v46, v61;
	v61 =	vor.u32 $0x7, v45;
	v48 =	vmul.f32 v48, v5  }
0x3ba: {  	v47 =	vmul.f32 v47, v63;
	v63 =	vor.u32 $0x8, v45;
	v53 =	vmul.f32 v54, v62  }
0x3bb: {  	v62 =	vor.u32 $0xB, v45;
	v46 =	vmul.f32 v46, v2;
	v48 =	vadd.f32 $0.0e+00, v48  }
0x3bc: {  	v49 =	vmul.f32 v49, v60;
	v60 =	vld.idx.msk [tilespmem:v50+s16+$0x0], $0xffff  }
0x3bd: {  	v50 =	vld.idx.msk [tilespmem:v50+s17+$0x0], $0xffff;
	v47 =	vmul.f32 v47, v3;
	v46 =	vadd.f32 v46, v48  }
0x3be: {  	v51 =	vld.idx.msk [tilespmem:v61+s17+$0x0], $0xffff;
	v48 =	vor.u32 $0x9, v45  }
0x3bf: {  	v52 =	vmul.f32 v52, v56;
	v49 =	vmul.f32 v49, v4;
	v57 =	vld.idx.msk [tilespmem:v63+s17+$0x0], $0xffff;
	v46 =	vadd.f32 v47, v46  }
0x3c0: {  	v56 =	vor.u32 $0xA, v45;
	v54 =	vld.idx.msk [tilespmem:v62+s17+$0x0], $0xffff  }
0x3c1: {  	v52 =	vmul.f32 v52, v6;
	v47 =	vld.idx.msk [tilespmem:v61+s16+$0x0], $0xffff;
	v46 =	vadd.f32 v49, v46  }
0x3c2: {  	v50 =	vmul.f32 v50, v60;
	v60 =	vor.u32 $0xC, v45;
	v61 =	vld.idx.msk [tilespmem:v63+s16+$0x0], $0xffff  }
0x3c3: {  	v53 =	vmul.f32 v53, v7;
	v63 =	vld.idx.msk [tilespmem:v48+s16+$0x0], $0xffff;
	v46 =	vadd.f32 v52, v46  }
0x3c4: {  	v48 =	vld.idx.msk [tilespmem:v48+s17+$0x0], $0xffff  }
0x3c5: {  	v46 =	vadd.f32 v53, v46;
	v53 =	vld.idx.msk [tilespmem:v56+s16+$0x0], $0xffff  }
0x3c6: {  	v50 =	vmul.f32 v50, v8;
	v47 =	vmul.f32 v51, v47;
	v51 =	vor.u32 $0xD, v45;
	v56 =	vld.idx.msk [tilespmem:v56+s17+$0x0], $0xffff  }
0x3c7: {  	v55 =	vld.idx.msk [tilespmem:v60+s17+$0x0], $0xffff;
	v49 =	vmul.f32 v57, v61  }
0x3c8: {  	v61 =	vor.u32 $0xE, v45;
	v47 =	vmul.f32 v47, v9;
	v46 =	vadd.f32 v50, v46;
	v50 =	vld.idx.msk [tilespmem:v62+s16+$0x0], $0xffff  }
0x3c9: {  	v62 =	vld.idx.msk [tilespmem:v60+s16+$0x0], $0xffff;
	v48 =	vmul.f32 v48, v63;
	v63 =	vor.u32 $0xF, v45  }
0x3ca: {  	v49 =	vmul.f32 v49, v10;
	v46 =	vadd.f32 v47, v46  }
0x3cb: {  	v60 =	vld.idx.msk [tilespmem:v51+s16+$0x0], $0xffff;
	v53 =	vmul.f32 v56, v53  }
0x3cc: {  	v48 =	vmul.f32 v48, v11;
	v51 =	vld.idx.msk [tilespmem:v51+s17+$0x0], $0xffff;
	v56 =	vor.u32 $0x10, v45;
	v46 =	vadd.f32 v49, v46  }
0x3cd: {  	v57 =	vld.idx.msk [tilespmem:v61+s17+$0x0], $0xffff;
	v53 =	vmul.f32 v53, v12;
	v50 =	vmul.f32 v54, v50  }
0x3ce: {  	v47 =	vmul.f32 v55, v62;
	v62 =	vor.u32 $0x12, v45;
	v52 =	vld.idx.msk [tilespmem:v63+s17+$0x0], $0xffff;
	v46 =	vadd.f32 v48, v46  }
0x3cf: {  	v54 =	vor.u32 $0x11, v45;
	v48 =	vld.idx.msk [tilespmem:v61+s16+$0x0], $0xffff  }
0x3d0: {  	v61 =	vld.idx.msk [tilespmem:v63+s16+$0x0], $0xffff;
	v50 =	vmul.f32 v50, v13;
	v46 =	vadd.f32 v53, v46  }
0x3d1: {  	v47 =	vmul.f32 v47, v14;
	v63 =	vld.idx.msk [tilespmem:v56+s16+$0x0], $0xffff  }
0x3d2: {  	v49 =	vmul.f32 v51, v60;
	v60 =	vor.u32 $0x13, v45;
	v56 =	vld.idx.msk [tilespmem:v56+s17+$0x0], $0xffff;
	v46 =	vadd.f32 v50, v46  }
0x3d3: {  	v55 =	vld.idx.msk [tilespmem:v62+s17+$0x0], $0xffff  }
0x3d4: {  	v48 =	vmul.f32 v57, v48;
	v57 =	vor.u32 $0x14, v45;
	v46 =	vadd.f32 v47, v46;
	v47 =	vld.idx.msk [tilespmem:v54+s16+$0x0], $0xffff  }
0x3d5: {  	v49 =	vmul.f32 v49, v15;
	v54 =	vld.idx.msk [tilespmem:v54+s17+$0x0], $0xffff  }
0x3d6: {  	v53 =	vor.u32 $0x15, v45;
	v61 =	vmul.f32 v52, v61;
	v52 =	vld.idx.msk [tilespmem:v62+s16+$0x0], $0xffff  }
0x3d7: {  	v50 =	vld.idx.msk [tilespmem:v60+s16+$0x0], $0xffff;
	v48 =	vmul.f32 v48, v16;
	v63 =	vmul.f32 v56, v63;
	v46 =	vadd.f32 v49, v46  }
0x3d8: {  	v51 =	vld.idx.msk [tilespmem:v60+s17+$0x0], $0xffff;
	v62 =	vmul.f32 v61, v17;
	v56 =	vor.u32 $0x16, v45;
	v61 =	vmul.f32 $-2.317854670e-03, v44  }
0x3d9: {  	v60 =	vmul.f32 v63, v18;
	v46 =	vadd.f32 v48, v46;
	v49 =	vld.idx.msk [tilespmem:v57+s16+$0x0], $0xffff  }
0x3da: {  	v63 =	vor.u32 $0x18, v45;
	v57 =	vld.idx.msk [tilespmem:v57+s17+$0x0], $0xffff;
	v47 =	vmul.f32 v54, v47;
	v54 =	vadd.f32 $1.534189750e-02, v61  }
0x3db: {  	v46 =	vadd.f32 v62, v46;
	v62 =	vld.idx.msk [tilespmem:v53+s16+$0x0], $0xffff  }
0x3dc: {  	v48 =	vor.u32 $0x17, v45;
	v53 =	vld.idx.msk [tilespmem:v53+s17+$0x0], $0xffff;
	v54 =	vmul.f32 v54, v44  }
0x3dd: {  	v52 =	vmul.f32 v55, v52;
	v47 =	vmul.f32 v47, v19;
	v46 =	vadd.f32 v60, v46;
	v60 =	vld.idx.msk [tilespmem:v56+s16+$0x0], $0xffff  }
0x3de: {  	v56 =	vld.idx.msk [tilespmem:v56+s17+$0x0], $0xffff;
	v61 =	vadd.f32 $-4.766548420e-02, v54;
	v54 =	vor.u32 $0x19, v45  }
0x3df: {  	v50 =	vmul.f32 v51, v50;
	v52 =	vmul.f32 v52, v20;
	v55 =	vld.idx.msk [tilespmem:v63+s16+$0x0], $0xffff;
	v46 =	vadd.f32 v47, v46  }
0x3e0: {  	v51 =	vor.u32 $0x1B, v45;
	v47 =	vld.idx.msk [tilespmem:v63+s17+$0x0], $0xffff  }
0x3e1: {  	v50 =	vmul.f32 v50, v21;
	v49 =	vmul.f32 v57, v49;
	v57 =	vld.idx.msk [tilespmem:v48+s16+$0x0], $0xffff;
	v46 =	vadd.f32 v52, v46  }
0x3e2: {  	v48 =	vld.idx.msk [tilespmem:v48+s17+$0x0], $0xffff;
	v62 =	vmul.f32 v53, v62;
	v53 =	vor.u32 $0x1A, v45  }
0x3e3: {  	v49 =	vmul.f32 v49, v22;
	v60 =	vmul.f32 v56, v60;
	v46 =	vadd.f32 v50, v46;
	v56 =	vld.idx.msk [tilespmem:v54+s16+$0x0], $0xffff  }
0x3e4: {  	v63 =	vmul.f32 v62, v23;
	v62 =	vor.u32 $0x1C, v45;
	v54 =	vld.idx.msk [tilespmem:v54+s17+$0x0], $0xffff  }
0x3e5: {  	v52 =	vmul.f32 v61, v44;
	v47 =	vmul.f32 v47, v55;
	v55 =	vld.idx.msk [tilespmem:v51+s16+$0x0], $0xffff;
	v46 =	vadd.f32 v49, v46  }
0x3e6: {  	v51 =	vld.idx.msk [tilespmem:v51+s17+$0x0], $0xffff  }
0x3e7: {  	v52 =	vadd.f32 $9.548566490e-02, v52;
	v48 =	vmul.f32 v48, v57;
	v46 =	vadd.f32 v63, v46;
	v63 =	vld.idx.msk [tilespmem:v53+s16+$0x0], $0xffff  }
0x3e8: {  	v34 =	vmul.f32 v35, v34;
	v61 =	vmul.f32 v60, v24;
	v60 =	vor.u32 $0x1D, v45;
	v53 =	vld.idx.msk [tilespmem:v53+s17+$0x0], $0xffff  }
0x3e9: {  	v39 =	vadd.f32 $9.999998210e-01, v39;
	v52 =	vmul.f32 v52, v44;
	v48 =	vmul.f32 v48, v25;
	v50 =	vld.idx.msk [tilespmem:v62+s17+$0x0], $0xffff  }
0x3ea: {  	v54 =	vmul.f32 v54, v56;
	v56 =	vld.idx.msk [tilespmem:v62+s16+$0x0], $0xffff;
	v62 =	vor.u32 $0x1F, v45;
	v46 =	vadd.f32 v61, v46  }
0x3eb: {  	v37 =	vmul.f32 v39, v37;
	s14 =	simm.s32 $0x190;
	v47 =	vmul.f32 v47, v26;
	v52 =	vadd.f32 $-1.458647400e-01, v52  }
0x3ec: {  	v61 =	vmov s14;
	v46 =	vadd.f32 v48, v46;
	v48 =	vor.u32 $0x1E, v45  }
0x3ed: {  	v52 =	vmul.f32 v52, v44;
	v57 =	vld.idx.msk [tilespmem:v60+s16+$0x0], $0xffff;
	v53 =	vmul.f32 v53, v63;
	v63 =	vshll.u32 v61, $0x5  }
0x3ee: {  	v59 =	vld.idx.msk [tilespmem:v60+s17+$0x0], $0xffff;
	v54 =	vmul.f32 v54, v27;
	v46 =	vadd.f32 v47, v46;
	v45 =	vor.u32 v0, v63  }
0x3ef: {  	v37 =	vadd.f32 $8.184459770e-10, v37;
	v51 =	vmul.f32 v51, v55;
	v52 =	vadd.f32 $1.937516630e-01, v52;
	v61 =	vld.idx.msk [tilespmem:v62+s17+$0x0], $0xffff  }
0x3f0: {  	v53 =	vmul.f32 v53, v32;
	v39 =	vor.u32 $0x2, v45;
	v46 =	vadd.f32 v54, v46;
	v54 =	vld.idx.msk [tilespmem:v62+s16+$0x0], $0xffff  }
0x3f1: {  	v43 =	vmul.f32 v42, v43;
	v42 =	vmax.f32 v42, $0.0e+00;
	v52 =	vmul.f32 v52, v44;
	v60 =	vld.idx.msk [tilespmem:v48+s16+$0x0], $0xffff  }
0x3f2: {  	v51 =	vmul.f32 v51, v28;
	v48 =	vld.idx.msk [tilespmem:v48+s17+$0x0], $0xffff;
	v46 =	vadd.f32 v53, v46;
	v53 =	vor.u32 $0x1, v45  }
0x3f3: {  	v47 =	vmul.f32 v59, v57;
	v59 =	vmax.f32 v35, $0.0e+00;
	v52 =	vadd.f32 $-2.487842440e-01, v52;
	v62 =	vld.idx.msk [tilespmem:v45+s16+$0x0], $0xffff  }
0x3f4: {  	v50 =	vmul.f32 v50, v56;
	v63 =	vor.u32 $0x3, v45;
	v34 =	vsub.f32 v59, v34;
	v58 =	vld.idx.msk [tilespmem:v45+s17+$0x0], $0xffff  }
0x3f5: {  	v42 =	vsub.f32 v42, v43;
	v57 =	vor.u32 $0x4, v45;
	v52 =	vmul.f32 v52, v44;
	v35 =	vld.idx.msk [tilespmem:v39+s16+$0x0], $0xffff  }
0x3f6: {  	v50 =	vmul.f32 v50, v29;
	v34 =	vadd.f32 v37, v34;
	v46 =	vadd.f32 v51, v46;
	v39 =	vld.idx.msk [tilespmem:v39+s17+$0x0], $0xffff  }
0x3f7: {  	v37 =	vor.u32 $0x5, v45;
	v52 =	vadd.f32 $3.331919010e-01, v52;
	v48 =	vmul.f32 v48, v60;
	v60 =	vld.idx.msk [tilespmem:v53+s16+$0x0], $0xffff  }
0x3f8: {  	v47 =	vmul.f32 v47, v30;
	v54 =	vmul.f32 v61, v54;
	v46 =	vadd.f32 v50, v46;
	v53 =	vld.idx.msk [tilespmem:v53+s17+$0x0], $0xffff  }
0x3f9: {  	v55 =	vor.u32 $0x7, v45;
	v52 =	vmul.f32 v52, v44;
	v61 =	vmul.f32 v48, v31;
	v48 =	vld.idx.msk [tilespmem:v63+s16+$0x0], $0xffff  }
0x3fa: {  	v36 =	vadd.f32 v34, v36;
	v46 =	vadd.f32 v47, v46;
	v49 =	vmul.f32 v58, v62;
	v63 =	vld.idx.msk [tilespmem:v63+s17+$0x0], $0xffff  }
0x3fb: {  	v51 =	vor.u32 $0x6, v45;
	v62 =	vadd.f32 $-4.999914170e-01, v52;
	v58 =	vmul.f32 v54, v33  }
0x3fc: {  	v56 =	vld.idx.msk [tilespmem:v37+s16+$0x0], $0xffff;
	v39 =	vmul.f32 v39, v35;
	v46 =	vadd.f32 v61, v46;
	v59 =	vmul.f32 v49, v5  }
0x3fd: {  	v52 =	vor.u32 $0x8, v45;
	v50 =	vmul.f32 v62, v44;
	v61 =	vld.idx.msk [tilespmem:v57+s17+$0x0], $0xffff;
	v62 =	vmul.f32 $-2.317854670e-03, v41  }
0x3fe: {  	v39 =	vmul.f32 v39, v3;
	v60 =	vmul.f32 v53, v60;
	v53 =	vld.idx.msk [tilespmem:v57+s16+$0x0], $0xffff;
	v46 =	vadd.f32 v58, v46  }
0x3ff: {  	v37 =	vld.idx.msk [tilespmem:v37+s17+$0x0], $0xffff;
	v34 =	vadd.f32 $0.0e+00, v59;
	v50 =	vadd.f32 $9.999998210e-01, v50;
	v63 =	vmul.f32 v63, v48  }
0x400: {  	v58 =	vadd.f32 $1.534189750e-02, v62;
	v62 =	vld.idx.msk [tilespmem:v55+s16+$0x0], $0xffff;
	v49 =	vmul.f32 v60, v2;
	v35 =	vadd.f32 v46, v1  }
0x401: {  	v55 =	vld.idx.msk [tilespmem:v55+s17+$0x0], $0xffff;
	v44 =	vmul.f32 v50, v44;
	v46 =	vmul.f32 v63, v4;
	v63 =	vor.u32 $0xA, v45  }
0x402: {  	v60 =	vld.idx.msk [tilespmem:v51+s16+$0x0], $0xffff;
	v57 =	vadd.f32 v49, v34;
	v59 =	vand.u32 $0x7FFFFFFF, v35;
	v49 =	vmul.f32 v58, v41  }
0x403: {  	v51 =	vld.idx.msk [tilespmem:v51+s17+$0x0], $0xffff;
	v54 =	vsub.f32 $0.0e+00, v59;
	v47 =	vmul.f32 v61, v53;
	v61 =	vor.u32 $0x9, v45  }
0x404: {  	v37 =	vmul.f32 v37, v56;
	v39 =	vadd.f32 v39, v57;
	v49 =	vadd.f32 $-4.766548420e-02, v49  }
0x405: {  	v58 =	vld.idx.msk [tilespmem:v52+s16+$0x0], $0xffff;
	v44 =	vadd.f32 $8.184459770e-10, v44;
	v59 =	vor.u32 $0xB, v45;
	v54 =	vmul.f32 $1.442695020e+00, v54  }
0x406: {  	v52 =	vld.idx.msk [tilespmem:v52+s17+$0x0], $0xffff;
	v47 =	vmul.f32 v47, v6;
	v39 =	vadd.f32 v46, v39;
	v49 =	vmul.f32 v49, v41  }
0x407: {  	v46 =	vmul.f32 v55, v62;
	v62 =	vor.u32 $0xD, v45;
	(erf) = vpow2.f32 v54;
	v54 =	vld.idx.msk [tilespmem:v63+s16+$0x0], $0xffff  }
0x408: {  	v37 =	vmul.f32 v37, v7;
	v48 =	vmul.f32 v51, v60;
	v39 =	vadd.f32 v47, v39;
	v60 =	vld.idx.msk [tilespmem:v61+s16+$0x0], $0xffff  }
0x409: {  	v42 =	vadd.f32 v44, v42;
	v53 =	vld.idx.msk [tilespmem:v61+s17+$0x0], $0xffff;
	v61 =	vadd.f32 $9.548566490e-02, v49  }
0x40a: {  	v44 =	vor.u32 $0xE, v45;
	v48 =	vmul.f32 v48, v8;
	v63 =	vld.idx.msk [tilespmem:v63+s17+$0x0], $0xffff;
	v37 =	vadd.f32 v37, v39  }
0x40b: {  	v47 =	vld.idx.msk [tilespmem:v59+s17+$0x0], $0xffff;
	v39 =	vor.u32 $0xC, v45;
	v43 =	vmul.f32 v61, v41  }
0x40c: {  	v46 =	vmul.f32 v46, v9;
	v51 =	vld.idx.msk [tilespmem:v62+s16+$0x0], $0xffff;
	v37 =	vadd.f32 v48, v37  }
0x40d: {  	v50 =	vmul.f32 v52, v58;
	v48 =	vld.idx.msk [tilespmem:v59+s16+$0x0], $0xffff;
	v59 =	vadd.f32 $-1.458647400e-01, v43  }
0x40e: {  	v49 =	vld.idx.msk [tilespmem:v62+s17+$0x0], $0xffff;
	v58 =	vmul.f32 v53, v60;
	v60 =	vor.u32 $0xF, v45;
	v37 =	vadd.f32 v46, v37  }
0x40f: {  	v36 =	vadd.f32 v42, v36;
	v61 =	vmul.f32 v63, v54;
	v63 =	vld.idx.msk [tilespmem:v44+s16+$0x0], $0xffff  }
0x410: {  	v57 =	vmul.f32 v50, v10;
	v54 =	vor.u32 $0x10, v45;
	v42 =	vmul.f32 v59, v41;
	v52 =	vld.idx.msk [tilespmem:v39+s16+$0x0], $0xffff  }
0x411: {  	v53 =	vmul.f32 v61, v12;
	v59 =	vor.u32 $0x12, v45;
	v39 =	vld.idx.msk [tilespmem:v39+s17+$0x0], $0xffff  }
0x412: {  	v44 =	vld.idx.msk [tilespmem:v44+s17+$0x0], $0xffff;
	v50 =	vmul.f32 v58, v11;
	v46 =	vadd.f32 v57, v37;
	v42 =	vadd.f32 $1.937516630e-01, v42;
	v37 =	vpop (erf)  }
0x413: {  	v57 =	vor.u32 $0x11, v45;
	v47 =	vmul.f32 v47, v48;
	v58 =	vld.idx.msk [tilespmem:v60+s16+$0x0], $0xffff;
	v62 =	vmul.f32 $-2.317854670e-03, v37  }
0x414: {  	v61 =	vor.u32 $0x13, v45;
	v46 =	vadd.f32 v50, v46;
	v42 =	vmul.f32 v42, v41;
	v43 =	vld.idx.msk [tilespmem:v60+s17+$0x0], $0xffff  }
0x415: {  	v49 =	vmul.f32 v49, v51;
	v60 =	vld.idx.msk [tilespmem:v54+s16+$0x0], $0xffff;
	v47 =	vmul.f32 v47, v13;
	v55 =	vadd.f32 $1.534189750e-02, v62  }
0x416: {  	v54 =	vld.idx.msk [tilespmem:v54+s17+$0x0], $0xffff;
	v46 =	vadd.f32 v53, v46;
	v39 =	vmul.f32 v39, v52;
	v42 =	vadd.f32 $-2.487842440e-01, v42  }
0x417: {  	v44 =	vmul.f32 v44, v63;
	v63 =	vor.u32 $0x14, v45;
	v52 =	vld.idx.msk [tilespmem:v59+s17+$0x0], $0xffff;
	v55 =	vmul.f32 v55, v37  }
0x418: {  	v62 =	vld.idx.msk [tilespmem:v57+s16+$0x0], $0xffff;
	v46 =	vadd.f32 v47, v46;
	v39 =	vmul.f32 v39, v14;
	v42 =	vmul.f32 v42, v41  }
0x419: {  	v49 =	vmul.f32 v49, v15;
	v44 =	vmul.f32 v44, v16;
	v48 =	vld.idx.msk [tilespmem:v57+s17+$0x0], $0xffff;
	v55 =	vadd.f32 $-4.766548420e-02, v55  }
0x41a: {  	v57 =	vld.idx.msk [tilespmem:v59+s16+$0x0], $0xffff;
	v43 =	vmul.f32 v43, v58;
	v39 =	vadd.f32 v39, v46;
	v42 =	vadd.f32 $3.331919010e-01, v42  }
0x41b: {  	v58 =	vor.u32 $0x15, v45;
	v47 =	vmul.f32 v54, v60;
	v55 =	vmul.f32 v55, v37  }
0x41c: {  	v51 =	vld.idx.msk [tilespmem:v61+s17+$0x0], $0xffff;
	v60 =	vor.u32 $0x16, v45;
	v39 =	vadd.f32 v49, v39;
	v42 =	vmul.f32 v42, v41  }
0x41d: {  	v59 =	vld.idx.msk [tilespmem:v61+s16+$0x0], $0xffff;
	v43 =	vmul.f32 v43, v17;
	v47 =	vmul.f32 v47, v18;
	v55 =	vadd.f32 $9.548566490e-02, v55  }
0x41e: {  	v61 =	vld.idx.msk [tilespmem:v63+s16+$0x0], $0xffff;
	v46 =	vmul.f32 v48, v62;
	v39 =	vadd.f32 v44, v39;
	v42 =	vadd.f32 $-4.999914170e-01, v42  }
0x41f: {  	v50 =	vld.idx.msk [tilespmem:v63+s17+$0x0], $0xffff;
	v62 =	vor.u32 $0x17, v45;
	v49 =	vmul.f32 v52, v57;
	v55 =	vmul.f32 v55, v37  }
0x420: {  	v57 =	vor.u32 $0x18, v45;
	v63 =	vld.idx.msk [tilespmem:v58+s16+$0x0], $0xffff;
	v39 =	vadd.f32 v43, v39;
	v42 =	vmul.f32 v42, v41  }
0x421: {  	v40 =	vmul.f32 v38, v40;
	v46 =	vmul.f32 v46, v19;
	v53 =	vld.idx.msk [tilespmem:v58+s17+$0x0], $0xffff;
	v55 =	vadd.f32 $-1.458647400e-01, v55  }
0x422: {  	v58 =	vld.idx.msk [tilespmem:v60+s16+$0x0], $0xffff;
	v49 =	vmul.f32 v49, v20;
	v39 =	vadd.f32 v47, v39;
	v42 =	vadd.f32 $9.999998210e-01, v42  }
0x423: {  	v44 =	vmul.f32 v51, v59;
	v59 =	vor.u32 $0x19, v45;
	v54 =	vld.idx.msk [tilespmem:v60+s17+$0x0], $0xffff;
	v55 =	vmul.f32 v55, v37  }
0x424: {  	v48 =	vld.idx.msk [tilespmem:v62+s17+$0x0], $0xffff;
	v39 =	vadd.f32 v46, v39;
	v41 =	vmul.f32 v42, v41;
	v42 =	vor.u32 $0x1A, v45  }
0x425: {  	v38 =	vmax.f32 v38, $0.0e+00;
	v43 =	vmul.f32 v50, v61;
	v61 =	vld.idx.msk [tilespmem:v57+s16+$0x0], $0xffff;
	v55 =	vadd.f32 $1.937516630e-01, v55  }
0x426: {  	v38 =	vsub.f32 v38, v40;
	v44 =	vmul.f32 v44, v21;
	v52 =	vld.idx.msk [tilespmem:v57+s17+$0x0], $0xffff;
	v39 =	vadd.f32 v49, v39  }
0x427: {  	v47 =	vmul.f32 v53, v63;
	v49 =	vld.idx.msk [tilespmem:v62+s16+$0x0], $0xffff;
	v62 =	vor.u32 $0x1B, v45;
	v60 =	vmul.f32 v55, v37  }
0x428: {  	v43 =	vmul.f32 v43, v22;
	v51 =	vld.idx.msk [tilespmem:v59+s17+$0x0], $0xffff;
	v46 =	vmul.f32 v54, v58;
	v39 =	vadd.f32 v44, v39  }
0x429: {  	v63 =	vor.u32 $0x1C, v45;
	v47 =	vmul.f32 v47, v23;
	v55 =	vld.idx.msk [tilespmem:v42+s16+$0x0], $0xffff;
	v50 =	vadd.f32 $-2.487842440e-01, v60  }
0x42a: {  	v41 =	vadd.f32 $8.184459770e-10, v41;
	v46 =	vmul.f32 v46, v24;
	v58 =	vld.idx.msk [tilespmem:v42+s17+$0x0], $0xffff;
	v39 =	vadd.f32 v43, v39  }
0x42b: {  	v56 =	vor.u32 $0x1D, v45;
	v61 =	vmul.f32 v52, v61;
	v43 =	vld.idx.msk [tilespmem:v59+s16+$0x0], $0xffff;
	v50 =	vmul.f32 v50, v37  }
0x42c: {  	s18 =	simm.s32 $0x1A0;
	v38 =	vadd.f32 v41, v38;
	v48 =	vmul.f32 v48, v49;
	v40 =	vld.idx.msk [tilespmem:v62+s16+$0x0], $0xffff;
	v39 =	vadd.f32 v47, v39  }
0x42d: {  	s1 =	simm.s32 $0x85B0;
	v52 =	vmul.f32 v61, v26;
	v44 =	vld.idx.msk [tilespmem:v62+s17+$0x0], $0xffff;
	v62 =	vmov s18;
	v59 =	vadd.f32 $3.331919010e-01, v50  }
0x42e: {  	v34 =	vld [tilespmem:s1+$0x0];
	v47 =	vor.u32 $0x1E, v45;
	v60 =	vmul.f32 v48, v25;
	v39 =	vadd.f32 v46, v39  }
0x42f: {  	v41 =	vld.idx.msk [tilespmem:v63+s16+$0x0], $0xffff;
	v36 =	vadd.f32 v38, v36;
	v38 =	vshll.u32 v62, $0x5;
	v50 =	vmul.f32 v59, v37  }
0x430: {  	v42 =	vld.idx.msk [tilespmem:v56+s16+$0x0], $0xffff;
	v48 =	vor.u32 $0x1F, v45;
	v43 =	vmul.f32 v51, v43;
	v39 =	vadd.f32 v60, v39  }
0x431: {  	v38 =	vor.u32 v0, v38;
	v46 =	vld.idx.msk [tilespmem:v63+s17+$0x0], $0xffff;
	v63 =	vadd.f32 $-4.999914170e-01, v50  }
0x432: {  	v45 =	vld.idx.msk [tilespmem:v56+s17+$0x0], $0xffff;
	v51 =	vadd.f32 v52, v39;
	v52 =	vmul.f32 v43, v27;
	v50 =	vmul.f32 v58, v55  }
0x433: {  	s14 =	simm.s32 $0x1B0;
	v53 =	vor.u32 $0x2, v38;
	v43 =	vld.idx.msk [tilespmem:v47+s16+$0x0], $0xffff;
	v39 =	vmul.f32 v63, v37  }
.LBB2_8:
0x434: {  	p1 =	sne.s32 s14, $0x1F0;
	v49 =	vadd.f32 v52, v51;
	v50 =	vmul.f32 v50, v32;
	v40 =	vmul.f32 v44, v40;
	v44 =	vld.idx.msk [tilespmem:v47+s17+$0x0], $0xffff  }
0x435: {  	v47 =	vor.u32 $0x1, v38;
	v51 =	vld.idx.msk [tilespmem:v48+s16+$0x0], $0xffff;
	v39 =	vadd.f32 $9.999998210e-01, v39  }
0x436: {  	v41 =	vmul.f32 v46, v41;
	v49 =	vadd.f32 v50, v49;
	v40 =	vmul.f32 v40, v28;
	v46 =	vld.idx.msk [tilespmem:v48+s17+$0x0], $0xffff  }
0x437: {  	v34 =	vmul.f32 v35, v34;
	v50 =	vor.u32 $0x3, v38;
	v48 =	vld.idx.msk [tilespmem:v38+s16+$0x0], $0xffff;
	v37 =	vmul.f32 v39, v37  }
0x438: {  	v35 =	vmax.f32 v35, $0.0e+00;
	v42 =	vmul.f32 v45, v42;
	v39 =	vld.idx.msk [tilespmem:v38+s17+$0x0], $0xffff;
	v40 =	vadd.f32 v40, v49  }
0x439: {  	v34 =	vsub.f32 v35, v34;
	v41 =	vmul.f32 v41, v29;
	v45 =	vld.idx.msk [tilespmem:v53+s16+$0x0], $0xffff;
	v37 =	vadd.f32 $8.184459770e-10, v37  }
0x43a: {  	v49 =	vor.u32 $0x4, v38;
	v43 =	vmul.f32 v44, v43;
	v35 =	vld.idx.msk [tilespmem:v47+s16+$0x0], $0xffff  }
0x43b: {  	v40 =	vadd.f32 v41, v40;
	v41 =	vmul.f32 v42, v30;
	v44 =	vld.idx.msk [tilespmem:v47+s17+$0x0], $0xffff;
	v34 =	vadd.f32 v37, v34  }
0x43c: {  	v42 =	vor.u32 $0x5, v38;
	v46 =	vmul.f32 v46, v51;
	v37 =	vld.idx.msk [tilespmem:v53+s17+$0x0], $0xffff  }
0x43d: {  	v40 =	vadd.f32 v41, v40;
	v41 =	vmul.f32 v43, v31;
	v47 =	vld.idx.msk [tilespmem:v50+s16+$0x0], $0xffff;
	v36 =	vadd.f32 v34, v36  }
0x43e: {  	s1 =	sadd.s32 $0x10, s1;
	v43 =	vld.idx.msk [tilespmem:v50+s17+$0x0], $0xffff;
	v50 =	vor.u32 $0x6, v38  }
0x43f: {  	v39 =	vmul.f32 v39, v48;
	v40 =	vadd.f32 v41, v40;
	v41 =	vmul.f32 v46, v33;
	v34 =	vld [tilespmem:s1+$0x0]  }
0x440: {  	v48 =	vor.u32 $0x7, v38;
	v46 =	vld.idx.msk [tilespmem:v49+s16+$0x0], $0xffff  }
0x441: {  	v39 =	vmul.f32 v39, v5;
	v35 =	vmul.f32 v44, v35;
	v40 =	vadd.f32 v41, v40;
	v44 =	vld.idx.msk [tilespmem:v49+s17+$0x0], $0xffff  }
0x442: {  	v37 =	vmul.f32 v37, v45;
	v45 =	vor.u32 $0x8, v38;
	v41 =	vld.idx.msk [tilespmem:v42+s16+$0x0], $0xffff  }
0x443: {  	v39 =	vadd.f32 $0.0e+00, v39;
	v49 =	vmul.f32 v35, v2;
	v35 =	vadd.f32 v40, v1;
	v42 =	vld.idx.msk [tilespmem:v42+s17+$0x0], $0xffff  }
0x444: {  	v40 =	vmul.f32 v43, v47;
	v47 =	vor.u32 $0x9, v38;
	v43 =	vld.idx.msk [tilespmem:v50+s16+$0x0], $0xffff  }
0x445: {  	v37 =	vmul.f32 v37, v3;
	v39 =	vadd.f32 v49, v39;
	v49 =	vld.idx.msk [tilespmem:v50+s17+$0x0], $0xffff;
	v50 =	vand.u32 $0x7FFFFFFF, v35  }
0x446: {  	v52 =	vor.u32 $0xA, v38;
	v51 =	vld.idx.msk [tilespmem:v48+s16+$0x0], $0xffff;
	v50 =	vsub.f32 $0.0e+00, v50  }
0x447: {  	v37 =	vadd.f32 v37, v39;
	v39 =	vmul.f32 v40, v4;
	v40 =	vmul.f32 v44, v46;
	v44 =	vld.idx.msk [tilespmem:v48+s17+$0x0], $0xffff  }
0x448: {  	v48 =	vor.u32 $0xB, v38;
	v46 =	vld.idx.msk [tilespmem:v45+s16+$0x0], $0xffff;
	v50 =	vmul.f32 $1.442695020e+00, v50  }
0x449: {  	v37 =	vadd.f32 v39, v37;
	v39 =	vmul.f32 v40, v6;
	v40 =	vmul.f32 v42, v41;
	v41 =	vld.idx.msk [tilespmem:v45+s17+$0x0], $0xffff  }
0x44a: {  	v45 =	vor.u32 $0xC, v38;
	v42 =	vld.idx.msk [tilespmem:v47+s16+$0x0], $0xffff;
	(erf) = vpow2.f32 v50  }
0x44b: {  	v37 =	vadd.f32 v39, v37;
	v39 =	vmul.f32 v40, v7;
	v40 =	vmul.f32 v49, v43;
	v43 =	vld.idx.msk [tilespmem:v47+s17+$0x0], $0xffff  }
0x44c: {  	v49 =	vor.u32 $0xD, v38;
	v47 =	vld.idx.msk [tilespmem:v52+s16+$0x0], $0xffff  }
0x44d: {  	v37 =	vadd.f32 v39, v37;
	v39 =	vmul.f32 v40, v8;
	v40 =	vmul.f32 v44, v51;
	v44 =	vld.idx.msk [tilespmem:v52+s17+$0x0], $0xffff  }
0x44e: {  	v51 =	vor.u32 $0xE, v38;
	v50 =	vld.idx.msk [tilespmem:v48+s16+$0x0], $0xffff  }
0x44f: {  	v37 =	vadd.f32 v39, v37;
	v39 =	vmul.f32 v40, v9;
	v40 =	vmul.f32 v41, v46;
	v41 =	vld.idx.msk [tilespmem:v48+s17+$0x0], $0xffff  }
0x450: {  	v48 =	vor.u32 $0xF, v38;
	v46 =	vld.idx.msk [tilespmem:v45+s16+$0x0], $0xffff  }
0x451: {  	v52 =	vadd.f32 v39, v37;
	v39 =	vmul.f32 v40, v10;
	v40 =	vmul.f32 v43, v42;
	v42 =	vld.idx.msk [tilespmem:v45+s17+$0x0], $0xffff  }
0x452: {  	v45 =	vor.u32 $0x10, v38;
	v43 =	vld.idx.msk [tilespmem:v49+s16+$0x0], $0xffff  }
0x453: {  	v39 =	vadd.f32 v39, v52;
	v40 =	vmul.f32 v40, v11;
	v44 =	vmul.f32 v44, v47;
	v47 =	vld.idx.msk [tilespmem:v49+s17+$0x0], $0xffff;
	v37 =	vpop (erf)  }
0x454: {  	v52 =	vor.u32 $0x11, v38;
	v49 =	vld.idx.msk [tilespmem:v51+s16+$0x0], $0xffff;
	v53 =	vmul.f32 $-2.317854670e-03, v37  }
0x455: {  	v39 =	vadd.f32 v40, v39;
	v40 =	vmul.f32 v44, v12;
	v41 =	vmul.f32 v41, v50;
	v44 =	vld.idx.msk [tilespmem:v51+s17+$0x0], $0xffff  }
0x456: {  	v51 =	vor.u32 $0x12, v38;
	v50 =	vld.idx.msk [tilespmem:v48+s16+$0x0], $0xffff;
	v53 =	vadd.f32 $1.534189750e-02, v53  }
0x457: {  	v39 =	vadd.f32 v40, v39;
	v40 =	vmul.f32 v41, v13;
	v41 =	vmul.f32 v42, v46;
	v42 =	vld.idx.msk [tilespmem:v48+s17+$0x0], $0xffff  }
0x458: {  	v48 =	vor.u32 $0x13, v38;
	v46 =	vld.idx.msk [tilespmem:v45+s16+$0x0], $0xffff;
	v53 =	vmul.f32 v53, v37  }
0x459: {  	v39 =	vadd.f32 v40, v39;
	v40 =	vmul.f32 v41, v14;
	v41 =	vmul.f32 v47, v43;
	v43 =	vld.idx.msk [tilespmem:v45+s17+$0x0], $0xffff  }
0x45a: {  	v47 =	vor.u32 $0x14, v38;
	v45 =	vld.idx.msk [tilespmem:v52+s16+$0x0], $0xffff;
	v53 =	vadd.f32 $-4.766548420e-02, v53  }
0x45b: {  	v39 =	vadd.f32 v40, v39;
	v40 =	vmul.f32 v41, v15;
	v41 =	vmul.f32 v44, v49;
	v44 =	vld.idx.msk [tilespmem:v52+s17+$0x0], $0xffff  }
0x45c: {  	v52 =	vor.u32 $0x15, v38;
	v49 =	vld.idx.msk [tilespmem:v51+s16+$0x0], $0xffff;
	v53 =	vmul.f32 v53, v37  }
0x45d: {  	v39 =	vadd.f32 v40, v39;
	v40 =	vmul.f32 v41, v16;
	v41 =	vmul.f32 v42, v50;
	v42 =	vld.idx.msk [tilespmem:v51+s17+$0x0], $0xffff  }
0x45e: {  	v51 =	vor.u32 $0x16, v38;
	v50 =	vld.idx.msk [tilespmem:v48+s16+$0x0], $0xffff;
	v53 =	vadd.f32 $9.548566490e-02, v53  }
0x45f: {  	v39 =	vadd.f32 v40, v39;
	v40 =	vmul.f32 v41, v17;
	v41 =	vmul.f32 v43, v46;
	v43 =	vld.idx.msk [tilespmem:v48+s17+$0x0], $0xffff  }
0x460: {  	v48 =	vor.u32 $0x17, v38;
	v46 =	vld.idx.msk [tilespmem:v47+s16+$0x0], $0xffff;
	v53 =	vmul.f32 v53, v37  }
0x461: {  	v39 =	vadd.f32 v40, v39;
	v40 =	vmul.f32 v41, v18;
	v41 =	vmul.f32 v44, v45;
	v44 =	vld.idx.msk [tilespmem:v47+s17+$0x0], $0xffff  }
0x462: {  	v47 =	vor.u32 $0x18, v38;
	v45 =	vld.idx.msk [tilespmem:v52+s16+$0x0], $0xffff;
	v53 =	vadd.f32 $-1.458647400e-01, v53  }
0x463: {  	v39 =	vadd.f32 v40, v39;
	v40 =	vmul.f32 v41, v19;
	v41 =	vmul.f32 v42, v49;
	v42 =	vld.idx.msk [tilespmem:v52+s17+$0x0], $0xffff  }
0x464: {  	v52 =	vor.u32 $0x19, v38;
	v49 =	vld.idx.msk [tilespmem:v51+s16+$0x0], $0xffff;
	v53 =	vmul.f32 v53, v37  }
0x465: {  	v39 =	vadd.f32 v40, v39;
	v40 =	vmul.f32 v41, v20;
	v41 =	vmul.f32 v43, v50;
	v43 =	vld.idx.msk [tilespmem:v51+s17+$0x0], $0xffff  }
0x466: {  	v51 =	vor.u32 $0x1A, v38;
	v50 =	vld.idx.msk [tilespmem:v48+s16+$0x0], $0xffff;
	v53 =	vadd.f32 $1.937516630e-01, v53  }
0x467: {  	v39 =	vadd.f32 v40, v39;
	v40 =	vmul.f32 v41, v21;
	v41 =	vmul.f32 v44, v46;
	v44 =	vld.idx.msk [tilespmem:v48+s17+$0x0], $0xffff  }
0x468: {  	v48 =	vor.u32 $0x1B, v38;
	v46 =	vld.idx.msk [tilespmem:v47+s16+$0x0], $0xffff;
	v53 =	vmul.f32 v53, v37  }
0x469: {  	v39 =	vadd.f32 v40, v39;
	v40 =	vmul.f32 v41, v22;
	v41 =	vmul.f32 v42, v45;
	v42 =	vld.idx.msk [tilespmem:v47+s17+$0x0], $0xffff  }
0x46a: {  	v54 =	vor.u32 $0x1C, v38;
	v45 =	vld.idx.msk [tilespmem:v52+s16+$0x0], $0xffff;
	v47 =	vadd.f32 $-2.487842440e-01, v53  }
0x46b: {  	v39 =	vadd.f32 v40, v39;
	v40 =	vmul.f32 v41, v23;
	v41 =	vmul.f32 v43, v49;
	v43 =	vld.idx.msk [tilespmem:v52+s17+$0x0], $0xffff  }
0x46c: {  	v53 =	vor.u32 $0x1D, v38;
	v49 =	vld.idx.msk [tilespmem:v51+s16+$0x0], $0xffff;
	v52 =	vmul.f32 v47, v37  }
0x46d: {  	v39 =	vadd.f32 v40, v39;
	v41 =	vmul.f32 v41, v24;
	v44 =	vmul.f32 v44, v50;
	v50 =	vld.idx.msk [tilespmem:v51+s17+$0x0], $0xffff  }
0x46e: {  	v47 =	vor.u32 $0x1E, v38;
	v51 =	vmov s14;
	v40 =	vld.idx.msk [tilespmem:v48+s16+$0x0], $0xffff;
	v52 =	vadd.f32 $3.331919010e-01, v52  }
0x46f: {  	v39 =	vadd.f32 v41, v39;
	v55 =	vmul.f32 v44, v25;
	v42 =	vmul.f32 v42, v46;
	v44 =	vld.idx.msk [tilespmem:v48+s17+$0x0], $0xffff  }
.Ltmp3:
0x470: {  	v51 =	vshll.u32 v51, $0x5;
	v48 =	vor.u32 $0x1F, v38;
	v41 =	vld.idx.msk [tilespmem:v54+s16+$0x0], $0xffff;
	v52 =	vmul.f32 v52, v37;
	(pc) =	sbr.rel @p1 .LBB2_8-.Ltmp3, $4  }
0x471: {  	v39 =	vadd.f32 v55, v39;
	v55 =	vmul.f32 v42, v26;
	v43 =	vmul.f32 v43, v45;
	v46 =	vld.idx.msk [tilespmem:v54+s17+$0x0], $0xffff  }
0x472: {  	v38 =	vor.u32 v0, v51;
	v42 =	vld.idx.msk [tilespmem:v53+s16+$0x0], $0xffff;
	v54 =	vadd.f32 $-4.999914170e-01, v52  }
0x473: {  	v51 =	vadd.f32 v55, v39;
	v52 =	vmul.f32 v43, v27;
	v50 =	vmul.f32 v50, v49;
	v45 =	vld.idx.msk [tilespmem:v53+s17+$0x0], $0xffff  }
0x474: {  	s14 =	sadd.s32 $0x10, s14;
	v53 =	vor.u32 $0x2, v38;
	v43 =	vld.idx.msk [tilespmem:v47+s16+$0x0], $0xffff;
	v39 =	vmul.f32 v54, v37  }
0x475: {  	_ =	sdelay $0x3  }
0x476: {  	v49 =	vld.idx.msk [tilespmem:v47+s17+$0x0], $0xffff;
	v54 =	vor.u32 $0x1, v38  }
0x477: {  	v47 =	vld.idx.msk [tilespmem:v48+s16+$0x0], $0xffff  }
0x478: {  	v48 =	vld.idx.msk [tilespmem:v48+s17+$0x0], $0xffff  }
0x479: {  	v55 =	vld.idx.msk [tilespmem:v38+s16+$0x0], $0xffff  }
0x47a: {  	v56 =	vor.u32 $0x3, v38;
	v57 =	vld.idx.msk [tilespmem:v38+s17+$0x0], $0xffff  }
0x47b: {  	v58 =	vld.idx.msk [tilespmem:v54+s16+$0x0], $0xffff  }
0x47c: {  	v59 =	vor.u32 $0x4, v38;
	v54 =	vld.idx.msk [tilespmem:v54+s17+$0x0], $0xffff  }
0x47d: {  	v60 =	vld.idx.msk [tilespmem:v53+s16+$0x0], $0xffff  }
0x47e: {  	v53 =	vld.idx.msk [tilespmem:v53+s17+$0x0], $0xffff;
	v61 =	vor.u32 $0x5, v38  }
0x47f: {  	v62 =	vld.idx.msk [tilespmem:v56+s16+$0x0], $0xffff;
	v55 =	vmul.f32 v57, v55  }
0x480: {  	v56 =	vld.idx.msk [tilespmem:v56+s17+$0x0], $0xffff;
	v57 =	vor.u32 $0x6, v38  }
0x481: {  	v5 =	vmul.f32 v55, v5;
	v55 =	vld.idx.msk [tilespmem:v59+s16+$0x0], $0xffff;
	v54 =	vmul.f32 v54, v58  }
0x482: {  	v59 =	vld.idx.msk [tilespmem:v59+s17+$0x0], $0xffff;
	v58 =	vor.u32 $0x7, v38  }
0x483: {  	v53 =	vmul.f32 v53, v60;
	v60 =	vld.idx.msk [tilespmem:v61+s16+$0x0], $0xffff;
	v5 =	vadd.f32 $0.0e+00, v5;
	v2 =	vmul.f32 v54, v2  }
0x484: {  	v61 =	vld.idx.msk [tilespmem:v61+s17+$0x0], $0xffff;
	v54 =	vor.u32 $0x8, v38  }
0x485: {  	v3 =	vmul.f32 v53, v3;
	v56 =	vmul.f32 v56, v62;
	v2 =	vadd.f32 v2, v5;
	v5 =	vld.idx.msk [tilespmem:v57+s16+$0x0], $0xffff  }
0x486: {  	v53 =	vor.u32 $0x9, v38;
	v57 =	vld.idx.msk [tilespmem:v57+s17+$0x0], $0xffff  }
0x487: {  	v55 =	vmul.f32 v59, v55;
	v2 =	vadd.f32 v3, v2;
	v3 =	vmul.f32 v56, v4;
	v4 =	vld.idx.msk [tilespmem:v58+s16+$0x0], $0xffff  }
0x488: {  	v56 =	vor.u32 $0xA, v38;
	v58 =	vld.idx.msk [tilespmem:v58+s17+$0x0], $0xffff  }
0x489: {  	v62 =	vmul.f32 v61, v60;
	v2 =	vadd.f32 v3, v2;
	v3 =	vmul.f32 v55, v6;
	v6 =	vld.idx.msk [tilespmem:v54+s16+$0x0], $0xffff  }
0x48a: {  	v63 =	vor.u32 $0xB, v38;
	v54 =	vld.idx.msk [tilespmem:v54+s17+$0x0], $0xffff  }
0x48b: {  	v5 =	vmul.f32 v57, v5;
	v2 =	vadd.f32 v3, v2;
	v3 =	vmul.f32 v62, v7;
	v7 =	vld.idx.msk [tilespmem:v53+s16+$0x0], $0xffff  }
0x48c: {  	v60 =	vor.u32 $0xC, v38;
	v53 =	vld.idx.msk [tilespmem:v53+s17+$0x0], $0xffff  }
0x48d: {  	v61 =	vld.idx.msk [tilespmem:v56+s16+$0x0], $0xffff;
	v4 =	vmul.f32 v58, v4;
	v2 =	vadd.f32 v3, v2;
	v3 =	vmul.f32 v5, v8  }
0x48e: {  	v62 =	vor.u32 $0xD, v38;
	v56 =	vld.idx.msk [tilespmem:v56+s17+$0x0], $0xffff  }
0x48f: {  	v6 =	vmul.f32 v54, v6;
	v2 =	vadd.f32 v3, v2;
	v3 =	vmul.f32 v4, v9;
	v4 =	vld.idx.msk [tilespmem:v63+s16+$0x0], $0xffff  }
0x490: {  	v9 =	vor.u32 $0xE, v38;
	v63 =	vld.idx.msk [tilespmem:v63+s17+$0x0], $0xffff  }
0x491: {  	v59 =	vld.idx.msk [tilespmem:v60+s17+$0x0], $0xffff;
	v7 =	vmul.f32 v53, v7;
	v2 =	vadd.f32 v3, v2;
	v3 =	vmul.f32 v6, v10  }
0x492: {  	v57 =	vld.idx.msk [tilespmem:v60+s16+$0x0], $0xffff;
	v58 =	vor.u32 $0xF, v38  }
0x493: {  	v60 =	vld.idx.msk [tilespmem:v62+s16+$0x0], $0xffff;
	v5 =	vmul.f32 v56, v61;
	v2 =	vadd.f32 v3, v2;
	v3 =	vmul.f32 v7, v11  }
0x494: {  	v8 =	vld.idx.msk [tilespmem:v62+s17+$0x0], $0xffff;
	v61 =	vor.u32 $0x10, v38  }
0x495: {  	v62 =	vld.idx.msk [tilespmem:v9+s16+$0x0], $0xffff;
	v4 =	vmul.f32 v63, v4;
	v2 =	vadd.f32 v3, v2;
	v3 =	vmul.f32 v5, v12  }
0x496: {  	v63 =	vor.u32 $0x11, v38;
	v9 =	vld.idx.msk [tilespmem:v9+s17+$0x0], $0xffff  }
0x497: {  	v54 =	vld.idx.msk [tilespmem:v58+s16+$0x0], $0xffff;
	v6 =	vmul.f32 v59, v57;
	v2 =	vadd.f32 v3, v2;
	v3 =	vmul.f32 v4, v13  }
0x498: {  	v55 =	vor.u32 $0x12, v38;
	v10 =	vld.idx.msk [tilespmem:v58+s17+$0x0], $0xffff  }
0x499: {  	v6 =	vmul.f32 v6, v14;
	v7 =	vmul.f32 v8, v60;
	v11 =	vld.idx.msk [tilespmem:v61+s17+$0x0], $0xffff;
	v2 =	vadd.f32 v3, v2  }
0x49a: {  	v56 =	vor.u32 $0x13, v38;
	v3 =	vld.idx.msk [tilespmem:v61+s16+$0x0], $0xffff  }
0x49b: {  	v58 =	vmul.f32 v7, v15;
	v57 =	vld.idx.msk [tilespmem:v63+s16+$0x0], $0xffff;
	v5 =	vmul.f32 v9, v62;
	v2 =	vadd.f32 v6, v2  }
0x49c: {  	v59 =	vor.u32 $0x14, v38;
	v60 =	vld.idx.msk [tilespmem:v63+s17+$0x0], $0xffff  }
0x49d: {  	v4 =	vmul.f32 v10, v54;
	v61 =	vld.idx.msk [tilespmem:v55+s16+$0x0], $0xffff;
	v5 =	vmul.f32 v5, v16;
	v2 =	vadd.f32 v58, v2  }
0x49e: {  	v62 =	vor.u32 $0x15, v38;
	v63 =	vld.idx.msk [tilespmem:v55+s17+$0x0], $0xffff  }
0x49f: {  	v8 =	vld.idx.msk [tilespmem:v56+s17+$0x0], $0xffff;
	v4 =	vmul.f32 v4, v17;
	v3 =	vmul.f32 v11, v3;
	v2 =	vadd.f32 v5, v2  }
0x4a0: {  	v53 =	vor.u32 $0x16, v38;
	v16 =	vld.idx.msk [tilespmem:v56+s16+$0x0], $0xffff  }
0x4a1: {  	v54 =	vld.idx.msk [tilespmem:v59+s16+$0x0], $0xffff;
	v55 =	vmul.f32 v60, v57;
	v3 =	vmul.f32 v3, v18;
	v2 =	vadd.f32 v4, v2  }
0x4a2: {  	v7 =	vld.idx.msk [tilespmem:v59+s17+$0x0], $0xffff;
	v56 =	vor.u32 $0x17, v38  }
0x4a3: {  	v57 =	vld.idx.msk [tilespmem:v62+s16+$0x0], $0xffff;
	v58 =	vmul.f32 v63, v61;
	v2 =	vadd.f32 v3, v2;
	v3 =	vmul.f32 v55, v19  }
0x4a4: {  	v59 =	vor.u32 $0x18, v38;
	v6 =	vld.idx.msk [tilespmem:v62+s17+$0x0], $0xffff  }
0x4a5: {  	v60 =	vld.idx.msk [tilespmem:v53+s16+$0x0], $0xffff;
	v61 =	vmul.f32 v8, v16;
	v2 =	vadd.f32 v3, v2;
	v3 =	vmul.f32 v58, v20  }
0x4a6: {  	v62 =	vor.u32 $0x19, v38;
	v5 =	vld.idx.msk [tilespmem:v53+s17+$0x0], $0xffff  }
0x4a7: {  	v63 =	vld.idx.msk [tilespmem:v56+s16+$0x0], $0xffff;
	v16 =	vmul.f32 v7, v54;
	v2 =	vadd.f32 v3, v2;
	v3 =	vmul.f32 v61, v21  }
0x4a8: {  	v17 =	vor.u32 $0x1A, v38;
	v9 =	vld.idx.msk [tilespmem:v56+s17+$0x0], $0xffff  }
0x4a9: {  	v10 =	vld.idx.msk [tilespmem:v59+s17+$0x0], $0xffff;
	v19 =	vmul.f32 v6, v57;
	v2 =	vadd.f32 v3, v2;
	v3 =	vmul.f32 v16, v22  }
0x4aa: {  	v18 =	vld.idx.msk [tilespmem:v59+s16+$0x0], $0xffff;
	v20 =	vor.u32 $0x1B, v38  }
0x4ab: {  	v8 =	vld.idx.msk [tilespmem:v62+s17+$0x0], $0xffff;
	v22 =	vmul.f32 v5, v60;
	v2 =	vadd.f32 v3, v2;
	v3 =	vmul.f32 v19, v23  }
0x4ac: {  	v21 =	vld.idx.msk [tilespmem:v62+s16+$0x0], $0xffff;
	v23 =	vor.u32 $0x1C, v38  }
0x4ad: {  	v53 =	vld.idx.msk [tilespmem:v17+s16+$0x0], $0xffff;
	v54 =	vmul.f32 v9, v63;
	v2 =	vadd.f32 v3, v2;
	v3 =	vmul.f32 v22, v24  }
0x4ae: {  	v7 =	vld.idx.msk [tilespmem:v17+s17+$0x0], $0xffff;
	v55 =	vor.u32 $0x1D, v38  }
0x4af: {  	v57 =	vmul.f32 v10, v18;
	v56 =	vld.idx.msk [tilespmem:v20+s16+$0x0], $0xffff;
	v2 =	vadd.f32 v3, v2;
	v3 =	vmul.f32 v54, v25  }
0x4b0: {  	v59 =	vor.u32 $0x1E, v38;
	v58 =	vadd.f32 v52, v51;
	v6 =	vld.idx.msk [tilespmem:v20+s17+$0x0], $0xffff  }
0x4b1: {  	v61 =	vmul.f32 v8, v21;
	v60 =	vld.idx.msk [tilespmem:v23+s16+$0x0], $0xffff;
	v2 =	vadd.f32 v3, v2;
	v3 =	vmul.f32 v57, v26  }
0x4b2: {  	v63 =	vmul.f32 v44, v40;
	v62 =	vmul.f32 v50, v32;
	v20 =	vor.u32 $0x1F, v38;
	v5 =	vld.idx.msk [tilespmem:v23+s17+$0x0], $0xffff  }
0x4b3: {  	v9 =	vld.idx.msk [tilespmem:v55+s17+$0x0], $0xffff;
	v22 =	vmul.f32 v7, v53;
	v2 =	vadd.f32 v3, v2;
	v3 =	vmul.f32 v61, v27  }
0x4b4: {  	v21 =	vld.idx.msk [tilespmem:v55+s16+$0x0], $0xffff;
	v24 =	vmul.f32 v63, v28;
	v25 =	vmul.f32 v46, v41;
	v23 =	vadd.f32 v62, v58  }
0x4b5: {  	v41 =	vld.idx.msk [tilespmem:v59+s17+$0x0], $0xffff;
	v27 =	vmul.f32 v6, v56;
	v2 =	vadd.f32 v3, v2;
	v3 =	vmul.f32 v22, v32  }
0x4b6: {  	v38 =	vmul.f32 v45, v42;
	v26 =	vld.idx.msk [tilespmem:v59+s16+$0x0], $0xffff;
	v40 =	vmul.f32 v25, v29;
	v32 =	vadd.f32 v24, v23  }
0x4b7: {  	v42 =	vld.idx.msk [tilespmem:v20+s16+$0x0], $0xffff;
	v44 =	vmul.f32 v5, v60;
	v2 =	vadd.f32 v3, v2;
	v3 =	vmul.f32 v27, v28  }
0x4b8: {  	v45 =	vmul.f32 v49, v43;
	v7 =	vmul.f32 v38, v30;
	v46 =	vld.idx.msk [tilespmem:v20+s17+$0x0], $0xffff;
	v6 =	vadd.f32 v40, v32  }
0x4b9: {  	v4 =	vmul.f32 v44, v29;
	v2 =	vadd.f32 v3, v2;
	v3 =	vmul.f32 v9, v21  }
0x4ba: {  	v49 =	vmul.f32 v48, v47;
	v5 =	vmul.f32 v45, v31;
	v6 =	vadd.f32 v7, v6  }
0x4bb: {  	v50 =	vmul.f32 v41, v26;
	v2 =	vadd.f32 v4, v2;
	v3 =	vmul.f32 v3, v30  }
0x4bc: {  	v52 =	vmul.f32 v49, v33;
	v51 =	vadd.f32 v5, v6  }
0x4bd: {  	v53 =	vmul.f32 v46, v42;
	v2 =	vadd.f32 v3, v2;
	v3 =	vmul.f32 v50, v31  }
0x4be: {  	v4 =	vadd.f32 v52, v51  }
0x4bf: {  	v2 =	vadd.f32 v3, v2;
	v3 =	vmul.f32 v53, v33  }
0x4c0: {  	v4 =	vadd.f32 v4, v1  }
0x4c1: {  	v2 =	vadd.f32 v3, v2  }
0x4c2: {  	v3 =	vand.u32 $0x7FFFFFFF, v4  }
0x4c3: {  	v3 =	vsub.f32 $0.0e+00, v3;
	v1 =	vadd.f32 v2, v1;
	_ =	sdelay $0x1  }
0x4c4: {  	v2 =	vmul.f32 $1.442695020e+00, v3;
	v3 =	vand.u32 $0x7FFFFFFF, v1  }
0x4c5: {  	v3 =	vsub.f32 $0.0e+00, v3;
	_ =	sdelay $0x1  }
0x4c6: {  	(erf) = vpow2.f32 v2;
	v2 =	vmul.f32 $1.442695020e+00, v3;
	_ =	sdelay $0x1  }
0x4c7: {  	(erf) = vpow2.f32 v2;
	_ =	sdelay $0x6  }
0x4c8: {  	v2 =	vpop (erf)  }
0x4c9: {  	v3 =	vmul.f32 $-2.317854670e-03, v2  }
0x4ca: {  	v54 =	vpop (erf)  }
0x4cb: {  	v3 =	vadd.f32 $1.534189750e-02, v3;
	v55 =	vmul.f32 $-2.317854670e-03, v54;
	_ =	sdelay $0x1  }
0x4cc: {  	v3 =	vmul.f32 v3, v2;
	v6 =	vadd.f32 $1.534189750e-02, v55;
	_ =	sdelay $0x1  }
0x4cd: {  	v3 =	vadd.f32 $-4.766548420e-02, v3;
	v6 =	vmul.f32 v6, v54;
	_ =	sdelay $0x1  }
0x4ce: {  	v3 =	vmul.f32 v3, v2;
	v6 =	vadd.f32 $-4.766548420e-02, v6;
	_ =	sdelay $0x1  }
0x4cf: {  	v3 =	vadd.f32 $9.548566490e-02, v3;
	v6 =	vmul.f32 v6, v54;
	_ =	sdelay $0x1  }
0x4d0: {  	v3 =	vmul.f32 v3, v2;
	v6 =	vadd.f32 $9.548566490e-02, v6;
	_ =	sdelay $0x1  }
0x4d1: {  	v3 =	vadd.f32 $-1.458647400e-01, v3;
	v6 =	vmul.f32 v6, v54;
	_ =	sdelay $0x1  }
0x4d2: {  	v3 =	vmul.f32 v3, v2;
	v6 =	vadd.f32 $-1.458647400e-01, v6;
	_ =	sdelay $0x1  }
0x4d3: {  	v3 =	vadd.f32 $1.937516630e-01, v3;
	v6 =	vmul.f32 v6, v54;
	_ =	sdelay $0x1  }
0x4d4: {  	v3 =	vmul.f32 v3, v2;
	v6 =	vadd.f32 $1.937516630e-01, v6;
	_ =	sdelay $0x1  }
0x4d5: {  	v3 =	vadd.f32 $-2.487842440e-01, v3;
	v6 =	vmul.f32 v6, v54;
	_ =	sdelay $0x1  }
0x4d6: {  	v3 =	vmul.f32 v3, v2;
	v6 =	vadd.f32 $-2.487842440e-01, v6;
	_ =	sdelay $0x1  }
0x4d7: {  	v3 =	vadd.f32 $3.331919010e-01, v3;
	v6 =	vmul.f32 v6, v54;
	_ =	sdelay $0x1  }
0x4d8: {  	v3 =	vmul.f32 v3, v2;
	v6 =	vadd.f32 $3.331919010e-01, v6  }
0x4d9: {  	v56 =	vadd.f32 $9.999998210e-01, v39  }
0x4da: {  	s1 =	sadd.s32 $0x10, s1;
	v3 =	vadd.f32 $-4.999914170e-01, v3;
	v6 =	vmul.f32 v6, v54  }
0x4db: {  	v58 =	vmul.f32 v35, v34;
	v57 =	vld [tilespmem:s1+$0x0];
	s1 =	sadd.s32 $0x10, s1;
	v7 =	vmul.f32 v56, v37  }
0x4dc: {  	v59 =	vmax.f32 v35, $0.0e+00;
	v60 =	vld [tilespmem:s1+$0x0];
	v3 =	vmul.f32 v3, v2;
	v6 =	vadd.f32 $-4.999914170e-01, v6  }
0x4dd: {  	v9 =	vsub.f32 v59, v58;
	v7 =	vadd.f32 $8.184459770e-10, v7  }
0x4de: {  	v3 =	vadd.f32 $9.999998210e-01, v3;
	v6 =	vmul.f32 v6, v54  }
0x4df: {  	v7 =	vadd.f32 v7, v9  }
0x4e0: {  	v2 =	vmul.f32 v3, v2;
	v3 =	vmul.f32 v4, v57;
	v6 =	vadd.f32 $9.999998210e-01, v6  }
0x4e1: {  	v62 =	vmul.f32 v1, v60;
	v1 =	vmax.f32 v1, $0.0e+00;
	v4 =	vmax.f32 v4, $0.0e+00  }
0x4e2: {  	v2 =	vadd.f32 $8.184459770e-10, v2;
	v3 =	vsub.f32 v4, v3;
	v61 =	vmul.f32 v6, v54  }
0x4e3: {  	v63 =	vadd.f32 v7, v36;
	v1 =	vsub.f32 v1, v62  }
0x4e4: {  	v2 =	vadd.f32 v2, v3;
	v3 =	vadd.f32 $8.184459770e-10, v61;
	_ =	sdelay $0x1  }
0x4e5: {  	v2 =	vadd.f32 v2, v63;
	v1 =	vadd.f32 v3, v1;
	_ =	sdelay $0x1  }
0x4e6: {  	v1 =	vadd.f32 v1, v2;
	_ =	sdelay $0x1  }
0x4e7: {  	v1 =	vmul.f32 $6.103515630e-05, v1;
	_ =	sdelay $0x1  }
0x4e8: {  	[tilespmem:$0x8630] =	vst v1  }
0x4e9: {  	[spmem:s9] =	stream.linear.scatter [tilespmem:s31], [sflag:$0x2], $0x10, $0x38;
	[tilespmem:$0x8750] =	vst v63  }
0x4ea: {  	_ =	swait.ge [sflag:s12], $0x10  }
0x4eb: {  	[sflag:s12] =	ssyncset.done $0x0  }
0x4ec: {  	[sflag:s12] =	ssyncadd.s32 $0xFFFFFFF0  }
0x4ed: {  	s1 =	simm.s32 @!p0 $0x8640;
	[bflag:$0x0] =	sbarrier.arrive $0xFFFF  }
0x4ee: {  	[tilespmem:s1], [sflag:$0x2] =	stream.linear.gather @!p0 [spmem:s2], $0x100, $0x38;
	[tilespmem:$0x8750] =	vst v63  }
0x4ef: {  	s1 =	simm.s32 @!p0 $0x2  }
0x4f0: {  	_ =	swait.ge @!p0 [sflag:s1], $0x100  }
0x4f1: {  	[sflag:s1] =	ssyncset.done @!p0 $0x0  }
0x4f2: {  	[sflag:s1] =	ssyncadd.s32 @!p0 $0xFFFFFF00  }
0x4f3: {  	v1 =	vld @!p0 [tilespmem:$0x8640]  }
0x4f4: {  	v2 =	vld @!p0 [tilespmem:$0x8650];
	_ =	sdelay $0x1  }
0x4f5: {  	v3 =	vld @!p0 [tilespmem:$0x8660];
	_ =	sdelay $0x1  }
0x4f6: {  	v4 =	vld @!p0 [tilespmem:$0x8670]  }
0x4f7: {  	v1 =	vadd.f32 @!p0 v2, v1  }
0x4f8: {  	v2 =	vld @!p0 [tilespmem:$0x8680]  }
0x4f9: {  	v1 =	vadd.f32 @!p0 v3, v1  }
0x4fa: {  	v3 =	vld @!p0 [tilespmem:$0x8690]  }
0x4fb: {  	v1 =	vadd.f32 @!p0 v4, v1  }
0x4fc: {  	v4 =	vld @!p0 [tilespmem:$0x86A0]  }
0x4fd: {  	v1 =	vadd.f32 @!p0 v2, v1  }
0x4fe: {  	v2 =	vld @!p0 [tilespmem:$0x86B0]  }
0x4ff: {  	v1 =	vadd.f32 @!p0 v3, v1  }
0x500: {  	v3 =	vld @!p0 [tilespmem:$0x86C0]  }
0x501: {  	v1 =	vadd.f32 @!p0 v4, v1  }
0x502: {  	v4 =	vld @!p0 [tilespmem:$0x86D0]  }
0x503: {  	v1 =	vadd.f32 @!p0 v2, v1  }
0x504: {  	v2 =	vld @!p0 [tilespmem:$0x86E0]  }
0x505: {  	v1 =	vadd.f32 @!p0 v3, v1  }
0x506: {  	v3 =	vld @!p0 [tilespmem:$0x86F0]  }
0x507: {  	v1 =	vadd.f32 @!p0 v4, v1  }
0x508: {  	v4 =	vld @!p0 [tilespmem:$0x8700]  }
0x509: {  	v1 =	vadd.f32 @!p0 v2, v1  }
0x50a: {  	v2 =	vld @!p0 [tilespmem:$0x8710]  }
0x50b: {  	v1 =	vadd.f32 @!p0 v3, v1  }
0x50c: {  	v3 =	vld @!p0 [tilespmem:$0x8720]  }
0x50d: {  	v1 =	vadd.f32 @!p0 v4, v1  }
0x50e: {  	v4 =	vld @!p0 [tilespmem:$0x8730]  }
0x50f: {  	v1 =	vadd.f32 @!p0 v2, v1;
	_ =	sdelay $0x1  }
0x510: {  	v1 =	vadd.f32 @!p0 v3, v1;
	_ =	sdelay $0x1  }
0x511: {  	s0 =	sadd.s32 $0x1, s0;
	v1 =	vadd.f32 @!p0 v4, v1  }
0x512: {  	p1 =	sne.s32 s0, s11  }
.Ltmp4:
0x513: {  	s14 =	simm.s32 @!p0 $0x0;
	s18 =	simm.s32 @!p0 $0x8630;
	[tilespmem:$0x8630] =	vst @!p0 v1;
	(pc) =	sbr.rel @p1 .LBB2_1-.Ltmp4, $4  }
0x514: {  	[hbm4b:s10+s14] =	stream.linear.scatter @!p0 [tilespmem:s18], [sflag:$0x2], $0x10, $0x38;
	[tilespmem:$0x8750] =	vst v63  }
0x515: {  	_ =	swait.ge @!p0 [sflag:s1], $0x10  }
0x516: {  	[sflag:s1] =	ssyncset.done @!p0 $0x0  }
0x517: {  	[sflag:s1] =	ssyncadd.s32 @!p0 $0xFFFFFFF0  }
0x518: {  	_ =	sfence.sel $0x180000  }
0x519: {  	[bflag:$0x0] =	sbarrier.arrive $0xFFFF  }
0x51a: {  	_ =	strace $0x90000047  }
0x51b: {  	[bflag:$0x2] =	sbarrier.arrive $0xFFFF  }
0x51c: {  	s0 =	rddreg [dreg:$0x6]  }
0x51d: {  	s0 =	sadd.s32 @!p0 $0x100000, s0  }
0x51e: {  	[sflag:s0] =	ssyncadd.tile.s32 @!p0 $0x1;
	_ =	shalt  }
.Lfunc_end2:
_tile_overlayer_lowered:
.L_overlay_start_2:
0x51f: {  	(tag) =	ssettag $0x2  }
0x520: {  	s0 =	rddreg [dreg:$0x0];
	s2 =	stileid.u32  }
0x521: {  	s1 =	rddreg [dreg:$0x1];
	p0 =	sne.s32 s2, $0x0  }
0x522: {  	s3 =	rddreg [dreg:$0x2];
	[bflag:$0x3] =	sbarrier.arrive $0xFFFF;
	s2 =	simm.s32 @!p0 $0x1C02  }
0x523: {  	[timem:s3], [sflag:s2] =	dma.local @!p0 [hbm:s0], s1  }
0x524: {  	s0 =	simm.s32 @!p0 $0x2  }
0x525: {  	_ =	swait.ge @!p0 [sflag:s0], s1  }
0x526: {  	s1 =	ssub.s32 @!p0 $0x0, s1;
	[sflag:s0] =	ssyncset.done @!p0 $0x0  }
0x527: {  	[sflag:s0] =	ssyncadd.s32 @!p0 s1  }
0x528: {  	[bflag:$0x3] =	sbarrier.arrive $0xFFFF  }
0x529: {  	_ =	shalt  }

</sc_bundles>
